<compile_context>
chip_gen: v7x
topology: tpu7x:2x2x1
jax: 0.10.2.dev20260603
libtpu: 0.0.44.dev20260713+nightly
codegen_flags: <defaults>
</compile_context>

<pallas_src>
import functools

import jax
import jax.numpy as jnp
from jax import lax
from jax.experimental import pallas as pl
from jax.experimental.pallas import tpu as pltpu
from jax.experimental.pallas import tpu_sc as plsc

_N = 10000
_E = 320000
_D = 128
_DO = 64

_NC = 2
_NS = 16
_NW = _NC * _NS
_CHUNK = 128
_NCHUNK = -(-_E // (_NW * _CHUNK))
_EPW = _NCHUNK * _CHUNK
_EPAD = _EPW * _NW
_NPAD = 10240
_RPT = _NPAD // _NS

_BM = 1024
_BMF = 1000


def _build_spmm():
    mesh = plsc.VectorSubcoreMesh(core_axis_name="c", subcore_axis_name="s")

    @functools.partial(
        pl.kernel,
        out_type=jax.ShapeDtypeStruct((_NC, _NPAD, _D), jnp.float32),
        mesh=mesh,
        scratch_types=[
            pltpu.VMEM((_NCHUNK, _CHUNK), jnp.int32),
            pltpu.VMEM((_NCHUNK, _CHUNK), jnp.int32),
            pltpu.VMEM((_NCHUNK, _CHUNK), jnp.float32),
            pltpu.VMEM((_CHUNK, _D), jnp.float32),
            pltpu.VMEM_SHARED((_NPAD, _D), jnp.float32),
            pltpu.SemaphoreType.DMA,
        ],
    )
    def spmm(h_hbm, src_hbm, dst_hbm, w_hbm, z_hbm, out_hbm,
             src_v, dst_v, w_v, rows_v, acc_sh, sem):
        cid = lax.axis_index("c")
        sid = lax.axis_index("s")
        wid = cid * _NS + sid
        r0 = sid * _RPT

        pltpu.sync_copy(z_hbm.at[pl.ds(r0, _RPT)], acc_sh.at[pl.ds(r0, _RPT)])
        pltpu.sync_copy(src_hbm.at[wid], src_v)
        pltpu.sync_copy(dst_hbm.at[wid], dst_v)
        pltpu.sync_copy(w_hbm.at[wid], w_v)
        plsc.subcore_barrier()

        def chunk_body(c, carry):
            pltpu.async_copy(h_hbm.at[src_v.at[c]], rows_v, sem).wait()

            def group_body(g, carry2):
                wv = w_v[c, pl.ds(g * 16, 16)]
                base = g * 16
                for t in range(16):
                    w = wv[t]
                    for j in range(_D // 16):
                        sl = pl.ds(j * 16, 16)
                        rows_v[base + t, sl] = rows_v[base + t, sl] * w
                return carry2

            lax.fori_loop(0, _CHUNK // 16, group_body, 0)
            pltpu.sync_copy(rows_v, acc_sh.at[dst_v.at[c]], add=True)
            return carry

        lax.fori_loop(0, _NCHUNK, chunk_body, 0)
        plsc.subcore_barrier()
        pltpu.sync_copy(acc_sh.at[pl.ds(r0, _RPT)],
                        out_hbm.at[cid, pl.ds(r0, _RPT)])

    return spmm


_spmm = _build_spmm()


def _mm_body(x_ref, w_ref, o_ref):
    o_ref[...] = jnp.dot(x_ref[...], w_ref[...],
                         preferred_element_type=jnp.float32)


def _mm(x, w):
    return pl.pallas_call(
        _mm_body,
        grid=(_NPAD // _BM,),
        in_specs=[
            pl.BlockSpec((_BM, _D), lambda i: (i, 0)),
            pl.BlockSpec((_D, _D), lambda i: (0, 0)),
        ],
        out_specs=pl.BlockSpec((_BM, _D), lambda i: (i, 0)),
        out_shape=jax.ShapeDtypeStruct((_NPAD, _D), jnp.float32),
    )(x, w)


def _fuse_body(p_ref, w_ref, o_ref):
    h = jnp.maximum(p_ref[0] + p_ref[1], 0.0)
    o_ref[...] = jnp.dot(h, w_ref[...], preferred_element_type=jnp.float32)


def _fuse_relu_mm(p, w):
    return pl.pallas_call(
        _fuse_body,
        grid=(_NPAD // _BM,),
        in_specs=[
            pl.BlockSpec((_NC, _BM, _D), lambda i: (0, i, 0)),
            pl.BlockSpec((_D, _D), lambda i: (0, 0)),
        ],
        out_specs=pl.BlockSpec((_BM, _D), lambda i: (i, 0)),
        out_shape=jax.ShapeDtypeStruct((_NPAD, _D), jnp.float32),
    )(p, w)


def _fin_body(q_ref, mu_ref, lv_ref):
    s = q_ref[0] + q_ref[1]
    m = s[:, :_DO]
    norm = jnp.sqrt(jnp.sum(m * m, axis=1, keepdims=True))
    mu_ref[...] = m / jnp.maximum(norm, 1e-12)
    lv_ref[...] = s[:, _DO:]


def _finalize(q):
    return pl.pallas_call(
        _fin_body,
        grid=(_N // _BMF,),
        in_specs=[pl.BlockSpec((_NC, _BMF, _D), lambda i: (0, i, 0))],
        out_specs=[
            pl.BlockSpec((_BMF, _DO), lambda i: (i, 0)),
            pl.BlockSpec((_BMF, _DO), lambda i: (i, 0)),
        ],
        out_shape=[
            jax.ShapeDtypeStruct((_N, _DO), jnp.float32),
            jax.ShapeDtypeStruct((_N, _DO), jnp.float32),
        ],
    )(q)


def kernel(x, adj, edge_weight, W1, W2, W3):
    pad = _EPAD - _E
    pad_dst = _N + (jnp.arange(pad, dtype=jnp.int32) % (_NPAD - _N))
    src = jnp.concatenate([adj[0], jnp.zeros((pad,), jnp.int32)])
    dst = jnp.concatenate([adj[1], pad_dst])
    ew = jnp.concatenate([edge_weight, jnp.zeros((pad,), jnp.float32)])
    src = src.reshape(_NW, _NCHUNK, _CHUNK)
    dst = dst.reshape(_NW, _NCHUNK, _CHUNK)
    ew = ew.reshape(_NW, _NCHUNK, _CHUNK)
    zeros = jnp.zeros((_NPAD, _D), jnp.float32)
    wcat = jnp.concatenate([W2, W3], axis=1)
    xpad = jnp.concatenate(
        [x, jnp.zeros((_NPAD - _N, _D), jnp.float32)], axis=0)

    xw = _mm(xpad, W1)
    p = _spmm(xw, src, dst, ew, zeros)
    hw = _fuse_relu_mm(p, wcat)
    q = _spmm(hw, src, dst, ew, zeros)
    mu, logvar = _finalize(q)
    return (mu, mu, logvar)

# --- scband reference (transcript-rebuilt; emitter-appended) ---
"""Pipeline reference for scband-gcnmodel-vae-17549236372282 (READ-ONLY COPY).

The authoritative reference and input builder live on the scoring server;
editing this copy changes nothing except your own understanding.
"""

import jax, jax.numpy as jnp
import numpy as np

N_NODES = 10000
N_EDGES = 320000
D_IN = 128
D_H1 = 128
D_H2 = 64


def setup_inputs(seed: int = 0) -> dict:
    key = jax.random.key(seed)
    ks = jax.random.split(key, 6)
    x = jax.random.normal(ks[0], (N_NODES, D_IN), dtype=jnp.float32)
    adj = jax.random.randint(ks[1], (2, N_EDGES), 0, N_NODES, dtype=jnp.int32)
    edge_weight = jax.random.uniform(ks[2], (N_EDGES,), dtype=jnp.float32)
    # Learned parameters (GraphConvolution weights), glorot-style init
    W1 = jax.random.normal(ks[3], (D_IN, D_H1), dtype=jnp.float32) * (1.0 / np.sqrt(D_IN))
    W2 = jax.random.normal(ks[4], (D_H1, D_H2), dtype=jnp.float32) * (1.0 / np.sqrt(D_H1))
    W3 = jax.random.normal(ks[5], (D_H1, D_H2), dtype=jnp.float32) * (1.0 / np.sqrt(D_H1))
    return {"x": x, "adj": adj, "edge_weight": edge_weight, "W1": W1, "W2": W2, "W3": W3}


def reference(x, adj, edge_weight, W1, W2, W3):
    # GCNModelVAE forward in eval mode (dropout=0.0, training=False).
    # adj is a sparse normalized adjacency given as edge_index [2, E] + edge_weight [E].
    src = adj[0]
    dst = adj[1]
    n = x.shape[0]

    def spmm(h):
        # output[i] = sum_{e: dst[e]==i} edge_weight[e] * h[src[e]]
        msgs = edge_weight[:, None] * jnp.take(h, src, axis=0)
        return jax.ops.segment_sum(msgs, dst, num_segments=n)

    # gc1: relu(adj @ (x @ W1))
    h1 = jax.nn.relu(spmm(x @ W1))
    # gc2 / gc3: identity activation
    mu = spmm(h1 @ W2)
    logvar = spmm(h1 @ W3)
    # F.normalize(mu, p=2, dim=1)
    norm = jnp.linalg.norm(mu, axis=1, keepdims=True)
    mu = mu / jnp.maximum(norm, 1e-12)
    # eval mode: reparameterize returns mu; InnerProductDecoder with dropout=0 is identity
    z = mu
    return (z, mu, logvar)

if __name__ == "__main__":
    import jax
    _d = setup_inputs()
    print(jax.jit(kernel)(*tuple(_d.values())))

</pallas_src>

<mosaic_0001>
#map = affine_map<(d0, d1) -> (0, 0)>
#map1 = affine_map<(d0, d1) -> (0, 0, 0)>
module attributes {stable_mosaic.version = 14 : i64} {
  func.func @spmm(%arg0: i32, %arg1: i32, %arg2: memref<10240x128xf32, #tpu.memory_space<hbm>>, %arg3: memref<32x79x128xi32, #tpu.memory_space<hbm>>, %arg4: memref<32x79x128xi32, #tpu.memory_space<hbm>>, %arg5: memref<32x79x128xf32, #tpu.memory_space<hbm>>, %arg6: memref<10240x128xf32, #tpu.memory_space<hbm>>, %arg7: memref<2x10240x128xf32, #tpu.memory_space<hbm>>, %arg8: memref<79x128xi32, #tpu.memory_space<vmem>>, %arg9: memref<79x128xi32, #tpu.memory_space<vmem>>, %arg10: memref<79x128xf32, #tpu.memory_space<vmem>>, %arg11: memref<128x128xf32, #tpu.memory_space<vmem>>, %arg12: memref<10240x128xf32, #tpu.memory_space<vmem_shared>>, %arg13: memref<!tpu.dma_semaphore, #tpu.memory_space<semaphore_mem>>) attributes {dimension_semantics = [#tpu.dimension_semantics<core_parallel>, #tpu.dimension_semantics<subcore_parallel>], iteration_bounds = array<i64: 2, 16>, scalar_prefetch = 0 : i64, scratch_operands = 6 : i64, tpu.core_type = #tpu.core_type<sc_vector_subcore>, window_params = [{transform_indices = #map}, {transform_indices = #map1}, {transform_indices = #map1}, {transform_indices = #map1}, {transform_indices = #map}, {transform_indices = #map1}]} {
    %mul3A = arith.constant 16 : i32
    %mul3A_0 = arith.muli %arg0, %mul3A : i32
    %add3A = arith.addi %mul3A_0, %arg1 : i32
    %mul3A_1 = arith.constant 640 : i32
    %mul3A_2 = arith.muli %arg1, %mul3A_1 : i32
    "tpu.region"() ({
      %run_scoped3A = tpu.sem_alloc : memref<!tpu.dma_semaphore, #tpu.memory_space<semaphore_mem>>
      %dma_start3A = arith.constant 0 : i32
      %dma_start3A_9 = tpu.memref_slice %arg12[%mul3A_2, %dma_start3A] : memref<10240x128xf32, #tpu.memory_space<vmem_shared>> -> memref<640x128xf32, #tpu.memory_space<vmem_shared>>
      %dma_start3A_10 = arith.constant 0 : i32
      %dma_start3A_11 = tpu.memref_slice %arg6[%mul3A_2, %dma_start3A_10] : memref<10240x128xf32, #tpu.memory_space<hbm>> -> memref<640x128xf32, #tpu.memory_space<hbm>>
      tpu.enqueue_dma source(%dma_start3A_11 : memref<640x128xf32, #tpu.memory_space<hbm>>) target(%dma_start3A_9 : memref<640x128xf32, #tpu.memory_space<vmem_shared>>) target_semaphore(%run_scoped3A : memref<!tpu.dma_semaphore, #tpu.memory_space<semaphore_mem>>)
      %dma_wait3A = arith.constant 0 : i32
      %dma_wait3A_12 = tpu.memref_slice %arg12[%mul3A_2, %dma_wait3A] : memref<10240x128xf32, #tpu.memory_space<vmem_shared>> -> memref<640x128xf32, #tpu.memory_space<vmem_shared>>
      %dma_wait3A_13 = arith.constant 0 : i32
      %dma_wait3A_14 = tpu.memref_slice %arg6[%mul3A_2, %dma_wait3A_13] : memref<10240x128xf32, #tpu.memory_space<hbm>> -> memref<640x128xf32, #tpu.memory_space<hbm>>
      tpu.wait_dma2 semaphore(%run_scoped3A : memref<!tpu.dma_semaphore, #tpu.memory_space<semaphore_mem>>) src(%dma_wait3A_14 : memref<640x128xf32, #tpu.memory_space<hbm>>) dst(%dma_wait3A_12 : memref<640x128xf32, #tpu.memory_space<vmem_shared>>)
      tpu.yield
    }) : () -> ()
    "tpu.region"() ({
      %run_scoped3A = tpu.sem_alloc : memref<!tpu.dma_semaphore, #tpu.memory_space<semaphore_mem>>
      %dma_start3A = arith.constant 0 : i32
      %dma_start3A_9 = arith.constant 0 : i32
      %dma_start3A_10 = tpu.memref_slice %arg3[%add3A, %dma_start3A, %dma_start3A_9] : memref<32x79x128xi32, #tpu.memory_space<hbm>> -> memref<1x79x128xi32, #tpu.memory_space<hbm>>
      %dma_start3A_11 = tpu.memref_squeeze %dma_start3A_10 : memref<1x79x128xi32, #tpu.memory_space<hbm>> -> memref<79x128xi32, #tpu.memory_space<hbm>>
      %dma_start3A_12 = arith.constant 0 : i32
      %dma_start3A_13 = arith.constant 0 : i32
      %dma_start3A_14 = tpu.memref_slice %arg3[%add3A, %dma_start3A_12, %dma_start3A_13] : memref<32x79x128xi32, #tpu.memory_space<hbm>> -> memref<1x79x128xi32, #tpu.memory_space<hbm>>
      %dma_start3A_15 = tpu.memref_squeeze %dma_start3A_14 : memref<1x79x128xi32, #tpu.memory_space<hbm>> -> memref<79x128xi32, #tpu.memory_space<hbm>>
      tpu.enqueue_dma source(%dma_start3A_15 : memref<79x128xi32, #tpu.memory_space<hbm>>) target(%arg8 : memref<79x128xi32, #tpu.memory_space<vmem>>) target_semaphore(%run_scoped3A : memref<!tpu.dma_semaphore, #tpu.memory_space<semaphore_mem>>)
      %dma_wait3A = arith.constant 0 : i32
      %dma_wait3A_16 = arith.constant 0 : i32
      %dma_wait3A_17 = tpu.memref_slice %arg3[%add3A, %dma_wait3A, %dma_wait3A_16] : memref<32x79x128xi32, #tpu.memory_space<hbm>> -> memref<1x79x128xi32, #tpu.memory_space<hbm>>
      %dma_wait3A_18 = tpu.memref_squeeze %dma_wait3A_17 : memref<1x79x128xi32, #tpu.memory_space<hbm>> -> memref<79x128xi32, #tpu.memory_space<hbm>>
      %dma_wait3A_19 = arith.constant 0 : i32
      %dma_wait3A_20 = arith.constant 0 : i32
      %dma_wait3A_21 = tpu.memref_slice %arg3[%add3A, %dma_wait3A_19, %dma_wait3A_20] : memref<32x79x128xi32, #tpu.memory_space<hbm>> -> memref<1x79x128xi32, #tpu.memory_space<hbm>>
      %dma_wait3A_22 = tpu.memref_squeeze %dma_wait3A_21 : memref<1x79x128xi32, #tpu.memory_space<hbm>> -> memref<79x128xi32, #tpu.memory_space<hbm>>
      tpu.wait_dma2 semaphore(%run_scoped3A : memref<!tpu.dma_semaphore, #tpu.memory_space<semaphore_mem>>) src(%dma_wait3A_22 : memref<79x128xi32, #tpu.memory_space<hbm>>) dst(%arg8 : memref<79x128xi32, #tpu.memory_space<vmem>>)
      tpu.yield
    }) : () -> ()
    "tpu.region"() ({
      %run_scoped3A = tpu.sem_alloc : memref<!tpu.dma_semaphore, #tpu.memory_space<semaphore_mem>>
      %dma_start3A = arith.constant 0 : i32
      %dma_start3A_9 = arith.constant 0 : i32
      %dma_start3A_10 = tpu.memref_slice %arg4[%add3A, %dma_start3A, %dma_start3A_9] : memref<32x79x128xi32, #tpu.memory_space<hbm>> -> memref<1x79x128xi32, #tpu.memory_space<hbm>>
      %dma_start3A_11 = tpu.memref_squeeze %dma_start3A_10 : memref<1x79x128xi32, #tpu.memory_space<hbm>> -> memref<79x128xi32, #tpu.memory_space<hbm>>
      %dma_start3A_12 = arith.constant 0 : i32
      %dma_start3A_13 = arith.constant 0 : i32
      %dma_start3A_14 = tpu.memref_slice %arg4[%add3A, %dma_start3A_12, %dma_start3A_13] : memref<32x79x128xi32, #tpu.memory_space<hbm>> -> memref<1x79x128xi32, #tpu.memory_space<hbm>>
      %dma_start3A_15 = tpu.memref_squeeze %dma_start3A_14 : memref<1x79x128xi32, #tpu.memory_space<hbm>> -> memref<79x128xi32, #tpu.memory_space<hbm>>
      tpu.enqueue_dma source(%dma_start3A_15 : memref<79x128xi32, #tpu.memory_space<hbm>>) target(%arg9 : memref<79x128xi32, #tpu.memory_space<vmem>>) target_semaphore(%run_scoped3A : memref<!tpu.dma_semaphore, #tpu.memory_space<semaphore_mem>>)
      %dma_wait3A = arith.constant 0 : i32
      %dma_wait3A_16 = arith.constant 0 : i32
      %dma_wait3A_17 = tpu.memref_slice %arg4[%add3A, %dma_wait3A, %dma_wait3A_16] : memref<32x79x128xi32, #tpu.memory_space<hbm>> -> memref<1x79x128xi32, #tpu.memory_space<hbm>>
      %dma_wait3A_18 = tpu.memref_squeeze %dma_wait3A_17 : memref<1x79x128xi32, #tpu.memory_space<hbm>> -> memref<79x128xi32, #tpu.memory_space<hbm>>
      %dma_wait3A_19 = arith.constant 0 : i32
      %dma_wait3A_20 = arith.constant 0 : i32
      %dma_wait3A_21 = tpu.memref_slice %arg4[%add3A, %dma_wait3A_19, %dma_wait3A_20] : memref<32x79x128xi32, #tpu.memory_space<hbm>> -> memref<1x79x128xi32, #tpu.memory_space<hbm>>
      %dma_wait3A_22 = tpu.memref_squeeze %dma_wait3A_21 : memref<1x79x128xi32, #tpu.memory_space<hbm>> -> memref<79x128xi32, #tpu.memory_space<hbm>>
      tpu.wait_dma2 semaphore(%run_scoped3A : memref<!tpu.dma_semaphore, #tpu.memory_space<semaphore_mem>>) src(%dma_wait3A_22 : memref<79x128xi32, #tpu.memory_space<hbm>>) dst(%arg9 : memref<79x128xi32, #tpu.memory_space<vmem>>)
      tpu.yield
    }) : () -> ()
    "tpu.region"() ({
      %run_scoped3A = tpu.sem_alloc : memref<!tpu.dma_semaphore, #tpu.memory_space<semaphore_mem>>
      %dma_start3A = arith.constant 0 : i32
      %dma_start3A_9 = arith.constant 0 : i32
      %dma_start3A_10 = tpu.memref_slice %arg5[%add3A, %dma_start3A, %dma_start3A_9] : memref<32x79x128xf32, #tpu.memory_space<hbm>> -> memref<1x79x128xf32, #tpu.memory_space<hbm>>
      %dma_start3A_11 = tpu.memref_squeeze %dma_start3A_10 : memref<1x79x128xf32, #tpu.memory_space<hbm>> -> memref<79x128xf32, #tpu.memory_space<hbm>>
      %dma_start3A_12 = arith.constant 0 : i32
      %dma_start3A_13 = arith.constant 0 : i32
      %dma_start3A_14 = tpu.memref_slice %arg5[%add3A, %dma_start3A_12, %dma_start3A_13] : memref<32x79x128xf32, #tpu.memory_space<hbm>> -> memref<1x79x128xf32, #tpu.memory_space<hbm>>
      %dma_start3A_15 = tpu.memref_squeeze %dma_start3A_14 : memref<1x79x128xf32, #tpu.memory_space<hbm>> -> memref<79x128xf32, #tpu.memory_space<hbm>>
      tpu.enqueue_dma source(%dma_start3A_15 : memref<79x128xf32, #tpu.memory_space<hbm>>) target(%arg10 : memref<79x128xf32, #tpu.memory_space<vmem>>) target_semaphore(%run_scoped3A : memref<!tpu.dma_semaphore, #tpu.memory_space<semaphore_mem>>)
      %dma_wait3A = arith.constant 0 : i32
      %dma_wait3A_16 = arith.constant 0 : i32
      %dma_wait3A_17 = tpu.memref_slice %arg5[%add3A, %dma_wait3A, %dma_wait3A_16] : memref<32x79x128xf32, #tpu.memory_space<hbm>> -> memref<1x79x128xf32, #tpu.memory_space<hbm>>
      %dma_wait3A_18 = tpu.memref_squeeze %dma_wait3A_17 : memref<1x79x128xf32, #tpu.memory_space<hbm>> -> memref<79x128xf32, #tpu.memory_space<hbm>>
      %dma_wait3A_19 = arith.constant 0 : i32
      %dma_wait3A_20 = arith.constant 0 : i32
      %dma_wait3A_21 = tpu.memref_slice %arg5[%add3A, %dma_wait3A_19, %dma_wait3A_20] : memref<32x79x128xf32, #tpu.memory_space<hbm>> -> memref<1x79x128xf32, #tpu.memory_space<hbm>>
      %dma_wait3A_22 = tpu.memref_squeeze %dma_wait3A_21 : memref<1x79x128xf32, #tpu.memory_space<hbm>> -> memref<79x128xf32, #tpu.memory_space<hbm>>
      tpu.wait_dma2 semaphore(%run_scoped3A : memref<!tpu.dma_semaphore, #tpu.memory_space<semaphore_mem>>) src(%dma_wait3A_22 : memref<79x128xf32, #tpu.memory_space<hbm>>) dst(%arg10 : memref<79x128xf32, #tpu.memory_space<vmem>>)
      tpu.yield
    }) : () -> ()
    %barrier3A = arith.constant 0 : index
    tpu.barrier barrier_id(%barrier3A)
    %scan3A = arith.constant 0 : i32
    %scan3A_3 = arith.constant 0 : i32
    %scan3A_4 = arith.constant 79 : i32
    %scan3A_5 = arith.addi %scan3A_3, %scan3A_4 : i32
    %scan3A_6 = arith.constant 1 : i32
    scf.for %scan3A_9 = %scan3A_3 to %scan3A_5 step %scan3A_6  : i32 {
      %dma_start3A = arith.constant 0 : i32
      %dma_start3A_10 = tpu.memref_slice %arg8[%scan3A_9, %dma_start3A] : memref<79x128xi32, #tpu.memory_space<vmem>> -> memref<1x128xi32, #tpu.memory_space<vmem>>
      %dma_start3A_11 = tpu.memref_squeeze %dma_start3A_10 : memref<1x128xi32, #tpu.memory_space<vmem>> -> memref<128xi32, #tpu.memory_space<vmem>>
      %dma_start3A_12 = arith.constant 0 : i32
      %dma_start3A_13 = arith.constant 0 : i32
      %dma_start3A_14 = tpu.memref_slice %arg2[%dma_start3A_12, %dma_start3A_13] : memref<10240x128xf32, #tpu.memory_space<hbm>> -> memref<10240x128xf32, #tpu.memory_space<hbm>>
      tpu.enqueue_indirect_dma source(%dma_start3A_14 : memref<10240x128xf32, #tpu.memory_space<hbm>>) target(%arg11 : memref<128x128xf32, #tpu.memory_space<vmem>>) offsets(%dma_start3A_11 : memref<128xi32, #tpu.memory_space<vmem>>) semaphore(%arg13 : memref<!tpu.dma_semaphore, #tpu.memory_space<semaphore_mem>>)
      %dma_wait3A = arith.constant 0 : i32
      %dma_wait3A_15 = tpu.memref_slice %arg8[%scan3A_9, %dma_wait3A] : memref<79x128xi32, #tpu.memory_space<vmem>> -> memref<1x128xi32, #tpu.memory_space<vmem>>
      %dma_wait3A_16 = tpu.memref_squeeze %dma_wait3A_15 : memref<1x128xi32, #tpu.memory_space<vmem>> -> memref<128xi32, #tpu.memory_space<vmem>>
      %dma_wait3A_17 = arith.constant 0 : i32
      %dma_wait3A_18 = arith.constant 0 : i32
      %dma_wait3A_19 = tpu.memref_slice %arg2[%dma_wait3A_17, %dma_wait3A_18] : memref<10240x128xf32, #tpu.memory_space<hbm>> -> memref<10240x128xf32, #tpu.memory_space<hbm>>
      tpu.wait_indirect_dma semaphore(%arg13 : memref<!tpu.dma_semaphore, #tpu.memory_space<semaphore_mem>>) src(%dma_wait3A_19 : memref<10240x128xf32, #tpu.memory_space<hbm>>) dst(%arg11 : memref<128x128xf32, #tpu.memory_space<vmem>>)
      %scan3A_20 = arith.constant 0 : i32
      %scan3A_21 = arith.constant 0 : i32
      %scan3A_22 = arith.constant 8 : i32
      %scan3A_23 = arith.addi %scan3A_21, %scan3A_22 : i32
      %scan3A_24 = arith.constant 1 : i32
      scf.for %scan3A_26 = %scan3A_21 to %scan3A_23 step %scan3A_24  : i32 {
        %mul3A_27 = arith.constant 16 : i32
        %mul3A_28 = arith.muli %scan3A_26, %mul3A_27 : i32
        %get3A = arith.index_cast %scan3A_9 : i32 to index
        %get3A_29 = arith.index_cast %mul3A_28 : i32 to index
        %get3A_30 = tpu.vector_load %arg10[%get3A, %get3A_29] {strides = array<i32>} : memref<79x128xf32, #tpu.memory_space<vmem>>, vector<1x16xf32>,
        %get3A_31 = vector.shape_cast %get3A_30 : vector<1x16xf32> to vector<16xf32>
        %mul3A_32 = arith.constant 16 : i32
        %mul3A_33 = arith.muli %scan3A_26, %mul3A_32 : i32
        %slice3A = vector.extract_strided_slice %get3A_31 {offsets = [0], sizes = [1], strides = [1]} : vector<16xf32> to vector<1xf32>
        %squeeze3A = vector.extract %slice3A[0] : f32 from vector<1xf32>
        %add3A_34 = arith.constant 0 : i32
        %add3A_35 = arith.addi %mul3A_33, %add3A_34 : i32
        %get3A_36 = arith.index_cast %add3A_35 : i32 to index
        %get3A_37 = arith.constant 0 : index
        %get3A_38 = tpu.vector_load %arg11[%get3A_36, %get3A_37] {strides = array<i32>} : memref<128x128xf32, #tpu.memory_space<vmem>>, vector<1x16xf32>,
        %get3A_39 = vector.shape_cast %get3A_38 : vector<1x16xf32> to vector<16xf32>
        %mul3A_40 = vector.broadcast %squeeze3A : f32 to vector<16xf32>
        %mul3A_41 = arith.mulf %get3A_39, %mul3A_40 : vector<16xf32>
        %add3A_42 = arith.constant 0 : i32
        %add3A_43 = arith.addi %mul3A_33, %add3A_42 : i32
        %swap3A = arith.index_cast %add3A_43 : i32 to index
        %swap3A_44 = arith.constant 0 : index
        %swap3A_45 = tpu.vector_load %arg11[%swap3A, %swap3A_44] {strides = array<i32>} : memref<128x128xf32, #tpu.memory_space<vmem>>, vector<1x16xf32>,
        %swap3A_46 = vector.shape_cast %swap3A_45 : vector<1x16xf32> to vector<16xf32>
        %swap3A_47 = vector.shape_cast %mul3A_41 : vector<16xf32> to vector<1x16xf32>
        tpu.vector_store %arg11[%swap3A, %swap3A_44], %swap3A_47 {strides = array<i32>} : memref<128x128xf32, #tpu.memory_space<vmem>>, vector<1x16xf32>,
        %add3A_48 = arith.constant 0 : i32
        %add3A_49 = arith.addi %mul3A_33, %add3A_48 : i32
        %get3A_50 = arith.index_cast %add3A_49 : i32 to index
        %get3A_51 = arith.constant 16 : index
        %get3A_52 = tpu.vector_load %arg11[%get3A_50, %get3A_51] {strides = array<i32>} : memref<128x128xf32, #tpu.memory_space<vmem>>, vector<1x16xf32>,
        %get3A_53 = vector.shape_cast %get3A_52 : vector<1x16xf32> to vector<16xf32>
        %mul3A_54 = vector.broadcast %squeeze3A : f32 to vector<16xf32>
        %mul3A_55 = arith.mulf %get3A_53, %mul3A_54 : vector<16xf32>
        %add3A_56 = arith.constant 0 : i32
        %add3A_57 = arith.addi %mul3A_33, %add3A_56 : i32
        %swap3A_58 = arith.index_cast %add3A_57 : i32 to index
        %swap3A_59 = arith.constant 16 : index
        %swap3A_60 = tpu.vector_load %arg11[%swap3A_58, %swap3A_59] {strides = array<i32>} : memref<128x128xf32, #tpu.memory_space<vmem>>, vector<1x16xf32>,
        %swap3A_61 = vector.shape_cast %swap3A_60 : vector<1x16xf32> to vector<16xf32>
        %swap3A_62 = vector.shape_cast %mul3A_55 : vector<16xf32> to vector<1x16xf32>
        tpu.vector_store %arg11[%swap3A_58, %swap3A_59], %swap3A_62 {strides = array<i32>} : memref<128x128xf32, #tpu.memory_space<vmem>>, vector<1x16xf32>,
        %add3A_63 = arith.constant 0 : i32
        %add3A_64 = arith.addi %mul3A_33, %add3A_63 : i32
        %get3A_65 = arith.index_cast %add3A_64 : i32 to index
        %get3A_66 = arith.constant 32 : index
        %get3A_67 = tpu.vector_load %arg11[%get3A_65, %get3A_66] {strides = array<i32>} : memref<128x128xf32, #tpu.memory_space<vmem>>, vector<1x16xf32>,
        %get3A_68 = vector.shape_cast %get3A_67 : vector<1x16xf32> to vector<16xf32>
        %mul3A_69 = vector.broadcast %squeeze3A : f32 to vector<16xf32>
        %mul3A_70 = arith.mulf %get3A_68, %mul3A_69 : vector<16xf32>
        %add3A_71 = arith.constant 0 : i32
        %add3A_72 = arith.addi %mul3A_33, %add3A_71 : i32
        %swap3A_73 = arith.index_cast %add3A_72 : i32 to index
        %swap3A_74 = arith.constant 32 : index
        %swap3A_75 = tpu.vector_load %arg11[%swap3A_73, %swap3A_74] {strides = array<i32>} : memref<128x128xf32, #tpu.memory_space<vmem>>, vector<1x16xf32>,
        %swap3A_76 = vector.shape_cast %swap3A_75 : vector<1x16xf32> to vector<16xf32>
        %swap3A_77 = vector.shape_cast %mul3A_70 : vector<16xf32> to vector<1x16xf32>
        tpu.vector_store %arg11[%swap3A_73, %swap3A_74], %swap3A_77 {strides = array<i32>} : memref<128x128xf32, #tpu.memory_space<vmem>>, vector<1x16xf32>,
        %add3A_78 = arith.constant 0 : i32
        %add3A_79 = arith.addi %mul3A_33, %add3A_78 : i32
        %get3A_80 = arith.index_cast %add3A_79 : i32 to index
        %get3A_81 = arith.constant 48 : index
        %get3A_82 = tpu.vector_load %arg11[%get3A_80, %get3A_81] {strides = array<i32>} : memref<128x128xf32, #tpu.memory_space<vmem>>, vector<1x16xf32>,
        %get3A_83 = vector.shape_cast %get3A_82 : vector<1x16xf32> to vector<16xf32>
        %mul3A_84 = vector.broadcast %squeeze3A : f32 to vector<16xf32>
        %mul3A_85 = arith.mulf %get3A_83, %mul3A_84 : vector<16xf32>
        %add3A_86 = arith.constant 0 : i32
        %add3A_87 = arith.addi %mul3A_33, %add3A_86 : i32
        %swap3A_88 = arith.index_cast %add3A_87 : i32 to index
        %swap3A_89 = arith.constant 48 : index
        %swap3A_90 = tpu.vector_load %arg11[%swap3A_88, %swap3A_89] {strides = array<i32>} : memref<128x128xf32, #tpu.memory_space<vmem>>, vector<1x16xf32>,
        %swap3A_91 = vector.shape_cast %swap3A_90 : vector<1x16xf32> to vector<16xf32>
        %swap3A_92 = vector.shape_cast %mul3A_85 : vector<16xf32> to vector<1x16xf32>
        tpu.vector_store %arg11[%swap3A_88, %swap3A_89], %swap3A_92 {strides = array<i32>} : memref<128x128xf32, #tpu.memory_space<vmem>>, vector<1x16xf32>,
        %add3A_93 = arith.constant 0 : i32
        %add3A_94 = arith.addi %mul3A_33, %add3A_93 : i32
        %get3A_95 = arith.index_cast %add3A_94 : i32 to index
        %get3A_96 = arith.constant 64 : index
        %get3A_97 = tpu.vector_load %arg11[%get3A_95, %get3A_96] {strides = array<i32>} : memref<128x128xf32, #tpu.memory_space<vmem>>, vector<1x16xf32>,
        %get3A_98 = vector.shape_cast %get3A_97 : vector<1x16xf32> to vector<16xf32>
        %mul3A_99 = vector.broadcast %squeeze3A : f32 to vector<16xf32>
        %mul3A_100 = arith.mulf %get3A_98, %mul3A_99 : vector<16xf32>
        %add3A_101 = arith.constant 0 : i32
        %add3A_102 = arith.addi %mul3A_33, %add3A_101 : i32
        %swap3A_103 = arith.index_cast %add3A_102 : i32 to index
        %swap3A_104 = arith.constant 64 : index
        %swap3A_105 = tpu.vector_load %arg11[%swap3A_103, %swap3A_104] {strides = array<i32>} : memref<128x128xf32, #tpu.memory_space<vmem>>, vector<1x16xf32>,
        %swap3A_106 = vector.shape_cast %swap3A_105 : vector<1x16xf32> to vector<16xf32>
        %swap3A_107 = vector.shape_cast %mul3A_100 : vector<16xf32> to vector<1x16xf32>
        tpu.vector_store %arg11[%swap3A_103, %swap3A_104], %swap3A_107 {strides = array<i32>} : memref<128x128xf32, #tpu.memory_space<vmem>>, vector<1x16xf32>,
        %add3A_108 = arith.constant 0 : i32
        %add3A_109 = arith.addi %mul3A_33, %add3A_108 : i32
        %get3A_110 = arith.index_cast %add3A_109 : i32 to index
        %get3A_111 = arith.constant 80 : index
        %get3A_112 = tpu.vector_load %arg11[%get3A_110, %get3A_111] {strides = array<i32>} : memref<128x128xf32, #tpu.memory_space<vmem>>, vector<1x16xf32>,
        %get3A_113 = vector.shape_cast %get3A_112 : vector<1x16xf32> to vector<16xf32>
        %mul3A_114 = vector.broadcast %squeeze3A : f32 to vector<16xf32>
        %mul3A_115 = arith.mulf %get3A_113, %mul3A_114 : vector<16xf32>
        %add3A_116 = arith.constant 0 : i32
        %add3A_117 = arith.addi %mul3A_33, %add3A_116 : i32
        %swap3A_118 = arith.index_cast %add3A_117 : i32 to index
        %swap3A_119 = arith.constant 80 : index
        %swap3A_120 = tpu.vector_load %arg11[%swap3A_118, %swap3A_119] {strides = array<i32>} : memref<128x128xf32, #tpu.memory_space<vmem>>, vector<1x16xf32>,
        %swap3A_121 = vector.shape_cast %swap3A_120 : vector<1x16xf32> to vector<16xf32>
        %swap3A_122 = vector.shape_cast %mul3A_115 : vector<16xf32> to vector<1x16xf32>
        tpu.vector_store %arg11[%swap3A_118, %swap3A_119], %swap3A_122 {strides = array<i32>} : memref<128x128xf32, #tpu.memory_space<vmem>>, vector<1x16xf32>,
        %add3A_123 = arith.constant 0 : i32
        %add3A_124 = arith.addi %mul3A_33, %add3A_123 : i32
        %get3A_125 = arith.index_cast %add3A_124 : i32 to index
        %get3A_126 = arith.constant 96 : index
        %get3A_127 = tpu.vector_load %arg11[%get3A_125, %get3A_126] {strides = array<i32>} : memref<128x128xf32, #tpu.memory_space<vmem>>, vector<1x16xf32>,
        %get3A_128 = vector.shape_cast %get3A_127 : vector<1x16xf32> to vector<16xf32>
        %mul3A_129 = vector.broadcast %squeeze3A : f32 to vector<16xf32>
        %mul3A_130 = arith.mulf %get3A_128, %mul3A_129 : vector<16xf32>
        %add3A_131 = arith.constant 0 : i32
        %add3A_132 = arith.addi %mul3A_33, %add3A_131 : i32
        %swap3A_133 = arith.index_cast %add3A_132 : i32 to index
        %swap3A_134 = arith.constant 96 : index
        %swap3A_135 = tpu.vector_load %arg11[%swap3A_133, %swap3A_134] {strides = array<i32>} : memref<128x128xf32, #tpu.memory_space<vmem>>, vector<1x16xf32>,
        %swap3A_136 = vector.shape_cast %swap3A_135 : vector<1x16xf32> to vector<16xf32>
        %swap3A_137 = vector.shape_cast %mul3A_130 : vector<16xf32> to vector<1x16xf32>
        tpu.vector_store %arg11[%swap3A_133, %swap3A_134], %swap3A_137 {strides = array<i32>} : memref<128x128xf32, #tpu.memory_space<vmem>>, vector<1x16xf32>,
        %add3A_138 = arith.constant 0 : i32
        %add3A_139 = arith.addi %mul3A_33, %add3A_138 : i32
        %get3A_140 = arith.index_cast %add3A_139 : i32 to index
        %get3A_141 = arith.constant 112 : index
        %get3A_142 = tpu.vector_load %arg11[%get3A_140, %get3A_141] {strides = array<i32>} : memref<128x128xf32, #tpu.memory_space<vmem>>, vector<1x16xf32>,
        %get3A_143 = vector.shape_cast %get3A_142 : vector<1x16xf32> to vector<16xf32>
        %mul3A_144 = vector.broadcast %squeeze3A : f32 to vector<16xf32>
        %mul3A_145 = arith.mulf %get3A_143, %mul3A_144 : vector<16xf32>
        %add3A_146 = arith.constant 0 : i32
        %add3A_147 = arith.addi %mul3A_33, %add3A_146 : i32
        %swap3A_148 = arith.index_cast %add3A_147 : i32 to index
        %swap3A_149 = arith.constant 112 : index
        %swap3A_150 = tpu.vector_load %arg11[%swap3A_148, %swap3A_149] {strides = array<i32>} : memref<128x128xf32, #tpu.memory_space<vmem>>, vector<1x16xf32>,
        %swap3A_151 = vector.shape_cast %swap3A_150 : vector<1x16xf32> to vector<16xf32>
        %swap3A_152 = vector.shape_cast %mul3A_145 : vector<16xf32> to vector<1x16xf32>
        tpu.vector_store %arg11[%swap3A_148, %swap3A_149], %swap3A_152 {strides = array<i32>} : memref<128x128xf32, #tpu.memory_space<vmem>>, vector<1x16xf32>,
        %slice3A_153 = vector.extract_strided_slice %get3A_31 {offsets = [1], sizes = [1], strides = [1]} : vector<16xf32> to vector<1xf32>
        %squeeze3A_154 = vector.extract %slice3A_153[0] : f32 from vector<1xf32>
        %add3A_155 = arith.constant 1 : i32
        %add3A_156 = arith.addi %mul3A_33, %add3A_155 : i32
        %get3A_157 = arith.index_cast %add3A_156 : i32 to index
        %get3A_158 = arith.constant 0 : index
        %get3A_159 = tpu.vector_load %arg11[%get3A_157, %get3A_158] {strides = array<i32>} : memref<128x128xf32, #tpu.memory_space<vmem>>, vector<1x16xf32>,
        %get3A_160 = vector.shape_cast %get3A_159 : vector<1x16xf32> to vector<16xf32>
        %mul3A_161 = vector.broadcast %squeeze3A_154 : f32 to vector<16xf32>
        %mul3A_162 = arith.mulf %get3A_160, %mul3A_161 : vector<16xf32>
        %add3A_163 = arith.constant 1 : i32
        %add3A_164 = arith.addi %mul3A_33, %add3A_163 : i32
        %swap3A_165 = arith.index_cast %add3A_164 : i32 to index
        %swap3A_166 = arith.constant 0 : index
        %swap3A_167 = tpu.vector_load %arg11[%swap3A_165, %swap3A_166] {strides = array<i32>} : memref<128x128xf32, #tpu.memory_space<vmem>>, vector<1x16xf32>,
        %swap3A_168 = vector.shape_cast %swap3A_167 : vector<1x16xf32> to vector<16xf32>
        %swap3A_169 = vector.shape_cast %mul3A_162 : vector<16xf32> to vector<1x16xf32>
        tpu.vector_store %arg11[%swap3A_165, %swap3A_166], %swap3A_169 {strides = array<i32>} : memref<128x128xf32, #tpu.memory_space<vmem>>, vector<1x16xf32>,
        %add3A_170 = arith.constant 1 : i32
        %add3A_171 = arith.addi %mul3A_33, %add3A_170 : i32
        %get3A_172 = arith.index_cast %add3A_171 : i32 to index
        %get3A_173 = arith.constant 16 : index
        %get3A_174 = tpu.vector_load %arg11[%get3A_172, %get3A_173] {strides = array<i32>} : memref<128x128xf32, #tpu.memory_space<vmem>>, vector<1x16xf32>,
        %get3A_175 = vector.shape_cast %get3A_174 : vector<1x16xf32> to vector<16xf32>
        %mul3A_176 = vector.broadcast %squeeze3A_154 : f32 to vector<16xf32>
        %mul3A_177 = arith.mulf %get3A_175, %mul3A_176 : vector<16xf32>
        %add3A_178 = arith.constant 1 : i32
        %add3A_179 = arith.addi %mul3A_33, %add3A_178 : i32
        %swap3A_180 = arith.index_cast %add3A_179 : i32 to index
        %swap3A_181 = arith.constant 16 : index
        %swap3A_182 = tpu.vector_load %arg11[%swap3A_180, %swap3A_181] {strides = array<i32>} : memref<128x128xf32, #tpu.memory_space<vmem>>, vector<1x16xf32>,
        %swap3A_183 = vector.shape_cast %swap3A_182 : vector<1x16xf32> to vector<16xf32>
        %swap3A_184 = vector.shape_cast %mul3A_177 : vector<16xf32> to vector<1x16xf32>
        tpu.vector_store %arg11[%swap3A_180, %swap3A_181], %swap3A_184 {strides = array<i32>} : memref<128x128xf32, #tpu.memory_space<vmem>>, vector<1x16xf32>,
        %add3A_185 = arith.constant 1 : i32
        %add3A_186 = arith.addi %mul3A_33, %add3A_185 : i32
        %get3A_187 = arith.index_cast %add3A_186 : i32 to index
        %get3A_188 = arith.constant 32 : index
        %get3A_189 = tpu.vector_load %arg11[%get3A_187, %get3A_188] {strides = array<i32>} : memref<128x128xf32, #tpu.memory_space<vmem>>, vector<1x16xf32>,
        %get3A_190 = vector.shape_cast %get3A_189 : vector<1x16xf32> to vector<16xf32>
        %mul3A_191 = vector.broadcast %squeeze3A_154 : f32 to vector<16xf32>
        %mul3A_192 = arith.mulf %get3A_190, %mul3A_191 : vector<16xf32>
        %add3A_193 = arith.constant 1 : i32
        %add3A_194 = arith.addi %mul3A_33, %add3A_193 : i32
        %swap3A_195 = arith.index_cast %add3A_194 : i32 to index
        %swap3A_196 = arith.constant 32 : index
        %swap3A_197 = tpu.vector_load %arg11[%swap3A_195, %swap3A_196] {strides = array<i32>} : memref<128x128xf32, #tpu.memory_space<vmem>>, vector<1x16xf32>,
        %swap3A_198 = vector.shape_cast %swap3A_197 : vector<1x16xf32> to vector<16xf32>
        %swap3A_199 = vector.shape_cast %mul3A_192 : vector<16xf32> to vector<1x16xf32>
        tpu.vector_store %arg11[%swap3A_195, %swap3A_196], %swap3A_199 {strides = array<i32>} : memref<128x128xf32, #tpu.memory_space<vmem>>, vector<1x16xf32>,
        %add3A_200 = arith.constant 1 : i32
        %add3A_201 = arith.addi %mul3A_33, %add3A_200 : i32
        %get3A_202 = arith.index_cast %add3A_201 : i32 to index
        %get3A_203 = arith.constant 48 : index
        %get3A_204 = tpu.vector_load %arg11[%get3A_202, %get3A_203] {strides = array<i32>} : memref<128x128xf32, #tpu.memory_space<vmem>>, vector<1x16xf32>,
        %get3A_205 = vector.shape_cast %get3A_204 : vector<1x16xf32> to vector<16xf32>
        %mul3A_206 = vector.broadcast %squeeze3A_154 : f32 to vector<16xf32>
        %mul3A_207 = arith.mulf %get3A_205, %mul3A_206 : vector<16xf32>
        %add3A_208 = arith.constant 1 : i32
        %add3A_209 = arith.addi %mul3A_33, %add3A_208 : i32
        %swap3A_210 = arith.index_cast %add3A_209 : i32 to index
        %swap3A_211 = arith.constant 48 : index
        %swap3A_212 = tpu.vector_load %arg11[%swap3A_210, %swap3A_211] {strides = array<i32>} : memref<128x128xf32, #tpu.memory_space<vmem>>, vector<1x16xf32>,
        %swap3A_213 = vector.shape_cast %swap3A_212 : vector<1x16xf32> to vector<16xf32>
        %swap3A_214 = vector.shape_cast %mul3A_207 : vector<16xf32> to vector<1x16xf32>
        tpu.vector_store %arg11[%swap3A_210, %swap3A_211], %swap3A_214 {strides = array<i32>} : memref<128x128xf32, #tpu.memory_space<vmem>>, vector<1x16xf32>,
        %add3A_215 = arith.constant 1 : i32
        %add3A_216 = arith.addi %mul3A_33, %add3A_215 : i32
        %get3A_217 = arith.index_cast %add3A_216 : i32 to index
        %get3A_218 = arith.constant 64 : index
        %get3A_219 = tpu.vector_load %arg11[%get3A_217, %get3A_218] {strides = array<i32>} : memref<128x128xf32, #tpu.memory_space<vmem>>, vector<1x16xf32>,
        %get3A_220 = vector.shape_cast %get3A_219 : vector<1x16xf32> to vector<16xf32>
        %mul3A_221 = vector.broadcast %squeeze3A_154 : f32 to vector<16xf32>
        %mul3A_222 = arith.mulf %get3A_220, %mul3A_221 : vector<16xf32>
        %add3A_223 = arith.constant 1 : i32
        %add3A_224 = arith.addi %mul3A_33, %add3A_223 : i32
        %swap3A_225 = arith.index_cast %add3A_224 : i32 to index
        %swap3A_226 = arith.constant 64 : index
        %swap3A_227 = tpu.vector_load %arg11[%swap3A_225, %swap3A_226] {strides = array<i32>} : memref<128x128xf32, #tpu.memory_space<vmem>>, vector<1x16xf32>,
        %swap3A_228 = vector.shape_cast %swap3A_227 : vector<1x16xf32> to vector<16xf32>
        %swap3A_229 = vector.shape_cast %mul3A_222 : vector<16xf32> to vector<1x16xf32>
        tpu.vector_store %arg11[%swap3A_225, %swap3A_226], %swap3A_229 {strides = array<i32>} : memref<128x128xf32, #tpu.memory_space<vmem>>, vector<1x16xf32>,
        %add3A_230 = arith.constant 1 : i32
        %add3A_231 = arith.addi %mul3A_33, %add3A_230 : i32
        %get3A_232 = arith.index_cast %add3A_231 : i32 to index
        %get3A_233 = arith.constant 80 : index
        %get3A_234 = tpu.vector_load %arg11[%get3A_232, %get3A_233] {strides = array<i32>} : memref<128x128xf32, #tpu.memory_space<vmem>>, vector<1x16xf32>,
        %get3A_235 = vector.shape_cast %get3A_234 : vector<1x16xf32> to vector<16xf32>
        %mul3A_236 = vector.broadcast %squeeze3A_154 : f32 to vector<16xf32>
        %mul3A_237 = arith.mulf %get3A_235, %mul3A_236 : vector<16xf32>
        %add3A_238 = arith.constant 1 : i32
        %add3A_239 = arith.addi %mul3A_33, %add3A_238 : i32
        %swap3A_240 = arith.index_cast %add3A_239 : i32 to index
        %swap3A_241 = arith.constant 80 : index
        %swap3A_242 = tpu.vector_load %arg11[%swap3A_240, %swap3A_241] {strides = array<i32>} : memref<128x128xf32, #tpu.memory_space<vmem>>, vector<1x16xf32>,
        %swap3A_243 = vector.shape_cast %swap3A_242 : vector<1x16xf32> to vector<16xf32>
        %swap3A_244 = vector.shape_cast %mul3A_237 : vector<16xf32> to vector<1x16xf32>
        tpu.vector_store %arg11[%swap3A_240, %swap3A_241], %swap3A_244 {strides = array<i32>} : memref<128x128xf32, #tpu.memory_space<vmem>>, vector<1x16xf32>,
        %add3A_245 = arith.constant 1 : i32
        %add3A_246 = arith.addi %mul3A_33, %add3A_245 : i32
        %get3A_247 = arith.index_cast %add3A_246 : i32 to index
        %get3A_248 = arith.constant 96 : index
        %get3A_249 = tpu.vector_load %arg11[%get3A_247, %get3A_248] {strides = array<i32>} : memref<128x128xf32, #tpu.memory_space<vmem>>, vector<1x16xf32>,
        %get3A_250 = vector.shape_cast %get3A_249 : vector<1x16xf32> to vector<16xf32>
        %mul3A_251 = vector.broadcast %squeeze3A_154 : f32 to vector<16xf32>
        %mul3A_252 = arith.mulf %get3A_250, %mul3A_251 : vector<16xf32>
        %add3A_253 = arith.constant 1 : i32
        %add3A_254 = arith.addi %mul3A_33, %add3A_253 : i32
        %swap3A_255 = arith.index_cast %add3A_254 : i32 to index
        %swap3A_256 = arith.constant 96 : index
        %swap3A_257 = tpu.vector_load %arg11[%swap3A_255, %swap3A_256] {strides = array<i32>} : memref<128x128xf32, #tpu.memory_space<vmem>>, vector<1x16xf32>,
        %swap3A_258 = vector.shape_cast %swap3A_257 : vector<1x16xf32> to vector<16xf32>
        %swap3A_259 = vector.shape_cast %mul3A_252 : vector<16xf32> to vector<1x16xf32>
        tpu.vector_store %arg11[%swap3A_255, %swap3A_256], %swap3A_259 {strides = array<i32>} : memref<128x128xf32, #tpu.memory_space<vmem>>, vector<1x16xf32>,
        %add3A_260 = arith.constant 1 : i32
        %add3A_261 = arith.addi %mul3A_33, %add3A_260 : i32
        %get3A_262 = arith.index_cast %add3A_261 : i32 to index
        %get3A_263 = arith.constant 112 : index
        %get3A_264 = tpu.vector_load %arg11[%get3A_262, %get3A_263] {strides = array<i32>} : memref<128x128xf32, #tpu.memory_space<vmem>>, vector<1x16xf32>,
        %get3A_265 = vector.shape_cast %get3A_264 : vector<1x16xf32> to vector<16xf32>
        %mul3A_266 = vector.broadcast %squeeze3A_154 : f32 to vector<16xf32>
        %mul3A_267 = arith.mulf %get3A_265, %mul3A_266 : vector<16xf32>
        %add3A_268 = arith.constant 1 : i32
        %add3A_269 = arith.addi %mul3A_33, %add3A_268 : i32
        %swap3A_270 = arith.index_cast %add3A_269 : i32 to index
        %swap3A_271 = arith.constant 112 : index
        %swap3A_272 = tpu.vector_load %arg11[%swap3A_270, %swap3A_271] {strides = array<i32>} : memref<128x128xf32, #tpu.memory_space<vmem>>, vector<1x16xf32>,
        %swap3A_273 = vector.shape_cast %swap3A_272 : vector<1x16xf32> to vector<16xf32>
        %swap3A_274 = vector.shape_cast %mul3A_267 : vector<16xf32> to vector<1x16xf32>
        tpu.vector_store %arg11[%swap3A_270, %swap3A_271], %swap3A_274 {strides = array<i32>} : memref<128x128xf32, #tpu.memory_space<vmem>>, vector<1x16xf32>,
        %slice3A_275 = vector.extract_strided_slice %get3A_31 {offsets = [2], sizes = [1], strides = [1]} : vector<16xf32> to vector<1xf32>
        %squeeze3A_276 = vector.extract %slice3A_275[0] : f32 from vector<1xf32>
        %add3A_277 = arith.constant 2 : i32
        %add3A_278 = arith.addi %mul3A_33, %add3A_277 : i32
        %get3A_279 = arith.index_cast %add3A_278 : i32 to index
        %get3A_280 = arith.constant 0 : index
        %get3A_281 = tpu.vector_load %arg11[%get3A_279, %get3A_280] {strides = array<i32>} : memref<128x128xf32, #tpu.memory_space<vmem>>, vector<1x16xf32>,
        %get3A_282 = vector.shape_cast %get3A_281 : vector<1x16xf32> to vector<16xf32>
        %mul3A_283 = vector.broadcast %squeeze3A_276 : f32 to vector<16xf32>
        %mul3A_284 = arith.mulf %get3A_282, %mul3A_283 : vector<16xf32>
        %add3A_285 = arith.constant 2 : i32
        %add3A_286 = arith.addi %mul3A_33, %add3A_285 : i32
        %swap3A_287 = arith.index_cast %add3A_286 : i32 to index
        %swap3A_288 = arith.constant 0 : index
        %swap3A_289 = tpu.vector_load %arg11[%swap3A_287, %swap3A_288] {strides = array<i32>} : memref<128x128xf32, #tpu.memory_space<vmem>>, vector<1x16xf32>,
        %swap3A_290 = vector.shape_cast %swap3A_289 : vector<1x16xf32> to vector<16xf32>
        %swap3A_291 = vector.shape_cast %mul3A_284 : vector<16xf32> to vector<1x16xf32>
        tpu.vector_store %arg11[%swap3A_287, %swap3A_288], %swap3A_291 {strides = array<i32>} : memref<128x128xf32, #tpu.memory_space<vmem>>, vector<1x16xf32>,
        %add3A_292 = arith.constant 2 : i32
        %add3A_293 = arith.addi %mul3A_33, %add3A_292 : i32
        %get3A_294 = arith.index_cast %add3A_293 : i32 to index
        %get3A_295 = arith.constant 16 : index
        %get3A_296 = tpu.vector_load %arg11[%get3A_294, %get3A_295] {strides = array<i32>} : memref<128x128xf32, #tpu.memory_space<vmem>>, vector<1x16xf32>,
        %get3A_297 = vector.shape_cast %get3A_296 : vector<1x16xf32> to vector<16xf32>
        %mul3A_298 = vector.broadcast %squeeze3A_276 : f32 to vector<16xf32>
        %mul3A_299 = arith.mulf %get3A_297, %mul3A_298 : vector<16xf32>
        %add3A_300 = arith.constant 2 : i32
        %add3A_301 = arith.addi %mul3A_33, %add3A_300 : i32
        %swap3A_302 = arith.index_cast %add3A_301 : i32 to index
        %swap3A_303 = arith.constant 16 : index
        %swap3A_304 = tpu.vector_load %arg11[%swap3A_302, %swap3A_303] {strides = array<i32>} : memref<128x128xf32, #tpu.memory_space<vmem>>, vector<1x16xf32>,
        %swap3A_305 = vector.shape_cast %swap3A_304 : vector<1x16xf32> to vector<16xf32>
        %swap3A_306 = vector.shape_cast %mul3A_299 : vector<16xf32> to vector<1x16xf32>
        tpu.vector_store %arg11[%swap3A_302, %swap3A_303], %swap3A_306 {strides = array<i32>} : memref<128x128xf32, #tpu.memory_space<vmem>>, vector<1x16xf32>,
        %add3A_307 = arith.constant 2 : i32
        %add3A_308 = arith.addi %mul3A_33, %add3A_307 : i32
        %get3A_309 = arith.index_cast %add3A_308 : i32 to index
        %get3A_310 = arith.constant 32 : index
        %get3A_311 = tpu.vector_load %arg11[%get3A_309, %get3A_310] {strides = array<i32>} : memref<128x128xf32, #tpu.memory_space<vmem>>, vector<1x16xf32>,
        %get3A_312 = vector.shape_cast %get3A_311 : vector<1x16xf32> to vector<16xf32>
        %mul3A_313 = vector.broadcast %squeeze3A_276 : f32 to vector<16xf32>
        %mul3A_314 = arith.mulf %get3A_312, %mul3A_313 : vector<16xf32>
        %add3A_315 = arith.constant 2 : i32
        %add3A_316 = arith.addi %mul3A_33, %add3A_315 : i32
        %swap3A_317 = arith.index_cast %add3A_316 : i32 to index
        %swap3A_318 = arith.constant 32 : index
        %swap3A_319 = tpu.vector_load %arg11[%swap3A_317, %swap3A_318] {strides = array<i32>} : memref<128x128xf32, #tpu.memory_space<vmem>>, vector<1x16xf32>,
        %swap3A_320 = vector.shape_cast %swap3A_319 : vector<1x16xf32> to vector<16xf32>
        %swap3A_321 = vector.shape_cast %mul3A_314 : vector<16xf32> to vector<1x16xf32>
        tpu.vector_store %arg11[%swap3A_317, %swap3A_318], %swap3A_321 {strides = array<i32>} : memref<128x128xf32, #tpu.memory_space<vmem>>, vector<1x16xf32>,
        %add3A_322 = arith.constant 2 : i32
        %add3A_323 = arith.addi %mul3A_33, %add3A_322 : i32
        %get3A_324 = arith.index_cast %add3A_323 : i32 to index
        %get3A_325 = arith.constant 48 : index
        %get3A_326 = tpu.vector_load %arg11[%get3A_324, %get3A_325] {strides = array<i32>} : memref<128x128xf32, #tpu.memory_space<vmem>>, vector<1x16xf32>,
        %get3A_327 = vector.shape_cast %get3A_326 : vector<1x16xf32> to vector<16xf32>
        %mul3A_328 = vector.broadcast %squeeze3A_276 : f32 to vector<16xf32>
        %mul3A_329 = arith.mulf %get3A_327, %mul3A_328 : vector<16xf32>
        %add3A_330 = arith.constant 2 : i32
        %add3A_331 = arith.addi %mul3A_33, %add3A_330 : i32
        %swap3A_332 = arith.index_cast %add3A_331 : i32 to index
        %swap3A_333 = arith.constant 48 : index
        %swap3A_334 = tpu.vector_load %arg11[%swap3A_332, %swap3A_333] {strides = array<i32>} : memref<128x128xf32, #tpu.memory_space<vmem>>, vector<1x16xf32>,
        %swap3A_335 = vector.shape_cast %swap3A_334 : vector<1x16xf32> to vector<16xf32>
        %swap3A_336 = vector.shape_cast %mul3A_329 : vector<16xf32> to vector<1x16xf32>
        tpu.vector_store %arg11[%swap3A_332, %swap3A_333], %swap3A_336 {strides = array<i32>} : memref<128x128xf32, #tpu.memory_space<vmem>>, vector<1x16xf32>,
        %add3A_337 = arith.constant 2 : i32
        %add3A_338 = arith.addi %mul3A_33, %add3A_337 : i32
        %get3A_339 = arith.index_cast %add3A_338 : i32 to index
        %get3A_340 = arith.constant 64 : index
        %get3A_341 = tpu.vector_load %arg11[%get3A_339, %get3A_340] {strides = array<i32>} : memref<128x128xf32, #tpu.memory_space<vmem>>, vector<1x16xf32>,
        %get3A_342 = vector.shape_cast %get3A_341 : vector<1x16xf32> to vector<16xf32>
        %mul3A_343 = vector.broadcast %squeeze3A_276 : f32 to vector<16xf32>
        %mul3A_344 = arith.mulf %get3A_342, %mul3A_343 : vector<16xf32>
        %add3A_345 = arith.constant 2 : i32
        %add3A_346 = arith.addi %mul3A_33, %add3A_345 : i32
        %swap3A_347 = arith.index_cast %add3A_346 : i32 to index
        %swap3A_348 = arith.constant 64 : index
        %swap3A_349 = tpu.vector_load %arg11[%swap3A_347, %swap3A_348] {strides = array<i32>} : memref<128x128xf32, #tpu.memory_space<vmem>>, vector<1x16xf32>,
        %swap3A_350 = vector.shape_cast %swap3A_349 : vector<1x16xf32> to vector<16xf32>
        %swap3A_351 = vector.shape_cast %mul3A_344 : vector<16xf32> to vector<1x16xf32>
        tpu.vector_store %arg11[%swap3A_347, %swap3A_348], %swap3A_351 {strides = array<i32>} : memref<128x128xf32, #tpu.memory_space<vmem>>, vector<1x16xf32>,
        %add3A_352 = arith.constant 2 : i32
        %add3A_353 = arith.addi %mul3A_33, %add3A_352 : i32
        %get3A_354 = arith.index_cast %add3A_353 : i32 to index
        %get3A_355 = arith.constant 80 : index
        %get3A_356 = tpu.vector_load %arg11[%get3A_354, %get3A_355] {strides = array<i32>} : memref<128x128xf32, #tpu.memory_space<vmem>>, vector<1x16xf32>,
        %get3A_357 = vector.shape_cast %get3A_356 : vector<1x16xf32> to vector<16xf32>
        %mul3A_358 = vector.broadcast %squeeze3A_276 : f32 to vector<16xf32>
        %mul3A_359 = arith.mulf %get3A_357, %mul3A_358 : vector<16xf32>
        %add3A_360 = arith.constant 2 : i32
        %add3A_361 = arith.addi %mul3A_33, %add3A_360 : i32
        %swap3A_362 = arith.index_cast %add3A_361 : i32 to index
        %swap3A_363 = arith.constant 80 : index
        %swap3A_364 = tpu.vector_load %arg11[%swap3A_362, %swap3A_363] {strides = array<i32>} : memref<128x128xf32, #tpu.memory_space<vmem>>, vector<1x16xf32>,
        %swap3A_365 = vector.shape_cast %swap3A_364 : vector<1x16xf32> to vector<16xf32>
        %swap3A_366 = vector.shape_cast %mul3A_359 : vector<16xf32> to vector<1x16xf32>
        tpu.vector_store %arg11[%swap3A_362, %swap3A_363], %swap3A_366 {strides = array<i32>} : memref<128x128xf32, #tpu.memory_space<vmem>>, vector<1x16xf32>,
        %add3A_367 = arith.constant 2 : i32
        %add3A_368 = arith.addi %mul3A_33, %add3A_367 : i32
        %get3A_369 = arith.index_cast %add3A_368 : i32 to index
        %get3A_370 = arith.constant 96 : index
        %get3A_371 = tpu.vector_load %arg11[%get3A_369, %get3A_370] {strides = array<i32>} : memref<128x128xf32, #tpu.memory_space<vmem>>, vector<1x16xf32>,
        %get3A_372 = vector.shape_cast %get3A_371 : vector<1x16xf32> to vector<16xf32>
        %mul3A_373 = vector.broadcast %squeeze3A_276 : f32 to vector<16xf32>
        %mul3A_374 = arith.mulf %get3A_372, %mul3A_373 : vector<16xf32>
        %add3A_375 = arith.constant 2 : i32
        %add3A_376 = arith.addi %mul3A_33, %add3A_375 : i32
        %swap3A_377 = arith.index_cast %add3A_376 : i32 to index
        %swap3A_378 = arith.constant 96 : index
        %swap3A_379 = tpu.vector_load %arg11[%swap3A_377, %swap3A_378] {strides = array<i32>} : memref<128x128xf32, #tpu.memory_space<vmem>>, vector<1x16xf32>,
        %swap3A_380 = vector.shape_cast %swap3A_379 : vector<1x16xf32> to vector<16xf32>
        %swap3A_381 = vector.shape_cast %mul3A_374 : vector<16xf32> to vector<1x16xf32>
        tpu.vector_store %arg11[%swap3A_377, %swap3A_378], %swap3A_381 {strides = array<i32>} : memref<128x128xf32, #tpu.memory_space<vmem>>, vector<1x16xf32>,
        %add3A_382 = arith.constant 2 : i32
        %add3A_383 = arith.addi %mul3A_33, %add3A_382 : i32
        %get3A_384 = arith.index_cast %add3A_383 : i32 to index
        %get3A_385 = arith.constant 112 : index
        %get3A_386 = tpu.vector_load %arg11[%get3A_384, %get3A_385] {strides = array<i32>} : memref<128x128xf32, #tpu.memory_space<vmem>>, vector<1x16xf32>,
        %get3A_387 = vector.shape_cast %get3A_386 : vector<1x16xf32> to vector<16xf32>
        %mul3A_388 = vector.broadcast %squeeze3A_276 : f32 to vector<16xf32>
        %mul3A_389 = arith.mulf %get3A_387, %mul3A_388 : vector<16xf32>
        %add3A_390 = arith.constant 2 : i32
        %add3A_391 = arith.addi %mul3A_33, %add3A_390 : i32
        %swap3A_392 = arith.index_cast %add3A_391 : i32 to index
        %swap3A_393 = arith.constant 112 : index
        %swap3A_394 = tpu.vector_load %arg11[%swap3A_392, %swap3A_393] {strides = array<i32>} : memref<128x128xf32, #tpu.memory_space<vmem>>, vector<1x16xf32>,
        %swap3A_395 = vector.shape_cast %swap3A_394 : vector<1x16xf32> to vector<16xf32>
        %swap3A_396 = vector.shape_cast %mul3A_389 : vector<16xf32> to vector<1x16xf32>
        tpu.vector_store %arg11[%swap3A_392, %swap3A_393], %swap3A_396 {strides = array<i32>} : memref<128x128xf32, #tpu.memory_space<vmem>>, vector<1x16xf32>,
        %slice3A_397 = vector.extract_strided_slice %get3A_31 {offsets = [3], sizes = [1], strides = [1]} : vector<16xf32> to vector<1xf32>
        %squeeze3A_398 = vector.extract %slice3A_397[0] : f32 from vector<1xf32>
        %add3A_399 = arith.constant 3 : i32
        %add3A_400 = arith.addi %mul3A_33, %add3A_399 : i32
        %get3A_401 = arith.index_cast %add3A_400 : i32 to index
        %get3A_402 = arith.constant 0 : index
        %get3A_403 = tpu.vector_load %arg11[%get3A_401, %get3A_402] {strides = array<i32>} : memref<128x128xf32, #tpu.memory_space<vmem>>, vector<1x16xf32>,
        %get3A_404 = vector.shape_cast %get3A_403 : vector<1x16xf32> to vector<16xf32>
        %mul3A_405 = vector.broadcast %squeeze3A_398 : f32 to vector<16xf32>
        %mul3A_406 = arith.mulf %get3A_404, %mul3A_405 : vector<16xf32>
        %add3A_407 = arith.constant 3 : i32
        %add3A_408 = arith.addi %mul3A_33, %add3A_407 : i32
        %swap3A_409 = arith.index_cast %add3A_408 : i32 to index
        %swap3A_410 = arith.constant 0 : index
        %swap3A_411 = tpu.vector_load %arg11[%swap3A_409, %swap3A_410] {strides = array<i32>} : memref<128x128xf32, #tpu.memory_space<vmem>>, vector<1x16xf32>,
        %swap3A_412 = vector.shape_cast %swap3A_411 : vector<1x16xf32> to vector<16xf32>
        %swap3A_413 = vector.shape_cast %mul3A_406 : vector<16xf32> to vector<1x16xf32>
        tpu.vector_store %arg11[%swap3A_409, %swap3A_410], %swap3A_413 {strides = array<i32>} : memref<128x128xf32, #tpu.memory_space<vmem>>, vector<1x16xf32>,
        %add3A_414 = arith.constant 3 : i32
        %add3A_415 = arith.addi %mul3A_33, %add3A_414 : i32
        %get3A_416 = arith.index_cast %add3A_415 : i32 to index
        %get3A_417 = arith.constant 16 : index
        %get3A_418 = tpu.vector_load %arg11[%get3A_416, %get3A_417] {strides = array<i32>} : memref<128x128xf32, #tpu.memory_space<vmem>>, vector<1x16xf32>,
        %get3A_419 = vector.shape_cast %get3A_418 : vector<1x16xf32> to vector<16xf32>
        %mul3A_420 = vector.broadcast %squeeze3A_398 : f32 to vector<16xf32>
        %mul3A_421 = arith.mulf %get3A_419, %mul3A_420 : vector<16xf32>
        %add3A_422 = arith.constant 3 : i32
        %add3A_423 = arith.addi %mul3A_33, %add3A_422 : i32
        %swap3A_424 = arith.index_cast %add3A_423 : i32 to index
        %swap3A_425 = arith.constant 16 : index
        %swap3A_426 = tpu.vector_load %arg11[%swap3A_424, %swap3A_425] {strides = array<i32>} : memref<128x128xf32, #tpu.memory_space<vmem>>, vector<1x16xf32>,
        %swap3A_427 = vector.shape_cast %swap3A_426 : vector<1x16xf32> to vector<16xf32>
        %swap3A_428 = vector.shape_cast %mul3A_421 : vector<16xf32> to vector<1x16xf32>
        tpu.vector_store %arg11[%swap3A_424, %swap3A_425], %swap3A_428 {strides = array<i32>} : memref<128x128xf32, #tpu.memory_space<vmem>>, vector<1x16xf32>,
        %add3A_429 = arith.constant 3 : i32
        %add3A_430 = arith.addi %mul3A_33, %add3A_429 : i32
        %get3A_431 = arith.index_cast %add3A_430 : i32 to index
        %get3A_432 = arith.constant 32 : index
        %get3A_433 = tpu.vector_load %arg11[%get3A_431, %get3A_432] {strides = array<i32>} : memref<128x128xf32, #tpu.memory_space<vmem>>, vector<1x16xf32>,
        %get3A_434 = vector.shape_cast %get3A_433 : vector<1x16xf32> to vector<16xf32>
        %mul3A_435 = vector.broadcast %squeeze3A_398 : f32 to vector<16xf32>
        %mul3A_436 = arith.mulf %get3A_434, %mul3A_435 : vector<16xf32>
        %add3A_437 = arith.constant 3 : i32
        %add3A_438 = arith.addi %mul3A_33, %add3A_437 : i32
        %swap3A_439 = arith.index_cast %add3A_438 : i32 to index
        %swap3A_440 = arith.constant 32 : index
        %swap3A_441 = tpu.vector_load %arg11[%swap3A_439, %swap3A_440] {strides = array<i32>} : memref<128x128xf32, #tpu.memory_space<vmem>>, vector<1x16xf32>,
        %swap3A_442 = vector.shape_cast %swap3A_441 : vector<1x16xf32> to vector<16xf32>
        %swap3A_443 = vector.shape_cast %mul3A_436 : vector<16xf32> to vector<1x16xf32>
        tpu.vector_store %arg11[%swap3A_439, %swap3A_440], %swap3A_443 {strides = array<i32>} : memref<128x128xf32, #tpu.memory_space<vmem>>, vector<1x16xf32>,
        %add3A_444 = arith.constant 3 : i32
        %add3A_445 = arith.addi %mul3A_33, %add3A_444 : i32
        %get3A_446 = arith.index_cast %add3A_445 : i32 to index
        %get3A_447 = arith.constant 48 : index
        %get3A_448 = tpu.vector_load %arg11[%get3A_446, %get3A_447] {strides = array<i32>} : memref<128x128xf32, #tpu.memory_space<vmem>>, vector<1x16xf32>,
        %get3A_449 = vector.shape_cast %get3A_448 : vector<1x16xf32> to vector<16xf32>
        %mul3A_450 = vector.broadcast %squeeze3A_398 : f32 to vector<16xf32>
        %mul3A_451 = arith.mulf %get3A_449, %mul3A_450 : vector<16xf32>
        %add3A_452 = arith.constant 3 : i32
        %add3A_453 = arith.addi %mul3A_33, %add3A_452 : i32
        %swap3A_454 = arith.index_cast %add3A_453 : i32 to index
        %swap3A_455 = arith.constant 48 : index
        %swap3A_456 = tpu.vector_load %arg11[%swap3A_454, %swap3A_455] {strides = array<i32>} : memref<128x128xf32, #tpu.memory_space<vmem>>, vector<1x16xf32>,
        %swap3A_457 = vector.shape_cast %swap3A_456 : vector<1x16xf32> to vector<16xf32>
        %swap3A_458 = vector.shape_cast %mul3A_451 : vector<16xf32> to vector<1x16xf32>
        tpu.vector_store %arg11[%swap3A_454, %swap3A_455], %swap3A_458 {strides = array<i32>} : memref<128x128xf32, #tpu.memory_space<vmem>>, vector<1x16xf32>,
        %add3A_459 = arith.constant 3 : i32
        %add3A_460 = arith.addi %mul3A_33, %add3A_459 : i32
        %get3A_461 = arith.index_cast %add3A_460 : i32 to index
        %get3A_462 = arith.constant 64 : index
        %get3A_463 = tpu.vector_load %arg11[%get3A_461, %get3A_462] {strides = array<i32>} : memref<128x128xf32, #tpu.memory_space<vmem>>, vector<1x16xf32>,
        %get3A_464 = vector.shape_cast %get3A_463 : vector<1x16xf32> to vector<16xf32>
        %mul3A_465 = vector.broadcast %squeeze3A_398 : f32 to vector<16xf32>
        %mul3A_466 = arith.mulf %get3A_464, %mul3A_465 : vector<16xf32>
        %add3A_467 = arith.constant 3 : i32
        %add3A_468 = arith.addi %mul3A_33, %add3A_467 : i32
        %swap3A_469 = arith.index_cast %add3A_468 : i32 to index
        %swap3A_470 = arith.constant 64 : index
        %swap3A_471 = tpu.vector_load %arg11[%swap3A_469, %swap3A_470] {strides = array<i32>} : memref<128x128xf32, #tpu.memory_space<vmem>>, vector<1x16xf32>,
        %swap3A_472 = vector.shape_cast %swap3A_471 : vector<1x16xf32> to vector<16xf32>
        %swap3A_473 = vector.shape_cast %mul3A_466 : vector<16xf32> to vector<1x16xf32>
        tpu.vector_store %arg11[%swap3A_469, %swap3A_470], %swap3A_473 {strides = array<i32>} : memref<128x128xf32, #tpu.memory_space<vmem>>, vector<1x16xf32>,
        %add3A_474 = arith.constant 3 : i32
        %add3A_475 = arith.addi %mul3A_33, %add3A_474 : i32
        %get3A_476 = arith.index_cast %add3A_475 : i32 to index
        %get3A_477 = arith.constant 80 : index
        %get3A_478 = tpu.vector_load %arg11[%get3A_476, %get3A_477] {strides = array<i32>} : memref<128x128xf32, #tpu.memory_space<vmem>>, vector<1x16xf32>,
        %get3A_479 = vector.shape_cast %get3A_478 : vector<1x16xf32> to vector<16xf32>
        %mul3A_480 = vector.broadcast %squeeze3A_398 : f32 to vector<16xf32>
        %mul3A_481 = arith.mulf %get3A_479, %mul3A_480 : vector<16xf32>
        %add3A_482 = arith.constant 3 : i32
        %add3A_483 = arith.addi %mul3A_33, %add3A_482 : i32
        %swap3A_484 = arith.index_cast %add3A_483 : i32 to index
        %swap3A_485 = arith.constant 80 : index
        %swap3A_486 = tpu.vector_load %arg11[%swap3A_484, %swap3A_485] {strides = array<i32>} : memref<128x128xf32, #tpu.memory_space<vmem>>, vector<1x16xf32>,
        %swap3A_487 = vector.shape_cast %swap3A_486 : vector<1x16xf32> to vector<16xf32>
        %swap3A_488 = vector.shape_cast %mul3A_481 : vector<16xf32> to vector<1x16xf32>
        tpu.vector_store %arg11[%swap3A_484, %swap3A_485], %swap3A_488 {strides = array<i32>} : memref<128x128xf32, #tpu.memory_space<vmem>>, vector<1x16xf32>,
        %add3A_489 = arith.constant 3 : i32
        %add3A_490 = arith.addi %mul3A_33, %add3A_489 : i32
        %get3A_491 = arith.index_cast %add3A_490 : i32 to index
        %get3A_492 = arith.constant 96 : index
        %get3A_493 = tpu.vector_load %arg11[%get3A_491, %get3A_492] {strides = array<i32>} : memref<128x128xf32, #tpu.memory_space<vmem>>, vector<1x16xf32>,
        %get3A_494 = vector.shape_cast %get3A_493 : vector<1x16xf32> to vector<16xf32>
        %mul3A_495 = vector.broadcast %squeeze3A_398 : f32 to vector<16xf32>
        %mul3A_496 = arith.mulf %get3A_494, %mul3A_495 : vector<16xf32>
        %add3A_497 = arith.constant 3 : i32
        %add3A_498 = arith.addi %mul3A_33, %add3A_497 : i32
        %swap3A_499 = arith.index_cast %add3A_498 : i32 to index
        %swap3A_500 = arith.constant 96 : index
        %swap3A_501 = tpu.vector_load %arg11[%swap3A_499, %swap3A_500] {strides = array<i32>} : memref<128x128xf32, #tpu.memory_space<vmem>>, vector<1x16xf32>,
        %swap3A_502 = vector.shape_cast %swap3A_501 : vector<1x16xf32> to vector<16xf32>
        %swap3A_503 = vector.shape_cast %mul3A_496 : vector<16xf32> to vector<1x16xf32>
        tpu.vector_store %arg11[%swap3A_499, %swap3A_500], %swap3A_503 {strides = array<i32>} : memref<128x128xf32, #tpu.memory_space<vmem>>, vector<1x16xf32>,
        %add3A_504 = arith.constant 3 : i32
        %add3A_505 = arith.addi %mul3A_33, %add3A_504 : i32
        %get3A_506 = arith.index_cast %add3A_505 : i32 to index
        %get3A_507 = arith.constant 112 : index
        %get3A_508 = tpu.vector_load %arg11[%get3A_506, %get3A_507] {strides = array<i32>} : memref<128x128xf32, #tpu.memory_space<vmem>>, vector<1x16xf32>,
        %get3A_509 = vector.shape_cast %get3A_508 : vector<1x16xf32> to vector<16xf32>
        %mul3A_510 = vector.broadcast %squeeze3A_398 : f32 to vector<16xf32>
        %mul3A_511 = arith.mulf %get3A_509, %mul3A_510 : vector<16xf32>
        %add3A_512 = arith.constant 3 : i32
        %add3A_513 = arith.addi %mul3A_33, %add3A_512 : i32
        %swap3A_514 = arith.index_cast %add3A_513 : i32 to index
        %swap3A_515 = arith.constant 112 : index
        %swap3A_516 = tpu.vector_load %arg11[%swap3A_514, %swap3A_515] {strides = array<i32>} : memref<128x128xf32, #tpu.memory_space<vmem>>, vector<1x16xf32>,
        %swap3A_517 = vector.shape_cast %swap3A_516 : vector<1x16xf32> to vector<16xf32>
        %swap3A_518 = vector.shape_cast %mul3A_511 : vector<16xf32> to vector<1x16xf32>
        tpu.vector_store %arg11[%swap3A_514, %swap3A_515], %swap3A_518 {strides = array<i32>} : memref<128x128xf32, #tpu.memory_space<vmem>>, vector<1x16xf32>,
        %slice3A_519 = vector.extract_strided_slice %get3A_31 {offsets = [4], sizes = [1], strides = [1]} : vector<16xf32> to vector<1xf32>
        %squeeze3A_520 = vector.extract %slice3A_519[0] : f32 from vector<1xf32>
        %add3A_521 = arith.constant 4 : i32
        %add3A_522 = arith.addi %mul3A_33, %add3A_521 : i32
        %get3A_523 = arith.index_cast %add3A_522 : i32 to index
        %get3A_524 = arith.constant 0 : index
        %get3A_525 = tpu.vector_load %arg11[%get3A_523, %get3A_524] {strides = array<i32>} : memref<128x128xf32, #tpu.memory_space<vmem>>, vector<1x16xf32>,
        %get3A_526 = vector.shape_cast %get3A_525 : vector<1x16xf32> to vector<16xf32>
        %mul3A_527 = vector.broadcast %squeeze3A_520 : f32 to vector<16xf32>
        %mul3A_528 = arith.mulf %get3A_526, %mul3A_527 : vector<16xf32>
        %add3A_529 = arith.constant 4 : i32
        %add3A_530 = arith.addi %mul3A_33, %add3A_529 : i32
        %swap3A_531 = arith.index_cast %add3A_530 : i32 to index
        %swap3A_532 = arith.constant 0 : index
        %swap3A_533 = tpu.vector_load %arg11[%swap3A_531, %swap3A_532] {strides = array<i32>} : memref<128x128xf32, #tpu.memory_space<vmem>>, vector<1x16xf32>,
        %swap3A_534 = vector.shape_cast %swap3A_533 : vector<1x16xf32> to vector<16xf32>
        %swap3A_535 = vector.shape_cast %mul3A_528 : vector<16xf32> to vector<1x16xf32>
        tpu.vector_store %arg11[%swap3A_531, %swap3A_532], %swap3A_535 {strides = array<i32>} : memref<128x128xf32, #tpu.memory_space<vmem>>, vector<1x16xf32>,
        %add3A_536 = arith.constant 4 : i32
        %add3A_537 = arith.addi %mul3A_33, %add3A_536 : i32
        %get3A_538 = arith.index_cast %add3A_537 : i32 to index
        %get3A_539 = arith.constant 16 : index
        %get3A_540 = tpu.vector_load %arg11[%get3A_538, %get3A_539] {strides = array<i32>} : memref<128x128xf32, #tpu.memory_space<vmem>>, vector<1x16xf32>,
        %get3A_541 = vector.shape_cast %get3A_540 : vector<1x16xf32> to vector<16xf32>
        %mul3A_542 = vector.broadcast %squeeze3A_520 : f32 to vector<16xf32>
        %mul3A_543 = arith.mulf %get3A_541, %mul3A_542 : vector<16xf32>
        %add3A_544 = arith.constant 4 : i32
        %add3A_545 = arith.addi %mul3A_33, %add3A_544 : i32
        %swap3A_546 = arith.index_cast %add3A_545 : i32 to index
        %swap3A_547 = arith.constant 16 : index
        %swap3A_548 = tpu.vector_load %arg11[%swap3A_546, %swap3A_547] {strides = array<i32>} : memref<128x128xf32, #tpu.memory_space<vmem>>, vector<1x16xf32>,
        %swap3A_549 = vector.shape_cast %swap3A_548 : vector<1x16xf32> to vector<16xf32>
        %swap3A_550 = vector.shape_cast %mul3A_543 : vector<16xf32> to vector<1x16xf32>
        tpu.vector_store %arg11[%swap3A_546, %swap3A_547], %swap3A_550 {strides = array<i32>} : memref<128x128xf32, #tpu.memory_space<vmem>>, vector<1x16xf32>,
        %add3A_551 = arith.constant 4 : i32
        %add3A_552 = arith.addi %mul3A_33, %add3A_551 : i32
        %get3A_553 = arith.index_cast %add3A_552 : i32 to index
        %get3A_554 = arith.constant 32 : index
        %get3A_555 = tpu.vector_load %arg11[%get3A_553, %get3A_554] {strides = array<i32>} : memref<128x128xf32, #tpu.memory_space<vmem>>, vector<1x16xf32>,
        %get3A_556 = vector.shape_cast %get3A_555 : vector<1x16xf32> to vector<16xf32>
        %mul3A_557 = vector.broadcast %squeeze3A_520 : f32 to vector<16xf32>
        %mul3A_558 = arith.mulf %get3A_556, %mul3A_557 : vector<16xf32>
        %add3A_559 = arith.constant 4 : i32
        %add3A_560 = arith.addi %mul3A_33, %add3A_559 : i32
        %swap3A_561 = arith.index_cast %add3A_560 : i32 to index
        %swap3A_562 = arith.constant 32 : index
        %swap3A_563 = tpu.vector_load %arg11[%swap3A_561, %swap3A_562] {strides = array<i32>} : memref<128x128xf32, #tpu.memory_space<vmem>>, vector<1x16xf32>,
        %swap3A_564 = vector.shape_cast %swap3A_563 : vector<1x16xf32> to vector<16xf32>
        %swap3A_565 = vector.shape_cast %mul3A_558 : vector<16xf32> to vector<1x16xf32>
        tpu.vector_store %arg11[%swap3A_561, %swap3A_562], %swap3A_565 {strides = array<i32>} : memref<128x128xf32, #tpu.memory_space<vmem>>, vector<1x16xf32>,
        %add3A_566 = arith.constant 4 : i32
        %add3A_567 = arith.addi %mul3A_33, %add3A_566 : i32
        %get3A_568 = arith.index_cast %add3A_567 : i32 to index
        %get3A_569 = arith.constant 48 : index
        %get3A_570 = tpu.vector_load %arg11[%get3A_568, %get3A_569] {strides = array<i32>} : memref<128x128xf32, #tpu.memory_space<vmem>>, vector<1x16xf32>,
        %get3A_571 = vector.shape_cast %get3A_570 : vector<1x16xf32> to vector<16xf32>
        %mul3A_572 = vector.broadcast %squeeze3A_520 : f32 to vector<16xf32>
        %mul3A_573 = arith.mulf %get3A_571, %mul3A_572 : vector<16xf32>
        %add3A_574 = arith.constant 4 : i32
        %add3A_575 = arith.addi %mul3A_33, %add3A_574 : i32
        %swap3A_576 = arith.index_cast %add3A_575 : i32 to index
        %swap3A_577 = arith.constant 48 : index
        %swap3A_578 = tpu.vector_load %arg11[%swap3A_576, %swap3A_577] {strides = array<i32>} : memref<128x128xf32, #tpu.memory_space<vmem>>, vector<1x16xf32>,
        %swap3A_579 = vector.shape_cast %swap3A_578 : vector<1x16xf32> to vector<16xf32>
        %swap3A_580 = vector.shape_cast %mul3A_573 : vector<16xf32> to vector<1x16xf32>
        tpu.vector_store %arg11[%swap3A_576, %swap3A_577], %swap3A_580 {strides = array<i32>} : memref<128x128xf32, #tpu.memory_space<vmem>>, vector<1x16xf32>,
        %add3A_581 = arith.constant 4 : i32
        %add3A_582 = arith.addi %mul3A_33, %add3A_581 : i32
        %get3A_583 = arith.index_cast %add3A_582 : i32 to index
        %get3A_584 = arith.constant 64 : index
        %get3A_585 = tpu.vector_load %arg11[%get3A_583, %get3A_584] {strides = array<i32>} : memref<128x128xf32, #tpu.memory_space<vmem>>, vector<1x16xf32>,
        %get3A_586 = vector.shape_cast %get3A_585 : vector<1x16xf32> to vector<16xf32>
        %mul3A_587 = vector.broadcast %squeeze3A_520 : f32 to vector<16xf32>
        %mul3A_588 = arith.mulf %get3A_586, %mul3A_587 : vector<16xf32>
        %add3A_589 = arith.constant 4 : i32
        %add3A_590 = arith.addi %mul3A_33, %add3A_589 : i32
        %swap3A_591 = arith.index_cast %add3A_590 : i32 to index
        %swap3A_592 = arith.constant 64 : index
        %swap3A_593 = tpu.vector_load %arg11[%swap3A_591, %swap3A_592] {strides = array<i32>} : memref<128x128xf32, #tpu.memory_space<vmem>>, vector<1x16xf32>,
        %swap3A_594 = vector.shape_cast %swap3A_593 : vector<1x16xf32> to vector<16xf32>
        %swap3A_595 = vector.shape_cast %mul3A_588 : vector<16xf32> to vector<1x16xf32>
        tpu.vector_store %arg11[%swap3A_591, %swap3A_592], %swap3A_595 {strides = array<i32>} : memref<128x128xf32, #tpu.memory_space<vmem>>, vector<1x16xf32>,
        %add3A_596 = arith.constant 4 : i32
        %add3A_597 = arith.addi %mul3A_33, %add3A_596 : i32
        %get3A_598 = arith.index_cast %add3A_597 : i32 to index
        %get3A_599 = arith.constant 80 : index
        %get3A_600 = tpu.vector_load %arg11[%get3A_598, %get3A_599] {strides = array<i32>} : memref<128x128xf32, #tpu.memory_space<vmem>>, vector<1x16xf32>,
        %get3A_601 = vector.shape_cast %get3A_600 : vector<1x16xf32> to vector<16xf32>
        %mul3A_602 = vector.broadcast %squeeze3A_520 : f32 to vector<16xf32>
        %mul3A_603 = arith.mulf %get3A_601, %mul3A_602 : vector<16xf32>
        %add3A_604 = arith.constant 4 : i32
        %add3A_605 = arith.addi %mul3A_33, %add3A_604 : i32
        %swap3A_606 = arith.index_cast %add3A_605 : i32 to index
        %swap3A_607 = arith.constant 80 : index
        %swap3A_608 = tpu.vector_load %arg11[%swap3A_606, %swap3A_607] {strides = array<i32>} : memref<128x128xf32, #tpu.memory_space<vmem>>, vector<1x16xf32>,
        %swap3A_609 = vector.shape_cast %swap3A_608 : vector<1x16xf32> to vector<16xf32>
        %swap3A_610 = vector.shape_cast %mul3A_603 : vector<16xf32> to vector<1x16xf32>
        tpu.vector_store %arg11[%swap3A_606, %swap3A_607], %swap3A_610 {strides = array<i32>} : memref<128x128xf32, #tpu.memory_space<vmem>>, vector<1x16xf32>,
        %add3A_611 = arith.constant 4 : i32
        %add3A_612 = arith.addi %mul3A_33, %add3A_611 : i32
        %get3A_613 = arith.index_cast %add3A_612 : i32 to index
        %get3A_614 = arith.constant 96 : index
        %get3A_615 = tpu.vector_load %arg11[%get3A_613, %get3A_614] {strides = array<i32>} : memref<128x128xf32, #tpu.memory_space<vmem>>, vector<1x16xf32>,
        %get3A_616 = vector.shape_cast %get3A_615 : vector<1x16xf32> to vector<16xf32>
        %mul3A_617 = vector.broadcast %squeeze3A_520 : f32 to vector<16xf32>
        %mul3A_618 = arith.mulf %get3A_616, %mul3A_617 : vector<16xf32>
        %add3A_619 = arith.constant 4 : i32
        %add3A_620 = arith.addi %mul3A_33, %add3A_619 : i32
        %swap3A_621 = arith.index_cast %add3A_620 : i32 to index
        %swap3A_622 = arith.constant 96 : index
        %swap3A_623 = tpu.vector_load %arg11[%swap3A_621, %swap3A_622] {strides = array<i32>} : memref<128x128xf32, #tpu.memory_space<vmem>>, vector<1x16xf32>,
        %swap3A_624 = vector.shape_cast %swap3A_623 : vector<1x16xf32> to vector<16xf32>
        %swap3A_625 = vector.shape_cast %mul3A_618 : vector<16xf32> to vector<1x16xf32>
        tpu.vector_store %arg11[%swap3A_621, %swap3A_622], %swap3A_625 {strides = array<i32>} : memref<128x128xf32, #tpu.memory_space<vmem>>, vector<1x16xf32>,
        %add3A_626 = arith.constant 4 : i32
        %add3A_627 = arith.addi %mul3A_33, %add3A_626 : i32
        %get3A_628 = arith.index_cast %add3A_627 : i32 to index
        %get3A_629 = arith.constant 112 : index
        %get3A_630 = tpu.vector_load %arg11[%get3A_628, %get3A_629] {strides = array<i32>} : memref<128x128xf32, #tpu.memory_space<vmem>>, vector<1x16xf32>,
        %get3A_631 = vector.shape_cast %get3A_630 : vector<1x16xf32> to vector<16xf32>
        %mul3A_632 = vector.broadcast %squeeze3A_520 : f32 to vector<16xf32>
        %mul3A_633 = arith.mulf %get3A_631, %mul3A_632 : vector<16xf32>
        %add3A_634 = arith.constant 4 : i32
        %add3A_635 = arith.addi %mul3A_33, %add3A_634 : i32
        %swap3A_636 = arith.index_cast %add3A_635 : i32 to index
        %swap3A_637 = arith.constant 112 : index
        %swap3A_638 = tpu.vector_load %arg11[%swap3A_636, %swap3A_637] {strides = array<i32>} : memref<128x128xf32, #tpu.memory_space<vmem>>, vector<1x16xf32>,
        %swap3A_639 = vector.shape_cast %swap3A_638 : vector<1x16xf32> to vector<16xf32>
        %swap3A_640 = vector.shape_cast %mul3A_633 : vector<16xf32> to vector<1x16xf32>
        tpu.vector_store %arg11[%swap3A_636, %swap3A_637], %swap3A_640 {strides = array<i32>} : memref<128x128xf32, #tpu.memory_space<vmem>>, vector<1x16xf32>,
        %slice3A_641 = vector.extract_strided_slice %get3A_31 {offsets = [5], sizes = [1], strides = [1]} : vector<16xf32> to vector<1xf32>
        %squeeze3A_642 = vector.extract %slice3A_641[0] : f32 from vector<1xf32>
        %add3A_643 = arith.constant 5 : i32
        %add3A_644 = arith.addi %mul3A_33, %add3A_643 : i32
        %get3A_645 = arith.index_cast %add3A_644 : i32 to index
        %get3A_646 = arith.constant 0 : index
        %get3A_647 = tpu.vector_load %arg11[%get3A_645, %get3A_646] {strides = array<i32>} : memref<128x128xf32, #tpu.memory_space<vmem>>, vector<1x16xf32>,
        %get3A_648 = vector.shape_cast %get3A_647 : vector<1x16xf32> to vector<16xf32>
        %mul3A_649 = vector.broadcast %squeeze3A_642 : f32 to vector<16xf32>
        %mul3A_650 = arith.mulf %get3A_648, %mul3A_649 : vector<16xf32>
        %add3A_651 = arith.constant 5 : i32
        %add3A_652 = arith.addi %mul3A_33, %add3A_651 : i32
        %swap3A_653 = arith.index_cast %add3A_652 : i32 to index
        %swap3A_654 = arith.constant 0 : index
        %swap3A_655 = tpu.vector_load %arg11[%swap3A_653, %swap3A_654] {strides = array<i32>} : memref<128x128xf32, #tpu.memory_space<vmem>>, vector<1x16xf32>,
        %swap3A_656 = vector.shape_cast %swap3A_655 : vector<1x16xf32> to vector<16xf32>
        %swap3A_657 = vector.shape_cast %mul3A_650 : vector<16xf32> to vector<1x16xf32>
        tpu.vector_store %arg11[%swap3A_653, %swap3A_654], %swap3A_657 {strides = array<i32>} : memref<128x128xf32, #tpu.memory_space<vmem>>, vector<1x16xf32>,
        %add3A_658 = arith.constant 5 : i32
        %add3A_659 = arith.addi %mul3A_33, %add3A_658 : i32
        %get3A_660 = arith.index_cast %add3A_659 : i32 to index
        %get3A_661 = arith.constant 16 : index
        %get3A_662 = tpu.vector_load %arg11[%get3A_660, %get3A_661] {strides = array<i32>} : memref<128x128xf32, #tpu.memory_space<vmem>>, vector<1x16xf32>,
        %get3A_663 = vector.shape_cast %get3A_662 : vector<1x16xf32> to vector<16xf32>
        %mul3A_664 = vector.broadcast %squeeze3A_642 : f32 to vector<16xf32>
        %mul3A_665 = arith.mulf %get3A_663, %mul3A_664 : vector<16xf32>
        %add3A_666 = arith.constant 5 : i32
        %add3A_667 = arith.addi %mul3A_33, %add3A_666 : i32
        %swap3A_668 = arith.index_cast %add3A_667 : i32 to index
        %swap3A_669 = arith.constant 16 : index
        %swap3A_670 = tpu.vector_load %arg11[%swap3A_668, %swap3A_669] {strides = array<i32>} : memref<128x128xf32, #tpu.memory_space<vmem>>, vector<1x16xf32>,
        %swap3A_671 = vector.shape_cast %swap3A_670 : vector<1x16xf32> to vector<16xf32>
        %swap3A_672 = vector.shape_cast %mul3A_665 : vector<16xf32> to vector<1x16xf32>
        tpu.vector_store %arg11[%swap3A_668, %swap3A_669], %swap3A_672 {strides = array<i32>} : memref<128x128xf32, #tpu.memory_space<vmem>>, vector<1x16xf32>,
        %add3A_673 = arith.constant 5 : i32
        %add3A_674 = arith.addi %mul3A_33, %add3A_673 : i32
        %get3A_675 = arith.index_cast %add3A_674 : i32 to index
        %get3A_676 = arith.constant 32 : index
        %get3A_677 = tpu.vector_load %arg11[%get3A_675, %get3A_676] {strides = array<i32>} : memref<128x128xf32, #tpu.memory_space<vmem>>, vector<1x16xf32>,
        %get3A_678 = vector.shape_cast %get3A_677 : vector<1x16xf32> to vector<16xf32>
        %mul3A_679 = vector.broadcast %squeeze3A_642 : f32 to vector<16xf32>
        %mul3A_680 = arith.mulf %get3A_678, %mul3A_679 : vector<16xf32>
        %add3A_681 = arith.constant 5 : i32
        %add3A_682 = arith.addi %mul3A_33, %add3A_681 : i32
        %swap3A_683 = arith.index_cast %add3A_682 : i32 to index
        %swap3A_684 = arith.constant 32 : index
        %swap3A_685 = tpu.vector_load %arg11[%swap3A_683, %swap3A_684] {strides = array<i32>} : memref<128x128xf32, #tpu.memory_space<vmem>>, vector<1x16xf32>,
        %swap3A_686 = vector.shape_cast %swap3A_685 : vector<1x16xf32> to vector<16xf32>
        %swap3A_687 = vector.shape_cast %mul3A_680 : vector<16xf32> to vector<1x16xf32>
        tpu.vector_store %arg11[%swap3A_683, %swap3A_684], %swap3A_687 {strides = array<i32>} : memref<128x128xf32, #tpu.memory_space<vmem>>, vector<1x16xf32>,
        %add3A_688 = arith.constant 5 : i32
        %add3A_689 = arith.addi %mul3A_33, %add3A_688 : i32
        %get3A_690 = arith.index_cast %add3A_689 : i32 to index
        %get3A_691 = arith.constant 48 : index
        %get3A_692 = tpu.vector_load %arg11[%get3A_690, %get3A_691] {strides = array<i32>} : memref<128x128xf32, #tpu.memory_space<vmem>>, vector<1x16xf32>,
        %get3A_693 = vector.shape_cast %get3A_692 : vector<1x16xf32> to vector<16xf32>
        %mul3A_694 = vector.broadcast %squeeze3A_642 : f32 to vector<16xf32>
        %mul3A_695 = arith.mulf %get3A_693, %mul3A_694 : vector<16xf32>
        %add3A_696 = arith.constant 5 : i32
        %add3A_697 = arith.addi %mul3A_33, %add3A_696 : i32
        %swap3A_698 = arith.index_cast %add3A_697 : i32 to index
        %swap3A_699 = arith.constant 48 : index
        %swap3A_700 = tpu.vector_load %arg11[%swap3A_698, %swap3A_699] {strides = array<i32>} : memref<128x128xf32, #tpu.memory_space<vmem>>, vector<1x16xf32>,
        %swap3A_701 = vector.shape_cast %swap3A_700 : vector<1x16xf32> to vector<16xf32>
        %swap3A_702 = vector.shape_cast %mul3A_695 : vector<16xf32> to vector<1x16xf32>
        tpu.vector_store %arg11[%swap3A_698, %swap3A_699], %swap3A_702 {strides = array<i32>} : memref<128x128xf32, #tpu.memory_space<vmem>>, vector<1x16xf32>,
        %add3A_703 = arith.constant 5 : i32
        %add3A_704 = arith.addi %mul3A_33, %add3A_703 : i32
        %get3A_705 = arith.index_cast %add3A_704 : i32 to index
        %get3A_706 = arith.constant 64 : index
        %get3A_707 = tpu.vector_load %arg11[%get3A_705, %get3A_706] {strides = array<i32>} : memref<128x128xf32, #tpu.memory_space<vmem>>, vector<1x16xf32>,
        %get3A_708 = vector.shape_cast %get3A_707 : vector<1x16xf32> to vector<16xf32>
        %mul3A_709 = vector.broadcast %squeeze3A_642 : f32 to vector<16xf32>
        %mul3A_710 = arith.mulf %get3A_708, %mul3A_709 : vector<16xf32>
        %add3A_711 = arith.constant 5 : i32
        %add3A_712 = arith.addi %mul3A_33, %add3A_711 : i32
        %swap3A_713 = arith.index_cast %add3A_712 : i32 to index
        %swap3A_714 = arith.constant 64 : index
        %swap3A_715 = tpu.vector_load %arg11[%swap3A_713, %swap3A_714] {strides = array<i32>} : memref<128x128xf32, #tpu.memory_space<vmem>>, vector<1x16xf32>,
        %swap3A_716 = vector.shape_cast %swap3A_715 : vector<1x16xf32> to vector<16xf32>
        %swap3A_717 = vector.shape_cast %mul3A_710 : vector<16xf32> to vector<1x16xf32>
        tpu.vector_store %arg11[%swap3A_713, %swap3A_714], %swap3A_717 {strides = array<i32>} : memref<128x128xf32, #tpu.memory_space<vmem>>, vector<1x16xf32>,
        %add3A_718 = arith.constant 5 : i32
        %add3A_719 = arith.addi %mul3A_33, %add3A_718 : i32
        %get3A_720 = arith.index_cast %add3A_719 : i32 to index
        %get3A_721 = arith.constant 80 : index
        %get3A_722 = tpu.vector_load %arg11[%get3A_720, %get3A_721] {strides = array<i32>} : memref<128x128xf32, #tpu.memory_space<vmem>>, vector<1x16xf32>,
        %get3A_723 = vector.shape_cast %get3A_722 : vector<1x16xf32> to vector<16xf32>
        %mul3A_724 = vector.broadcast %squeeze3A_642 : f32 to vector<16xf32>
        %mul3A_725 = arith.mulf %get3A_723, %mul3A_724 : vector<16xf32>
        %add3A_726 = arith.constant 5 : i32
        %add3A_727 = arith.addi %mul3A_33, %add3A_726 : i32
        %swap3A_728 = arith.index_cast %add3A_727 : i32 to index
        %swap3A_729 = arith.constant 80 : index
        %swap3A_730 = tpu.vector_load %arg11[%swap3A_728, %swap3A_729] {strides = array<i32>} : memref<128x128xf32, #tpu.memory_space<vmem>>, vector<1x16xf32>,
        %swap3A_731 = vector.shape_cast %swap3A_730 : vector<1x16xf32> to vector<16xf32>
        %swap3A_732 = vector.shape_cast %mul3A_725 : vector<16xf32> to vector<1x16xf32>
        tpu.vector_store %arg11[%swap3A_728, %swap3A_729], %swap3A_732 {strides = array<i32>} : memref<128x128xf32, #tpu.memory_space<vmem>>, vector<1x16xf32>,
        %add3A_733 = arith.constant 5 : i32
        %add3A_734 = arith.addi %mul3A_33, %add3A_733 : i32
        %get3A_735 = arith.index_cast %add3A_734 : i32 to index
        %get3A_736 = arith.constant 96 : index
        %get3A_737 = tpu.vector_load %arg11[%get3A_735, %get3A_736] {strides = array<i32>} : memref<128x128xf32, #tpu.memory_space<vmem>>, vector<1x16xf32>,
        %get3A_738 = vector.shape_cast %get3A_737 : vector<1x16xf32> to vector<16xf32>
        %mul3A_739 = vector.broadcast %squeeze3A_642 : f32 to vector<16xf32>
        %mul3A_740 = arith.mulf %get3A_738, %mul3A_739 : vector<16xf32>
        %add3A_741 = arith.constant 5 : i32
        %add3A_742 = arith.addi %mul3A_33, %add3A_741 : i32
        %swap3A_743 = arith.index_cast %add3A_742 : i32 to index
        %swap3A_744 = arith.constant 96 : index
        %swap3A_745 = tpu.vector_load %arg11[%swap3A_743, %swap3A_744] {strides = array<i32>} : memref<128x128xf32, #tpu.memory_space<vmem>>, vector<1x16xf32>,
        %swap3A_746 = vector.shape_cast %swap3A_745 : vector<1x16xf32> to vector<16xf32>
        %swap3A_747 = vector.shape_cast %mul3A_740 : vector<16xf32> to vector<1x16xf32>
        tpu.vector_store %arg11[%swap3A_743, %swap3A_744], %swap3A_747 {strides = array<i32>} : memref<128x128xf32, #tpu.memory_space<vmem>>, vector<1x16xf32>,
        %add3A_748 = arith.constant 5 : i32
        %add3A_749 = arith.addi %mul3A_33, %add3A_748 : i32
        %get3A_750 = arith.index_cast %add3A_749 : i32 to index
        %get3A_751 = arith.constant 112 : index
        %get3A_752 = tpu.vector_load %arg11[%get3A_750, %get3A_751] {strides = array<i32>} : memref<128x128xf32, #tpu.memory_space<vmem>>, vector<1x16xf32>,
        %get3A_753 = vector.shape_cast %get3A_752 : vector<1x16xf32> to vector<16xf32>
        %mul3A_754 = vector.broadcast %squeeze3A_642 : f32 to vector<16xf32>
        %mul3A_755 = arith.mulf %get3A_753, %mul3A_754 : vector<16xf32>
        %add3A_756 = arith.constant 5 : i32
        %add3A_757 = arith.addi %mul3A_33, %add3A_756 : i32
        %swap3A_758 = arith.index_cast %add3A_757 : i32 to index
        %swap3A_759 = arith.constant 112 : index
        %swap3A_760 = tpu.vector_load %arg11[%swap3A_758, %swap3A_759] {strides = array<i32>} : memref<128x128xf32, #tpu.memory_space<vmem>>, vector<1x16xf32>,
        %swap3A_761 = vector.shape_cast %swap3A_760 : vector<1x16xf32> to vector<16xf32>
        %swap3A_762 = vector.shape_cast %mul3A_755 : vector<16xf32> to vector<1x16xf32>
        tpu.vector_store %arg11[%swap3A_758, %swap3A_759], %swap3A_762 {strides = array<i32>} : memref<128x128xf32, #tpu.memory_space<vmem>>, vector<1x16xf32>,
        %slice3A_763 = vector.extract_strided_slice %get3A_31 {offsets = [6], sizes = [1], strides = [1]} : vector<16xf32> to vector<1xf32>
        %squeeze3A_764 = vector.extract %slice3A_763[0] : f32 from vector<1xf32>
        %add3A_765 = arith.constant 6 : i32
        %add3A_766 = arith.addi %mul3A_33, %add3A_765 : i32
        %get3A_767 = arith.index_cast %add3A_766 : i32 to index
        %get3A_768 = arith.constant 0 : index
        %get3A_769 = tpu.vector_load %arg11[%get3A_767, %get3A_768] {strides = array<i32>} : memref<128x128xf32, #tpu.memory_space<vmem>>, vector<1x16xf32>,
        %get3A_770 = vector.shape_cast %get3A_769 : vector<1x16xf32> to vector<16xf32>
        %mul3A_771 = vector.broadcast %squeeze3A_764 : f32 to vector<16xf32>
        %mul3A_772 = arith.mulf %get3A_770, %mul3A_771 : vector<16xf32>
        %add3A_773 = arith.constant 6 : i32
        %add3A_774 = arith.addi %mul3A_33, %add3A_773 : i32
        %swap3A_775 = arith.index_cast %add3A_774 : i32 to index
        %swap3A_776 = arith.constant 0 : index
        %swap3A_777 = tpu.vector_load %arg11[%swap3A_775, %swap3A_776] {strides = array<i32>} : memref<128x128xf32, #tpu.memory_space<vmem>>, vector<1x16xf32>,
        %swap3A_778 = vector.shape_cast %swap3A_777 : vector<1x16xf32> to vector<16xf32>
        %swap3A_779 = vector.shape_cast %mul3A_772 : vector<16xf32> to vector<1x16xf32>
        tpu.vector_store %arg11[%swap3A_775, %swap3A_776], %swap3A_779 {strides = array<i32>} : memref<128x128xf32, #tpu.memory_space<vmem>>, vector<1x16xf32>,
        %add3A_780 = arith.constant 6 : i32
        %add3A_781 = arith.addi %mul3A_33, %add3A_780 : i32
        %get3A_782 = arith.index_cast %add3A_781 : i32 to index
        %get3A_783 = arith.constant 16 : index
        %get3A_784 = tpu.vector_load %arg11[%get3A_782, %get3A_783] {strides = array<i32>} : memref<128x128xf32, #tpu.memory_space<vmem>>, vector<1x16xf32>,
        %get3A_785 = vector.shape_cast %get3A_784 : vector<1x16xf32> to vector<16xf32>
        %mul3A_786 = vector.broadcast %squeeze3A_764 : f32 to vector<16xf32>
        %mul3A_787 = arith.mulf %get3A_785, %mul3A_786 : vector<16xf32>
        %add3A_788 = arith.constant 6 : i32
        %add3A_789 = arith.addi %mul3A_33, %add3A_788 : i32
        %swap3A_790 = arith.index_cast %add3A_789 : i32 to index
        %swap3A_791 = arith.constant 16 : index
        %swap3A_792 = tpu.vector_load %arg11[%swap3A_790, %swap3A_791] {strides = array<i32>} : memref<128x128xf32, #tpu.memory_space<vmem>>, vector<1x16xf32>,
        %swap3A_793 = vector.shape_cast %swap3A_792 : vector<1x16xf32> to vector<16xf32>
        %swap3A_794 = vector.shape_cast %mul3A_787 : vector<16xf32> to vector<1x16xf32>
        tpu.vector_store %arg11[%swap3A_790, %swap3A_791], %swap3A_794 {strides = array<i32>} : memref<128x128xf32, #tpu.memory_space<vmem>>, vector<1x16xf32>,
        %add3A_795 = arith.constant 6 : i32
        %add3A_796 = arith.addi %mul3A_33, %add3A_795 : i32
        %get3A_797 = arith.index_cast %add3A_796 : i32 to index
        %get3A_798 = arith.constant 32 : index
        %get3A_799 = tpu.vector_load %arg11[%get3A_797, %get3A_798] {strides = array<i32>} : memref<128x128xf32, #tpu.memory_space<vmem>>, vector<1x16xf32>,
        %get3A_800 = vector.shape_cast %get3A_799 : vector<1x16xf32> to vector<16xf32>
        %mul3A_801 = vector.broadcast %squeeze3A_764 : f32 to vector<16xf32>
        %mul3A_802 = arith.mulf %get3A_800, %mul3A_801 : vector<16xf32>
        %add3A_803 = arith.constant 6 : i32
        %add3A_804 = arith.addi %mul3A_33, %add3A_803 : i32
        %swap3A_805 = arith.index_cast %add3A_804 : i32 to index
        %swap3A_806 = arith.constant 32 : index
        %swap3A_807 = tpu.vector_load %arg11[%swap3A_805, %swap3A_806] {strides = array<i32>} : memref<128x128xf32, #tpu.memory_space<vmem>>, vector<1x16xf32>,
        %swap3A_808 = vector.shape_cast %swap3A_807 : vector<1x16xf32> to vector<16xf32>
        %swap3A_809 = vector.shape_cast %mul3A_802 : vector<16xf32> to vector<1x16xf32>
        tpu.vector_store %arg11[%swap3A_805, %swap3A_806], %swap3A_809 {strides = array<i32>} : memref<128x128xf32, #tpu.memory_space<vmem>>, vector<1x16xf32>,
        %add3A_810 = arith.constant 6 : i32
        %add3A_811 = arith.addi %mul3A_33, %add3A_810 : i32
        %get3A_812 = arith.index_cast %add3A_811 : i32 to index
        %get3A_813 = arith.constant 48 : index
        %get3A_814 = tpu.vector_load %arg11[%get3A_812, %get3A_813] {strides = array<i32>} : memref<128x128xf32, #tpu.memory_space<vmem>>, vector<1x16xf32>,
        %get3A_815 = vector.shape_cast %get3A_814 : vector<1x16xf32> to vector<16xf32>
        %mul3A_816 = vector.broadcast %squeeze3A_764 : f32 to vector<16xf32>
        %mul3A_817 = arith.mulf %get3A_815, %mul3A_816 : vector<16xf32>
        %add3A_818 = arith.constant 6 : i32
        %add3A_819 = arith.addi %mul3A_33, %add3A_818 : i32
        %swap3A_820 = arith.index_cast %add3A_819 : i32 to index
        %swap3A_821 = arith.constant 48 : index
        %swap3A_822 = tpu.vector_load %arg11[%swap3A_820, %swap3A_821] {strides = array<i32>} : memref<128x128xf32, #tpu.memory_space<vmem>>, vector<1x16xf32>,
        %swap3A_823 = vector.shape_cast %swap3A_822 : vector<1x16xf32> to vector<16xf32>
        %swap3A_824 = vector.shape_cast %mul3A_817 : vector<16xf32> to vector<1x16xf32>
        tpu.vector_store %arg11[%swap3A_820, %swap3A_821], %swap3A_824 {strides = array<i32>} : memref<128x128xf32, #tpu.memory_space<vmem>>, vector<1x16xf32>,
        %add3A_825 = arith.constant 6 : i32
        %add3A_826 = arith.addi %mul3A_33, %add3A_825 : i32
        %get3A_827 = arith.index_cast %add3A_826 : i32 to index
        %get3A_828 = arith.constant 64 : index
        %get3A_829 = tpu.vector_load %arg11[%get3A_827, %get3A_828] {strides = array<i32>} : memref<128x128xf32, #tpu.memory_space<vmem>>, vector<1x16xf32>,
        %get3A_830 = vector.shape_cast %get3A_829 : vector<1x16xf32> to vector<16xf32>
        %mul3A_831 = vector.broadcast %squeeze3A_764 : f32 to vector<16xf32>
        %mul3A_832 = arith.mulf %get3A_830, %mul3A_831 : vector<16xf32>
        %add3A_833 = arith.constant 6 : i32
        %add3A_834 = arith.addi %mul3A_33, %add3A_833 : i32
        %swap3A_835 = arith.index_cast %add3A_834 : i32 to index
        %swap3A_836 = arith.constant 64 : index
        %swap3A_837 = tpu.vector_load %arg11[%swap3A_835, %swap3A_836] {strides = array<i32>} : memref<128x128xf32, #tpu.memory_space<vmem>>, vector<1x16xf32>,
        %swap3A_838 = vector.shape_cast %swap3A_837 : vector<1x16xf32> to vector<16xf32>
        %swap3A_839 = vector.shape_cast %mul3A_832 : vector<16xf32> to vector<1x16xf32>
        tpu.vector_store %arg11[%swap3A_835, %swap3A_836], %swap3A_839 {strides = array<i32>} : memref<128x128xf32, #tpu.memory_space<vmem>>, vector<1x16xf32>,
        %add3A_840 = arith.constant 6 : i32
        %add3A_841 = arith.addi %mul3A_33, %add3A_840 : i32
        %get3A_842 = arith.index_cast %add3A_841 : i32 to index
        %get3A_843 = arith.constant 80 : index
        %get3A_844 = tpu.vector_load %arg11[%get3A_842, %get3A_843] {strides = array<i32>} : memref<128x128xf32, #tpu.memory_space<vmem>>, vector<1x16xf32>,
        %get3A_845 = vector.shape_cast %get3A_844 : vector<1x16xf32> to vector<16xf32>
        %mul3A_846 = vector.broadcast %squeeze3A_764 : f32 to vector<16xf32>
        %mul3A_847 = arith.mulf %get3A_845, %mul3A_846 : vector<16xf32>
        %add3A_848 = arith.constant 6 : i32
        %add3A_849 = arith.addi %mul3A_33, %add3A_848 : i32
        %swap3A_850 = arith.index_cast %add3A_849 : i32 to index
        %swap3A_851 = arith.constant 80 : index
        %swap3A_852 = tpu.vector_load %arg11[%swap3A_850, %swap3A_851] {strides = array<i32>} : memref<128x128xf32, #tpu.memory_space<vmem>>, vector<1x16xf32>,
        %swap3A_853 = vector.shape_cast %swap3A_852 : vector<1x16xf32> to vector<16xf32>
        %swap3A_854 = vector.shape_cast %mul3A_847 : vector<16xf32> to vector<1x16xf32>
        tpu.vector_store %arg11[%swap3A_850, %swap3A_851], %swap3A_854 {strides = array<i32>} : memref<128x128xf32, #tpu.memory_space<vmem>>, vector<1x16xf32>,
        %add3A_855 = arith.constant 6 : i32
        %add3A_856 = arith.addi %mul3A_33, %add3A_855 : i32
        %get3A_857 = arith.index_cast %add3A_856 : i32 to index
        %get3A_858 = arith.constant 96 : index
        %get3A_859 = tpu.vector_load %arg11[%get3A_857, %get3A_858] {strides = array<i32>} : memref<128x128xf32, #tpu.memory_space<vmem>>, vector<1x16xf32>,
        %get3A_860 = vector.shape_cast %get3A_859 : vector<1x16xf32> to vector<16xf32>
        %mul3A_861 = vector.broadcast %squeeze3A_764 : f32 to vector<16xf32>
        %mul3A_862 = arith.mulf %get3A_860, %mul3A_861 : vector<16xf32>
        %add3A_863 = arith.constant 6 : i32
        %add3A_864 = arith.addi %mul3A_33, %add3A_863 : i32
        %swap3A_865 = arith.index_cast %add3A_864 : i32 to index
        %swap3A_866 = arith.constant 96 : index
        %swap3A_867 = tpu.vector_load %arg11[%swap3A_865, %swap3A_866] {strides = array<i32>} : memref<128x128xf32, #tpu.memory_space<vmem>>, vector<1x16xf32>,
        %swap3A_868 = vector.shape_cast %swap3A_867 : vector<1x16xf32> to vector<16xf32>
        %swap3A_869 = vector.shape_cast %mul3A_862 : vector<16xf32> to vector<1x16xf32>
        tpu.vector_store %arg11[%swap3A_865, %swap3A_866], %swap3A_869 {strides = array<i32>} : memref<128x128xf32, #tpu.memory_space<vmem>>, vector<1x16xf32>,
        %add3A_870 = arith.constant 6 : i32
        %add3A_871 = arith.addi %mul3A_33, %add3A_870 : i32
        %get3A_872 = arith.index_cast %add3A_871 : i32 to index
        %get3A_873 = arith.constant 112 : index
        %get3A_874 = tpu.vector_load %arg11[%get3A_872, %get3A_873] {strides = array<i32>} : memref<128x128xf32, #tpu.memory_space<vmem>>, vector<1x16xf32>,
        %get3A_875 = vector.shape_cast %get3A_874 : vector<1x16xf32> to vector<16xf32>
        %mul3A_876 = vector.broadcast %squeeze3A_764 : f32 to vector<16xf32>
        %mul3A_877 = arith.mulf %get3A_875, %mul3A_876 : vector<16xf32>
        %add3A_878 = arith.constant 6 : i32
        %add3A_879 = arith.addi %mul3A_33, %add3A_878 : i32
        %swap3A_880 = arith.index_cast %add3A_879 : i32 to index
        %swap3A_881 = arith.constant 112 : index
        %swap3A_882 = tpu.vector_load %arg11[%swap3A_880, %swap3A_881] {strides = array<i32>} : memref<128x128xf32, #tpu.memory_space<vmem>>, vector<1x16xf32>,
        %swap3A_883 = vector.shape_cast %swap3A_882 : vector<1x16xf32> to vector<16xf32>
        %swap3A_884 = vector.shape_cast %mul3A_877 : vector<16xf32> to vector<1x16xf32>
        tpu.vector_store %arg11[%swap3A_880, %swap3A_881], %swap3A_884 {strides = array<i32>} : memref<128x128xf32, #tpu.memory_space<vmem>>, vector<1x16xf32>,
        %slice3A_885 = vector.extract_strided_slice %get3A_31 {offsets = [7], sizes = [1], strides = [1]} : vector<16xf32> to vector<1xf32>
        %squeeze3A_886 = vector.extract %slice3A_885[0] : f32 from vector<1xf32>
        %add3A_887 = arith.constant 7 : i32
        %add3A_888 = arith.addi %mul3A_33, %add3A_887 : i32
        %get3A_889 = arith.index_cast %add3A_888 : i32 to index
        %get3A_890 = arith.constant 0 : index
        %get3A_891 = tpu.vector_load %arg11[%get3A_889, %get3A_890] {strides = array<i32>} : memref<128x128xf32, #tpu.memory_space<vmem>>, vector<1x16xf32>,
        %get3A_892 = vector.shape_cast %get3A_891 : vector<1x16xf32> to vector<16xf32>
        %mul3A_893 = vector.broadcast %squeeze3A_886 : f32 to vector<16xf32>
        %mul3A_894 = arith.mulf %get3A_892, %mul3A_893 : vector<16xf32>
        %add3A_895 = arith.constant 7 : i32
        %add3A_896 = arith.addi %mul3A_33, %add3A_895 : i32
        %swap3A_897 = arith.index_cast %add3A_896 : i32 to index
        %swap3A_898 = arith.constant 0 : index
        %swap3A_899 = tpu.vector_load %arg11[%swap3A_897, %swap3A_898] {strides = array<i32>} : memref<128x128xf32, #tpu.memory_space<vmem>>, vector<1x16xf32>,
        %swap3A_900 = vector.shape_cast %swap3A_899 : vector<1x16xf32> to vector<16xf32>
        %swap3A_901 = vector.shape_cast %mul3A_894 : vector<16xf32> to vector<1x16xf32>
        tpu.vector_store %arg11[%swap3A_897, %swap3A_898], %swap3A_901 {strides = array<i32>} : memref<128x128xf32, #tpu.memory_space<vmem>>, vector<1x16xf32>,
        %add3A_902 = arith.constant 7 : i32
        %add3A_903 = arith.addi %mul3A_33, %add3A_902 : i32
        %get3A_904 = arith.index_cast %add3A_903 : i32 to index
        %get3A_905 = arith.constant 16 : index
        %get3A_906 = tpu.vector_load %arg11[%get3A_904, %get3A_905] {strides = array<i32>} : memref<128x128xf32, #tpu.memory_space<vmem>>, vector<1x16xf32>,
        %get3A_907 = vector.shape_cast %get3A_906 : vector<1x16xf32> to vector<16xf32>
        %mul3A_908 = vector.broadcast %squeeze3A_886 : f32 to vector<16xf32>
        %mul3A_909 = arith.mulf %get3A_907, %mul3A_908 : vector<16xf32>
        %add3A_910 = arith.constant 7 : i32
        %add3A_911 = arith.addi %mul3A_33, %add3A_910 : i32
        %swap3A_912 = arith.index_cast %add3A_911 : i32 to index
        %swap3A_913 = arith.constant 16 : index
        %swap3A_914 = tpu.vector_load %arg11[%swap3A_912, %swap3A_913] {strides = array<i32>} : memref<128x128xf32, #tpu.memory_space<vmem>>, vector<1x16xf32>,
        %swap3A_915 = vector.shape_cast %swap3A_914 : vector<1x16xf32> to vector<16xf32>
        %swap3A_916 = vector.shape_cast %mul3A_909 : vector<16xf32> to vector<1x16xf32>
        tpu.vector_store %arg11[%swap3A_912, %swap3A_913], %swap3A_916 {strides = array<i32>} : memref<128x128xf32, #tpu.memory_space<vmem>>, vector<1x16xf32>,
        %add3A_917 = arith.constant 7 : i32
        %add3A_918 = arith.addi %mul3A_33, %add3A_917 : i32
        %get3A_919 = arith.index_cast %add3A_918 : i32 to index
        %get3A_920 = arith.constant 32 : index
        %get3A_921 = tpu.vector_load %arg11[%get3A_919, %get3A_920] {strides = array<i32>} : memref<128x128xf32, #tpu.memory_space<vmem>>, vector<1x16xf32>,
        %get3A_922 = vector.shape_cast %get3A_921 : vector<1x16xf32> to vector<16xf32>
        %mul3A_923 = vector.broadcast %squeeze3A_886 : f32 to vector<16xf32>
        %mul3A_924 = arith.mulf %get3A_922, %mul3A_923 : vector<16xf32>
        %add3A_925 = arith.constant 7 : i32
        %add3A_926 = arith.addi %mul3A_33, %add3A_925 : i32
        %swap3A_927 = arith.index_cast %add3A_926 : i32 to index
        %swap3A_928 = arith.constant 32 : index
        %swap3A_929 = tpu.vector_load %arg11[%swap3A_927, %swap3A_928] {strides = array<i32>} : memref<128x128xf32, #tpu.memory_space<vmem>>, vector<1x16xf32>,
        %swap3A_930 = vector.shape_cast %swap3A_929 : vector<1x16xf32> to vector<16xf32>
        %swap3A_931 = vector.shape_cast %mul3A_924 : vector<16xf32> to vector<1x16xf32>
        tpu.vector_store %arg11[%swap3A_927, %swap3A_928], %swap3A_931 {strides = array<i32>} : memref<128x128xf32, #tpu.memory_space<vmem>>, vector<1x16xf32>,
        %add3A_932 = arith.constant 7 : i32
        %add3A_933 = arith.addi %mul3A_33, %add3A_932 : i32
        %get3A_934 = arith.index_cast %add3A_933 : i32 to index
        %get3A_935 = arith.constant 48 : index
        %get3A_936 = tpu.vector_load %arg11[%get3A_934, %get3A_935] {strides = array<i32>} : memref<128x128xf32, #tpu.memory_space<vmem>>, vector<1x16xf32>,
        %get3A_937 = vector.shape_cast %get3A_936 : vector<1x16xf32> to vector<16xf32>
        %mul3A_938 = vector.broadcast %squeeze3A_886 : f32 to vector<16xf32>
        %mul3A_939 = arith.mulf %get3A_937, %mul3A_938 : vector<16xf32>
        %add3A_940 = arith.constant 7 : i32
        %add3A_941 = arith.addi %mul3A_33, %add3A_940 : i32
        %swap3A_942 = arith.index_cast %add3A_941 : i32 to index
        %swap3A_943 = arith.constant 48 : index
        %swap3A_944 = tpu.vector_load %arg11[%swap3A_942, %swap3A_943] {strides = array<i32>} : memref<128x128xf32, #tpu.memory_space<vmem>>, vector<1x16xf32>,
        %swap3A_945 = vector.shape_cast %swap3A_944 : vector<1x16xf32> to vector<16xf32>
        %swap3A_946 = vector.shape_cast %mul3A_939 : vector<16xf32> to vector<1x16xf32>
        tpu.vector_store %arg11[%swap3A_942, %swap3A_943], %swap3A_946 {strides = array<i32>} : memref<128x128xf32, #tpu.memory_space<vmem>>, vector<1x16xf32>,
        %add3A_947 = arith.constant 7 : i32
        %add3A_948 = arith.addi %mul3A_33, %add3A_947 : i32
        %get3A_949 = arith.index_cast %add3A_948 : i32 to index
        %get3A_950 = arith.constant 64 : index
        %get3A_951 = tpu.vector_load %arg11[%get3A_949, %get3A_950] {strides = array<i32>} : memref<128x128xf32, #tpu.memory_space<vmem>>, vector<1x16xf32>,
        %get3A_952 = vector.shape_cast %get3A_951 : vector<1x16xf32> to vector<16xf32>
        %mul3A_953 = vector.broadcast %squeeze3A_886 : f32 to vector<16xf32>
        %mul3A_954 = arith.mulf %get3A_952, %mul3A_953 : vector<16xf32>
        %add3A_955 = arith.constant 7 : i32
        %add3A_956 = arith.addi %mul3A_33, %add3A_955 : i32
        %swap3A_957 = arith.index_cast %add3A_956 : i32 to index
        %swap3A_958 = arith.constant 64 : index
        %swap3A_959 = tpu.vector_load %arg11[%swap3A_957, %swap3A_958] {strides = array<i32>} : memref<128x128xf32, #tpu.memory_space<vmem>>, vector<1x16xf32>,
        %swap3A_960 = vector.shape_cast %swap3A_959 : vector<1x16xf32> to vector<16xf32>
        %swap3A_961 = vector.shape_cast %mul3A_954 : vector<16xf32> to vector<1x16xf32>
        tpu.vector_store %arg11[%swap3A_957, %swap3A_958], %swap3A_961 {strides = array<i32>} : memref<128x128xf32, #tpu.memory_space<vmem>>, vector<1x16xf32>,
        %add3A_962 = arith.constant 7 : i32
        %add3A_963 = arith.addi %mul3A_33, %add3A_962 : i32
        %get3A_964 = arith.index_cast %add3A_963 : i32 to index
        %get3A_965 = arith.constant 80 : index
        %get3A_966 = tpu.vector_load %arg11[%get3A_964, %get3A_965] {strides = array<i32>} : memref<128x128xf32, #tpu.memory_space<vmem>>, vector<1x16xf32>,
        %get3A_967 = vector.shape_cast %get3A_966 : vector<1x16xf32> to vector<16xf32>
        %mul3A_968 = vector.broadcast %squeeze3A_886 : f32 to vector<16xf32>
        %mul3A_969 = arith.mulf %get3A_967, %mul3A_968 : vector<16xf32>
        %add3A_970 = arith.constant 7 : i32
        %add3A_971 = arith.addi %mul3A_33, %add3A_970 : i32
        %swap3A_972 = arith.index_cast %add3A_971 : i32 to index
        %swap3A_973 = arith.constant 80 : index
        %swap3A_974 = tpu.vector_load %arg11[%swap3A_972, %swap3A_973] {strides = array<i32>} : memref<128x128xf32, #tpu.memory_space<vmem>>, vector<1x16xf32>,
        %swap3A_975 = vector.shape_cast %swap3A_974 : vector<1x16xf32> to vector<16xf32>
        %swap3A_976 = vector.shape_cast %mul3A_969 : vector<16xf32> to vector<1x16xf32>
        tpu.vector_store %arg11[%swap3A_972, %swap3A_973], %swap3A_976 {strides = array<i32>} : memref<128x128xf32, #tpu.memory_space<vmem>>, vector<1x16xf32>,
        %add3A_977 = arith.constant 7 : i32
        %add3A_978 = arith.addi %mul3A_33, %add3A_977 : i32
        %get3A_979 = arith.index_cast %add3A_978 : i32 to index
        %get3A_980 = arith.constant 96 : index
        %get3A_981 = tpu.vector_load %arg11[%get3A_979, %get3A_980] {strides = array<i32>} : memref<128x128xf32, #tpu.memory_space<vmem>>, vector<1x16xf32>,
        %get3A_982 = vector.shape_cast %get3A_981 : vector<1x16xf32> to vector<16xf32>
        %mul3A_983 = vector.broadcast %squeeze3A_886 : f32 to vector<16xf32>
        %mul3A_984 = arith.mulf %get3A_982, %mul3A_983 : vector<16xf32>
        %add3A_985 = arith.constant 7 : i32
        %add3A_986 = arith.addi %mul3A_33, %add3A_985 : i32
        %swap3A_987 = arith.index_cast %add3A_986 : i32 to index
        %swap3A_988 = arith.constant 96 : index
        %swap3A_989 = tpu.vector_load %arg11[%swap3A_987, %swap3A_988] {strides = array<i32>} : memref<128x128xf32, #tpu.memory_space<vmem>>, vector<1x16xf32>,
        %swap3A_990 = vector.shape_cast %swap3A_989 : vector<1x16xf32> to vector<16xf32>
        %swap3A_991 = vector.shape_cast %mul3A_984 : vector<16xf32> to vector<1x16xf32>
        tpu.vector_store %arg11[%swap3A_987, %swap3A_988], %swap3A_991 {strides = array<i32>} : memref<128x128xf32, #tpu.memory_space<vmem>>, vector<1x16xf32>,
        %add3A_992 = arith.constant 7 : i32
        %add3A_993 = arith.addi %mul3A_33, %add3A_992 : i32
        %get3A_994 = arith.index_cast %add3A_993 : i32 to index
        %get3A_995 = arith.constant 112 : index
        %get3A_996 = tpu.vector_load %arg11[%get3A_994, %get3A_995] {strides = array<i32>} : memref<128x128xf32, #tpu.memory_space<vmem>>, vector<1x16xf32>,
        %get3A_997 = vector.shape_cast %get3A_996 : vector<1x16xf32> to vector<16xf32>
        %mul3A_998 = vector.broadcast %squeeze3A_886 : f32 to vector<16xf32>
        %mul3A_999 = arith.mulf %get3A_997, %mul3A_998 : vector<16xf32>
        %add3A_1000 = arith.constant 7 : i32
        %add3A_1001 = arith.addi %mul3A_33, %add3A_1000 : i32
        %swap3A_1002 = arith.index_cast %add3A_1001 : i32 to index
        %swap3A_1003 = arith.constant 112 : index
        %swap3A_1004 = tpu.vector_load %arg11[%swap3A_1002, %swap3A_1003] {strides = array<i32>} : memref<128x128xf32, #tpu.memory_space<vmem>>, vector<1x16xf32>,
        %swap3A_1005 = vector.shape_cast %swap3A_1004 : vector<1x16xf32> to vector<16xf32>
        %swap3A_1006 = vector.shape_cast %mul3A_999 : vector<16xf32> to vector<1x16xf32>
        tpu.vector_store %arg11[%swap3A_1002, %swap3A_1003], %swap3A_1006 {strides = array<i32>} : memref<128x128xf32, #tpu.memory_space<vmem>>, vector<1x16xf32>,
        %slice3A_1007 = vector.extract_strided_slice %get3A_31 {offsets = [8], sizes = [1], strides = [1]} : vector<16xf32> to vector<1xf32>
        %squeeze3A_1008 = vector.extract %slice3A_1007[0] : f32 from vector<1xf32>
        %add3A_1009 = arith.constant 8 : i32
        %add3A_1010 = arith.addi %mul3A_33, %add3A_1009 : i32
        %get3A_1011 = arith.index_cast %add3A_1010 : i32 to index
        %get3A_1012 = arith.constant 0 : index
        %get3A_1013 = tpu.vector_load %arg11[%get3A_1011, %get3A_1012] {strides = array<i32>} : memref<128x128xf32, #tpu.memory_space<vmem>>, vector<1x16xf32>,
        %get3A_1014 = vector.shape_cast %get3A_1013 : vector<1x16xf32> to vector<16xf32>
        %mul3A_1015 = vector.broadcast %squeeze3A_1008 : f32 to vector<16xf32>
        %mul3A_1016 = arith.mulf %get3A_1014, %mul3A_1015 : vector<16xf32>
        %add3A_1017 = arith.constant 8 : i32
        %add3A_1018 = arith.addi %mul3A_33, %add3A_1017 : i32
        %swap3A_1019 = arith.index_cast %add3A_1018 : i32 to index
        %swap3A_1020 = arith.constant 0 : index
        %swap3A_1021 = tpu.vector_load %arg11[%swap3A_1019, %swap3A_1020] {strides = array<i32>} : memref<128x128xf32, #tpu.memory_space<vmem>>, vector<1x16xf32>,
        %swap3A_1022 = vector.shape_cast %swap3A_1021 : vector<1x16xf32> to vector<16xf32>
        %swap3A_1023 = vector.shape_cast %mul3A_1016 : vector<16xf32> to vector<1x16xf32>
        tpu.vector_store %arg11[%swap3A_1019, %swap3A_1020], %swap3A_1023 {strides = array<i32>} : memref<128x128xf32, #tpu.memory_space<vmem>>, vector<1x16xf32>,
        %add3A_1024 = arith.constant 8 : i32
        %add3A_1025 = arith.addi %mul3A_33, %add3A_1024 : i32
        %get3A_1026 = arith.index_cast %add3A_1025 : i32 to index
        %get3A_1027 = arith.constant 16 : index
        %get3A_1028 = tpu.vector_load %arg11[%get3A_1026, %get3A_1027] {strides = array<i32>} : memref<128x128xf32, #tpu.memory_space<vmem>>, vector<1x16xf32>,
        %get3A_1029 = vector.shape_cast %get3A_1028 : vector<1x16xf32> to vector<16xf32>
        %mul3A_1030 = vector.broadcast %squeeze3A_1008 : f32 to vector<16xf32>
        %mul3A_1031 = arith.mulf %get3A_1029, %mul3A_1030 : vector<16xf32>
        %add3A_1032 = arith.constant 8 : i32
        %add3A_1033 = arith.addi %mul3A_33, %add3A_1032 : i32
        %swap3A_1034 = arith.index_cast %add3A_1033 : i32 to index
        %swap3A_1035 = arith.constant 16 : index
        %swap3A_1036 = tpu.vector_load %arg11[%swap3A_1034, %swap3A_1035] {strides = array<i32>} : memref<128x128xf32, #tpu.memory_space<vmem>>, vector<1x16xf32>,
        %swap3A_1037 = vector.shape_cast %swap3A_1036 : vector<1x16xf32> to vector<16xf32>
        %swap3A_1038 = vector.shape_cast %mul3A_1031 : vector<16xf32> to vector<1x16xf32>
        tpu.vector_store %arg11[%swap3A_1034, %swap3A_1035], %swap3A_1038 {strides = array<i32>} : memref<128x128xf32, #tpu.memory_space<vmem>>, vector<1x16xf32>,
        %add3A_1039 = arith.constant 8 : i32
        %add3A_1040 = arith.addi %mul3A_33, %add3A_1039 : i32
        %get3A_1041 = arith.index_cast %add3A_1040 : i32 to index
        %get3A_1042 = arith.constant 32 : index
        %get3A_1043 = tpu.vector_load %arg11[%get3A_1041, %get3A_1042] {strides = array<i32>} : memref<128x128xf32, #tpu.memory_space<vmem>>, vector<1x16xf32>,
        %get3A_1044 = vector.shape_cast %get3A_1043 : vector<1x16xf32> to vector<16xf32>
        %mul3A_1045 = vector.broadcast %squeeze3A_1008 : f32 to vector<16xf32>
        %mul3A_1046 = arith.mulf %get3A_1044, %mul3A_1045 : vector<16xf32>
        %add3A_1047 = arith.constant 8 : i32
        %add3A_1048 = arith.addi %mul3A_33, %add3A_1047 : i32
        %swap3A_1049 = arith.index_cast %add3A_1048 : i32 to index
        %swap3A_1050 = arith.constant 32 : index
        %swap3A_1051 = tpu.vector_load %arg11[%swap3A_1049, %swap3A_1050] {strides = array<i32>} : memref<128x128xf32, #tpu.memory_space<vmem>>, vector<1x16xf32>,
        %swap3A_1052 = vector.shape_cast %swap3A_1051 : vector<1x16xf32> to vector<16xf32>
        %swap3A_1053 = vector.shape_cast %mul3A_1046 : vector<16xf32> to vector<1x16xf32>
        tpu.vector_store %arg11[%swap3A_1049, %swap3A_1050], %swap3A_1053 {strides = array<i32>} : memref<128x128xf32, #tpu.memory_space<vmem>>, vector<1x16xf32>,
        %add3A_1054 = arith.constant 8 : i32
        %add3A_1055 = arith.addi %mul3A_33, %add3A_1054 : i32
        %get3A_1056 = arith.index_cast %add3A_1055 : i32 to index
        %get3A_1057 = arith.constant 48 : index
        %get3A_1058 = tpu.vector_load %arg11[%get3A_1056, %get3A_1057] {strides = array<i32>} : memref<128x128xf32, #tpu.memory_space<vmem>>, vector<1x16xf32>,
        %get3A_1059 = vector.shape_cast %get3A_1058 : vector<1x16xf32> to vector<16xf32>
        %mul3A_1060 = vector.broadcast %squeeze3A_1008 : f32 to vector<16xf32>
        %mul3A_1061 = arith.mulf %get3A_1059, %mul3A_1060 : vector<16xf32>
        %add3A_1062 = arith.constant 8 : i32
        %add3A_1063 = arith.addi %mul3A_33, %add3A_1062 : i32
        %swap3A_1064 = arith.index_cast %add3A_1063 : i32 to index
        %swap3A_1065 = arith.constant 48 : index
        %swap3A_1066 = tpu.vector_load %arg11[%swap3A_1064, %swap3A_1065] {strides = array<i32>} : memref<128x128xf32, #tpu.memory_space<vmem>>, vector<1x16xf32>,
        %swap3A_1067 = vector.shape_cast %swap3A_1066 : vector<1x16xf32> to vector<16xf32>
        %swap3A_1068 = vector.shape_cast %mul3A_1061 : vector<16xf32> to vector<1x16xf32>
        tpu.vector_store %arg11[%swap3A_1064, %swap3A_1065], %swap3A_1068 {strides = array<i32>} : memref<128x128xf32, #tpu.memory_space<vmem>>, vector<1x16xf32>,
        %add3A_1069 = arith.constant 8 : i32
        %add3A_1070 = arith.addi %mul3A_33, %add3A_1069 : i32
        %get3A_1071 = arith.index_cast %add3A_1070 : i32 to index
        %get3A_1072 = arith.constant 64 : index
        %get3A_1073 = tpu.vector_load %arg11[%get3A_1071, %get3A_1072] {strides = array<i32>} : memref<128x128xf32, #tpu.memory_space<vmem>>, vector<1x16xf32>,
        %get3A_1074 = vector.shape_cast %get3A_1073 : vector<1x16xf32> to vector<16xf32>
        %mul3A_1075 = vector.broadcast %squeeze3A_1008 : f32 to vector<16xf32>
        %mul3A_1076 = arith.mulf %get3A_1074, %mul3A_1075 : vector<16xf32>
        %add3A_1077 = arith.constant 8 : i32
        %add3A_1078 = arith.addi %mul3A_33, %add3A_1077 : i32
        %swap3A_1079 = arith.index_cast %add3A_1078 : i32 to index
        %swap3A_1080 = arith.constant 64 : index
        %swap3A_1081 = tpu.vector_load %arg11[%swap3A_1079, %swap3A_1080] {strides = array<i32>} : memref<128x128xf32, #tpu.memory_space<vmem>>, vector<1x16xf32>,
        %swap3A_1082 = vector.shape_cast %swap3A_1081 : vector<1x16xf32> to vector<16xf32>
        %swap3A_1083 = vector.shape_cast %mul3A_1076 : vector<16xf32> to vector<1x16xf32>
        tpu.vector_store %arg11[%swap3A_1079, %swap3A_1080], %swap3A_1083 {strides = array<i32>} : memref<128x128xf32, #tpu.memory_space<vmem>>, vector<1x16xf32>,
        %add3A_1084 = arith.constant 8 : i32
        %add3A_1085 = arith.addi %mul3A_33, %add3A_1084 : i32
        %get3A_1086 = arith.index_cast %add3A_1085 : i32 to index
        %get3A_1087 = arith.constant 80 : index
        %get3A_1088 = tpu.vector_load %arg11[%get3A_1086, %get3A_1087] {strides = array<i32>} : memref<128x128xf32, #tpu.memory_space<vmem>>, vector<1x16xf32>,
        %get3A_1089 = vector.shape_cast %get3A_1088 : vector<1x16xf32> to vector<16xf32>
        %mul3A_1090 = vector.broadcast %squeeze3A_1008 : f32 to vector<16xf32>
        %mul3A_1091 = arith.mulf %get3A_1089, %mul3A_1090 : vector<16xf32>
        %add3A_1092 = arith.constant 8 : i32
        %add3A_1093 = arith.addi %mul3A_33, %add3A_1092 : i32
        %swap3A_1094 = arith.index_cast %add3A_1093 : i32 to index
        %swap3A_1095 = arith.constant 80 : index
        %swap3A_1096 = tpu.vector_load %arg11[%swap3A_1094, %swap3A_1095] {strides = array<i32>} : memref<128x128xf32, #tpu.memory_space<vmem>>, vector<1x16xf32>,
        %swap3A_1097 = vector.shape_cast %swap3A_1096 : vector<1x16xf32> to vector<16xf32>
        %swap3A_1098 = vector.shape_cast %mul3A_1091 : vector<16xf32> to vector<1x16xf32>
        tpu.vector_store %arg11[%swap3A_1094, %swap3A_1095], %swap3A_1098 {strides = array<i32>} : memref<128x128xf32, #tpu.memory_space<vmem>>, vector<1x16xf32>,
        %add3A_1099 = arith.constant 8 : i32
        %add3A_1100 = arith.addi %mul3A_33, %add3A_1099 : i32
        %get3A_1101 = arith.index_cast %add3A_1100 : i32 to index
        %get3A_1102 = arith.constant 96 : index
        %get3A_1103 = tpu.vector_load %arg11[%get3A_1101, %get3A_1102] {strides = array<i32>} : memref<128x128xf32, #tpu.memory_space<vmem>>, vector<1x16xf32>,
        %get3A_1104 = vector.shape_cast %get3A_1103 : vector<1x16xf32> to vector<16xf32>
        %mul3A_1105 = vector.broadcast %squeeze3A_1008 : f32 to vector<16xf32>
        %mul3A_1106 = arith.mulf %get3A_1104, %mul3A_1105 : vector<16xf32>
        %add3A_1107 = arith.constant 8 : i32
        %add3A_1108 = arith.addi %mul3A_33, %add3A_1107 : i32
        %swap3A_1109 = arith.index_cast %add3A_1108 : i32 to index
        %swap3A_1110 = arith.constant 96 : index
        %swap3A_1111 = tpu.vector_load %arg11[%swap3A_1109, %swap3A_1110] {strides = array<i32>} : memref<128x128xf32, #tpu.memory_space<vmem>>, vector<1x16xf32>,
        %swap3A_1112 = vector.shape_cast %swap3A_1111 : vector<1x16xf32> to vector<16xf32>
        %swap3A_1113 = vector.shape_cast %mul3A_1106 : vector<16xf32> to vector<1x16xf32>
        tpu.vector_store %arg11[%swap3A_1109, %swap3A_1110], %swap3A_1113 {strides = array<i32>} : memref<128x128xf32, #tpu.memory_space<vmem>>, vector<1x16xf32>,
        %add3A_1114 = arith.constant 8 : i32
        %add3A_1115 = arith.addi %mul3A_33, %add3A_1114 : i32
        %get3A_1116 = arith.index_cast %add3A_1115 : i32 to index
        %get3A_1117 = arith.constant 112 : index
        %get3A_1118 = tpu.vector_load %arg11[%get3A_1116, %get3A_1117] {strides = array<i32>} : memref<128x128xf32, #tpu.memory_space<vmem>>, vector<1x16xf32>,
        %get3A_1119 = vector.shape_cast %get3A_1118 : vector<1x16xf32> to vector<16xf32>
        %mul3A_1120 = vector.broadcast %squeeze3A_1008 : f32 to vector<16xf32>
        %mul3A_1121 = arith.mulf %get3A_1119, %mul3A_1120 : vector<16xf32>
        %add3A_1122 = arith.constant 8 : i32
        %add3A_1123 = arith.addi %mul3A_33, %add3A_1122 : i32
        %swap3A_1124 = arith.index_cast %add3A_1123 : i32 to index
        %swap3A_1125 = arith.constant 112 : index
        %swap3A_1126 = tpu.vector_load %arg11[%swap3A_1124, %swap3A_1125] {strides = array<i32>} : memref<128x128xf32, #tpu.memory_space<vmem>>, vector<1x16xf32>,
        %swap3A_1127 = vector.shape_cast %swap3A_1126 : vector<1x16xf32> to vector<16xf32>
        %swap3A_1128 = vector.shape_cast %mul3A_1121 : vector<16xf32> to vector<1x16xf32>
        tpu.vector_store %arg11[%swap3A_1124, %swap3A_1125], %swap3A_1128 {strides = array<i32>} : memref<128x128xf32, #tpu.memory_space<vmem>>, vector<1x16xf32>,
        %slice3A_1129 = vector.extract_strided_slice %get3A_31 {offsets = [9], sizes = [1], strides = [1]} : vector<16xf32> to vector<1xf32>
        %squeeze3A_1130 = vector.extract %slice3A_1129[0] : f32 from vector<1xf32>
        %add3A_1131 = arith.constant 9 : i32
        %add3A_1132 = arith.addi %mul3A_33, %add3A_1131 : i32
        %get3A_1133 = arith.index_cast %add3A_1132 : i32 to index
        %get3A_1134 = arith.constant 0 : index
        %get3A_1135 = tpu.vector_load %arg11[%get3A_1133, %get3A_1134] {strides = array<i32>} : memref<128x128xf32, #tpu.memory_space<vmem>>, vector<1x16xf32>,
        %get3A_1136 = vector.shape_cast %get3A_1135 : vector<1x16xf32> to vector<16xf32>
        %mul3A_1137 = vector.broadcast %squeeze3A_1130 : f32 to vector<16xf32>
        %mul3A_1138 = arith.mulf %get3A_1136, %mul3A_1137 : vector<16xf32>
        %add3A_1139 = arith.constant 9 : i32
        %add3A_1140 = arith.addi %mul3A_33, %add3A_1139 : i32
        %swap3A_1141 = arith.index_cast %add3A_1140 : i32 to index
        %swap3A_1142 = arith.constant 0 : index
        %swap3A_1143 = tpu.vector_load %arg11[%swap3A_1141, %swap3A_1142] {strides = array<i32>} : memref<128x128xf32, #tpu.memory_space<vmem>>, vector<1x16xf32>,
        %swap3A_1144 = vector.shape_cast %swap3A_1143 : vector<1x16xf32> to vector<16xf32>
        %swap3A_1145 = vector.shape_cast %mul3A_1138 : vector<16xf32> to vector<1x16xf32>
        tpu.vector_store %arg11[%swap3A_1141, %swap3A_1142], %swap3A_1145 {strides = array<i32>} : memref<128x128xf32, #tpu.memory_space<vmem>>, vector<1x16xf32>,
        %add3A_1146 = arith.constant 9 : i32
        %add3A_1147 = arith.addi %mul3A_33, %add3A_1146 : i32
        %get3A_1148 = arith.index_cast %add3A_1147 : i32 to index
        %get3A_1149 = arith.constant 16 : index
        %get3A_1150 = tpu.vector_load %arg11[%get3A_1148, %get3A_1149] {strides = array<i32>} : memref<128x128xf32, #tpu.memory_space<vmem>>, vector<1x16xf32>,
        %get3A_1151 = vector.shape_cast %get3A_1150 : vector<1x16xf32> to vector<16xf32>
        %mul3A_1152 = vector.broadcast %squeeze3A_1130 : f32 to vector<16xf32>
        %mul3A_1153 = arith.mulf %get3A_1151, %mul3A_1152 : vector<16xf32>
        %add3A_1154 = arith.constant 9 : i32
        %add3A_1155 = arith.addi %mul3A_33, %add3A_1154 : i32
        %swap3A_1156 = arith.index_cast %add3A_1155 : i32 to index
        %swap3A_1157 = arith.constant 16 : index
        %swap3A_1158 = tpu.vector_load %arg11[%swap3A_1156, %swap3A_1157] {strides = array<i32>} : memref<128x128xf32, #tpu.memory_space<vmem>>, vector<1x16xf32>,
        %swap3A_1159 = vector.shape_cast %swap3A_1158 : vector<1x16xf32> to vector<16xf32>
        %swap3A_1160 = vector.shape_cast %mul3A_1153 : vector<16xf32> to vector<1x16xf32>
        tpu.vector_store %arg11[%swap3A_1156, %swap3A_1157], %swap3A_1160 {strides = array<i32>} : memref<128x128xf32, #tpu.memory_space<vmem>>, vector<1x16xf32>,
        %add3A_1161 = arith.constant 9 : i32
        %add3A_1162 = arith.addi %mul3A_33, %add3A_1161 : i32
        %get3A_1163 = arith.index_cast %add3A_1162 : i32 to index
        %get3A_1164 = arith.constant 32 : index
        %get3A_1165 = tpu.vector_load %arg11[%get3A_1163, %get3A_1164] {strides = array<i32>} : memref<128x128xf32, #tpu.memory_space<vmem>>, vector<1x16xf32>,
        %get3A_1166 = vector.shape_cast %get3A_1165 : vector<1x16xf32> to vector<16xf32>
        %mul3A_1167 = vector.broadcast %squeeze3A_1130 : f32 to vector<16xf32>
        %mul3A_1168 = arith.mulf %get3A_1166, %mul3A_1167 : vector<16xf32>
        %add3A_1169 = arith.constant 9 : i32
        %add3A_1170 = arith.addi %mul3A_33, %add3A_1169 : i32
        %swap3A_1171 = arith.index_cast %add3A_1170 : i32 to index
        %swap3A_1172 = arith.constant 32 : index
        %swap3A_1173 = tpu.vector_load %arg11[%swap3A_1171, %swap3A_1172] {strides = array<i32>} : memref<128x128xf32, #tpu.memory_space<vmem>>, vector<1x16xf32>,
        %swap3A_1174 = vector.shape_cast %swap3A_1173 : vector<1x16xf32> to vector<16xf32>
        %swap3A_1175 = vector.shape_cast %mul3A_1168 : vector<16xf32> to vector<1x16xf32>
        tpu.vector_store %arg11[%swap3A_1171, %swap3A_1172], %swap3A_1175 {strides = array<i32>} : memref<128x128xf32, #tpu.memory_space<vmem>>, vector<1x16xf32>,
        %add3A_1176 = arith.constant 9 : i32
        %add3A_1177 = arith.addi %mul3A_33, %add3A_1176 : i32
        %get3A_1178 = arith.index_cast %add3A_1177 : i32 to index
        %get3A_1179 = arith.constant 48 : index
        %get3A_1180 = tpu.vector_load %arg11[%get3A_1178, %get3A_1179] {strides = array<i32>} : memref<128x128xf32, #tpu.memory_space<vmem>>, vector<1x16xf32>,
        %get3A_1181 = vector.shape_cast %get3A_1180 : vector<1x16xf32> to vector<16xf32>
        %mul3A_1182 = vector.broadcast %squeeze3A_1130 : f32 to vector<16xf32>
        %mul3A_1183 = arith.mulf %get3A_1181, %mul3A_1182 : vector<16xf32>
        %add3A_1184 = arith.constant 9 : i32
        %add3A_1185 = arith.addi %mul3A_33, %add3A_1184 : i32
        %swap3A_1186 = arith.index_cast %add3A_1185 : i32 to index
        %swap3A_1187 = arith.constant 48 : index
        %swap3A_1188 = tpu.vector_load %arg11[%swap3A_1186, %swap3A_1187] {strides = array<i32>} : memref<128x128xf32, #tpu.memory_space<vmem>>, vector<1x16xf32>,
        %swap3A_1189 = vector.shape_cast %swap3A_1188 : vector<1x16xf32> to vector<16xf32>
        %swap3A_1190 = vector.shape_cast %mul3A_1183 : vector<16xf32> to vector<1x16xf32>
        tpu.vector_store %arg11[%swap3A_1186, %swap3A_1187], %swap3A_1190 {strides = array<i32>} : memref<128x128xf32, #tpu.memory_space<vmem>>, vector<1x16xf32>,
        %add3A_1191 = arith.constant 9 : i32
        %add3A_1192 = arith.addi %mul3A_33, %add3A_1191 : i32
        %get3A_1193 = arith.index_cast %add3A_1192 : i32 to index
        %get3A_1194 = arith.constant 64 : index
        %get3A_1195 = tpu.vector_load %arg11[%get3A_1193, %get3A_1194] {strides = array<i32>} : memref<128x128xf32, #tpu.memory_space<vmem>>, vector<1x16xf32>,
        %get3A_1196 = vector.shape_cast %get3A_1195 : vector<1x16xf32> to vector<16xf32>
        %mul3A_1197 = vector.broadcast %squeeze3A_1130 : f32 to vector<16xf32>
        %mul3A_1198 = arith.mulf %get3A_1196, %mul3A_1197 : vector<16xf32>
        %add3A_1199 = arith.constant 9 : i32
        %add3A_1200 = arith.addi %mul3A_33, %add3A_1199 : i32
        %swap3A_1201 = arith.index_cast %add3A_1200 : i32 to index
        %swap3A_1202 = arith.constant 64 : index
        %swap3A_1203 = tpu.vector_load %arg11[%swap3A_1201, %swap3A_1202] {strides = array<i32>} : memref<128x128xf32, #tpu.memory_space<vmem>>, vector<1x16xf32>,
        %swap3A_1204 = vector.shape_cast %swap3A_1203 : vector<1x16xf32> to vector<16xf32>
        %swap3A_1205 = vector.shape_cast %mul3A_1198 : vector<16xf32> to vector<1x16xf32>
        tpu.vector_store %arg11[%swap3A_1201, %swap3A_1202], %swap3A_1205 {strides = array<i32>} : memref<128x128xf32, #tpu.memory_space<vmem>>, vector<1x16xf32>,
        %add3A_1206 = arith.constant 9 : i32
        %add3A_1207 = arith.addi %mul3A_33, %add3A_1206 : i32
        %get3A_1208 = arith.index_cast %add3A_1207 : i32 to index
        %get3A_1209 = arith.constant 80 : index
        %get3A_1210 = tpu.vector_load %arg11[%get3A_1208, %get3A_1209] {strides = array<i32>} : memref<128x128xf32, #tpu.memory_space<vmem>>, vector<1x16xf32>,
        %get3A_1211 = vector.shape_cast %get3A_1210 : vector<1x16xf32> to vector<16xf32>
        %mul3A_1212 = vector.broadcast %squeeze3A_1130 : f32 to vector<16xf32>
        %mul3A_1213 = arith.mulf %get3A_1211, %mul3A_1212 : vector<16xf32>
        %add3A_1214 = arith.constant 9 : i32
        %add3A_1215 = arith.addi %mul3A_33, %add3A_1214 : i32
        %swap3A_1216 = arith.index_cast %add3A_1215 : i32 to index
        %swap3A_1217 = arith.constant 80 : index
        %swap3A_1218 = tpu.vector_load %arg11[%swap3A_1216, %swap3A_1217] {strides = array<i32>} : memref<128x128xf32, #tpu.memory_space<vmem>>, vector<1x16xf32>,
        %swap3A_1219 = vector.shape_cast %swap3A_1218 : vector<1x16xf32> to vector<16xf32>
        %swap3A_1220 = vector.shape_cast %mul3A_1213 : vector<16xf32> to vector<1x16xf32>
        tpu.vector_store %arg11[%swap3A_1216, %swap3A_1217], %swap3A_1220 {strides = array<i32>} : memref<128x128xf32, #tpu.memory_space<vmem>>, vector<1x16xf32>,
        %add3A_1221 = arith.constant 9 : i32
        %add3A_1222 = arith.addi %mul3A_33, %add3A_1221 : i32
        %get3A_1223 = arith.index_cast %add3A_1222 : i32 to index
        %get3A_1224 = arith.constant 96 : index
        %get3A_1225 = tpu.vector_load %arg11[%get3A_1223, %get3A_1224] {strides = array<i32>} : memref<128x128xf32, #tpu.memory_space<vmem>>, vector<1x16xf32>,
        %get3A_1226 = vector.shape_cast %get3A_1225 : vector<1x16xf32> to vector<16xf32>
        %mul3A_1227 = vector.broadcast %squeeze3A_1130 : f32 to vector<16xf32>
        %mul3A_1228 = arith.mulf %get3A_1226, %mul3A_1227 : vector<16xf32>
        %add3A_1229 = arith.constant 9 : i32
        %add3A_1230 = arith.addi %mul3A_33, %add3A_1229 : i32
        %swap3A_1231 = arith.index_cast %add3A_1230 : i32 to index
        %swap3A_1232 = arith.constant 96 : index
        %swap3A_1233 = tpu.vector_load %arg11[%swap3A_1231, %swap3A_1232] {strides = array<i32>} : memref<128x128xf32, #tpu.memory_space<vmem>>, vector<1x16xf32>,
        %swap3A_1234 = vector.shape_cast %swap3A_1233 : vector<1x16xf32> to vector<16xf32>
        %swap3A_1235 = vector.shape_cast %mul3A_1228 : vector<16xf32> to vector<1x16xf32>
        tpu.vector_store %arg11[%swap3A_1231, %swap3A_1232], %swap3A_1235 {strides = array<i32>} : memref<128x128xf32, #tpu.memory_space<vmem>>, vector<1x16xf32>,
        %add3A_1236 = arith.constant 9 : i32
        %add3A_1237 = arith.addi %mul3A_33, %add3A_1236 : i32
        %get3A_1238 = arith.index_cast %add3A_1237 : i32 to index
        %get3A_1239 = arith.constant 112 : index
        %get3A_1240 = tpu.vector_load %arg11[%get3A_1238, %get3A_1239] {strides = array<i32>} : memref<128x128xf32, #tpu.memory_space<vmem>>, vector<1x16xf32>,
        %get3A_1241 = vector.shape_cast %get3A_1240 : vector<1x16xf32> to vector<16xf32>
        %mul3A_1242 = vector.broadcast %squeeze3A_1130 : f32 to vector<16xf32>
        %mul3A_1243 = arith.mulf %get3A_1241, %mul3A_1242 : vector<16xf32>
        %add3A_1244 = arith.constant 9 : i32
        %add3A_1245 = arith.addi %mul3A_33, %add3A_1244 : i32
        %swap3A_1246 = arith.index_cast %add3A_1245 : i32 to index
        %swap3A_1247 = arith.constant 112 : index
        %swap3A_1248 = tpu.vector_load %arg11[%swap3A_1246, %swap3A_1247] {strides = array<i32>} : memref<128x128xf32, #tpu.memory_space<vmem>>, vector<1x16xf32>,
        %swap3A_1249 = vector.shape_cast %swap3A_1248 : vector<1x16xf32> to vector<16xf32>
        %swap3A_1250 = vector.shape_cast %mul3A_1243 : vector<16xf32> to vector<1x16xf32>
        tpu.vector_store %arg11[%swap3A_1246, %swap3A_1247], %swap3A_1250 {strides = array<i32>} : memref<128x128xf32, #tpu.memory_space<vmem>>, vector<1x16xf32>,
        %slice3A_1251 = vector.extract_strided_slice %get3A_31 {offsets = [10], sizes = [1], strides = [1]} : vector<16xf32> to vector<1xf32>
        %squeeze3A_1252 = vector.extract %slice3A_1251[0] : f32 from vector<1xf32>
        %add3A_1253 = arith.constant 10 : i32
        %add3A_1254 = arith.addi %mul3A_33, %add3A_1253 : i32
        %get3A_1255 = arith.index_cast %add3A_1254 : i32 to index
        %get3A_1256 = arith.constant 0 : index
        %get3A_1257 = tpu.vector_load %arg11[%get3A_1255, %get3A_1256] {strides = array<i32>} : memref<128x128xf32, #tpu.memory_space<vmem>>, vector<1x16xf32>,
        %get3A_1258 = vector.shape_cast %get3A_1257 : vector<1x16xf32> to vector<16xf32>
        %mul3A_1259 = vector.broadcast %squeeze3A_1252 : f32 to vector<16xf32>
        %mul3A_1260 = arith.mulf %get3A_1258, %mul3A_1259 : vector<16xf32>
        %add3A_1261 = arith.constant 10 : i32
        %add3A_1262 = arith.addi %mul3A_33, %add3A_1261 : i32
        %swap3A_1263 = arith.index_cast %add3A_1262 : i32 to index
        %swap3A_1264 = arith.constant 0 : index
        %swap3A_1265 = tpu.vector_load %arg11[%swap3A_1263, %swap3A_1264] {strides = array<i32>} : memref<128x128xf32, #tpu.memory_space<vmem>>, vector<1x16xf32>,
        %swap3A_1266 = vector.shape_cast %swap3A_1265 : vector<1x16xf32> to vector<16xf32>
        %swap3A_1267 = vector.shape_cast %mul3A_1260 : vector<16xf32> to vector<1x16xf32>
        tpu.vector_store %arg11[%swap3A_1263, %swap3A_1264], %swap3A_1267 {strides = array<i32>} : memref<128x128xf32, #tpu.memory_space<vmem>>, vector<1x16xf32>,
        %add3A_1268 = arith.constant 10 : i32
        %add3A_1269 = arith.addi %mul3A_33, %add3A_1268 : i32
        %get3A_1270 = arith.index_cast %add3A_1269 : i32 to index
        %get3A_1271 = arith.constant 16 : index
        %get3A_1272 = tpu.vector_load %arg11[%get3A_1270, %get3A_1271] {strides = array<i32>} : memref<128x128xf32, #tpu.memory_space<vmem>>, vector<1x16xf32>,
        %get3A_1273 = vector.shape_cast %get3A_1272 : vector<1x16xf32> to vector<16xf32>
        %mul3A_1274 = vector.broadcast %squeeze3A_1252 : f32 to vector<16xf32>
        %mul3A_1275 = arith.mulf %get3A_1273, %mul3A_1274 : vector<16xf32>
        %add3A_1276 = arith.constant 10 : i32
        %add3A_1277 = arith.addi %mul3A_33, %add3A_1276 : i32
        %swap3A_1278 = arith.index_cast %add3A_1277 : i32 to index
        %swap3A_1279 = arith.constant 16 : index
        %swap3A_1280 = tpu.vector_load %arg11[%swap3A_1278, %swap3A_1279] {strides = array<i32>} : memref<128x128xf32, #tpu.memory_space<vmem>>, vector<1x16xf32>,
        %swap3A_1281 = vector.shape_cast %swap3A_1280 : vector<1x16xf32> to vector<16xf32>
        %swap3A_1282 = vector.shape_cast %mul3A_1275 : vector<16xf32> to vector<1x16xf32>
        tpu.vector_store %arg11[%swap3A_1278, %swap3A_1279], %swap3A_1282 {strides = array<i32>} : memref<128x128xf32, #tpu.memory_space<vmem>>, vector<1x16xf32>,
        %add3A_1283 = arith.constant 10 : i32
        %add3A_1284 = arith.addi %mul3A_33, %add3A_1283 : i32
        %get3A_1285 = arith.index_cast %add3A_1284 : i32 to index
        %get3A_1286 = arith.constant 32 : index
        %get3A_1287 = tpu.vector_load %arg11[%get3A_1285, %get3A_1286] {strides = array<i32>} : memref<128x128xf32, #tpu.memory_space<vmem>>, vector<1x16xf32>,
        %get3A_1288 = vector.shape_cast %get3A_1287 : vector<1x16xf32> to vector<16xf32>
        %mul3A_1289 = vector.broadcast %squeeze3A_1252 : f32 to vector<16xf32>
        %mul3A_1290 = arith.mulf %get3A_1288, %mul3A_1289 : vector<16xf32>
        %add3A_1291 = arith.constant 10 : i32
        %add3A_1292 = arith.addi %mul3A_33, %add3A_1291 : i32
        %swap3A_1293 = arith.index_cast %add3A_1292 : i32 to index
        %swap3A_1294 = arith.constant 32 : index
        %swap3A_1295 = tpu.vector_load %arg11[%swap3A_1293, %swap3A_1294] {strides = array<i32>} : memref<128x128xf32, #tpu.memory_space<vmem>>, vector<1x16xf32>,
        %swap3A_1296 = vector.shape_cast %swap3A_1295 : vector<1x16xf32> to vector<16xf32>
        %swap3A_1297 = vector.shape_cast %mul3A_1290 : vector<16xf32> to vector<1x16xf32>
        tpu.vector_store %arg11[%swap3A_1293, %swap3A_1294], %swap3A_1297 {strides = array<i32>} : memref<128x128xf32, #tpu.memory_space<vmem>>, vector<1x16xf32>,
        %add3A_1298 = arith.constant 10 : i32
        %add3A_1299 = arith.addi %mul3A_33, %add3A_1298 : i32
        %get3A_1300 = arith.index_cast %add3A_1299 : i32 to index
        %get3A_1301 = arith.constant 48 : index
        %get3A_1302 = tpu.vector_load %arg11[%get3A_1300, %get3A_1301] {strides = array<i32>} : memref<128x128xf32, #tpu.memory_space<vmem>>, vector<1x16xf32>,
        %get3A_1303 = vector.shape_cast %get3A_1302 : vector<1x16xf32> to vector<16xf32>
        %mul3A_1304 = vector.broadcast %squeeze3A_1252 : f32 to vector<16xf32>
        %mul3A_1305 = arith.mulf %get3A_1303, %mul3A_1304 : vector<16xf32>
        %add3A_1306 = arith.constant 10 : i32
        %add3A_1307 = arith.addi %mul3A_33, %add3A_1306 : i32
        %swap3A_1308 = arith.index_cast %add3A_1307 : i32 to index
        %swap3A_1309 = arith.constant 48 : index
        %swap3A_1310 = tpu.vector_load %arg11[%swap3A_1308, %swap3A_1309] {strides = array<i32>} : memref<128x128xf32, #tpu.memory_space<vmem>>, vector<1x16xf32>,
        %swap3A_1311 = vector.shape_cast %swap3A_1310 : vector<1x16xf32> to vector<16xf32>
        %swap3A_1312 = vector.shape_cast %mul3A_1305 : vector<16xf32> to vector<1x16xf32>
        tpu.vector_store %arg11[%swap3A_1308, %swap3A_1309], %swap3A_1312 {strides = array<i32>} : memref<128x128xf32, #tpu.memory_space<vmem>>, vector<1x16xf32>,
        %add3A_1313 = arith.constant 10 : i32
        %add3A_1314 = arith.addi %mul3A_33, %add3A_1313 : i32
        %get3A_1315 = arith.index_cast %add3A_1314 : i32 to index
        %get3A_1316 = arith.constant 64 : index
        %get3A_1317 = tpu.vector_load %arg11[%get3A_1315, %get3A_1316] {strides = array<i32>} : memref<128x128xf32, #tpu.memory_space<vmem>>, vector<1x16xf32>,
        %get3A_1318 = vector.shape_cast %get3A_1317 : vector<1x16xf32> to vector<16xf32>
        %mul3A_1319 = vector.broadcast %squeeze3A_1252 : f32 to vector<16xf32>
        %mul3A_1320 = arith.mulf %get3A_1318, %mul3A_1319 : vector<16xf32>
        %add3A_1321 = arith.constant 10 : i32
        %add3A_1322 = arith.addi %mul3A_33, %add3A_1321 : i32
        %swap3A_1323 = arith.index_cast %add3A_1322 : i32 to index
        %swap3A_1324 = arith.constant 64 : index
        %swap3A_1325 = tpu.vector_load %arg11[%swap3A_1323, %swap3A_1324] {strides = array<i32>} : memref<128x128xf32, #tpu.memory_space<vmem>>, vector<1x16xf32>,
        %swap3A_1326 = vector.shape_cast %swap3A_1325 : vector<1x16xf32> to vector<16xf32>
        %swap3A_1327 = vector.shape_cast %mul3A_1320 : vector<16xf32> to vector<1x16xf32>
        tpu.vector_store %arg11[%swap3A_1323, %swap3A_1324], %swap3A_1327 {strides = array<i32>} : memref<128x128xf32, #tpu.memory_space<vmem>>, vector<1x16xf32>,
        %add3A_1328 = arith.constant 10 : i32
        %add3A_1329 = arith.addi %mul3A_33, %add3A_1328 : i32
        %get3A_1330 = arith.index_cast %add3A_1329 : i32 to index
        %get3A_1331 = arith.constant 80 : index
        %get3A_1332 = tpu.vector_load %arg11[%get3A_1330, %get3A_1331] {strides = array<i32>} : memref<128x128xf32, #tpu.memory_space<vmem>>, vector<1x16xf32>,
        %get3A_1333 = vector.shape_cast %get3A_1332 : vector<1x16xf32> to vector<16xf32>
        %mul3A_1334 = vector.broadcast %squeeze3A_1252 : f32 to vector<16xf32>
        %mul3A_1335 = arith.mulf %get3A_1333, %mul3A_1334 : vector<16xf32>
        %add3A_1336 = arith.constant 10 : i32
        %add3A_1337 = arith.addi %mul3A_33, %add3A_1336 : i32
        %swap3A_1338 = arith.index_cast %add3A_1337 : i32 to index
        %swap3A_1339 = arith.constant 80 : index
        %swap3A_1340 = tpu.vector_load %arg11[%swap3A_1338, %swap3A_1339] {strides = array<i32>} : memref<128x128xf32, #tpu.memory_space<vmem>>, vector<1x16xf32>,
        %swap3A_1341 = vector.shape_cast %swap3A_1340 : vector<1x16xf32> to vector<16xf32>
        %swap3A_1342 = vector.shape_cast %mul3A_1335 : vector<16xf32> to vector<1x16xf32>
        tpu.vector_store %arg11[%swap3A_1338, %swap3A_1339], %swap3A_1342 {strides = array<i32>} : memref<128x128xf32, #tpu.memory_space<vmem>>, vector<1x16xf32>,
        %add3A_1343 = arith.constant 10 : i32
        %add3A_1344 = arith.addi %mul3A_33, %add3A_1343 : i32
        %get3A_1345 = arith.index_cast %add3A_1344 : i32 to index
        %get3A_1346 = arith.constant 96 : index
        %get3A_1347 = tpu.vector_load %arg11[%get3A_1345, %get3A_1346] {strides = array<i32>} : memref<128x128xf32, #tpu.memory_space<vmem>>, vector<1x16xf32>,
        %get3A_1348 = vector.shape_cast %get3A_1347 : vector<1x16xf32> to vector<16xf32>
        %mul3A_1349 = vector.broadcast %squeeze3A_1252 : f32 to vector<16xf32>
        %mul3A_1350 = arith.mulf %get3A_1348, %mul3A_1349 : vector<16xf32>
        %add3A_1351 = arith.constant 10 : i32
        %add3A_1352 = arith.addi %mul3A_33, %add3A_1351 : i32
        %swap3A_1353 = arith.index_cast %add3A_1352 : i32 to index
        %swap3A_1354 = arith.constant 96 : index
        %swap3A_1355 = tpu.vector_load %arg11[%swap3A_1353, %swap3A_1354] {strides = array<i32>} : memref<128x128xf32, #tpu.memory_space<vmem>>, vector<1x16xf32>,
        %swap3A_1356 = vector.shape_cast %swap3A_1355 : vector<1x16xf32> to vector<16xf32>
        %swap3A_1357 = vector.shape_cast %mul3A_1350 : vector<16xf32> to vector<1x16xf32>
        tpu.vector_store %arg11[%swap3A_1353, %swap3A_1354], %swap3A_1357 {strides = array<i32>} : memref<128x128xf32, #tpu.memory_space<vmem>>, vector<1x16xf32>,
        %add3A_1358 = arith.constant 10 : i32
        %add3A_1359 = arith.addi %mul3A_33, %add3A_1358 : i32
        %get3A_1360 = arith.index_cast %add3A_1359 : i32 to index
        %get3A_1361 = arith.constant 112 : index
        %get3A_1362 = tpu.vector_load %arg11[%get3A_1360, %get3A_1361] {strides = array<i32>} : memref<128x128xf32, #tpu.memory_space<vmem>>, vector<1x16xf32>,
        %get3A_1363 = vector.shape_cast %get3A_1362 : vector<1x16xf32> to vector<16xf32>
        %mul3A_1364 = vector.broadcast %squeeze3A_1252 : f32 to vector<16xf32>
        %mul3A_1365 = arith.mulf %get3A_1363, %mul3A_1364 : vector<16xf32>
        %add3A_1366 = arith.constant 10 : i32
        %add3A_1367 = arith.addi %mul3A_33, %add3A_1366 : i32
        %swap3A_1368 = arith.index_cast %add3A_1367 : i32 to index
        %swap3A_1369 = arith.constant 112 : index
        %swap3A_1370 = tpu.vector_load %arg11[%swap3A_1368, %swap3A_1369] {strides = array<i32>} : memref<128x128xf32, #tpu.memory_space<vmem>>, vector<1x16xf32>,
        %swap3A_1371 = vector.shape_cast %swap3A_1370 : vector<1x16xf32> to vector<16xf32>
        %swap3A_1372 = vector.shape_cast %mul3A_1365 : vector<16xf32> to vector<1x16xf32>
        tpu.vector_store %arg11[%swap3A_1368, %swap3A_1369], %swap3A_1372 {strides = array<i32>} : memref<128x128xf32, #tpu.memory_space<vmem>>, vector<1x16xf32>,
        %slice3A_1373 = vector.extract_strided_slice %get3A_31 {offsets = [11], sizes = [1], strides = [1]} : vector<16xf32> to vector<1xf32>
        %squeeze3A_1374 = vector.extract %slice3A_1373[0] : f32 from vector<1xf32>
        %add3A_1375 = arith.constant 11 : i32
        %add3A_1376 = arith.addi %mul3A_33, %add3A_1375 : i32
        %get3A_1377 = arith.index_cast %add3A_1376 : i32 to index
        %get3A_1378 = arith.constant 0 : index
        %get3A_1379 = tpu.vector_load %arg11[%get3A_1377, %get3A_1378] {strides = array<i32>} : memref<128x128xf32, #tpu.memory_space<vmem>>, vector<1x16xf32>,
        %get3A_1380 = vector.shape_cast %get3A_1379 : vector<1x16xf32> to vector<16xf32>
        %mul3A_1381 = vector.broadcast %squeeze3A_1374 : f32 to vector<16xf32>
        %mul3A_1382 = arith.mulf %get3A_1380, %mul3A_1381 : vector<16xf32>
        %add3A_1383 = arith.constant 11 : i32
        %add3A_1384 = arith.addi %mul3A_33, %add3A_1383 : i32
        %swap3A_1385 = arith.index_cast %add3A_1384 : i32 to index
        %swap3A_1386 = arith.constant 0 : index
        %swap3A_1387 = tpu.vector_load %arg11[%swap3A_1385, %swap3A_1386] {strides = array<i32>} : memref<128x128xf32, #tpu.memory_space<vmem>>, vector<1x16xf32>,
        %swap3A_1388 = vector.shape_cast %swap3A_1387 : vector<1x16xf32> to vector<16xf32>
        %swap3A_1389 = vector.shape_cast %mul3A_1382 : vector<16xf32> to vector<1x16xf32>
        tpu.vector_store %arg11[%swap3A_1385, %swap3A_1386], %swap3A_1389 {strides = array<i32>} : memref<128x128xf32, #tpu.memory_space<vmem>>, vector<1x16xf32>,
        %add3A_1390 = arith.constant 11 : i32
        %add3A_1391 = arith.addi %mul3A_33, %add3A_1390 : i32
        %get3A_1392 = arith.index_cast %add3A_1391 : i32 to index
        %get3A_1393 = arith.constant 16 : index
        %get3A_1394 = tpu.vector_load %arg11[%get3A_1392, %get3A_1393] {strides = array<i32>} : memref<128x128xf32, #tpu.memory_space<vmem>>, vector<1x16xf32>,
        %get3A_1395 = vector.shape_cast %get3A_1394 : vector<1x16xf32> to vector<16xf32>
        %mul3A_1396 = vector.broadcast %squeeze3A_1374 : f32 to vector<16xf32>
        %mul3A_1397 = arith.mulf %get3A_1395, %mul3A_1396 : vector<16xf32>
        %add3A_1398 = arith.constant 11 : i32
        %add3A_1399 = arith.addi %mul3A_33, %add3A_1398 : i32
        %swap3A_1400 = arith.index_cast %add3A_1399 : i32 to index
        %swap3A_1401 = arith.constant 16 : index
        %swap3A_1402 = tpu.vector_load %arg11[%swap3A_1400, %swap3A_1401] {strides = array<i32>} : memref<128x128xf32, #tpu.memory_space<vmem>>, vector<1x16xf32>,
        %swap3A_1403 = vector.shape_cast %swap3A_1402 : vector<1x16xf32> to vector<16xf32>
        %swap3A_1404 = vector.shape_cast %mul3A_1397 : vector<16xf32> to vector<1x16xf32>
        tpu.vector_store %arg11[%swap3A_1400, %swap3A_1401], %swap3A_1404 {strides = array<i32>} : memref<128x128xf32, #tpu.memory_space<vmem>>, vector<1x16xf32>,
        %add3A_1405 = arith.constant 11 : i32
        %add3A_1406 = arith.addi %mul3A_33, %add3A_1405 : i32
        %get3A_1407 = arith.index_cast %add3A_1406 : i32 to index
        %get3A_1408 = arith.constant 32 : index
        %get3A_1409 = tpu.vector_load %arg11[%get3A_1407, %get3A_1408] {strides = array<i32>} : memref<128x128xf32, #tpu.memory_space<vmem>>, vector<1x16xf32>,
        %get3A_1410 = vector.shape_cast %get3A_1409 : vector<1x16xf32> to vector<16xf32>
        %mul3A_1411 = vector.broadcast %squeeze3A_1374 : f32 to vector<16xf32>
        %mul3A_1412 = arith.mulf %get3A_1410, %mul3A_1411 : vector<16xf32>
        %add3A_1413 = arith.constant 11 : i32
        %add3A_1414 = arith.addi %mul3A_33, %add3A_1413 : i32
        %swap3A_1415 = arith.index_cast %add3A_1414 : i32 to index
        %swap3A_1416 = arith.constant 32 : index
        %swap3A_1417 = tpu.vector_load %arg11[%swap3A_1415, %swap3A_1416] {strides = array<i32>} : memref<128x128xf32, #tpu.memory_space<vmem>>, vector<1x16xf32>,
        %swap3A_1418 = vector.shape_cast %swap3A_1417 : vector<1x16xf32> to vector<16xf32>
        %swap3A_1419 = vector.shape_cast %mul3A_1412 : vector<16xf32> to vector<1x16xf32>
        tpu.vector_store %arg11[%swap3A_1415, %swap3A_1416], %swap3A_1419 {strides = array<i32>} : memref<128x128xf32, #tpu.memory_space<vmem>>, vector<1x16xf32>,
        %add3A_1420 = arith.constant 11 : i32
        %add3A_1421 = arith.addi %mul3A_33, %add3A_1420 : i32
        %get3A_1422 = arith.index_cast %add3A_1421 : i32 to index
        %get3A_1423 = arith.constant 48 : index
        %get3A_1424 = tpu.vector_load %arg11[%get3A_1422, %get3A_1423] {strides = array<i32>} : memref<128x128xf32, #tpu.memory_space<vmem>>, vector<1x16xf32>,
        %get3A_1425 = vector.shape_cast %get3A_1424 : vector<1x16xf32> to vector<16xf32>
        %mul3A_1426 = vector.broadcast %squeeze3A_1374 : f32 to vector<16xf32>
        %mul3A_1427 = arith.mulf %get3A_1425, %mul3A_1426 : vector<16xf32>
        %add3A_1428 = arith.constant 11 : i32
        %add3A_1429 = arith.addi %mul3A_33, %add3A_1428 : i32
        %swap3A_1430 = arith.index_cast %add3A_1429 : i32 to index
        %swap3A_1431 = arith.constant 48 : index
        %swap3A_1432 = tpu.vector_load %arg11[%swap3A_1430, %swap3A_1431] {strides = array<i32>} : memref<128x128xf32, #tpu.memory_space<vmem>>, vector<1x16xf32>,
        %swap3A_1433 = vector.shape_cast %swap3A_1432 : vector<1x16xf32> to vector<16xf32>
        %swap3A_1434 = vector.shape_cast %mul3A_1427 : vector<16xf32> to vector<1x16xf32>
        tpu.vector_store %arg11[%swap3A_1430, %swap3A_1431], %swap3A_1434 {strides = array<i32>} : memref<128x128xf32, #tpu.memory_space<vmem>>, vector<1x16xf32>,
        %add3A_1435 = arith.constant 11 : i32
        %add3A_1436 = arith.addi %mul3A_33, %add3A_1435 : i32
        %get3A_1437 = arith.index_cast %add3A_1436 : i32 to index
        %get3A_1438 = arith.constant 64 : index
        %get3A_1439 = tpu.vector_load %arg11[%get3A_1437, %get3A_1438] {strides = array<i32>} : memref<128x128xf32, #tpu.memory_space<vmem>>, vector<1x16xf32>,
        %get3A_1440 = vector.shape_cast %get3A_1439 : vector<1x16xf32> to vector<16xf32>
        %mul3A_1441 = vector.broadcast %squeeze3A_1374 : f32 to vector<16xf32>
        %mul3A_1442 = arith.mulf %get3A_1440, %mul3A_1441 : vector<16xf32>
        %add3A_1443 = arith.constant 11 : i32
        %add3A_1444 = arith.addi %mul3A_33, %add3A_1443 : i32
        %swap3A_1445 = arith.index_cast %add3A_1444 : i32 to index
        %swap3A_1446 = arith.constant 64 : index
        %swap3A_1447 = tpu.vector_load %arg11[%swap3A_1445, %swap3A_1446] {strides = array<i32>} : memref<128x128xf32, #tpu.memory_space<vmem>>, vector<1x16xf32>,
        %swap3A_1448 = vector.shape_cast %swap3A_1447 : vector<1x16xf32> to vector<16xf32>
        %swap3A_1449 = vector.shape_cast %mul3A_1442 : vector<16xf32> to vector<1x16xf32>
        tpu.vector_store %arg11[%swap3A_1445, %swap3A_1446], %swap3A_1449 {strides = array<i32>} : memref<128x128xf32, #tpu.memory_space<vmem>>, vector<1x16xf32>,
        %add3A_1450 = arith.constant 11 : i32
        %add3A_1451 = arith.addi %mul3A_33, %add3A_1450 : i32
        %get3A_1452 = arith.index_cast %add3A_1451 : i32 to index
        %get3A_1453 = arith.constant 80 : index
        %get3A_1454 = tpu.vector_load %arg11[%get3A_1452, %get3A_1453] {strides = array<i32>} : memref<128x128xf32, #tpu.memory_space<vmem>>, vector<1x16xf32>,
        %get3A_1455 = vector.shape_cast %get3A_1454 : vector<1x16xf32> to vector<16xf32>
        %mul3A_1456 = vector.broadcast %squeeze3A_1374 : f32 to vector<16xf32>
        %mul3A_1457 = arith.mulf %get3A_1455, %mul3A_1456 : vector<16xf32>
        %add3A_1458 = arith.constant 11 : i32
        %add3A_1459 = arith.addi %mul3A_33, %add3A_1458 : i32
        %swap3A_1460 = arith.index_cast %add3A_1459 : i32 to index
        %swap3A_1461 = arith.constant 80 : index
        %swap3A_1462 = tpu.vector_load %arg11[%swap3A_1460, %swap3A_1461] {strides = array<i32>} : memref<128x128xf32, #tpu.memory_space<vmem>>, vector<1x16xf32>,
        %swap3A_1463 = vector.shape_cast %swap3A_1462 : vector<1x16xf32> to vector<16xf32>
        %swap3A_1464 = vector.shape_cast %mul3A_1457 : vector<16xf32> to vector<1x16xf32>
        tpu.vector_store %arg11[%swap3A_1460, %swap3A_1461], %swap3A_1464 {strides = array<i32>} : memref<128x128xf32, #tpu.memory_space<vmem>>, vector<1x16xf32>,
        %add3A_1465 = arith.constant 11 : i32
        %add3A_1466 = arith.addi %mul3A_33, %add3A_1465 : i32
        %get3A_1467 = arith.index_cast %add3A_1466 : i32 to index
        %get3A_1468 = arith.constant 96 : index
        %get3A_1469 = tpu.vector_load %arg11[%get3A_1467, %get3A_1468] {strides = array<i32>} : memref<128x128xf32, #tpu.memory_space<vmem>>, vector<1x16xf32>,
        %get3A_1470 = vector.shape_cast %get3A_1469 : vector<1x16xf32> to vector<16xf32>
        %mul3A_1471 = vector.broadcast %squeeze3A_1374 : f32 to vector<16xf32>
        %mul3A_1472 = arith.mulf %get3A_1470, %mul3A_1471 : vector<16xf32>
        %add3A_1473 = arith.constant 11 : i32
        %add3A_1474 = arith.addi %mul3A_33, %add3A_1473 : i32
        %swap3A_1475 = arith.index_cast %add3A_1474 : i32 to index
        %swap3A_1476 = arith.constant 96 : index
        %swap3A_1477 = tpu.vector_load %arg11[%swap3A_1475, %swap3A_1476] {strides = array<i32>} : memref<128x128xf32, #tpu.memory_space<vmem>>, vector<1x16xf32>,
        %swap3A_1478 = vector.shape_cast %swap3A_1477 : vector<1x16xf32> to vector<16xf32>
        %swap3A_1479 = vector.shape_cast %mul3A_1472 : vector<16xf32> to vector<1x16xf32>
        tpu.vector_store %arg11[%swap3A_1475, %swap3A_1476], %swap3A_1479 {strides = array<i32>} : memref<128x128xf32, #tpu.memory_space<vmem>>, vector<1x16xf32>,
        %add3A_1480 = arith.constant 11 : i32
        %add3A_1481 = arith.addi %mul3A_33, %add3A_1480 : i32
        %get3A_1482 = arith.index_cast %add3A_1481 : i32 to index
        %get3A_1483 = arith.constant 112 : index
        %get3A_1484 = tpu.vector_load %arg11[%get3A_1482, %get3A_1483] {strides = array<i32>} : memref<128x128xf32, #tpu.memory_space<vmem>>, vector<1x16xf32>,
        %get3A_1485 = vector.shape_cast %get3A_1484 : vector<1x16xf32> to vector<16xf32>
        %mul3A_1486 = vector.broadcast %squeeze3A_1374 : f32 to vector<16xf32>
        %mul3A_1487 = arith.mulf %get3A_1485, %mul3A_1486 : vector<16xf32>
        %add3A_1488 = arith.constant 11 : i32
        %add3A_1489 = arith.addi %mul3A_33, %add3A_1488 : i32
        %swap3A_1490 = arith.index_cast %add3A_1489 : i32 to index
        %swap3A_1491 = arith.constant 112 : index
        %swap3A_1492 = tpu.vector_load %arg11[%swap3A_1490, %swap3A_1491] {strides = array<i32>} : memref<128x128xf32, #tpu.memory_space<vmem>>, vector<1x16xf32>,
        %swap3A_1493 = vector.shape_cast %swap3A_1492 : vector<1x16xf32> to vector<16xf32>
        %swap3A_1494 = vector.shape_cast %mul3A_1487 : vector<16xf32> to vector<1x16xf32>
        tpu.vector_store %arg11[%swap3A_1490, %swap3A_1491], %swap3A_1494 {strides = array<i32>} : memref<128x128xf32, #tpu.memory_space<vmem>>, vector<1x16xf32>,
        %slice3A_1495 = vector.extract_strided_slice %get3A_31 {offsets = [12], sizes = [1], strides = [1]} : vector<16xf32> to vector<1xf32>
        %squeeze3A_1496 = vector.extract %slice3A_1495[0] : f32 from vector<1xf32>
        %add3A_1497 = arith.constant 12 : i32
        %add3A_1498 = arith.addi %mul3A_33, %add3A_1497 : i32
        %get3A_1499 = arith.index_cast %add3A_1498 : i32 to index
        %get3A_1500 = arith.constant 0 : index
        %get3A_1501 = tpu.vector_load %arg11[%get3A_1499, %get3A_1500] {strides = array<i32>} : memref<128x128xf32, #tpu.memory_space<vmem>>, vector<1x16xf32>,
        %get3A_1502 = vector.shape_cast %get3A_1501 : vector<1x16xf32> to vector<16xf32>
        %mul3A_1503 = vector.broadcast %squeeze3A_1496 : f32 to vector<16xf32>
        %mul3A_1504 = arith.mulf %get3A_1502, %mul3A_1503 : vector<16xf32>
        %add3A_1505 = arith.constant 12 : i32
        %add3A_1506 = arith.addi %mul3A_33, %add3A_1505 : i32
        %swap3A_1507 = arith.index_cast %add3A_1506 : i32 to index
        %swap3A_1508 = arith.constant 0 : index
        %swap3A_1509 = tpu.vector_load %arg11[%swap3A_1507, %swap3A_1508] {strides = array<i32>} : memref<128x128xf32, #tpu.memory_space<vmem>>, vector<1x16xf32>,
        %swap3A_1510 = vector.shape_cast %swap3A_1509 : vector<1x16xf32> to vector<16xf32>
        %swap3A_1511 = vector.shape_cast %mul3A_1504 : vector<16xf32> to vector<1x16xf32>
        tpu.vector_store %arg11[%swap3A_1507, %swap3A_1508], %swap3A_1511 {strides = array<i32>} : memref<128x128xf32, #tpu.memory_space<vmem>>, vector<1x16xf32>,
        %add3A_1512 = arith.constant 12 : i32
        %add3A_1513 = arith.addi %mul3A_33, %add3A_1512 : i32
        %get3A_1514 = arith.index_cast %add3A_1513 : i32 to index
        %get3A_1515 = arith.constant 16 : index
        %get3A_1516 = tpu.vector_load %arg11[%get3A_1514, %get3A_1515] {strides = array<i32>} : memref<128x128xf32, #tpu.memory_space<vmem>>, vector<1x16xf32>,
        %get3A_1517 = vector.shape_cast %get3A_1516 : vector<1x16xf32> to vector<16xf32>
        %mul3A_1518 = vector.broadcast %squeeze3A_1496 : f32 to vector<16xf32>
        %mul3A_1519 = arith.mulf %get3A_1517, %mul3A_1518 : vector<16xf32>
        %add3A_1520 = arith.constant 12 : i32
        %add3A_1521 = arith.addi %mul3A_33, %add3A_1520 : i32
        %swap3A_1522 = arith.index_cast %add3A_1521 : i32 to index
        %swap3A_1523 = arith.constant 16 : index
        %swap3A_1524 = tpu.vector_load %arg11[%swap3A_1522, %swap3A_1523] {strides = array<i32>} : memref<128x128xf32, #tpu.memory_space<vmem>>, vector<1x16xf32>,
        %swap3A_1525 = vector.shape_cast %swap3A_1524 : vector<1x16xf32> to vector<16xf32>
        %swap3A_1526 = vector.shape_cast %mul3A_1519 : vector<16xf32> to vector<1x16xf32>
        tpu.vector_store %arg11[%swap3A_1522, %swap3A_1523], %swap3A_1526 {strides = array<i32>} : memref<128x128xf32, #tpu.memory_space<vmem>>, vector<1x16xf32>,
        %add3A_1527 = arith.constant 12 : i32
        %add3A_1528 = arith.addi %mul3A_33, %add3A_1527 : i32
        %get3A_1529 = arith.index_cast %add3A_1528 : i32 to index
        %get3A_1530 = arith.constant 32 : index
        %get3A_1531 = tpu.vector_load %arg11[%get3A_1529, %get3A_1530] {strides = array<i32>} : memref<128x128xf32, #tpu.memory_space<vmem>>, vector<1x16xf32>,
        %get3A_1532 = vector.shape_cast %get3A_1531 : vector<1x16xf32> to vector<16xf32>
        %mul3A_1533 = vector.broadcast %squeeze3A_1496 : f32 to vector<16xf32>
        %mul3A_1534 = arith.mulf %get3A_1532, %mul3A_1533 : vector<16xf32>
        %add3A_1535 = arith.constant 12 : i32
        %add3A_1536 = arith.addi %mul3A_33, %add3A_1535 : i32
        %swap3A_1537 = arith.index_cast %add3A_1536 : i32 to index
        %swap3A_1538 = arith.constant 32 : index
        %swap3A_1539 = tpu.vector_load %arg11[%swap3A_1537, %swap3A_1538] {strides = array<i32>} : memref<128x128xf32, #tpu.memory_space<vmem>>, vector<1x16xf32>,
        %swap3A_1540 = vector.shape_cast %swap3A_1539 : vector<1x16xf32> to vector<16xf32>
        %swap3A_1541 = vector.shape_cast %mul3A_1534 : vector<16xf32> to vector<1x16xf32>
        tpu.vector_store %arg11[%swap3A_1537, %swap3A_1538], %swap3A_1541 {strides = array<i32>} : memref<128x128xf32, #tpu.memory_space<vmem>>, vector<1x16xf32>,
        %add3A_1542 = arith.constant 12 : i32
        %add3A_1543 = arith.addi %mul3A_33, %add3A_1542 : i32
        %get3A_1544 = arith.index_cast %add3A_1543 : i32 to index
        %get3A_1545 = arith.constant 48 : index
        %get3A_1546 = tpu.vector_load %arg11[%get3A_1544, %get3A_1545] {strides = array<i32>} : memref<128x128xf32, #tpu.memory_space<vmem>>, vector<1x16xf32>,
        %get3A_1547 = vector.shape_cast %get3A_1546 : vector<1x16xf32> to vector<16xf32>
        %mul3A_1548 = vector.broadcast %squeeze3A_1496 : f32 to vector<16xf32>
        %mul3A_1549 = arith.mulf %get3A_1547, %mul3A_1548 : vector<16xf32>
        %add3A_1550 = arith.constant 12 : i32
        %add3A_1551 = arith.addi %mul3A_33, %add3A_1550 : i32
        %swap3A_1552 = arith.index_cast %add3A_1551 : i32 to index
        %swap3A_1553 = arith.constant 48 : index
        %swap3A_1554 = tpu.vector_load %arg11[%swap3A_1552, %swap3A_1553] {strides = array<i32>} : memref<128x128xf32, #tpu.memory_space<vmem>>, vector<1x16xf32>,
        %swap3A_1555 = vector.shape_cast %swap3A_1554 : vector<1x16xf32> to vector<16xf32>
        %swap3A_1556 = vector.shape_cast %mul3A_1549 : vector<16xf32> to vector<1x16xf32>
        tpu.vector_store %arg11[%swap3A_1552, %swap3A_1553], %swap3A_1556 {strides = array<i32>} : memref<128x128xf32, #tpu.memory_space<vmem>>, vector<1x16xf32>,
        %add3A_1557 = arith.constant 12 : i32
        %add3A_1558 = arith.addi %mul3A_33, %add3A_1557 : i32
        %get3A_1559 = arith.index_cast %add3A_1558 : i32 to index
        %get3A_1560 = arith.constant 64 : index
        %get3A_1561 = tpu.vector_load %arg11[%get3A_1559, %get3A_1560] {strides = array<i32>} : memref<128x128xf32, #tpu.memory_space<vmem>>, vector<1x16xf32>,
        %get3A_1562 = vector.shape_cast %get3A_1561 : vector<1x16xf32> to vector<16xf32>
        %mul3A_1563 = vector.broadcast %squeeze3A_1496 : f32 to vector<16xf32>
        %mul3A_1564 = arith.mulf %get3A_1562, %mul3A_1563 : vector<16xf32>
        %add3A_1565 = arith.constant 12 : i32
        %add3A_1566 = arith.addi %mul3A_33, %add3A_1565 : i32
        %swap3A_1567 = arith.index_cast %add3A_1566 : i32 to index
        %swap3A_1568 = arith.constant 64 : index
        %swap3A_1569 = tpu.vector_load %arg11[%swap3A_1567, %swap3A_1568] {strides = array<i32>} : memref<128x128xf32, #tpu.memory_space<vmem>>, vector<1x16xf32>,
        %swap3A_1570 = vector.shape_cast %swap3A_1569 : vector<1x16xf32> to vector<16xf32>
        %swap3A_1571 = vector.shape_cast %mul3A_1564 : vector<16xf32> to vector<1x16xf32>
        tpu.vector_store %arg11[%swap3A_1567, %swap3A_1568], %swap3A_1571 {strides = array<i32>} : memref<128x128xf32, #tpu.memory_space<vmem>>, vector<1x16xf32>,
        %add3A_1572 = arith.constant 12 : i32
        %add3A_1573 = arith.addi %mul3A_33, %add3A_1572 : i32
        %get3A_1574 = arith.index_cast %add3A_1573 : i32 to index
        %get3A_1575 = arith.constant 80 : index
        %get3A_1576 = tpu.vector_load %arg11[%get3A_1574, %get3A_1575] {strides = array<i32>} : memref<128x128xf32, #tpu.memory_space<vmem>>, vector<1x16xf32>,
        %get3A_1577 = vector.shape_cast %get3A_1576 : vector<1x16xf32> to vector<16xf32>
        %mul3A_1578 = vector.broadcast %squeeze3A_1496 : f32 to vector<16xf32>
        %mul3A_1579 = arith.mulf %get3A_1577, %mul3A_1578 : vector<16xf32>
        %add3A_1580 = arith.constant 12 : i32
        %add3A_1581 = arith.addi %mul3A_33, %add3A_1580 : i32
        %swap3A_1582 = arith.index_cast %add3A_1581 : i32 to index
        %swap3A_1583 = arith.constant 80 : index
        %swap3A_1584 = tpu.vector_load %arg11[%swap3A_1582, %swap3A_1583] {strides = array<i32>} : memref<128x128xf32, #tpu.memory_space<vmem>>, vector<1x16xf32>,
        %swap3A_1585 = vector.shape_cast %swap3A_1584 : vector<1x16xf32> to vector<16xf32>
        %swap3A_1586 = vector.shape_cast %mul3A_1579 : vector<16xf32> to vector<1x16xf32>
        tpu.vector_store %arg11[%swap3A_1582, %swap3A_1583], %swap3A_1586 {strides = array<i32>} : memref<128x128xf32, #tpu.memory_space<vmem>>, vector<1x16xf32>,
        %add3A_1587 = arith.constant 12 : i32
        %add3A_1588 = arith.addi %mul3A_33, %add3A_1587 : i32
        %get3A_1589 = arith.index_cast %add3A_1588 : i32 to index
        %get3A_1590 = arith.constant 96 : index
        %get3A_1591 = tpu.vector_load %arg11[%get3A_1589, %get3A_1590] {strides = array<i32>} : memref<128x128xf32, #tpu.memory_space<vmem>>, vector<1x16xf32>,
        %get3A_1592 = vector.shape_cast %get3A_1591 : vector<1x16xf32> to vector<16xf32>
        %mul3A_1593 = vector.broadcast %squeeze3A_1496 : f32 to vector<16xf32>
        %mul3A_1594 = arith.mulf %get3A_1592, %mul3A_1593 : vector<16xf32>
        %add3A_1595 = arith.constant 12 : i32
        %add3A_1596 = arith.addi %mul3A_33, %add3A_1595 : i32
        %swap3A_1597 = arith.index_cast %add3A_1596 : i32 to index
        %swap3A_1598 = arith.constant 96 : index
        %swap3A_1599 = tpu.vector_load %arg11[%swap3A_1597, %swap3A_1598] {strides = array<i32>} : memref<128x128xf32, #tpu.memory_space<vmem>>, vector<1x16xf32>,
        %swap3A_1600 = vector.shape_cast %swap3A_1599 : vector<1x16xf32> to vector<16xf32>
        %swap3A_1601 = vector.shape_cast %mul3A_1594 : vector<16xf32> to vector<1x16xf32>
        tpu.vector_store %arg11[%swap3A_1597, %swap3A_1598], %swap3A_1601 {strides = array<i32>} : memref<128x128xf32, #tpu.memory_space<vmem>>, vector<1x16xf32>,
        %add3A_1602 = arith.constant 12 : i32
        %add3A_1603 = arith.addi %mul3A_33, %add3A_1602 : i32
        %get3A_1604 = arith.index_cast %add3A_1603 : i32 to index
        %get3A_1605 = arith.constant 112 : index
        %get3A_1606 = tpu.vector_load %arg11[%get3A_1604, %get3A_1605] {strides = array<i32>} : memref<128x128xf32, #tpu.memory_space<vmem>>, vector<1x16xf32>,
        %get3A_1607 = vector.shape_cast %get3A_1606 : vector<1x16xf32> to vector<16xf32>
        %mul3A_1608 = vector.broadcast %squeeze3A_1496 : f32 to vector<16xf32>
        %mul3A_1609 = arith.mulf %get3A_1607, %mul3A_1608 : vector<16xf32>
        %add3A_1610 = arith.constant 12 : i32
        %add3A_1611 = arith.addi %mul3A_33, %add3A_1610 : i32
        %swap3A_1612 = arith.index_cast %add3A_1611 : i32 to index
        %swap3A_1613 = arith.constant 112 : index
        %swap3A_1614 = tpu.vector_load %arg11[%swap3A_1612, %swap3A_1613] {strides = array<i32>} : memref<128x128xf32, #tpu.memory_space<vmem>>, vector<1x16xf32>,
        %swap3A_1615 = vector.shape_cast %swap3A_1614 : vector<1x16xf32> to vector<16xf32>
        %swap3A_1616 = vector.shape_cast %mul3A_1609 : vector<16xf32> to vector<1x16xf32>
        tpu.vector_store %arg11[%swap3A_1612, %swap3A_1613], %swap3A_1616 {strides = array<i32>} : memref<128x128xf32, #tpu.memory_space<vmem>>, vector<1x16xf32>,
        %slice3A_1617 = vector.extract_strided_slice %get3A_31 {offsets = [13], sizes = [1], strides = [1]} : vector<16xf32> to vector<1xf32>
        %squeeze3A_1618 = vector.extract %slice3A_1617[0] : f32 from vector<1xf32>
        %add3A_1619 = arith.constant 13 : i32
        %add3A_1620 = arith.addi %mul3A_33, %add3A_1619 : i32
        %get3A_1621 = arith.index_cast %add3A_1620 : i32 to index
        %get3A_1622 = arith.constant 0 : index
        %get3A_1623 = tpu.vector_load %arg11[%get3A_1621, %get3A_1622] {strides = array<i32>} : memref<128x128xf32, #tpu.memory_space<vmem>>, vector<1x16xf32>,
        %get3A_1624 = vector.shape_cast %get3A_1623 : vector<1x16xf32> to vector<16xf32>
        %mul3A_1625 = vector.broadcast %squeeze3A_1618 : f32 to vector<16xf32>
        %mul3A_1626 = arith.mulf %get3A_1624, %mul3A_1625 : vector<16xf32>
        %add3A_1627 = arith.constant 13 : i32
        %add3A_1628 = arith.addi %mul3A_33, %add3A_1627 : i32
        %swap3A_1629 = arith.index_cast %add3A_1628 : i32 to index
        %swap3A_1630 = arith.constant 0 : index
        %swap3A_1631 = tpu.vector_load %arg11[%swap3A_1629, %swap3A_1630] {strides = array<i32>} : memref<128x128xf32, #tpu.memory_space<vmem>>, vector<1x16xf32>,
        %swap3A_1632 = vector.shape_cast %swap3A_1631 : vector<1x16xf32> to vector<16xf32>
        %swap3A_1633 = vector.shape_cast %mul3A_1626 : vector<16xf32> to vector<1x16xf32>
        tpu.vector_store %arg11[%swap3A_1629, %swap3A_1630], %swap3A_1633 {strides = array<i32>} : memref<128x128xf32, #tpu.memory_space<vmem>>, vector<1x16xf32>,
        %add3A_1634 = arith.constant 13 : i32
        %add3A_1635 = arith.addi %mul3A_33, %add3A_1634 : i32
        %get3A_1636 = arith.index_cast %add3A_1635 : i32 to index
        %get3A_1637 = arith.constant 16 : index
        %get3A_1638 = tpu.vector_load %arg11[%get3A_1636, %get3A_1637] {strides = array<i32>} : memref<128x128xf32, #tpu.memory_space<vmem>>, vector<1x16xf32>,
        %get3A_1639 = vector.shape_cast %get3A_1638 : vector<1x16xf32> to vector<16xf32>
        %mul3A_1640 = vector.broadcast %squeeze3A_1618 : f32 to vector<16xf32>
        %mul3A_1641 = arith.mulf %get3A_1639, %mul3A_1640 : vector<16xf32>
        %add3A_1642 = arith.constant 13 : i32
        %add3A_1643 = arith.addi %mul3A_33, %add3A_1642 : i32
        %swap3A_1644 = arith.index_cast %add3A_1643 : i32 to index
        %swap3A_1645 = arith.constant 16 : index
        %swap3A_1646 = tpu.vector_load %arg11[%swap3A_1644, %swap3A_1645] {strides = array<i32>} : memref<128x128xf32, #tpu.memory_space<vmem>>, vector<1x16xf32>,
        %swap3A_1647 = vector.shape_cast %swap3A_1646 : vector<1x16xf32> to vector<16xf32>
        %swap3A_1648 = vector.shape_cast %mul3A_1641 : vector<16xf32> to vector<1x16xf32>
        tpu.vector_store %arg11[%swap3A_1644, %swap3A_1645], %swap3A_1648 {strides = array<i32>} : memref<128x128xf32, #tpu.memory_space<vmem>>, vector<1x16xf32>,
        %add3A_1649 = arith.constant 13 : i32
        %add3A_1650 = arith.addi %mul3A_33, %add3A_1649 : i32
        %get3A_1651 = arith.index_cast %add3A_1650 : i32 to index
        %get3A_1652 = arith.constant 32 : index
        %get3A_1653 = tpu.vector_load %arg11[%get3A_1651, %get3A_1652] {strides = array<i32>} : memref<128x128xf32, #tpu.memory_space<vmem>>, vector<1x16xf32>,
        %get3A_1654 = vector.shape_cast %get3A_1653 : vector<1x16xf32> to vector<16xf32>
        %mul3A_1655 = vector.broadcast %squeeze3A_1618 : f32 to vector<16xf32>
        %mul3A_1656 = arith.mulf %get3A_1654, %mul3A_1655 : vector<16xf32>
        %add3A_1657 = arith.constant 13 : i32
        %add3A_1658 = arith.addi %mul3A_33, %add3A_1657 : i32
        %swap3A_1659 = arith.index_cast %add3A_1658 : i32 to index
        %swap3A_1660 = arith.constant 32 : index
        %swap3A_1661 = tpu.vector_load %arg11[%swap3A_1659, %swap3A_1660] {strides = array<i32>} : memref<128x128xf32, #tpu.memory_space<vmem>>, vector<1x16xf32>,
        %swap3A_1662 = vector.shape_cast %swap3A_1661 : vector<1x16xf32> to vector<16xf32>
        %swap3A_1663 = vector.shape_cast %mul3A_1656 : vector<16xf32> to vector<1x16xf32>
        tpu.vector_store %arg11[%swap3A_1659, %swap3A_1660], %swap3A_1663 {strides = array<i32>} : memref<128x128xf32, #tpu.memory_space<vmem>>, vector<1x16xf32>,
        %add3A_1664 = arith.constant 13 : i32
        %add3A_1665 = arith.addi %mul3A_33, %add3A_1664 : i32
        %get3A_1666 = arith.index_cast %add3A_1665 : i32 to index
        %get3A_1667 = arith.constant 48 : index
        %get3A_1668 = tpu.vector_load %arg11[%get3A_1666, %get3A_1667] {strides = array<i32>} : memref<128x128xf32, #tpu.memory_space<vmem>>, vector<1x16xf32>,
        %get3A_1669 = vector.shape_cast %get3A_1668 : vector<1x16xf32> to vector<16xf32>
        %mul3A_1670 = vector.broadcast %squeeze3A_1618 : f32 to vector<16xf32>
        %mul3A_1671 = arith.mulf %get3A_1669, %mul3A_1670 : vector<16xf32>
        %add3A_1672 = arith.constant 13 : i32
        %add3A_1673 = arith.addi %mul3A_33, %add3A_1672 : i32
        %swap3A_1674 = arith.index_cast %add3A_1673 : i32 to index
        %swap3A_1675 = arith.constant 48 : index
        %swap3A_1676 = tpu.vector_load %arg11[%swap3A_1674, %swap3A_1675] {strides = array<i32>} : memref<128x128xf32, #tpu.memory_space<vmem>>, vector<1x16xf32>,
        %swap3A_1677 = vector.shape_cast %swap3A_1676 : vector<1x16xf32> to vector<16xf32>
        %swap3A_1678 = vector.shape_cast %mul3A_1671 : vector<16xf32> to vector<1x16xf32>
        tpu.vector_store %arg11[%swap3A_1674, %swap3A_1675], %swap3A_1678 {strides = array<i32>} : memref<128x128xf32, #tpu.memory_space<vmem>>, vector<1x16xf32>,
        %add3A_1679 = arith.constant 13 : i32
        %add3A_1680 = arith.addi %mul3A_33, %add3A_1679 : i32
        %get3A_1681 = arith.index_cast %add3A_1680 : i32 to index
        %get3A_1682 = arith.constant 64 : index
        %get3A_1683 = tpu.vector_load %arg11[%get3A_1681, %get3A_1682] {strides = array<i32>} : memref<128x128xf32, #tpu.memory_space<vmem>>, vector<1x16xf32>,
        %get3A_1684 = vector.shape_cast %get3A_1683 : vector<1x16xf32> to vector<16xf32>
        %mul3A_1685 = vector.broadcast %squeeze3A_1618 : f32 to vector<16xf32>
        %mul3A_1686 = arith.mulf %get3A_1684, %mul3A_1685 : vector<16xf32>
        %add3A_1687 = arith.constant 13 : i32
        %add3A_1688 = arith.addi %mul3A_33, %add3A_1687 : i32
        %swap3A_1689 = arith.index_cast %add3A_1688 : i32 to index
        %swap3A_1690 = arith.constant 64 : index
        %swap3A_1691 = tpu.vector_load %arg11[%swap3A_1689, %swap3A_1690] {strides = array<i32>} : memref<128x128xf32, #tpu.memory_space<vmem>>, vector<1x16xf32>,
        %swap3A_1692 = vector.shape_cast %swap3A_1691 : vector<1x16xf32> to vector<16xf32>
        %swap3A_1693 = vector.shape_cast %mul3A_1686 : vector<16xf32> to vector<1x16xf32>
        tpu.vector_store %arg11[%swap3A_1689, %swap3A_1690], %swap3A_1693 {strides = array<i32>} : memref<128x128xf32, #tpu.memory_space<vmem>>, vector<1x16xf32>,
        %add3A_1694 = arith.constant 13 : i32
        %add3A_1695 = arith.addi %mul3A_33, %add3A_1694 : i32
        %get3A_1696 = arith.index_cast %add3A_1695 : i32 to index
        %get3A_1697 = arith.constant 80 : index
        %get3A_1698 = tpu.vector_load %arg11[%get3A_1696, %get3A_1697] {strides = array<i32>} : memref<128x128xf32, #tpu.memory_space<vmem>>, vector<1x16xf32>,
        %get3A_1699 = vector.shape_cast %get3A_1698 : vector<1x16xf32> to vector<16xf32>
        %mul3A_1700 = vector.broadcast %squeeze3A_1618 : f32 to vector<16xf32>
        %mul3A_1701 = arith.mulf %get3A_1699, %mul3A_1700 : vector<16xf32>
        %add3A_1702 = arith.constant 13 : i32
        %add3A_1703 = arith.addi %mul3A_33, %add3A_1702 : i32
        %swap3A_1704 = arith.index_cast %add3A_1703 : i32 to index
        %swap3A_1705 = arith.constant 80 : index
        %swap3A_1706 = tpu.vector_load %arg11[%swap3A_1704, %swap3A_1705] {strides = array<i32>} : memref<128x128xf32, #tpu.memory_space<vmem>>, vector<1x16xf32>,
        %swap3A_1707 = vector.shape_cast %swap3A_1706 : vector<1x16xf32> to vector<16xf32>
        %swap3A_1708 = vector.shape_cast %mul3A_1701 : vector<16xf32> to vector<1x16xf32>
        tpu.vector_store %arg11[%swap3A_1704, %swap3A_1705], %swap3A_1708 {strides = array<i32>} : memref<128x128xf32, #tpu.memory_space<vmem>>, vector<1x16xf32>,
        %add3A_1709 = arith.constant 13 : i32
        %add3A_1710 = arith.addi %mul3A_33, %add3A_1709 : i32
        %get3A_1711 = arith.index_cast %add3A_1710 : i32 to index
        %get3A_1712 = arith.constant 96 : index
        %get3A_1713 = tpu.vector_load %arg11[%get3A_1711, %get3A_1712] {strides = array<i32>} : memref<128x128xf32, #tpu.memory_space<vmem>>, vector<1x16xf32>,
        %get3A_1714 = vector.shape_cast %get3A_1713 : vector<1x16xf32> to vector<16xf32>
        %mul3A_1715 = vector.broadcast %squeeze3A_1618 : f32 to vector<16xf32>
        %mul3A_1716 = arith.mulf %get3A_1714, %mul3A_1715 : vector<16xf32>
        %add3A_1717 = arith.constant 13 : i32
        %add3A_1718 = arith.addi %mul3A_33, %add3A_1717 : i32
        %swap3A_1719 = arith.index_cast %add3A_1718 : i32 to index
        %swap3A_1720 = arith.constant 96 : index
        %swap3A_1721 = tpu.vector_load %arg11[%swap3A_1719, %swap3A_1720] {strides = array<i32>} : memref<128x128xf32, #tpu.memory_space<vmem>>, vector<1x16xf32>,
        %swap3A_1722 = vector.shape_cast %swap3A_1721 : vector<1x16xf32> to vector<16xf32>
        %swap3A_1723 = vector.shape_cast %mul3A_1716 : vector<16xf32> to vector<1x16xf32>
        tpu.vector_store %arg11[%swap3A_1719, %swap3A_1720], %swap3A_1723 {strides = array<i32>} : memref<128x128xf32, #tpu.memory_space<vmem>>, vector<1x16xf32>,
        %add3A_1724 = arith.constant 13 : i32
        %add3A_1725 = arith.addi %mul3A_33, %add3A_1724 : i32
        %get3A_1726 = arith.index_cast %add3A_1725 : i32 to index
        %get3A_1727 = arith.constant 112 : index
        %get3A_1728 = tpu.vector_load %arg11[%get3A_1726, %get3A_1727] {strides = array<i32>} : memref<128x128xf32, #tpu.memory_space<vmem>>, vector<1x16xf32>,
        %get3A_1729 = vector.shape_cast %get3A_1728 : vector<1x16xf32> to vector<16xf32>
        %mul3A_1730 = vector.broadcast %squeeze3A_1618 : f32 to vector<16xf32>
        %mul3A_1731 = arith.mulf %get3A_1729, %mul3A_1730 : vector<16xf32>
        %add3A_1732 = arith.constant 13 : i32
        %add3A_1733 = arith.addi %mul3A_33, %add3A_1732 : i32
        %swap3A_1734 = arith.index_cast %add3A_1733 : i32 to index
        %swap3A_1735 = arith.constant 112 : index
        %swap3A_1736 = tpu.vector_load %arg11[%swap3A_1734, %swap3A_1735] {strides = array<i32>} : memref<128x128xf32, #tpu.memory_space<vmem>>, vector<1x16xf32>,
        %swap3A_1737 = vector.shape_cast %swap3A_1736 : vector<1x16xf32> to vector<16xf32>
        %swap3A_1738 = vector.shape_cast %mul3A_1731 : vector<16xf32> to vector<1x16xf32>
        tpu.vector_store %arg11[%swap3A_1734, %swap3A_1735], %swap3A_1738 {strides = array<i32>} : memref<128x128xf32, #tpu.memory_space<vmem>>, vector<1x16xf32>,
        %slice3A_1739 = vector.extract_strided_slice %get3A_31 {offsets = [14], sizes = [1], strides = [1]} : vector<16xf32> to vector<1xf32>
        %squeeze3A_1740 = vector.extract %slice3A_1739[0] : f32 from vector<1xf32>
        %add3A_1741 = arith.constant 14 : i32
        %add3A_1742 = arith.addi %mul3A_33, %add3A_1741 : i32
        %get3A_1743 = arith.index_cast %add3A_1742 : i32 to index
        %get3A_1744 = arith.constant 0 : index
        %get3A_1745 = tpu.vector_load %arg11[%get3A_1743, %get3A_1744] {strides = array<i32>} : memref<128x128xf32, #tpu.memory_space<vmem>>, vector<1x16xf32>,
        %get3A_1746 = vector.shape_cast %get3A_1745 : vector<1x16xf32> to vector<16xf32>
        %mul3A_1747 = vector.broadcast %squeeze3A_1740 : f32 to vector<16xf32>
        %mul3A_1748 = arith.mulf %get3A_1746, %mul3A_1747 : vector<16xf32>
        %add3A_1749 = arith.constant 14 : i32
        %add3A_1750 = arith.addi %mul3A_33, %add3A_1749 : i32
        %swap3A_1751 = arith.index_cast %add3A_1750 : i32 to index
        %swap3A_1752 = arith.constant 0 : index
        %swap3A_1753 = tpu.vector_load %arg11[%swap3A_1751, %swap3A_1752] {strides = array<i32>} : memref<128x128xf32, #tpu.memory_space<vmem>>, vector<1x16xf32>,
        %swap3A_1754 = vector.shape_cast %swap3A_1753 : vector<1x16xf32> to vector<16xf32>
        %swap3A_1755 = vector.shape_cast %mul3A_1748 : vector<16xf32> to vector<1x16xf32>
        tpu.vector_store %arg11[%swap3A_1751, %swap3A_1752], %swap3A_1755 {strides = array<i32>} : memref<128x128xf32, #tpu.memory_space<vmem>>, vector<1x16xf32>,
        %add3A_1756 = arith.constant 14 : i32
        %add3A_1757 = arith.addi %mul3A_33, %add3A_1756 : i32
        %get3A_1758 = arith.index_cast %add3A_1757 : i32 to index
        %get3A_1759 = arith.constant 16 : index
        %get3A_1760 = tpu.vector_load %arg11[%get3A_1758, %get3A_1759] {strides = array<i32>} : memref<128x128xf32, #tpu.memory_space<vmem>>, vector<1x16xf32>,
        %get3A_1761 = vector.shape_cast %get3A_1760 : vector<1x16xf32> to vector<16xf32>
        %mul3A_1762 = vector.broadcast %squeeze3A_1740 : f32 to vector<16xf32>
        %mul3A_1763 = arith.mulf %get3A_1761, %mul3A_1762 : vector<16xf32>
        %add3A_1764 = arith.constant 14 : i32
        %add3A_1765 = arith.addi %mul3A_33, %add3A_1764 : i32
        %swap3A_1766 = arith.index_cast %add3A_1765 : i32 to index
        %swap3A_1767 = arith.constant 16 : index
        %swap3A_1768 = tpu.vector_load %arg11[%swap3A_1766, %swap3A_1767] {strides = array<i32>} : memref<128x128xf32, #tpu.memory_space<vmem>>, vector<1x16xf32>,
        %swap3A_1769 = vector.shape_cast %swap3A_1768 : vector<1x16xf32> to vector<16xf32>
        %swap3A_1770 = vector.shape_cast %mul3A_1763 : vector<16xf32> to vector<1x16xf32>
        tpu.vector_store %arg11[%swap3A_1766, %swap3A_1767], %swap3A_1770 {strides = array<i32>} : memref<128x128xf32, #tpu.memory_space<vmem>>, vector<1x16xf32>,
        %add3A_1771 = arith.constant 14 : i32
        %add3A_1772 = arith.addi %mul3A_33, %add3A_1771 : i32
        %get3A_1773 = arith.index_cast %add3A_1772 : i32 to index
        %get3A_1774 = arith.constant 32 : index
        %get3A_1775 = tpu.vector_load %arg11[%get3A_1773, %get3A_1774] {strides = array<i32>} : memref<128x128xf32, #tpu.memory_space<vmem>>, vector<1x16xf32>,
        %get3A_1776 = vector.shape_cast %get3A_1775 : vector<1x16xf32> to vector<16xf32>
        %mul3A_1777 = vector.broadcast %squeeze3A_1740 : f32 to vector<16xf32>
        %mul3A_1778 = arith.mulf %get3A_1776, %mul3A_1777 : vector<16xf32>
        %add3A_1779 = arith.constant 14 : i32
        %add3A_1780 = arith.addi %mul3A_33, %add3A_1779 : i32
        %swap3A_1781 = arith.index_cast %add3A_1780 : i32 to index
        %swap3A_1782 = arith.constant 32 : index
        %swap3A_1783 = tpu.vector_load %arg11[%swap3A_1781, %swap3A_1782] {strides = array<i32>} : memref<128x128xf32, #tpu.memory_space<vmem>>, vector<1x16xf32>,
        %swap3A_1784 = vector.shape_cast %swap3A_1783 : vector<1x16xf32> to vector<16xf32>
        %swap3A_1785 = vector.shape_cast %mul3A_1778 : vector<16xf32> to vector<1x16xf32>
        tpu.vector_store %arg11[%swap3A_1781, %swap3A_1782], %swap3A_1785 {strides = array<i32>} : memref<128x128xf32, #tpu.memory_space<vmem>>, vector<1x16xf32>,
        %add3A_1786 = arith.constant 14 : i32
        %add3A_1787 = arith.addi %mul3A_33, %add3A_1786 : i32
        %get3A_1788 = arith.index_cast %add3A_1787 : i32 to index
        %get3A_1789 = arith.constant 48 : index
        %get3A_1790 = tpu.vector_load %arg11[%get3A_1788, %get3A_1789] {strides = array<i32>} : memref<128x128xf32, #tpu.memory_space<vmem>>, vector<1x16xf32>,
        %get3A_1791 = vector.shape_cast %get3A_1790 : vector<1x16xf32> to vector<16xf32>
        %mul3A_1792 = vector.broadcast %squeeze3A_1740 : f32 to vector<16xf32>
        %mul3A_1793 = arith.mulf %get3A_1791, %mul3A_1792 : vector<16xf32>
        %add3A_1794 = arith.constant 14 : i32
        %add3A_1795 = arith.addi %mul3A_33, %add3A_1794 : i32
        %swap3A_1796 = arith.index_cast %add3A_1795 : i32 to index
        %swap3A_1797 = arith.constant 48 : index
        %swap3A_1798 = tpu.vector_load %arg11[%swap3A_1796, %swap3A_1797] {strides = array<i32>} : memref<128x128xf32, #tpu.memory_space<vmem>>, vector<1x16xf32>,
        %swap3A_1799 = vector.shape_cast %swap3A_1798 : vector<1x16xf32> to vector<16xf32>
        %swap3A_1800 = vector.shape_cast %mul3A_1793 : vector<16xf32> to vector<1x16xf32>
        tpu.vector_store %arg11[%swap3A_1796, %swap3A_1797], %swap3A_1800 {strides = array<i32>} : memref<128x128xf32, #tpu.memory_space<vmem>>, vector<1x16xf32>,
        %add3A_1801 = arith.constant 14 : i32
        %add3A_1802 = arith.addi %mul3A_33, %add3A_1801 : i32
        %get3A_1803 = arith.index_cast %add3A_1802 : i32 to index
        %get3A_1804 = arith.constant 64 : index
        %get3A_1805 = tpu.vector_load %arg11[%get3A_1803, %get3A_1804] {strides = array<i32>} : memref<128x128xf32, #tpu.memory_space<vmem>>, vector<1x16xf32>,
        %get3A_1806 = vector.shape_cast %get3A_1805 : vector<1x16xf32> to vector<16xf32>
        %mul3A_1807 = vector.broadcast %squeeze3A_1740 : f32 to vector<16xf32>
        %mul3A_1808 = arith.mulf %get3A_1806, %mul3A_1807 : vector<16xf32>
        %add3A_1809 = arith.constant 14 : i32
        %add3A_1810 = arith.addi %mul3A_33, %add3A_1809 : i32
        %swap3A_1811 = arith.index_cast %add3A_1810 : i32 to index
        %swap3A_1812 = arith.constant 64 : index
        %swap3A_1813 = tpu.vector_load %arg11[%swap3A_1811, %swap3A_1812] {strides = array<i32>} : memref<128x128xf32, #tpu.memory_space<vmem>>, vector<1x16xf32>,
        %swap3A_1814 = vector.shape_cast %swap3A_1813 : vector<1x16xf32> to vector<16xf32>
        %swap3A_1815 = vector.shape_cast %mul3A_1808 : vector<16xf32> to vector<1x16xf32>
        tpu.vector_store %arg11[%swap3A_1811, %swap3A_1812], %swap3A_1815 {strides = array<i32>} : memref<128x128xf32, #tpu.memory_space<vmem>>, vector<1x16xf32>,
        %add3A_1816 = arith.constant 14 : i32
        %add3A_1817 = arith.addi %mul3A_33, %add3A_1816 : i32
        %get3A_1818 = arith.index_cast %add3A_1817 : i32 to index
        %get3A_1819 = arith.constant 80 : index
        %get3A_1820 = tpu.vector_load %arg11[%get3A_1818, %get3A_1819] {strides = array<i32>} : memref<128x128xf32, #tpu.memory_space<vmem>>, vector<1x16xf32>,
        %get3A_1821 = vector.shape_cast %get3A_1820 : vector<1x16xf32> to vector<16xf32>
        %mul3A_1822 = vector.broadcast %squeeze3A_1740 : f32 to vector<16xf32>
        %mul3A_1823 = arith.mulf %get3A_1821, %mul3A_1822 : vector<16xf32>
        %add3A_1824 = arith.constant 14 : i32
        %add3A_1825 = arith.addi %mul3A_33, %add3A_1824 : i32
        %swap3A_1826 = arith.index_cast %add3A_1825 : i32 to index
        %swap3A_1827 = arith.constant 80 : index
        %swap3A_1828 = tpu.vector_load %arg11[%swap3A_1826, %swap3A_1827] {strides = array<i32>} : memref<128x128xf32, #tpu.memory_space<vmem>>, vector<1x16xf32>,
        %swap3A_1829 = vector.shape_cast %swap3A_1828 : vector<1x16xf32> to vector<16xf32>
        %swap3A_1830 = vector.shape_cast %mul3A_1823 : vector<16xf32> to vector<1x16xf32>
        tpu.vector_store %arg11[%swap3A_1826, %swap3A_1827], %swap3A_1830 {strides = array<i32>} : memref<128x128xf32, #tpu.memory_space<vmem>>, vector<1x16xf32>,
        %add3A_1831 = arith.constant 14 : i32
        %add3A_1832 = arith.addi %mul3A_33, %add3A_1831 : i32
        %get3A_1833 = arith.index_cast %add3A_1832 : i32 to index
        %get3A_1834 = arith.constant 96 : index
        %get3A_1835 = tpu.vector_load %arg11[%get3A_1833, %get3A_1834] {strides = array<i32>} : memref<128x128xf32, #tpu.memory_space<vmem>>, vector<1x16xf32>,
        %get3A_1836 = vector.shape_cast %get3A_1835 : vector<1x16xf32> to vector<16xf32>
        %mul3A_1837 = vector.broadcast %squeeze3A_1740 : f32 to vector<16xf32>
        %mul3A_1838 = arith.mulf %get3A_1836, %mul3A_1837 : vector<16xf32>
        %add3A_1839 = arith.constant 14 : i32
        %add3A_1840 = arith.addi %mul3A_33, %add3A_1839 : i32
        %swap3A_1841 = arith.index_cast %add3A_1840 : i32 to index
        %swap3A_1842 = arith.constant 96 : index
        %swap3A_1843 = tpu.vector_load %arg11[%swap3A_1841, %swap3A_1842] {strides = array<i32>} : memref<128x128xf32, #tpu.memory_space<vmem>>, vector<1x16xf32>,
        %swap3A_1844 = vector.shape_cast %swap3A_1843 : vector<1x16xf32> to vector<16xf32>
        %swap3A_1845 = vector.shape_cast %mul3A_1838 : vector<16xf32> to vector<1x16xf32>
        tpu.vector_store %arg11[%swap3A_1841, %swap3A_1842], %swap3A_1845 {strides = array<i32>} : memref<128x128xf32, #tpu.memory_space<vmem>>, vector<1x16xf32>,
        %add3A_1846 = arith.constant 14 : i32
        %add3A_1847 = arith.addi %mul3A_33, %add3A_1846 : i32
        %get3A_1848 = arith.index_cast %add3A_1847 : i32 to index
        %get3A_1849 = arith.constant 112 : index
        %get3A_1850 = tpu.vector_load %arg11[%get3A_1848, %get3A_1849] {strides = array<i32>} : memref<128x128xf32, #tpu.memory_space<vmem>>, vector<1x16xf32>,
        %get3A_1851 = vector.shape_cast %get3A_1850 : vector<1x16xf32> to vector<16xf32>
        %mul3A_1852 = vector.broadcast %squeeze3A_1740 : f32 to vector<16xf32>
        %mul3A_1853 = arith.mulf %get3A_1851, %mul3A_1852 : vector<16xf32>
        %add3A_1854 = arith.constant 14 : i32
        %add3A_1855 = arith.addi %mul3A_33, %add3A_1854 : i32
        %swap3A_1856 = arith.index_cast %add3A_1855 : i32 to index
        %swap3A_1857 = arith.constant 112 : index
        %swap3A_1858 = tpu.vector_load %arg11[%swap3A_1856, %swap3A_1857] {strides = array<i32>} : memref<128x128xf32, #tpu.memory_space<vmem>>, vector<1x16xf32>,
        %swap3A_1859 = vector.shape_cast %swap3A_1858 : vector<1x16xf32> to vector<16xf32>
        %swap3A_1860 = vector.shape_cast %mul3A_1853 : vector<16xf32> to vector<1x16xf32>
        tpu.vector_store %arg11[%swap3A_1856, %swap3A_1857], %swap3A_1860 {strides = array<i32>} : memref<128x128xf32, #tpu.memory_space<vmem>>, vector<1x16xf32>,
        %slice3A_1861 = vector.extract_strided_slice %get3A_31 {offsets = [15], sizes = [1], strides = [1]} : vector<16xf32> to vector<1xf32>
        %squeeze3A_1862 = vector.extract %slice3A_1861[0] : f32 from vector<1xf32>
        %add3A_1863 = arith.constant 15 : i32
        %add3A_1864 = arith.addi %mul3A_33, %add3A_1863 : i32
        %get3A_1865 = arith.index_cast %add3A_1864 : i32 to index
        %get3A_1866 = arith.constant 0 : index
        %get3A_1867 = tpu.vector_load %arg11[%get3A_1865, %get3A_1866] {strides = array<i32>} : memref<128x128xf32, #tpu.memory_space<vmem>>, vector<1x16xf32>,
        %get3A_1868 = vector.shape_cast %get3A_1867 : vector<1x16xf32> to vector<16xf32>
        %mul3A_1869 = vector.broadcast %squeeze3A_1862 : f32 to vector<16xf32>
        %mul3A_1870 = arith.mulf %get3A_1868, %mul3A_1869 : vector<16xf32>
        %add3A_1871 = arith.constant 15 : i32
        %add3A_1872 = arith.addi %mul3A_33, %add3A_1871 : i32
        %swap3A_1873 = arith.index_cast %add3A_1872 : i32 to index
        %swap3A_1874 = arith.constant 0 : index
        %swap3A_1875 = tpu.vector_load %arg11[%swap3A_1873, %swap3A_1874] {strides = array<i32>} : memref<128x128xf32, #tpu.memory_space<vmem>>, vector<1x16xf32>,
        %swap3A_1876 = vector.shape_cast %swap3A_1875 : vector<1x16xf32> to vector<16xf32>
        %swap3A_1877 = vector.shape_cast %mul3A_1870 : vector<16xf32> to vector<1x16xf32>
        tpu.vector_store %arg11[%swap3A_1873, %swap3A_1874], %swap3A_1877 {strides = array<i32>} : memref<128x128xf32, #tpu.memory_space<vmem>>, vector<1x16xf32>,
        %add3A_1878 = arith.constant 15 : i32
        %add3A_1879 = arith.addi %mul3A_33, %add3A_1878 : i32
        %get3A_1880 = arith.index_cast %add3A_1879 : i32 to index
        %get3A_1881 = arith.constant 16 : index
        %get3A_1882 = tpu.vector_load %arg11[%get3A_1880, %get3A_1881] {strides = array<i32>} : memref<128x128xf32, #tpu.memory_space<vmem>>, vector<1x16xf32>,
        %get3A_1883 = vector.shape_cast %get3A_1882 : vector<1x16xf32> to vector<16xf32>
        %mul3A_1884 = vector.broadcast %squeeze3A_1862 : f32 to vector<16xf32>
        %mul3A_1885 = arith.mulf %get3A_1883, %mul3A_1884 : vector<16xf32>
        %add3A_1886 = arith.constant 15 : i32
        %add3A_1887 = arith.addi %mul3A_33, %add3A_1886 : i32
        %swap3A_1888 = arith.index_cast %add3A_1887 : i32 to index
        %swap3A_1889 = arith.constant 16 : index
        %swap3A_1890 = tpu.vector_load %arg11[%swap3A_1888, %swap3A_1889] {strides = array<i32>} : memref<128x128xf32, #tpu.memory_space<vmem>>, vector<1x16xf32>,
        %swap3A_1891 = vector.shape_cast %swap3A_1890 : vector<1x16xf32> to vector<16xf32>
        %swap3A_1892 = vector.shape_cast %mul3A_1885 : vector<16xf32> to vector<1x16xf32>
        tpu.vector_store %arg11[%swap3A_1888, %swap3A_1889], %swap3A_1892 {strides = array<i32>} : memref<128x128xf32, #tpu.memory_space<vmem>>, vector<1x16xf32>,
        %add3A_1893 = arith.constant 15 : i32
        %add3A_1894 = arith.addi %mul3A_33, %add3A_1893 : i32
        %get3A_1895 = arith.index_cast %add3A_1894 : i32 to index
        %get3A_1896 = arith.constant 32 : index
        %get3A_1897 = tpu.vector_load %arg11[%get3A_1895, %get3A_1896] {strides = array<i32>} : memref<128x128xf32, #tpu.memory_space<vmem>>, vector<1x16xf32>,
        %get3A_1898 = vector.shape_cast %get3A_1897 : vector<1x16xf32> to vector<16xf32>
        %mul3A_1899 = vector.broadcast %squeeze3A_1862 : f32 to vector<16xf32>
        %mul3A_1900 = arith.mulf %get3A_1898, %mul3A_1899 : vector<16xf32>
        %add3A_1901 = arith.constant 15 : i32
        %add3A_1902 = arith.addi %mul3A_33, %add3A_1901 : i32
        %swap3A_1903 = arith.index_cast %add3A_1902 : i32 to index
        %swap3A_1904 = arith.constant 32 : index
        %swap3A_1905 = tpu.vector_load %arg11[%swap3A_1903, %swap3A_1904] {strides = array<i32>} : memref<128x128xf32, #tpu.memory_space<vmem>>, vector<1x16xf32>,
        %swap3A_1906 = vector.shape_cast %swap3A_1905 : vector<1x16xf32> to vector<16xf32>
        %swap3A_1907 = vector.shape_cast %mul3A_1900 : vector<16xf32> to vector<1x16xf32>
        tpu.vector_store %arg11[%swap3A_1903, %swap3A_1904], %swap3A_1907 {strides = array<i32>} : memref<128x128xf32, #tpu.memory_space<vmem>>, vector<1x16xf32>,
        %add3A_1908 = arith.constant 15 : i32
        %add3A_1909 = arith.addi %mul3A_33, %add3A_1908 : i32
        %get3A_1910 = arith.index_cast %add3A_1909 : i32 to index
        %get3A_1911 = arith.constant 48 : index
        %get3A_1912 = tpu.vector_load %arg11[%get3A_1910, %get3A_1911] {strides = array<i32>} : memref<128x128xf32, #tpu.memory_space<vmem>>, vector<1x16xf32>,
        %get3A_1913 = vector.shape_cast %get3A_1912 : vector<1x16xf32> to vector<16xf32>
        %mul3A_1914 = vector.broadcast %squeeze3A_1862 : f32 to vector<16xf32>
        %mul3A_1915 = arith.mulf %get3A_1913, %mul3A_1914 : vector<16xf32>
        %add3A_1916 = arith.constant 15 : i32
        %add3A_1917 = arith.addi %mul3A_33, %add3A_1916 : i32
        %swap3A_1918 = arith.index_cast %add3A_1917 : i32 to index
        %swap3A_1919 = arith.constant 48 : index
        %swap3A_1920 = tpu.vector_load %arg11[%swap3A_1918, %swap3A_1919] {strides = array<i32>} : memref<128x128xf32, #tpu.memory_space<vmem>>, vector<1x16xf32>,
        %swap3A_1921 = vector.shape_cast %swap3A_1920 : vector<1x16xf32> to vector<16xf32>
        %swap3A_1922 = vector.shape_cast %mul3A_1915 : vector<16xf32> to vector<1x16xf32>
        tpu.vector_store %arg11[%swap3A_1918, %swap3A_1919], %swap3A_1922 {strides = array<i32>} : memref<128x128xf32, #tpu.memory_space<vmem>>, vector<1x16xf32>,
        %add3A_1923 = arith.constant 15 : i32
        %add3A_1924 = arith.addi %mul3A_33, %add3A_1923 : i32
        %get3A_1925 = arith.index_cast %add3A_1924 : i32 to index
        %get3A_1926 = arith.constant 64 : index
        %get3A_1927 = tpu.vector_load %arg11[%get3A_1925, %get3A_1926] {strides = array<i32>} : memref<128x128xf32, #tpu.memory_space<vmem>>, vector<1x16xf32>,
        %get3A_1928 = vector.shape_cast %get3A_1927 : vector<1x16xf32> to vector<16xf32>
        %mul3A_1929 = vector.broadcast %squeeze3A_1862 : f32 to vector<16xf32>
        %mul3A_1930 = arith.mulf %get3A_1928, %mul3A_1929 : vector<16xf32>
        %add3A_1931 = arith.constant 15 : i32
        %add3A_1932 = arith.addi %mul3A_33, %add3A_1931 : i32
        %swap3A_1933 = arith.index_cast %add3A_1932 : i32 to index
        %swap3A_1934 = arith.constant 64 : index
        %swap3A_1935 = tpu.vector_load %arg11[%swap3A_1933, %swap3A_1934] {strides = array<i32>} : memref<128x128xf32, #tpu.memory_space<vmem>>, vector<1x16xf32>,
        %swap3A_1936 = vector.shape_cast %swap3A_1935 : vector<1x16xf32> to vector<16xf32>
        %swap3A_1937 = vector.shape_cast %mul3A_1930 : vector<16xf32> to vector<1x16xf32>
        tpu.vector_store %arg11[%swap3A_1933, %swap3A_1934], %swap3A_1937 {strides = array<i32>} : memref<128x128xf32, #tpu.memory_space<vmem>>, vector<1x16xf32>,
        %add3A_1938 = arith.constant 15 : i32
        %add3A_1939 = arith.addi %mul3A_33, %add3A_1938 : i32
        %get3A_1940 = arith.index_cast %add3A_1939 : i32 to index
        %get3A_1941 = arith.constant 80 : index
        %get3A_1942 = tpu.vector_load %arg11[%get3A_1940, %get3A_1941] {strides = array<i32>} : memref<128x128xf32, #tpu.memory_space<vmem>>, vector<1x16xf32>,
        %get3A_1943 = vector.shape_cast %get3A_1942 : vector<1x16xf32> to vector<16xf32>
        %mul3A_1944 = vector.broadcast %squeeze3A_1862 : f32 to vector<16xf32>
        %mul3A_1945 = arith.mulf %get3A_1943, %mul3A_1944 : vector<16xf32>
        %add3A_1946 = arith.constant 15 : i32
        %add3A_1947 = arith.addi %mul3A_33, %add3A_1946 : i32
        %swap3A_1948 = arith.index_cast %add3A_1947 : i32 to index
        %swap3A_1949 = arith.constant 80 : index
        %swap3A_1950 = tpu.vector_load %arg11[%swap3A_1948, %swap3A_1949] {strides = array<i32>} : memref<128x128xf32, #tpu.memory_space<vmem>>, vector<1x16xf32>,
        %swap3A_1951 = vector.shape_cast %swap3A_1950 : vector<1x16xf32> to vector<16xf32>
        %swap3A_1952 = vector.shape_cast %mul3A_1945 : vector<16xf32> to vector<1x16xf32>
        tpu.vector_store %arg11[%swap3A_1948, %swap3A_1949], %swap3A_1952 {strides = array<i32>} : memref<128x128xf32, #tpu.memory_space<vmem>>, vector<1x16xf32>,
        %add3A_1953 = arith.constant 15 : i32
        %add3A_1954 = arith.addi %mul3A_33, %add3A_1953 : i32
        %get3A_1955 = arith.index_cast %add3A_1954 : i32 to index
        %get3A_1956 = arith.constant 96 : index
        %get3A_1957 = tpu.vector_load %arg11[%get3A_1955, %get3A_1956] {strides = array<i32>} : memref<128x128xf32, #tpu.memory_space<vmem>>, vector<1x16xf32>,
        %get3A_1958 = vector.shape_cast %get3A_1957 : vector<1x16xf32> to vector<16xf32>
        %mul3A_1959 = vector.broadcast %squeeze3A_1862 : f32 to vector<16xf32>
        %mul3A_1960 = arith.mulf %get3A_1958, %mul3A_1959 : vector<16xf32>
        %add3A_1961 = arith.constant 15 : i32
        %add3A_1962 = arith.addi %mul3A_33, %add3A_1961 : i32
        %swap3A_1963 = arith.index_cast %add3A_1962 : i32 to index
        %swap3A_1964 = arith.constant 96 : index
        %swap3A_1965 = tpu.vector_load %arg11[%swap3A_1963, %swap3A_1964] {strides = array<i32>} : memref<128x128xf32, #tpu.memory_space<vmem>>, vector<1x16xf32>,
        %swap3A_1966 = vector.shape_cast %swap3A_1965 : vector<1x16xf32> to vector<16xf32>
        %swap3A_1967 = vector.shape_cast %mul3A_1960 : vector<16xf32> to vector<1x16xf32>
        tpu.vector_store %arg11[%swap3A_1963, %swap3A_1964], %swap3A_1967 {strides = array<i32>} : memref<128x128xf32, #tpu.memory_space<vmem>>, vector<1x16xf32>,
        %add3A_1968 = arith.constant 15 : i32
        %add3A_1969 = arith.addi %mul3A_33, %add3A_1968 : i32
        %get3A_1970 = arith.index_cast %add3A_1969 : i32 to index
        %get3A_1971 = arith.constant 112 : index
        %get3A_1972 = tpu.vector_load %arg11[%get3A_1970, %get3A_1971] {strides = array<i32>} : memref<128x128xf32, #tpu.memory_space<vmem>>, vector<1x16xf32>,
        %get3A_1973 = vector.shape_cast %get3A_1972 : vector<1x16xf32> to vector<16xf32>
        %mul3A_1974 = vector.broadcast %squeeze3A_1862 : f32 to vector<16xf32>
        %mul3A_1975 = arith.mulf %get3A_1973, %mul3A_1974 : vector<16xf32>
        %add3A_1976 = arith.constant 15 : i32
        %add3A_1977 = arith.addi %mul3A_33, %add3A_1976 : i32
        %swap3A_1978 = arith.index_cast %add3A_1977 : i32 to index
        %swap3A_1979 = arith.constant 112 : index
        %swap3A_1980 = tpu.vector_load %arg11[%swap3A_1978, %swap3A_1979] {strides = array<i32>} : memref<128x128xf32, #tpu.memory_space<vmem>>, vector<1x16xf32>,
        %swap3A_1981 = vector.shape_cast %swap3A_1980 : vector<1x16xf32> to vector<16xf32>
        %swap3A_1982 = vector.shape_cast %mul3A_1975 : vector<16xf32> to vector<1x16xf32>
        tpu.vector_store %arg11[%swap3A_1978, %swap3A_1979], %swap3A_1982 {strides = array<i32>} : memref<128x128xf32, #tpu.memory_space<vmem>>, vector<1x16xf32>,
      }
      %scan3A_25 = arith.constant 8 : i32
      "tpu.region"() ({
        %run_scoped3A = tpu.sem_alloc : memref<!tpu.dma_semaphore, #tpu.memory_space<semaphore_mem>>
        %dma_start3A_26 = arith.constant 0 : i32
        %dma_start3A_27 = tpu.memref_slice %arg9[%scan3A_9, %dma_start3A_26] : memref<79x128xi32, #tpu.memory_space<vmem>> -> memref<1x128xi32, #tpu.memory_space<vmem>>
        %dma_start3A_28 = tpu.memref_squeeze %dma_start3A_27 : memref<1x128xi32, #tpu.memory_space<vmem>> -> memref<128xi32, #tpu.memory_space<vmem>>
        %dma_start3A_29 = arith.constant 0 : i32
        %dma_start3A_30 = arith.constant 0 : i32
        %dma_start3A_31 = tpu.memref_slice %arg12[%dma_start3A_29, %dma_start3A_30] : memref<10240x128xf32, #tpu.memory_space<vmem_shared>> -> memref<10240x128xf32, #tpu.memory_space<vmem_shared>>
        tpu.enqueue_indirect_dma source(%arg11 : memref<128x128xf32, #tpu.memory_space<vmem>>) target(%dma_start3A_31 : memref<10240x128xf32, #tpu.memory_space<vmem_shared>>) offsets(%dma_start3A_28 : memref<128xi32, #tpu.memory_space<vmem>>) semaphore(%run_scoped3A : memref<!tpu.dma_semaphore, #tpu.memory_space<semaphore_mem>>) {add = true}
        %dma_wait3A_32 = arith.constant 0 : i32
        %dma_wait3A_33 = tpu.memref_slice %arg9[%scan3A_9, %dma_wait3A_32] : memref<79x128xi32, #tpu.memory_space<vmem>> -> memref<1x128xi32, #tpu.memory_space<vmem>>
        %dma_wait3A_34 = tpu.memref_squeeze %dma_wait3A_33 : memref<1x128xi32, #tpu.memory_space<vmem>> -> memref<128xi32, #tpu.memory_space<vmem>>
        %dma_wait3A_35 = arith.constant 0 : i32
        %dma_wait3A_36 = arith.constant 0 : i32
        %dma_wait3A_37 = tpu.memref_slice %arg12[%dma_wait3A_35, %dma_wait3A_36] : memref<10240x128xf32, #tpu.memory_space<vmem_shared>> -> memref<10240x128xf32, #tpu.memory_space<vmem_shared>>
        tpu.wait_indirect_dma semaphore(%run_scoped3A : memref<!tpu.dma_semaphore, #tpu.memory_space<semaphore_mem>>) src(%arg11 : memref<128x128xf32, #tpu.memory_space<vmem>>) dst(%dma_wait3A_37 : memref<10240x128xf32, #tpu.memory_space<vmem_shared>>)
        tpu.yield
      }) : () -> ()
    }
    %scan3A_7 = arith.constant 79 : i32
    %barrier3A_8 = arith.constant 0 : index
    tpu.barrier barrier_id(%barrier3A_8)
    "tpu.region"() ({
      %run_scoped3A = tpu.sem_alloc : memref<!tpu.dma_semaphore, #tpu.memory_space<semaphore_mem>>
      %dma_start3A = arith.constant 0 : i32
      %dma_start3A_9 = tpu.memref_slice %arg7[%arg0, %mul3A_2, %dma_start3A] : memref<2x10240x128xf32, #tpu.memory_space<hbm>> -> memref<1x640x128xf32, #tpu.memory_space<hbm>>
      %dma_start3A_10 = tpu.memref_squeeze %dma_start3A_9 : memref<1x640x128xf32, #tpu.memory_space<hbm>> -> memref<640x128xf32, #tpu.memory_space<hbm>>
      %dma_start3A_11 = arith.constant 0 : i32
      %dma_start3A_12 = tpu.memref_slice %arg12[%mul3A_2, %dma_start3A_11] : memref<10240x128xf32, #tpu.memory_space<vmem_shared>> -> memref<640x128xf32, #tpu.memory_space<vmem_shared>>
      tpu.enqueue_dma source(%dma_start3A_12 : memref<640x128xf32, #tpu.memory_space<vmem_shared>>) target(%dma_start3A_10 : memref<640x128xf32, #tpu.memory_space<hbm>>) target_semaphore(%run_scoped3A : memref<!tpu.dma_semaphore, #tpu.memory_space<semaphore_mem>>)
      %dma_wait3A = arith.constant 0 : i32
      %dma_wait3A_13 = tpu.memref_slice %arg7[%arg0, %mul3A_2, %dma_wait3A] : memref<2x10240x128xf32, #tpu.memory_space<hbm>> -> memref<1x640x128xf32, #tpu.memory_space<hbm>>
      %dma_wait3A_14 = tpu.memref_squeeze %dma_wait3A_13 : memref<1x640x128xf32, #tpu.memory_space<hbm>> -> memref<640x128xf32, #tpu.memory_space<hbm>>
      %dma_wait3A_15 = arith.constant 0 : i32
      %dma_wait3A_16 = tpu.memref_slice %arg12[%mul3A_2, %dma_wait3A_15] : memref<10240x128xf32, #tpu.memory_space<vmem_shared>> -> memref<640x128xf32, #tpu.memory_space<vmem_shared>>
      tpu.wait_dma2 semaphore(%run_scoped3A : memref<!tpu.dma_semaphore, #tpu.memory_space<semaphore_mem>>) src(%dma_wait3A_16 : memref<640x128xf32, #tpu.memory_space<vmem_shared>>) dst(%dma_wait3A_14 : memref<640x128xf32, #tpu.memory_space<hbm>>)
      tpu.yield
    }) : () -> ()
    return
  }
}

#map = affine_map<(d0, d1) -> (0, 0)>
#map1 = affine_map<(d0, d1) -> (0, 0, 0)>
module attributes {stable_mosaic.version = 14 : i64} {
  func.func @spmm(%arg0: i32, %arg1: i32, %arg2: memref<10240x128xf32, #tpu.memory_space<hbm>>, %arg3: memref<32x79x128xi32, #tpu.memory_space<hbm>>, %arg4: memref<32x79x128xi32, #tpu.memory_space<hbm>>, %arg5: memref<32x79x128xf32, #tpu.memory_space<hbm>>, %arg6: memref<10240x128xf32, #tpu.memory_space<hbm>>, %arg7: memref<2x10240x128xf32, #tpu.memory_space<hbm>>, %arg8: memref<79x128xi32, #tpu.memory_space<vmem>>, %arg9: memref<79x128xi32, #tpu.memory_space<vmem>>, %arg10: memref<79x128xf32, #tpu.memory_space<vmem>>, %arg11: memref<128x128xf32, #tpu.memory_space<vmem>>, %arg12: memref<10240x128xf32, #tpu.memory_space<vmem_shared>>, %arg13: memref<!tpu.dma_semaphore, #tpu.memory_space<semaphore_mem>>) attributes {dimension_semantics = [#tpu.dimension_semantics<core_parallel>, #tpu.dimension_semantics<subcore_parallel>], iteration_bounds = array<i64: 2, 16>, scalar_prefetch = 0 : i64, scratch_operands = 6 : i64, tpu.core_type = #tpu.core_type<sc_vector_subcore>, window_params = [{transform_indices = #map}, {transform_indices = #map1}, {transform_indices = #map1}, {transform_indices = #map1}, {transform_indices = #map}, {transform_indices = #map1}]} {
    %mul3A = arith.constant 16 : i32
    %mul3A_0 = arith.muli %arg0, %mul3A : i32
    %add3A = arith.addi %mul3A_0, %arg1 : i32
    %mul3A_1 = arith.constant 640 : i32
    %mul3A_2 = arith.muli %arg1, %mul3A_1 : i32
    "tpu.region"() ({
      %run_scoped3A = tpu.sem_alloc : memref<!tpu.dma_semaphore, #tpu.memory_space<semaphore_mem>>
      %dma_start3A = arith.constant 0 : i32
      %dma_start3A_9 = tpu.memref_slice %arg12[%mul3A_2, %dma_start3A] : memref<10240x128xf32, #tpu.memory_space<vmem_shared>> -> memref<640x128xf32, #tpu.memory_space<vmem_shared>>
      %dma_start3A_10 = arith.constant 0 : i32
      %dma_start3A_11 = tpu.memref_slice %arg6[%mul3A_2, %dma_start3A_10] : memref<10240x128xf32, #tpu.memory_space<hbm>> -> memref<640x128xf32, #tpu.memory_space<hbm>>
      tpu.enqueue_dma source(%dma_start3A_11 : memref<640x128xf32, #tpu.memory_space<hbm>>) target(%dma_start3A_9 : memref<640x128xf32, #tpu.memory_space<vmem_shared>>) target_semaphore(%run_scoped3A : memref<!tpu.dma_semaphore, #tpu.memory_space<semaphore_mem>>)
      %dma_wait3A = arith.constant 0 : i32
      %dma_wait3A_12 = tpu.memref_slice %arg12[%mul3A_2, %dma_wait3A] : memref<10240x128xf32, #tpu.memory_space<vmem_shared>> -> memref<640x128xf32, #tpu.memory_space<vmem_shared>>
      %dma_wait3A_13 = arith.constant 0 : i32
      %dma_wait3A_14 = tpu.memref_slice %arg6[%mul3A_2, %dma_wait3A_13] : memref<10240x128xf32, #tpu.memory_space<hbm>> -> memref<640x128xf32, #tpu.memory_space<hbm>>
      tpu.wait_dma2 semaphore(%run_scoped3A : memref<!tpu.dma_semaphore, #tpu.memory_space<semaphore_mem>>) src(%dma_wait3A_14 : memref<640x128xf32, #tpu.memory_space<hbm>>) dst(%dma_wait3A_12 : memref<640x128xf32, #tpu.memory_space<vmem_shared>>)
      tpu.yield
    }) : () -> ()
    "tpu.region"() ({
      %run_scoped3A = tpu.sem_alloc : memref<!tpu.dma_semaphore, #tpu.memory_space<semaphore_mem>>
      %dma_start3A = arith.constant 0 : i32
      %dma_start3A_9 = arith.constant 0 : i32
      %dma_start3A_10 = tpu.memref_slice %arg3[%add3A, %dma_start3A, %dma_start3A_9] : memref<32x79x128xi32, #tpu.memory_space<hbm>> -> memref<1x79x128xi32, #tpu.memory_space<hbm>>
      %dma_start3A_11 = tpu.memref_squeeze %dma_start3A_10 : memref<1x79x128xi32, #tpu.memory_space<hbm>> -> memref<79x128xi32, #tpu.memory_space<hbm>>
      %dma_start3A_12 = arith.constant 0 : i32
      %dma_start3A_13 = arith.constant 0 : i32
      %dma_start3A_14 = tpu.memref_slice %arg3[%add3A, %dma_start3A_12, %dma_start3A_13] : memref<32x79x128xi32, #tpu.memory_space<hbm>> -> memref<1x79x128xi32, #tpu.memory_space<hbm>>
      %dma_start3A_15 = tpu.memref_squeeze %dma_start3A_14 : memref<1x79x128xi32, #tpu.memory_space<hbm>> -> memref<79x128xi32, #tpu.memory_space<hbm>>
      tpu.enqueue_dma source(%dma_start3A_15 : memref<79x128xi32, #tpu.memory_space<hbm>>) target(%arg8 : memref<79x128xi32, #tpu.memory_space<vmem>>) target_semaphore(%run_scoped3A : memref<!tpu.dma_semaphore, #tpu.memory_space<semaphore_mem>>)
      %dma_wait3A = arith.constant 0 : i32
      %dma_wait3A_16 = arith.constant 0 : i32
      %dma_wait3A_17 = tpu.memref_slice %arg3[%add3A, %dma_wait3A, %dma_wait3A_16] : memref<32x79x128xi32, #tpu.memory_space<hbm>> -> memref<1x79x128xi32, #tpu.memory_space<hbm>>
      %dma_wait3A_18 = tpu.memref_squeeze %dma_wait3A_17 : memref<1x79x128xi32, #tpu.memory_space<hbm>> -> memref<79x128xi32, #tpu.memory_space<hbm>>
      %dma_wait3A_19 = arith.constant 0 : i32
      %dma_wait3A_20 = arith.constant 0 : i32
      %dma_wait3A_21 = tpu.memref_slice %arg3[%add3A, %dma_wait3A_19, %dma_wait3A_20] : memref<32x79x128xi32, #tpu.memory_space<hbm>> -> memref<1x79x128xi32, #tpu.memory_space<hbm>>
      %dma_wait3A_22 = tpu.memref_squeeze %dma_wait3A_21 : memref<1x79x128xi32, #tpu.memory_space<hbm>> -> memref<79x128xi32, #tpu.memory_space<hbm>>
      tpu.wait_dma2 semaphore(%run_scoped3A : memref<!tpu.dma_semaphore, #tpu.memory_space<semaphore_mem>>) src(%dma_wait3A_22 : memref<79x128xi32, #tpu.memory_space<hbm>>) dst(%arg8 : memref<79x128xi32, #tpu.memory_space<vmem>>)
      tpu.yield
    }) : () -> ()
    "tpu.region"() ({
      %run_scoped3A = tpu.sem_alloc : memref<!tpu.dma_semaphore, #tpu.memory_space<semaphore_mem>>
      %dma_start3A = arith.constant 0 : i32
      %dma_start3A_9 = arith.constant 0 : i32
      %dma_start3A_10 = tpu.memref_slice %arg4[%add3A, %dma_start3A, %dma_start3A_9] : memref<32x79x128xi32, #tpu.memory_space<hbm>> -> memref<1x79x128xi32, #tpu.memory_space<hbm>>
      %dma_start3A_11 = tpu.memref_squeeze %dma_start3A_10 : memref<1x79x128xi32, #tpu.memory_space<hbm>> -> memref<79x128xi32, #tpu.memory_space<hbm>>
      %dma_start3A_12 = arith.constant 0 : i32
      %dma_start3A_13 = arith.constant 0 : i32
      %dma_start3A_14 = tpu.memref_slice %arg4[%add3A, %dma_start3A_12, %dma_start3A_13] : memref<32x79x128xi32, #tpu.memory_space<hbm>> -> memref<1x79x128xi32, #tpu.memory_space<hbm>>
      %dma_start3A_15 = tpu.memref_squeeze %dma_start3A_14 : memref<1x79x128xi32, #tpu.memory_space<hbm>> -> memref<79x128xi32, #tpu.memory_space<hbm>>
      tpu.enqueue_dma source(%dma_start3A_15 : memref<79x128xi32, #tpu.memory_space<hbm>>) target(%arg9 : memref<79x128xi32, #tpu.memory_space<vmem>>) target_semaphore(%run_scoped3A : memref<!tpu.dma_semaphore, #tpu.memory_space<semaphore_mem>>)
      %dma_wait3A = arith.constant 0 : i32
      %dma_wait3A_16 = arith.constant 0 : i32
      %dma_wait3A_17 = tpu.memref_slice %arg4[%add3A, %dma_wait3A, %dma_wait3A_16] : memref<32x79x128xi32, #tpu.memory_space<hbm>> -> memref<1x79x128xi32, #tpu.memory_space<hbm>>
      %dma_wait3A_18 = tpu.memref_squeeze %dma_wait3A_17 : memref<1x79x128xi32, #tpu.memory_space<hbm>> -> memref<79x128xi32, #tpu.memory_space<hbm>>
      %dma_wait3A_19 = arith.constant 0 : i32
      %dma_wait3A_20 = arith.constant 0 : i32
      %dma_wait3A_21 = tpu.memref_slice %arg4[%add3A, %dma_wait3A_19, %dma_wait3A_20] : memref<32x79x128xi32, #tpu.memory_space<hbm>> -> memref<1x79x128xi32, #tpu.memory_space<hbm>>
      %dma_wait3A_22 = tpu.memref_squeeze %dma_wait3A_21 : memref<1x79x128xi32, #tpu.memory_space<hbm>> -> memref<79x128xi32, #tpu.memory_space<hbm>>
      tpu.wait_dma2 semaphore(%run_scoped3A : memref<!tpu.dma_semaphore, #tpu.memory_space<semaphore_mem>>) src(%dma_wait3A_22 : memref<79x128xi32, #tpu.memory_space<hbm>>) dst(%arg9 : memref<79x128xi32, #tpu.memory_space<vmem>>)
      tpu.yield
    }) : () -> ()
    "tpu.region"() ({
      %run_scoped3A = tpu.sem_alloc : memref<!tpu.dma_semaphore, #tpu.memory_space<semaphore_mem>>
      %dma_start3A = arith.constant 0 : i32
      %dma_start3A_9 = arith.constant 0 : i32
      %dma_start3A_10 = tpu.memref_slice %arg5[%add3A, %dma_start3A, %dma_start3A_9] : memref<32x79x128xf32, #tpu.memory_space<hbm>> -> memref<1x79x128xf32, #tpu.memory_space<hbm>>
      %dma_start3A_11 = tpu.memref_squeeze %dma_start3A_10 : memref<1x79x128xf32, #tpu.memory_space<hbm>> -> memref<79x128xf32, #tpu.memory_space<hbm>>
      %dma_start3A_12 = arith.constant 0 : i32
      %dma_start3A_13 = arith.constant 0 : i32
      %dma_start3A_14 = tpu.memref_slice %arg5[%add3A, %dma_start3A_12, %dma_start3A_13] : memref<32x79x128xf32, #tpu.memory_space<hbm>> -> memref<1x79x128xf32, #tpu.memory_space<hbm>>
      %dma_start3A_15 = tpu.memref_squeeze %dma_start3A_14 : memref<1x79x128xf32, #tpu.memory_space<hbm>> -> memref<79x128xf32, #tpu.memory_space<hbm>>
      tpu.enqueue_dma source(%dma_start3A_15 : memref<79x128xf32, #tpu.memory_space<hbm>>) target(%arg10 : memref<79x128xf32, #tpu.memory_space<vmem>>) target_semaphore(%run_scoped3A : memref<!tpu.dma_semaphore, #tpu.memory_space<semaphore_mem>>)
      %dma_wait3A = arith.constant 0 : i32
      %dma_wait3A_16 = arith.constant 0 : i32
      %dma_wait3A_17 = tpu.memref_slice %arg5[%add3A, %dma_wait3A, %dma_wait3A_16] : memref<32x79x128xf32, #tpu.memory_space<hbm>> -> memref<1x79x128xf32, #tpu.memory_space<hbm>>
      %dma_wait3A_18 = tpu.memref_squeeze %dma_wait3A_17 : memref<1x79x128xf32, #tpu.memory_space<hbm>> -> memref<79x128xf32, #tpu.memory_space<hbm>>
      %dma_wait3A_19 = arith.constant 0 : i32
      %dma_wait3A_20 = arith.constant 0 : i32
      %dma_wait3A_21 = tpu.memref_slice %arg5[%add3A, %dma_wait3A_19, %dma_wait3A_20] : memref<32x79x128xf32, #tpu.memory_space<hbm>> -> memref<1x79x128xf32, #tpu.memory_space<hbm>>
      %dma_wait3A_22 = tpu.memref_squeeze %dma_wait3A_21 : memref<1x79x128xf32, #tpu.memory_space<hbm>> -> memref<79x128xf32, #tpu.memory_space<hbm>>
      tpu.wait_dma2 semaphore(%run_scoped3A : memref<!tpu.dma_semaphore, #tpu.memory_space<semaphore_mem>>) src(%dma_wait3A_22 : memref<79x128xf32, #tpu.memory_space<hbm>>) dst(%arg10 : memref<79x128xf32, #tpu.memory_space<vmem>>)
      tpu.yield
    }) : () -> ()
    %barrier3A = arith.constant 0 : index
    tpu.barrier barrier_id(%barrier3A)
    %scan3A = arith.constant 0 : i32
    %scan3A_3 = arith.constant 0 : i32
    %scan3A_4 = arith.constant 79 : i32
    %scan3A_5 = arith.addi %scan3A_3, %scan3A_4 : i32
    %scan3A_6 = arith.constant 1 : i32
    scf.for %scan3A_9 = %scan3A_3 to %scan3A_5 step %scan3A_6  : i32 {
      %dma_start3A = arith.constant 0 : i32
      %dma_start3A_10 = tpu.memref_slice %arg8[%scan3A_9, %dma_start3A] : memref<79x128xi32, #tpu.memory_space<vmem>> -> memref<1x128xi32, #tpu.memory_space<vmem>>
      %dma_start3A_11 = tpu.memref_squeeze %dma_start3A_10 : memref<1x128xi32, #tpu.memory_space<vmem>> -> memref<128xi32, #tpu.memory_space<vmem>>
      %dma_start3A_12 = arith.constant 0 : i32
      %dma_start3A_13 = arith.constant 0 : i32
      %dma_start3A_14 = tpu.memref_slice %arg2[%dma_start3A_12, %dma_start3A_13] : memref<10240x128xf32, #tpu.memory_space<hbm>> -> memref<10240x128xf32, #tpu.memory_space<hbm>>
      tpu.enqueue_indirect_dma source(%dma_start3A_14 : memref<10240x128xf32, #tpu.memory_space<hbm>>) target(%arg11 : memref<128x128xf32, #tpu.memory_space<vmem>>) offsets(%dma_start3A_11 : memref<128xi32, #tpu.memory_space<vmem>>) semaphore(%arg13 : memref<!tpu.dma_semaphore, #tpu.memory_space<semaphore_mem>>)
      %dma_wait3A = arith.constant 0 : i32
      %dma_wait3A_15 = tpu.memref_slice %arg8[%scan3A_9, %dma_wait3A] : memref<79x128xi32, #tpu.memory_space<vmem>> -> memref<1x128xi32, #tpu.memory_space<vmem>>
      %dma_wait3A_16 = tpu.memref_squeeze %dma_wait3A_15 : memref<1x128xi32, #tpu.memory_space<vmem>> -> memref<128xi32, #tpu.memory_space<vmem>>
      %dma_wait3A_17 = arith.constant 0 : i32
      %dma_wait3A_18 = arith.constant 0 : i32
      %dma_wait3A_19 = tpu.memref_slice %arg2[%dma_wait3A_17, %dma_wait3A_18] : memref<10240x128xf32, #tpu.memory_space<hbm>> -> memref<10240x128xf32, #tpu.memory_space<hbm>>
      tpu.wait_indirect_dma semaphore(%arg13 : memref<!tpu.dma_semaphore, #tpu.memory_space<semaphore_mem>>) src(%dma_wait3A_19 : memref<10240x128xf32, #tpu.memory_space<hbm>>) dst(%arg11 : memref<128x128xf32, #tpu.memory_space<vmem>>)
      %scan3A_20 = arith.constant 0 : i32
      %scan3A_21 = arith.constant 0 : i32
      %scan3A_22 = arith.constant 8 : i32
      %scan3A_23 = arith.addi %scan3A_21, %scan3A_22 : i32
      %scan3A_24 = arith.constant 1 : i32
      scf.for %scan3A_26 = %scan3A_21 to %scan3A_23 step %scan3A_24  : i32 {
        %mul3A_27 = arith.constant 16 : i32
        %mul3A_28 = arith.muli %scan3A_26, %mul3A_27 : i32
        %get3A = arith.index_cast %scan3A_9 : i32 to index
        %get3A_29 = arith.index_cast %mul3A_28 : i32 to index
        %get3A_30 = tpu.vector_load %arg10[%get3A, %get3A_29] {strides = array<i32>} : memref<79x128xf32, #tpu.memory_space<vmem>>, vector<1x16xf32>,
        %get3A_31 = vector.shape_cast %get3A_30 : vector<1x16xf32> to vector<16xf32>
        %mul3A_32 = arith.constant 16 : i32
        %mul3A_33 = arith.muli %scan3A_26, %mul3A_32 : i32
        %slice3A = vector.extract_strided_slice %get3A_31 {offsets = [0], sizes = [1], strides = [1]} : vector<16xf32> to vector<1xf32>
        %squeeze3A = vector.extract %slice3A[0] : f32 from vector<1xf32>
        %add3A_34 = arith.constant 0 : i32
        %add3A_35 = arith.addi %mul3A_33, %add3A_34 : i32
        %get3A_36 = arith.index_cast %add3A_35 : i32 to index
        %get3A_37 = arith.constant 0 : index
        %get3A_38 = tpu.vector_load %arg11[%get3A_36, %get3A_37] {strides = array<i32>} : memref<128x128xf32, #tpu.memory_space<vmem>>, vector<1x16xf32>,
        %get3A_39 = vector.shape_cast %get3A_38 : vector<1x16xf32> to vector<16xf32>
        %mul3A_40 = vector.broadcast %squeeze3A : f32 to vector<16xf32>
        %mul3A_41 = arith.mulf %get3A_39, %mul3A_40 : vector<16xf32>
        %add3A_42 = arith.constant 0 : i32
        %add3A_43 = arith.addi %mul3A_33, %add3A_42 : i32
        %swap3A = arith.index_cast %add3A_43 : i32 to index
        %swap3A_44 = arith.constant 0 : index
        %swap3A_45 = tpu.vector_load %arg11[%swap3A, %swap3A_44] {strides = array<i32>} : memref<128x128xf32, #tpu.memory_space<vmem>>, vector<1x16xf32>,
        %swap3A_46 = vector.shape_cast %swap3A_45 : vector<1x16xf32> to vector<16xf32>
        %swap3A_47 = vector.shape_cast %mul3A_41 : vector<16xf32> to vector<1x16xf32>
        tpu.vector_store %arg11[%swap3A, %swap3A_44], %swap3A_47 {strides = array<i32>} : memref<128x128xf32, #tpu.memory_space<vmem>>, vector<1x16xf32>,
        %add3A_48 = arith.constant 0 : i32
        %add3A_49 = arith.addi %mul3A_33, %add3A_48 : i32
        %get3A_50 = arith.index_cast %add3A_49 : i32 to index
        %get3A_51 = arith.constant 16 : index
        %get3A_52 = tpu.vector_load %arg11[%get3A_50, %get3A_51] {strides = array<i32>} : memref<128x128xf32, #tpu.memory_space<vmem>>, vector<1x16xf32>,
        %get3A_53 = vector.shape_cast %get3A_52 : vector<1x16xf32> to vector<16xf32>
        %mul3A_54 = vector.broadcast %squeeze3A : f32 to vector<16xf32>
        %mul3A_55 = arith.mulf %get3A_53, %mul3A_54 : vector<16xf32>
        %add3A_56 = arith.constant 0 : i32
        %add3A_57 = arith.addi %mul3A_33, %add3A_56 : i32
        %swap3A_58 = arith.index_cast %add3A_57 : i32 to index
        %swap3A_59 = arith.constant 16 : index
        %swap3A_60 = tpu.vector_load %arg11[%swap3A_58, %swap3A_59] {strides = array<i32>} : memref<128x128xf32, #tpu.memory_space<vmem>>, vector<1x16xf32>,
        %swap3A_61 = vector.shape_cast %swap3A_60 : vector<1x16xf32> to vector<16xf32>
        %swap3A_62 = vector.shape_cast %mul3A_55 : vector<16xf32> to vector<1x16xf32>
        tpu.vector_store %arg11[%swap3A_58, %swap3A_59], %swap3A_62 {strides = array<i32>} : memref<128x128xf32, #tpu.memory_space<vmem>>, vector<1x16xf32>,
        %add3A_63 = arith.constant 0 : i32
        %add3A_64 = arith.addi %mul3A_33, %add3A_63 : i32
        %get3A_65 = arith.index_cast %add3A_64 : i32 to index
        %get3A_66 = arith.constant 32 : index
        %get3A_67 = tpu.vector_load %arg11[%get3A_65, %get3A_66] {strides = array<i32>} : memref<128x128xf32, #tpu.memory_space<vmem>>, vector<1x16xf32>,
        %get3A_68 = vector.shape_cast %get3A_67 : vector<1x16xf32> to vector<16xf32>
        %mul3A_69 = vector.broadcast %squeeze3A : f32 to vector<16xf32>
        %mul3A_70 = arith.mulf %get3A_68, %mul3A_69 : vector<16xf32>
        %add3A_71 = arith.constant 0 : i32
        %add3A_72 = arith.addi %mul3A_33, %add3A_71 : i32
        %swap3A_73 = arith.index_cast %add3A_72 : i32 to index
        %swap3A_74 = arith.constant 32 : index
        %swap3A_75 = tpu.vector_load %arg11[%swap3A_73, %swap3A_74] {strides = array<i32>} : memref<128x128xf32, #tpu.memory_space<vmem>>, vector<1x16xf32>,
        %swap3A_76 = vector.shape_cast %swap3A_75 : vector<1x16xf32> to vector<16xf32>
        %swap3A_77 = vector.shape_cast %mul3A_70 : vector<16xf32> to vector<1x16xf32>
        tpu.vector_store %arg11[%swap3A_73, %swap3A_74], %swap3A_77 {strides = array<i32>} : memref<128x128xf32, #tpu.memory_space<vmem>>, vector<1x16xf32>,
        %add3A_78 = arith.constant 0 : i32
        %add3A_79 = arith.addi %mul3A_33, %add3A_78 : i32
        %get3A_80 = arith.index_cast %add3A_79 : i32 to index
        %get3A_81 = arith.constant 48 : index
        %get3A_82 = tpu.vector_load %arg11[%get3A_80, %get3A_81] {strides = array<i32>} : memref<128x128xf32, #tpu.memory_space<vmem>>, vector<1x16xf32>,
        %get3A_83 = vector.shape_cast %get3A_82 : vector<1x16xf32> to vector<16xf32>
        %mul3A_84 = vector.broadcast %squeeze3A : f32 to vector<16xf32>
        %mul3A_85 = arith.mulf %get3A_83, %mul3A_84 : vector<16xf32>
        %add3A_86 = arith.constant 0 : i32
        %add3A_87 = arith.addi %mul3A_33, %add3A_86 : i32
        %swap3A_88 = arith.index_cast %add3A_87 : i32 to index
        %swap3A_89 = arith.constant 48 : index
        %swap3A_90 = tpu.vector_load %arg11[%swap3A_88, %swap3A_89] {strides = array<i32>} : memref<128x128xf32, #tpu.memory_space<vmem>>, vector<1x16xf32>,
        %swap3A_91 = vector.shape_cast %swap3A_90 : vector<1x16xf32> to vector<16xf32>
        %swap3A_92 = vector.shape_cast %mul3A_85 : vector<16xf32> to vector<1x16xf32>
        tpu.vector_store %arg11[%swap3A_88, %swap3A_89], %swap3A_92 {strides = array<i32>} : memref<128x128xf32, #tpu.memory_space<vmem>>, vector<1x16xf32>,
        %add3A_93 = arith.constant 0 : i32
        %add3A_94 = arith.addi %mul3A_33, %add3A_93 : i32
        %get3A_95 = arith.index_cast %add3A_94 : i32 to index
        %get3A_96 = arith.constant 64 : index
        %get3A_97 = tpu.vector_load %arg11[%get3A_95, %get3A_96] {strides = array<i32>} : memref<128x128xf32, #tpu.memory_space<vmem>>, vector<1x16xf32>,
        %get3A_98 = vector.shape_cast %get3A_97 : vector<1x16xf32> to vector<16xf32>
        %mul3A_99 = vector.broadcast %squeeze3A : f32 to vector<16xf32>
        %mul3A_100 = arith.mulf %get3A_98, %mul3A_99 : vector<16xf32>
        %add3A_101 = arith.constant 0 : i32
        %add3A_102 = arith.addi %mul3A_33, %add3A_101 : i32
        %swap3A_103 = arith.index_cast %add3A_102 : i32 to index
        %swap3A_104 = arith.constant 64 : index
        %swap3A_105 = tpu.vector_load %arg11[%swap3A_103, %swap3A_104] {strides = array<i32>} : memref<128x128xf32, #tpu.memory_space<vmem>>, vector<1x16xf32>,
        %swap3A_106 = vector.shape_cast %swap3A_105 : vector<1x16xf32> to vector<16xf32>
        %swap3A_107 = vector.shape_cast %mul3A_100 : vector<16xf32> to vector<1x16xf32>
        tpu.vector_store %arg11[%swap3A_103, %swap3A_104], %swap3A_107 {strides = array<i32>} : memref<128x128xf32, #tpu.memory_space<vmem>>, vector<1x16xf32>,
        %add3A_108 = arith.constant 0 : i32
        %add3A_109 = arith.addi %mul3A_33, %add3A_108 : i32
        %get3A_110 = arith.index_cast %add3A_109 : i32 to index
        %get3A_111 = arith.constant 80 : index
        %get3A_112 = tpu.vector_load %arg11[%get3A_110, %get3A_111] {strides = array<i32>} : memref<128x128xf32, #tpu.memory_space<vmem>>, vector<1x16xf32>,
        %get3A_113 = vector.shape_cast %get3A_112 : vector<1x16xf32> to vector<16xf32>
        %mul3A_114 = vector.broadcast %squeeze3A : f32 to vector<16xf32>
        %mul3A_115 = arith.mulf %get3A_113, %mul3A_114 : vector<16xf32>
        %add3A_116 = arith.constant 0 : i32
        %add3A_117 = arith.addi %mul3A_33, %add3A_116 : i32
        %swap3A_118 = arith.index_cast %add3A_117 : i32 to index
        %swap3A_119 = arith.constant 80 : index
        %swap3A_120 = tpu.vector_load %arg11[%swap3A_118, %swap3A_119] {strides = array<i32>} : memref<128x128xf32, #tpu.memory_space<vmem>>, vector<1x16xf32>,
        %swap3A_121 = vector.shape_cast %swap3A_120 : vector<1x16xf32> to vector<16xf32>
        %swap3A_122 = vector.shape_cast %mul3A_115 : vector<16xf32> to vector<1x16xf32>
        tpu.vector_store %arg11[%swap3A_118, %swap3A_119], %swap3A_122 {strides = array<i32>} : memref<128x128xf32, #tpu.memory_space<vmem>>, vector<1x16xf32>,
        %add3A_123 = arith.constant 0 : i32
        %add3A_124 = arith.addi %mul3A_33, %add3A_123 : i32
        %get3A_125 = arith.index_cast %add3A_124 : i32 to index
        %get3A_126 = arith.constant 96 : index
        %get3A_127 = tpu.vector_load %arg11[%get3A_125, %get3A_126] {strides = array<i32>} : memref<128x128xf32, #tpu.memory_space<vmem>>, vector<1x16xf32>,
        %get3A_128 = vector.shape_cast %get3A_127 : vector<1x16xf32> to vector<16xf32>
        %mul3A_129 = vector.broadcast %squeeze3A : f32 to vector<16xf32>
        %mul3A_130 = arith.mulf %get3A_128, %mul3A_129 : vector<16xf32>
        %add3A_131 = arith.constant 0 : i32
        %add3A_132 = arith.addi %mul3A_33, %add3A_131 : i32
        %swap3A_133 = arith.index_cast %add3A_132 : i32 to index
        %swap3A_134 = arith.constant 96 : index
        %swap3A_135 = tpu.vector_load %arg11[%swap3A_133, %swap3A_134] {strides = array<i32>} : memref<128x128xf32, #tpu.memory_space<vmem>>, vector<1x16xf32>,
        %swap3A_136 = vector.shape_cast %swap3A_135 : vector<1x16xf32> to vector<16xf32>
        %swap3A_137 = vector.shape_cast %mul3A_130 : vector<16xf32> to vector<1x16xf32>
        tpu.vector_store %arg11[%swap3A_133, %swap3A_134], %swap3A_137 {strides = array<i32>} : memref<128x128xf32, #tpu.memory_space<vmem>>, vector<1x16xf32>,
        %add3A_138 = arith.constant 0 : i32
        %add3A_139 = arith.addi %mul3A_33, %add3A_138 : i32
        %get3A_140 = arith.index_cast %add3A_139 : i32 to index
        %get3A_141 = arith.constant 112 : index
        %get3A_142 = tpu.vector_load %arg11[%get3A_140, %get3A_141] {strides = array<i32>} : memref<128x128xf32, #tpu.memory_space<vmem>>, vector<1x16xf32>,
        %get3A_143 = vector.shape_cast %get3A_142 : vector<1x16xf32> to vector<16xf32>
        %mul3A_144 = vector.broadcast %squeeze3A : f32 to vector<16xf32>
        %mul3A_145 = arith.mulf %get3A_143, %mul3A_144 : vector<16xf32>
        %add3A_146 = arith.constant 0 : i32
        %add3A_147 = arith.addi %mul3A_33, %add3A_146 : i32
        %swap3A_148 = arith.index_cast %add3A_147 : i32 to index
        %swap3A_149 = arith.constant 112 : index
        %swap3A_150 = tpu.vector_load %arg11[%swap3A_148, %swap3A_149] {strides = array<i32>} : memref<128x128xf32, #tpu.memory_space<vmem>>, vector<1x16xf32>,
        %swap3A_151 = vector.shape_cast %swap3A_150 : vector<1x16xf32> to vector<16xf32>
        %swap3A_152 = vector.shape_cast %mul3A_145 : vector<16xf32> to vector<1x16xf32>
        tpu.vector_store %arg11[%swap3A_148, %swap3A_149], %swap3A_152 {strides = array<i32>} : memref<128x128xf32, #tpu.memory_space<vmem>>, vector<1x16xf32>,
        %slice3A_153 = vector.extract_strided_slice %get3A_31 {offsets = [1], sizes = [1], strides = [1]} : vector<16xf32> to vector<1xf32>
        %squeeze3A_154 = vector.extract %slice3A_153[0] : f32 from vector<1xf32>
        %add3A_155 = arith.constant 1 : i32
        %add3A_156 = arith.addi %mul3A_33, %add3A_155 : i32
        %get3A_157 = arith.index_cast %add3A_156 : i32 to index
        %get3A_158 = arith.constant 0 : index
        %get3A_159 = tpu.vector_load %arg11[%get3A_157, %get3A_158] {strides = array<i32>} : memref<128x128xf32, #tpu.memory_space<vmem>>, vector<1x16xf32>,
        %get3A_160 = vector.shape_cast %get3A_159 : vector<1x16xf32> to vector<16xf32>
        %mul3A_161 = vector.broadcast %squeeze3A_154 : f32 to vector<16xf32>
        %mul3A_162 = arith.mulf %get3A_160, %mul3A_161 : vector<16xf32>
        %add3A_163 = arith.constant 1 : i32
        %add3A_164 = arith.addi %mul3A_33, %add3A_163 : i32
        %swap3A_165 = arith.index_cast %add3A_164 : i32 to index
        %swap3A_166 = arith.constant 0 : index
        %swap3A_167 = tpu.vector_load %arg11[%swap3A_165, %swap3A_166] {strides = array<i32>} : memref<128x128xf32, #tpu.memory_space<vmem>>, vector<1x16xf32>,
        %swap3A_168 = vector.shape_cast %swap3A_167 : vector<1x16xf32> to vector<16xf32>
        %swap3A_169 = vector.shape_cast %mul3A_162 : vector<16xf32> to vector<1x16xf32>
        tpu.vector_store %arg11[%swap3A_165, %swap3A_166], %swap3A_169 {strides = array<i32>} : memref<128x128xf32, #tpu.memory_space<vmem>>, vector<1x16xf32>,
        %add3A_170 = arith.constant 1 : i32
        %add3A_171 = arith.addi %mul3A_33, %add3A_170 : i32
        %get3A_172 = arith.index_cast %add3A_171 : i32 to index
        %get3A_173 = arith.constant 16 : index
        %get3A_174 = tpu.vector_load %arg11[%get3A_172, %get3A_173] {strides = array<i32>} : memref<128x128xf32, #tpu.memory_space<vmem>>, vector<1x16xf32>,
        %get3A_175 = vector.shape_cast %get3A_174 : vector<1x16xf32> to vector<16xf32>
        %mul3A_176 = vector.broadcast %squeeze3A_154 : f32 to vector<16xf32>
        %mul3A_177 = arith.mulf %get3A_175, %mul3A_176 : vector<16xf32>
        %add3A_178 = arith.constant 1 : i32
        %add3A_179 = arith.addi %mul3A_33, %add3A_178 : i32
        %swap3A_180 = arith.index_cast %add3A_179 : i32 to index
        %swap3A_181 = arith.constant 16 : index
        %swap3A_182 = tpu.vector_load %arg11[%swap3A_180, %swap3A_181] {strides = array<i32>} : memref<128x128xf32, #tpu.memory_space<vmem>>, vector<1x16xf32>,
        %swap3A_183 = vector.shape_cast %swap3A_182 : vector<1x16xf32> to vector<16xf32>
        %swap3A_184 = vector.shape_cast %mul3A_177 : vector<16xf32> to vector<1x16xf32>
        tpu.vector_store %arg11[%swap3A_180, %swap3A_181], %swap3A_184 {strides = array<i32>} : memref<128x128xf32, #tpu.memory_space<vmem>>, vector<1x16xf32>,
        %add3A_185 = arith.constant 1 : i32
        %add3A_186 = arith.addi %mul3A_33, %add3A_185 : i32
        %get3A_187 = arith.index_cast %add3A_186 : i32 to index
        %get3A_188 = arith.constant 32 : index
        %get3A_189 = tpu.vector_load %arg11[%get3A_187, %get3A_188] {strides = array<i32>} : memref<128x128xf32, #tpu.memory_space<vmem>>, vector<1x16xf32>,
        %get3A_190 = vector.shape_cast %get3A_189 : vector<1x16xf32> to vector<16xf32>
        %mul3A_191 = vector.broadcast %squeeze3A_154 : f32 to vector<16xf32>
        %mul3A_192 = arith.mulf %get3A_190, %mul3A_191 : vector<16xf32>
        %add3A_193 = arith.constant 1 : i32
        %add3A_194 = arith.addi %mul3A_33, %add3A_193 : i32
        %swap3A_195 = arith.index_cast %add3A_194 : i32 to index
        %swap3A_196 = arith.constant 32 : index
        %swap3A_197 = tpu.vector_load %arg11[%swap3A_195, %swap3A_196] {strides = array<i32>} : memref<128x128xf32, #tpu.memory_space<vmem>>, vector<1x16xf32>,
        %swap3A_198 = vector.shape_cast %swap3A_197 : vector<1x16xf32> to vector<16xf32>
        %swap3A_199 = vector.shape_cast %mul3A_192 : vector<16xf32> to vector<1x16xf32>
        tpu.vector_store %arg11[%swap3A_195, %swap3A_196], %swap3A_199 {strides = array<i32>} : memref<128x128xf32, #tpu.memory_space<vmem>>, vector<1x16xf32>,
        %add3A_200 = arith.constant 1 : i32
        %add3A_201 = arith.addi %mul3A_33, %add3A_200 : i32
        %get3A_202 = arith.index_cast %add3A_201 : i32 to index
        %get3A_203 = arith.constant 48 : index
        %get3A_204 = tpu.vector_load %arg11[%get3A_202, %get3A_203] {strides = array<i32>} : memref<128x128xf32, #tpu.memory_space<vmem>>, vector<1x16xf32>,
        %get3A_205 = vector.shape_cast %get3A_204 : vector<1x16xf32> to vector<16xf32>
        %mul3A_206 = vector.broadcast %squeeze3A_154 : f32 to vector<16xf32>
        %mul3A_207 = arith.mulf %get3A_205, %mul3A_206 : vector<16xf32>
        %add3A_208 = arith.constant 1 : i32
        %add3A_209 = arith.addi %mul3A_33, %add3A_208 : i32
        %swap3A_210 = arith.index_cast %add3A_209 : i32 to index
        %swap3A_211 = arith.constant 48 : index
        %swap3A_212 = tpu.vector_load %arg11[%swap3A_210, %swap3A_211] {strides = array<i32>} : memref<128x128xf32, #tpu.memory_space<vmem>>, vector<1x16xf32>,
        %swap3A_213 = vector.shape_cast %swap3A_212 : vector<1x16xf32> to vector<16xf32>
        %swap3A_214 = vector.shape_cast %mul3A_207 : vector<16xf32> to vector<1x16xf32>
        tpu.vector_store %arg11[%swap3A_210, %swap3A_211], %swap3A_214 {strides = array<i32>} : memref<128x128xf32, #tpu.memory_space<vmem>>, vector<1x16xf32>,
        %add3A_215 = arith.constant 1 : i32
        %add3A_216 = arith.addi %mul3A_33, %add3A_215 : i32
        %get3A_217 = arith.index_cast %add3A_216 : i32 to index
        %get3A_218 = arith.constant 64 : index
        %get3A_219 = tpu.vector_load %arg11[%get3A_217, %get3A_218] {strides = array<i32>} : memref<128x128xf32, #tpu.memory_space<vmem>>, vector<1x16xf32>,
        %get3A_220 = vector.shape_cast %get3A_219 : vector<1x16xf32> to vector<16xf32>
        %mul3A_221 = vector.broadcast %squeeze3A_154 : f32 to vector<16xf32>
        %mul3A_222 = arith.mulf %get3A_220, %mul3A_221 : vector<16xf32>
        %add3A_223 = arith.constant 1 : i32
        %add3A_224 = arith.addi %mul3A_33, %add3A_223 : i32
        %swap3A_225 = arith.index_cast %add3A_224 : i32 to index
        %swap3A_226 = arith.constant 64 : index
        %swap3A_227 = tpu.vector_load %arg11[%swap3A_225, %swap3A_226] {strides = array<i32>} : memref<128x128xf32, #tpu.memory_space<vmem>>, vector<1x16xf32>,
        %swap3A_228 = vector.shape_cast %swap3A_227 : vector<1x16xf32> to vector<16xf32>
        %swap3A_229 = vector.shape_cast %mul3A_222 : vector<16xf32> to vector<1x16xf32>
        tpu.vector_store %arg11[%swap3A_225, %swap3A_226], %swap3A_229 {strides = array<i32>} : memref<128x128xf32, #tpu.memory_space<vmem>>, vector<1x16xf32>,
        %add3A_230 = arith.constant 1 : i32
        %add3A_231 = arith.addi %mul3A_33, %add3A_230 : i32
        %get3A_232 = arith.index_cast %add3A_231 : i32 to index
        %get3A_233 = arith.constant 80 : index
        %get3A_234 = tpu.vector_load %arg11[%get3A_232, %get3A_233] {strides = array<i32>} : memref<128x128xf32, #tpu.memory_space<vmem>>, vector<1x16xf32>,
        %get3A_235 = vector.shape_cast %get3A_234 : vector<1x16xf32> to vector<16xf32>
        %mul3A_236 = vector.broadcast %squeeze3A_154 : f32 to vector<16xf32>
        %mul3A_237 = arith.mulf %get3A_235, %mul3A_236 : vector<16xf32>
        %add3A_238 = arith.constant 1 : i32
        %add3A_239 = arith.addi %mul3A_33, %add3A_238 : i32
        %swap3A_240 = arith.index_cast %add3A_239 : i32 to index
        %swap3A_241 = arith.constant 80 : index
        %swap3A_242 = tpu.vector_load %arg11[%swap3A_240, %swap3A_241] {strides = array<i32>} : memref<128x128xf32, #tpu.memory_space<vmem>>, vector<1x16xf32>,
        %swap3A_243 = vector.shape_cast %swap3A_242 : vector<1x16xf32> to vector<16xf32>
        %swap3A_244 = vector.shape_cast %mul3A_237 : vector<16xf32> to vector<1x16xf32>
        tpu.vector_store %arg11[%swap3A_240, %swap3A_241], %swap3A_244 {strides = array<i32>} : memref<128x128xf32, #tpu.memory_space<vmem>>, vector<1x16xf32>,
        %add3A_245 = arith.constant 1 : i32
        %add3A_246 = arith.addi %mul3A_33, %add3A_245 : i32
        %get3A_247 = arith.index_cast %add3A_246 : i32 to index
        %get3A_248 = arith.constant 96 : index
        %get3A_249 = tpu.vector_load %arg11[%get3A_247, %get3A_248] {strides = array<i32>} : memref<128x128xf32, #tpu.memory_space<vmem>>, vector<1x16xf32>,
        %get3A_250 = vector.shape_cast %get3A_249 : vector<1x16xf32> to vector<16xf32>
        %mul3A_251 = vector.broadcast %squeeze3A_154 : f32 to vector<16xf32>
        %mul3A_252 = arith.mulf %get3A_250, %mul3A_251 : vector<16xf32>
        %add3A_253 = arith.constant 1 : i32
        %add3A_254 = arith.addi %mul3A_33, %add3A_253 : i32
        %swap3A_255 = arith.index_cast %add3A_254 : i32 to index
        %swap3A_256 = arith.constant 96 : index
        %swap3A_257 = tpu.vector_load %arg11[%swap3A_255, %swap3A_256] {strides = array<i32>} : memref<128x128xf32, #tpu.memory_space<vmem>>, vector<1x16xf32>,
        %swap3A_258 = vector.shape_cast %swap3A_257 : vector<1x16xf32> to vector<16xf32>
        %swap3A_259 = vector.shape_cast %mul3A_252 : vector<16xf32> to vector<1x16xf32>
        tpu.vector_store %arg11[%swap3A_255, %swap3A_256], %swap3A_259 {strides = array<i32>} : memref<128x128xf32, #tpu.memory_space<vmem>>, vector<1x16xf32>,
        %add3A_260 = arith.constant 1 : i32
        %add3A_261 = arith.addi %mul3A_33, %add3A_260 : i32
        %get3A_262 = arith.index_cast %add3A_261 : i32 to index
        %get3A_263 = arith.constant 112 : index
        %get3A_264 = tpu.vector_load %arg11[%get3A_262, %get3A_263] {strides = array<i32>} : memref<128x128xf32, #tpu.memory_space<vmem>>, vector<1x16xf32>,
        %get3A_265 = vector.shape_cast %get3A_264 : vector<1x16xf32> to vector<16xf32>
        %mul3A_266 = vector.broadcast %squeeze3A_154 : f32 to vector<16xf32>
        %mul3A_267 = arith.mulf %get3A_265, %mul3A_266 : vector<16xf32>
        %add3A_268 = arith.constant 1 : i32
        %add3A_269 = arith.addi %mul3A_33, %add3A_268 : i32
        %swap3A_270 = arith.index_cast %add3A_269 : i32 to index
        %swap3A_271 = arith.constant 112 : index
        %swap3A_272 = tpu.vector_load %arg11[%swap3A_270, %swap3A_271] {strides = array<i32>} : memref<128x128xf32, #tpu.memory_space<vmem>>, vector<1x16xf32>,
        %swap3A_273 = vector.shape_cast %swap3A_272 : vector<1x16xf32> to vector<16xf32>
        %swap3A_274 = vector.shape_cast %mul3A_267 : vector<16xf32> to vector<1x16xf32>
        tpu.vector_store %arg11[%swap3A_270, %swap3A_271], %swap3A_274 {strides = array<i32>} : memref<128x128xf32, #tpu.memory_space<vmem>>, vector<1x16xf32>,
        %slice3A_275 = vector.extract_strided_slice %get3A_31 {offsets = [2], sizes = [1], strides = [1]} : vector<16xf32> to vector<1xf32>
        %squeeze3A_276 = vector.extract %slice3A_275[0] : f32 from vector<1xf32>
        %add3A_277 = arith.constant 2 : i32
        %add3A_278 = arith.addi %mul3A_33, %add3A_277 : i32
        %get3A_279 = arith.index_cast %add3A_278 : i32 to index
        %get3A_280 = arith.constant 0 : index
        %get3A_281 = tpu.vector_load %arg11[%get3A_279, %get3A_280] {strides = array<i32>} : memref<128x128xf32, #tpu.memory_space<vmem>>, vector<1x16xf32>,
        %get3A_282 = vector.shape_cast %get3A_281 : vector<1x16xf32> to vector<16xf32>
        %mul3A_283 = vector.broadcast %squeeze3A_276 : f32 to vector<16xf32>
        %mul3A_284 = arith.mulf %get3A_282, %mul3A_283 : vector<16xf32>
        %add3A_285 = arith.constant 2 : i32
        %add3A_286 = arith.addi %mul3A_33, %add3A_285 : i32
        %swap3A_287 = arith.index_cast %add3A_286 : i32 to index
        %swap3A_288 = arith.constant 0 : index
        %swap3A_289 = tpu.vector_load %arg11[%swap3A_287, %swap3A_288] {strides = array<i32>} : memref<128x128xf32, #tpu.memory_space<vmem>>, vector<1x16xf32>,
        %swap3A_290 = vector.shape_cast %swap3A_289 : vector<1x16xf32> to vector<16xf32>
        %swap3A_291 = vector.shape_cast %mul3A_284 : vector<16xf32> to vector<1x16xf32>
        tpu.vector_store %arg11[%swap3A_287, %swap3A_288], %swap3A_291 {strides = array<i32>} : memref<128x128xf32, #tpu.memory_space<vmem>>, vector<1x16xf32>,
        %add3A_292 = arith.constant 2 : i32
        %add3A_293 = arith.addi %mul3A_33, %add3A_292 : i32
        %get3A_294 = arith.index_cast %add3A_293 : i32 to index
        %get3A_295 = arith.constant 16 : index
        %get3A_296 = tpu.vector_load %arg11[%get3A_294, %get3A_295] {strides = array<i32>} : memref<128x128xf32, #tpu.memory_space<vmem>>, vector<1x16xf32>,
        %get3A_297 = vector.shape_cast %get3A_296 : vector<1x16xf32> to vector<16xf32>
        %mul3A_298 = vector.broadcast %squeeze3A_276 : f32 to vector<16xf32>
        %mul3A_299 = arith.mulf %get3A_297, %mul3A_298 : vector<16xf32>
        %add3A_300 = arith.constant 2 : i32
        %add3A_301 = arith.addi %mul3A_33, %add3A_300 : i32
        %swap3A_302 = arith.index_cast %add3A_301 : i32 to index
        %swap3A_303 = arith.constant 16 : index
        %swap3A_304 = tpu.vector_load %arg11[%swap3A_302, %swap3A_303] {strides = array<i32>} : memref<128x128xf32, #tpu.memory_space<vmem>>, vector<1x16xf32>,
        %swap3A_305 = vector.shape_cast %swap3A_304 : vector<1x16xf32> to vector<16xf32>
        %swap3A_306 = vector.shape_cast %mul3A_299 : vector<16xf32> to vector<1x16xf32>
        tpu.vector_store %arg11[%swap3A_302, %swap3A_303], %swap3A_306 {strides = array<i32>} : memref<128x128xf32, #tpu.memory_space<vmem>>, vector<1x16xf32>,
        %add3A_307 = arith.constant 2 : i32
        %add3A_308 = arith.addi %mul3A_33, %add3A_307 : i32
        %get3A_309 = arith.index_cast %add3A_308 : i32 to index
        %get3A_310 = arith.constant 32 : index
        %get3A_311 = tpu.vector_load %arg11[%get3A_309, %get3A_310] {strides = array<i32>} : memref<128x128xf32, #tpu.memory_space<vmem>>, vector<1x16xf32>,
        %get3A_312 = vector.shape_cast %get3A_311 : vector<1x16xf32> to vector<16xf32>
        %mul3A_313 = vector.broadcast %squeeze3A_276 : f32 to vector<16xf32>
        %mul3A_314 = arith.mulf %get3A_312, %mul3A_313 : vector<16xf32>
        %add3A_315 = arith.constant 2 : i32
        %add3A_316 = arith.addi %mul3A_33, %add3A_315 : i32
        %swap3A_317 = arith.index_cast %add3A_316 : i32 to index
        %swap3A_318 = arith.constant 32 : index
        %swap3A_319 = tpu.vector_load %arg11[%swap3A_317, %swap3A_318] {strides = array<i32>} : memref<128x128xf32, #tpu.memory_space<vmem>>, vector<1x16xf32>,
        %swap3A_320 = vector.shape_cast %swap3A_319 : vector<1x16xf32> to vector<16xf32>
        %swap3A_321 = vector.shape_cast %mul3A_314 : vector<16xf32> to vector<1x16xf32>
        tpu.vector_store %arg11[%swap3A_317, %swap3A_318], %swap3A_321 {strides = array<i32>} : memref<128x128xf32, #tpu.memory_space<vmem>>, vector<1x16xf32>,
        %add3A_322 = arith.constant 2 : i32
        %add3A_323 = arith.addi %mul3A_33, %add3A_322 : i32
        %get3A_324 = arith.index_cast %add3A_323 : i32 to index
        %get3A_325 = arith.constant 48 : index
        %get3A_326 = tpu.vector_load %arg11[%get3A_324, %get3A_325] {strides = array<i32>} : memref<128x128xf32, #tpu.memory_space<vmem>>, vector<1x16xf32>,
        %get3A_327 = vector.shape_cast %get3A_326 : vector<1x16xf32> to vector<16xf32>
        %mul3A_328 = vector.broadcast %squeeze3A_276 : f32 to vector<16xf32>
        %mul3A_329 = arith.mulf %get3A_327, %mul3A_328 : vector<16xf32>
        %add3A_330 = arith.constant 2 : i32
        %add3A_331 = arith.addi %mul3A_33, %add3A_330 : i32
        %swap3A_332 = arith.index_cast %add3A_331 : i32 to index
        %swap3A_333 = arith.constant 48 : index
        %swap3A_334 = tpu.vector_load %arg11[%swap3A_332, %swap3A_333] {strides = array<i32>} : memref<128x128xf32, #tpu.memory_space<vmem>>, vector<1x16xf32>,
        %swap3A_335 = vector.shape_cast %swap3A_334 : vector<1x16xf32> to vector<16xf32>
        %swap3A_336 = vector.shape_cast %mul3A_329 : vector<16xf32> to vector<1x16xf32>
        tpu.vector_store %arg11[%swap3A_332, %swap3A_333], %swap3A_336 {strides = array<i32>} : memref<128x128xf32, #tpu.memory_space<vmem>>, vector<1x16xf32>,
        %add3A_337 = arith.constant 2 : i32
        %add3A_338 = arith.addi %mul3A_33, %add3A_337 : i32
        %get3A_339 = arith.index_cast %add3A_338 : i32 to index
        %get3A_340 = arith.constant 64 : index
        %get3A_341 = tpu.vector_load %arg11[%get3A_339, %get3A_340] {strides = array<i32>} : memref<128x128xf32, #tpu.memory_space<vmem>>, vector<1x16xf32>,
        %get3A_342 = vector.shape_cast %get3A_341 : vector<1x16xf32> to vector<16xf32>
        %mul3A_343 = vector.broadcast %squeeze3A_276 : f32 to vector<16xf32>
        %mul3A_344 = arith.mulf %get3A_342, %mul3A_343 : vector<16xf32>
        %add3A_345 = arith.constant 2 : i32
        %add3A_346 = arith.addi %mul3A_33, %add3A_345 : i32
        %swap3A_347 = arith.index_cast %add3A_346 : i32 to index
        %swap3A_348 = arith.constant 64 : index
        %swap3A_349 = tpu.vector_load %arg11[%swap3A_347, %swap3A_348] {strides = array<i32>} : memref<128x128xf32, #tpu.memory_space<vmem>>, vector<1x16xf32>,
        %swap3A_350 = vector.shape_cast %swap3A_349 : vector<1x16xf32> to vector<16xf32>
        %swap3A_351 = vector.shape_cast %mul3A_344 : vector<16xf32> to vector<1x16xf32>
        tpu.vector_store %arg11[%swap3A_347, %swap3A_348], %swap3A_351 {strides = array<i32>} : memref<128x128xf32, #tpu.memory_space<vmem>>, vector<1x16xf32>,
        %add3A_352 = arith.constant 2 : i32
        %add3A_353 = arith.addi %mul3A_33, %add3A_352 : i32
        %get3A_354 = arith.index_cast %add3A_353 : i32 to index
        %get3A_355 = arith.constant 80 : index
        %get3A_356 = tpu.vector_load %arg11[%get3A_354, %get3A_355] {strides = array<i32>} : memref<128x128xf32, #tpu.memory_space<vmem>>, vector<1x16xf32>,
        %get3A_357 = vector.shape_cast %get3A_356 : vector<1x16xf32> to vector<16xf32>
        %mul3A_358 = vector.broadcast %squeeze3A_276 : f32 to vector<16xf32>
        %mul3A_359 = arith.mulf %get3A_357, %mul3A_358 : vector<16xf32>
        %add3A_360 = arith.constant 2 : i32
        %add3A_361 = arith.addi %mul3A_33, %add3A_360 : i32
        %swap3A_362 = arith.index_cast %add3A_361 : i32 to index
        %swap3A_363 = arith.constant 80 : index
        %swap3A_364 = tpu.vector_load %arg11[%swap3A_362, %swap3A_363] {strides = array<i32>} : memref<128x128xf32, #tpu.memory_space<vmem>>, vector<1x16xf32>,
        %swap3A_365 = vector.shape_cast %swap3A_364 : vector<1x16xf32> to vector<16xf32>
        %swap3A_366 = vector.shape_cast %mul3A_359 : vector<16xf32> to vector<1x16xf32>
        tpu.vector_store %arg11[%swap3A_362, %swap3A_363], %swap3A_366 {strides = array<i32>} : memref<128x128xf32, #tpu.memory_space<vmem>>, vector<1x16xf32>,
        %add3A_367 = arith.constant 2 : i32
        %add3A_368 = arith.addi %mul3A_33, %add3A_367 : i32
        %get3A_369 = arith.index_cast %add3A_368 : i32 to index
        %get3A_370 = arith.constant 96 : index
        %get3A_371 = tpu.vector_load %arg11[%get3A_369, %get3A_370] {strides = array<i32>} : memref<128x128xf32, #tpu.memory_space<vmem>>, vector<1x16xf32>,
        %get3A_372 = vector.shape_cast %get3A_371 : vector<1x16xf32> to vector<16xf32>
        %mul3A_373 = vector.broadcast %squeeze3A_276 : f32 to vector<16xf32>
        %mul3A_374 = arith.mulf %get3A_372, %mul3A_373 : vector<16xf32>
        %add3A_375 = arith.constant 2 : i32
        %add3A_376 = arith.addi %mul3A_33, %add3A_375 : i32
        %swap3A_377 = arith.index_cast %add3A_376 : i32 to index
        %swap3A_378 = arith.constant 96 : index
        %swap3A_379 = tpu.vector_load %arg11[%swap3A_377, %swap3A_378] {strides = array<i32>} : memref<128x128xf32, #tpu.memory_space<vmem>>, vector<1x16xf32>,
        %swap3A_380 = vector.shape_cast %swap3A_379 : vector<1x16xf32> to vector<16xf32>
        %swap3A_381 = vector.shape_cast %mul3A_374 : vector<16xf32> to vector<1x16xf32>
        tpu.vector_store %arg11[%swap3A_377, %swap3A_378], %swap3A_381 {strides = array<i32>} : memref<128x128xf32, #tpu.memory_space<vmem>>, vector<1x16xf32>,
        %add3A_382 = arith.constant 2 : i32
        %add3A_383 = arith.addi %mul3A_33, %add3A_382 : i32
        %get3A_384 = arith.index_cast %add3A_383 : i32 to index
        %get3A_385 = arith.constant 112 : index
        %get3A_386 = tpu.vector_load %arg11[%get3A_384, %get3A_385] {strides = array<i32>} : memref<128x128xf32, #tpu.memory_space<vmem>>, vector<1x16xf32>,
        %get3A_387 = vector.shape_cast %get3A_386 : vector<1x16xf32> to vector<16xf32>
        %mul3A_388 = vector.broadcast %squeeze3A_276 : f32 to vector<16xf32>
        %mul3A_389 = arith.mulf %get3A_387, %mul3A_388 : vector<16xf32>
        %add3A_390 = arith.constant 2 : i32
        %add3A_391 = arith.addi %mul3A_33, %add3A_390 : i32
        %swap3A_392 = arith.index_cast %add3A_391 : i32 to index
        %swap3A_393 = arith.constant 112 : index
        %swap3A_394 = tpu.vector_load %arg11[%swap3A_392, %swap3A_393] {strides = array<i32>} : memref<128x128xf32, #tpu.memory_space<vmem>>, vector<1x16xf32>,
        %swap3A_395 = vector.shape_cast %swap3A_394 : vector<1x16xf32> to vector<16xf32>
        %swap3A_396 = vector.shape_cast %mul3A_389 : vector<16xf32> to vector<1x16xf32>
        tpu.vector_store %arg11[%swap3A_392, %swap3A_393], %swap3A_396 {strides = array<i32>} : memref<128x128xf32, #tpu.memory_space<vmem>>, vector<1x16xf32>,
        %slice3A_397 = vector.extract_strided_slice %get3A_31 {offsets = [3], sizes = [1], strides = [1]} : vector<16xf32> to vector<1xf32>
        %squeeze3A_398 = vector.extract %slice3A_397[0] : f32 from vector<1xf32>
        %add3A_399 = arith.constant 3 : i32
        %add3A_400 = arith.addi %mul3A_33, %add3A_399 : i32
        %get3A_401 = arith.index_cast %add3A_400 : i32 to index
        %get3A_402 = arith.constant 0 : index
        %get3A_403 = tpu.vector_load %arg11[%get3A_401, %get3A_402] {strides = array<i32>} : memref<128x128xf32, #tpu.memory_space<vmem>>, vector<1x16xf32>,
        %get3A_404 = vector.shape_cast %get3A_403 : vector<1x16xf32> to vector<16xf32>
        %mul3A_405 = vector.broadcast %squeeze3A_398 : f32 to vector<16xf32>
        %mul3A_406 = arith.mulf %get3A_404, %mul3A_405 : vector<16xf32>
        %add3A_407 = arith.constant 3 : i32
        %add3A_408 = arith.addi %mul3A_33, %add3A_407 : i32
        %swap3A_409 = arith.index_cast %add3A_408 : i32 to index
        %swap3A_410 = arith.constant 0 : index
        %swap3A_411 = tpu.vector_load %arg11[%swap3A_409, %swap3A_410] {strides = array<i32>} : memref<128x128xf32, #tpu.memory_space<vmem>>, vector<1x16xf32>,
        %swap3A_412 = vector.shape_cast %swap3A_411 : vector<1x16xf32> to vector<16xf32>
        %swap3A_413 = vector.shape_cast %mul3A_406 : vector<16xf32> to vector<1x16xf32>
        tpu.vector_store %arg11[%swap3A_409, %swap3A_410], %swap3A_413 {strides = array<i32>} : memref<128x128xf32, #tpu.memory_space<vmem>>, vector<1x16xf32>,
        %add3A_414 = arith.constant 3 : i32
        %add3A_415 = arith.addi %mul3A_33, %add3A_414 : i32
        %get3A_416 = arith.index_cast %add3A_415 : i32 to index
        %get3A_417 = arith.constant 16 : index
        %get3A_418 = tpu.vector_load %arg11[%get3A_416, %get3A_417] {strides = array<i32>} : memref<128x128xf32, #tpu.memory_space<vmem>>, vector<1x16xf32>,
        %get3A_419 = vector.shape_cast %get3A_418 : vector<1x16xf32> to vector<16xf32>
        %mul3A_420 = vector.broadcast %squeeze3A_398 : f32 to vector<16xf32>
        %mul3A_421 = arith.mulf %get3A_419, %mul3A_420 : vector<16xf32>
        %add3A_422 = arith.constant 3 : i32
        %add3A_423 = arith.addi %mul3A_33, %add3A_422 : i32
        %swap3A_424 = arith.index_cast %add3A_423 : i32 to index
        %swap3A_425 = arith.constant 16 : index
        %swap3A_426 = tpu.vector_load %arg11[%swap3A_424, %swap3A_425] {strides = array<i32>} : memref<128x128xf32, #tpu.memory_space<vmem>>, vector<1x16xf32>,
        %swap3A_427 = vector.shape_cast %swap3A_426 : vector<1x16xf32> to vector<16xf32>
        %swap3A_428 = vector.shape_cast %mul3A_421 : vector<16xf32> to vector<1x16xf32>
        tpu.vector_store %arg11[%swap3A_424, %swap3A_425], %swap3A_428 {strides = array<i32>} : memref<128x128xf32, #tpu.memory_space<vmem>>, vector<1x16xf32>,
        %add3A_429 = arith.constant 3 : i32
        %add3A_430 = arith.addi %mul3A_33, %add3A_429 : i32
        %get3A_431 = arith.index_cast %add3A_430 : i32 to index
        %get3A_432 = arith.constant 32 : index
        %get3A_433 = tpu.vector_load %arg11[%get3A_431, %get3A_432] {strides = array<i32>} : memref<128x128xf32, #tpu.memory_space<vmem>>, vector<1x16xf32>,
        %get3A_434 = vector.shape_cast %get3A_433 : vector<1x16xf32> to vector<16xf32>
        %mul3A_435 = vector.broadcast %squeeze3A_398 : f32 to vector<16xf32>
        %mul3A_436 = arith.mulf %get3A_434, %mul3A_435 : vector<16xf32>
        %add3A_437 = arith.constant 3 : i32
        %add3A_438 = arith.addi %mul3A_33, %add3A_437 : i32
        %swap3A_439 = arith.index_cast %add3A_438 : i32 to index
        %swap3A_440 = arith.constant 32 : index
        %swap3A_441 = tpu.vector_load %arg11[%swap3A_439, %swap3A_440] {strides = array<i32>} : memref<128x128xf32, #tpu.memory_space<vmem>>, vector<1x16xf32>,
        %swap3A_442 = vector.shape_cast %swap3A_441 : vector<1x16xf32> to vector<16xf32>
        %swap3A_443 = vector.shape_cast %mul3A_436 : vector<16xf32> to vector<1x16xf32>
        tpu.vector_store %arg11[%swap3A_439, %swap3A_440], %swap3A_443 {strides = array<i32>} : memref<128x128xf32, #tpu.memory_space<vmem>>, vector<1x16xf32>,
        %add3A_444 = arith.constant 3 : i32
        %add3A_445 = arith.addi %mul3A_33, %add3A_444 : i32
        %get3A_446 = arith.index_cast %add3A_445 : i32 to index
        %get3A_447 = arith.constant 48 : index
        %get3A_448 = tpu.vector_load %arg11[%get3A_446, %get3A_447] {strides = array<i32>} : memref<128x128xf32, #tpu.memory_space<vmem>>, vector<1x16xf32>,
        %get3A_449 = vector.shape_cast %get3A_448 : vector<1x16xf32> to vector<16xf32>
        %mul3A_450 = vector.broadcast %squeeze3A_398 : f32 to vector<16xf32>
        %mul3A_451 = arith.mulf %get3A_449, %mul3A_450 : vector<16xf32>
        %add3A_452 = arith.constant 3 : i32
        %add3A_453 = arith.addi %mul3A_33, %add3A_452 : i32
        %swap3A_454 = arith.index_cast %add3A_453 : i32 to index
        %swap3A_455 = arith.constant 48 : index
        %swap3A_456 = tpu.vector_load %arg11[%swap3A_454, %swap3A_455] {strides = array<i32>} : memref<128x128xf32, #tpu.memory_space<vmem>>, vector<1x16xf32>,
        %swap3A_457 = vector.shape_cast %swap3A_456 : vector<1x16xf32> to vector<16xf32>
        %swap3A_458 = vector.shape_cast %mul3A_451 : vector<16xf32> to vector<1x16xf32>
        tpu.vector_store %arg11[%swap3A_454, %swap3A_455], %swap3A_458 {strides = array<i32>} : memref<128x128xf32, #tpu.memory_space<vmem>>, vector<1x16xf32>,
        %add3A_459 = arith.constant 3 : i32
        %add3A_460 = arith.addi %mul3A_33, %add3A_459 : i32
        %get3A_461 = arith.index_cast %add3A_460 : i32 to index
        %get3A_462 = arith.constant 64 : index
        %get3A_463 = tpu.vector_load %arg11[%get3A_461, %get3A_462] {strides = array<i32>} : memref<128x128xf32, #tpu.memory_space<vmem>>, vector<1x16xf32>,
        %get3A_464 = vector.shape_cast %get3A_463 : vector<1x16xf32> to vector<16xf32>
        %mul3A_465 = vector.broadcast %squeeze3A_398 : f32 to vector<16xf32>
        %mul3A_466 = arith.mulf %get3A_464, %mul3A_465 : vector<16xf32>
        %add3A_467 = arith.constant 3 : i32
        %add3A_468 = arith.addi %mul3A_33, %add3A_467 : i32
        %swap3A_469 = arith.index_cast %add3A_468 : i32 to index
        %swap3A_470 = arith.constant 64 : index
        %swap3A_471 = tpu.vector_load %arg11[%swap3A_469, %swap3A_470] {strides = array<i32>} : memref<128x128xf32, #tpu.memory_space<vmem>>, vector<1x16xf32>,
        %swap3A_472 = vector.shape_cast %swap3A_471 : vector<1x16xf32> to vector<16xf32>
        %swap3A_473 = vector.shape_cast %mul3A_466 : vector<16xf32> to vector<1x16xf32>
        tpu.vector_store %arg11[%swap3A_469, %swap3A_470], %swap3A_473 {strides = array<i32>} : memref<128x128xf32, #tpu.memory_space<vmem>>, vector<1x16xf32>,
        %add3A_474 = arith.constant 3 : i32
        %add3A_475 = arith.addi %mul3A_33, %add3A_474 : i32
        %get3A_476 = arith.index_cast %add3A_475 : i32 to index
        %get3A_477 = arith.constant 80 : index
        %get3A_478 = tpu.vector_load %arg11[%get3A_476, %get3A_477] {strides = array<i32>} : memref<128x128xf32, #tpu.memory_space<vmem>>, vector<1x16xf32>,
        %get3A_479 = vector.shape_cast %get3A_478 : vector<1x16xf32> to vector<16xf32>
        %mul3A_480 = vector.broadcast %squeeze3A_398 : f32 to vector<16xf32>
        %mul3A_481 = arith.mulf %get3A_479, %mul3A_480 : vector<16xf32>
        %add3A_482 = arith.constant 3 : i32
        %add3A_483 = arith.addi %mul3A_33, %add3A_482 : i32
        %swap3A_484 = arith.index_cast %add3A_483 : i32 to index
        %swap3A_485 = arith.constant 80 : index
        %swap3A_486 = tpu.vector_load %arg11[%swap3A_484, %swap3A_485] {strides = array<i32>} : memref<128x128xf32, #tpu.memory_space<vmem>>, vector<1x16xf32>,
        %swap3A_487 = vector.shape_cast %swap3A_486 : vector<1x16xf32> to vector<16xf32>
        %swap3A_488 = vector.shape_cast %mul3A_481 : vector<16xf32> to vector<1x16xf32>
        tpu.vector_store %arg11[%swap3A_484, %swap3A_485], %swap3A_488 {strides = array<i32>} : memref<128x128xf32, #tpu.memory_space<vmem>>, vector<1x16xf32>,
        %add3A_489 = arith.constant 3 : i32
        %add3A_490 = arith.addi %mul3A_33, %add3A_489 : i32
        %get3A_491 = arith.index_cast %add3A_490 : i32 to index
        %get3A_492 = arith.constant 96 : index
        %get3A_493 = tpu.vector_load %arg11[%get3A_491, %get3A_492] {strides = array<i32>} : memref<128x128xf32, #tpu.memory_space<vmem>>, vector<1x16xf32>,
        %get3A_494 = vector.shape_cast %get3A_493 : vector<1x16xf32> to vector<16xf32>
        %mul3A_495 = vector.broadcast %squeeze3A_398 : f32 to vector<16xf32>
        %mul3A_496 = arith.mulf %get3A_494, %mul3A_495 : vector<16xf32>
        %add3A_497 = arith.constant 3 : i32
        %add3A_498 = arith.addi %mul3A_33, %add3A_497 : i32
        %swap3A_499 = arith.index_cast %add3A_498 : i32 to index
        %swap3A_500 = arith.constant 96 : index
        %swap3A_501 = tpu.vector_load %arg11[%swap3A_499, %swap3A_500] {strides = array<i32>} : memref<128x128xf32, #tpu.memory_space<vmem>>, vector<1x16xf32>,
        %swap3A_502 = vector.shape_cast %swap3A_501 : vector<1x16xf32> to vector<16xf32>
        %swap3A_503 = vector.shape_cast %mul3A_496 : vector<16xf32> to vector<1x16xf32>
        tpu.vector_store %arg11[%swap3A_499, %swap3A_500], %swap3A_503 {strides = array<i32>} : memref<128x128xf32, #tpu.memory_space<vmem>>, vector<1x16xf32>,
        %add3A_504 = arith.constant 3 : i32
        %add3A_505 = arith.addi %mul3A_33, %add3A_504 : i32
        %get3A_506 = arith.index_cast %add3A_505 : i32 to index
        %get3A_507 = arith.constant 112 : index
        %get3A_508 = tpu.vector_load %arg11[%get3A_506, %get3A_507] {strides = array<i32>} : memref<128x128xf32, #tpu.memory_space<vmem>>, vector<1x16xf32>,
        %get3A_509 = vector.shape_cast %get3A_508 : vector<1x16xf32> to vector<16xf32>
        %mul3A_510 = vector.broadcast %squeeze3A_398 : f32 to vector<16xf32>
        %mul3A_511 = arith.mulf %get3A_509, %mul3A_510 : vector<16xf32>
        %add3A_512 = arith.constant 3 : i32
        %add3A_513 = arith.addi %mul3A_33, %add3A_512 : i32
        %swap3A_514 = arith.index_cast %add3A_513 : i32 to index
        %swap3A_515 = arith.constant 112 : index
        %swap3A_516 = tpu.vector_load %arg11[%swap3A_514, %swap3A_515] {strides = array<i32>} : memref<128x128xf32, #tpu.memory_space<vmem>>, vector<1x16xf32>,
        %swap3A_517 = vector.shape_cast %swap3A_516 : vector<1x16xf32> to vector<16xf32>
        %swap3A_518 = vector.shape_cast %mul3A_511 : vector<16xf32> to vector<1x16xf32>
        tpu.vector_store %arg11[%swap3A_514, %swap3A_515], %swap3A_518 {strides = array<i32>} : memref<128x128xf32, #tpu.memory_space<vmem>>, vector<1x16xf32>,
        %slice3A_519 = vector.extract_strided_slice %get3A_31 {offsets = [4], sizes = [1], strides = [1]} : vector<16xf32> to vector<1xf32>
        %squeeze3A_520 = vector.extract %slice3A_519[0] : f32 from vector<1xf32>
        %add3A_521 = arith.constant 4 : i32
        %add3A_522 = arith.addi %mul3A_33, %add3A_521 : i32
        %get3A_523 = arith.index_cast %add3A_522 : i32 to index
        %get3A_524 = arith.constant 0 : index
        %get3A_525 = tpu.vector_load %arg11[%get3A_523, %get3A_524] {strides = array<i32>} : memref<128x128xf32, #tpu.memory_space<vmem>>, vector<1x16xf32>,
        %get3A_526 = vector.shape_cast %get3A_525 : vector<1x16xf32> to vector<16xf32>
        %mul3A_527 = vector.broadcast %squeeze3A_520 : f32 to vector<16xf32>
        %mul3A_528 = arith.mulf %get3A_526, %mul3A_527 : vector<16xf32>
        %add3A_529 = arith.constant 4 : i32
        %add3A_530 = arith.addi %mul3A_33, %add3A_529 : i32
        %swap3A_531 = arith.index_cast %add3A_530 : i32 to index
        %swap3A_532 = arith.constant 0 : index
        %swap3A_533 = tpu.vector_load %arg11[%swap3A_531, %swap3A_532] {strides = array<i32>} : memref<128x128xf32, #tpu.memory_space<vmem>>, vector<1x16xf32>,
        %swap3A_534 = vector.shape_cast %swap3A_533 : vector<1x16xf32> to vector<16xf32>
        %swap3A_535 = vector.shape_cast %mul3A_528 : vector<16xf32> to vector<1x16xf32>
        tpu.vector_store %arg11[%swap3A_531, %swap3A_532], %swap3A_535 {strides = array<i32>} : memref<128x128xf32, #tpu.memory_space<vmem>>, vector<1x16xf32>,
        %add3A_536 = arith.constant 4 : i32
        %add3A_537 = arith.addi %mul3A_33, %add3A_536 : i32
        %get3A_538 = arith.index_cast %add3A_537 : i32 to index
        %get3A_539 = arith.constant 16 : index
        %get3A_540 = tpu.vector_load %arg11[%get3A_538, %get3A_539] {strides = array<i32>} : memref<128x128xf32, #tpu.memory_space<vmem>>, vector<1x16xf32>,
        %get3A_541 = vector.shape_cast %get3A_540 : vector<1x16xf32> to vector<16xf32>
        %mul3A_542 = vector.broadcast %squeeze3A_520 : f32 to vector<16xf32>
        %mul3A_543 = arith.mulf %get3A_541, %mul3A_542 : vector<16xf32>
        %add3A_544 = arith.constant 4 : i32
        %add3A_545 = arith.addi %mul3A_33, %add3A_544 : i32
        %swap3A_546 = arith.index_cast %add3A_545 : i32 to index
        %swap3A_547 = arith.constant 16 : index
        %swap3A_548 = tpu.vector_load %arg11[%swap3A_546, %swap3A_547] {strides = array<i32>} : memref<128x128xf32, #tpu.memory_space<vmem>>, vector<1x16xf32>,
        %swap3A_549 = vector.shape_cast %swap3A_548 : vector<1x16xf32> to vector<16xf32>
        %swap3A_550 = vector.shape_cast %mul3A_543 : vector<16xf32> to vector<1x16xf32>
        tpu.vector_store %arg11[%swap3A_546, %swap3A_547], %swap3A_550 {strides = array<i32>} : memref<128x128xf32, #tpu.memory_space<vmem>>, vector<1x16xf32>,
        %add3A_551 = arith.constant 4 : i32
        %add3A_552 = arith.addi %mul3A_33, %add3A_551 : i32
        %get3A_553 = arith.index_cast %add3A_552 : i32 to index
        %get3A_554 = arith.constant 32 : index
        %get3A_555 = tpu.vector_load %arg11[%get3A_553, %get3A_554] {strides = array<i32>} : memref<128x128xf32, #tpu.memory_space<vmem>>, vector<1x16xf32>,
        %get3A_556 = vector.shape_cast %get3A_555 : vector<1x16xf32> to vector<16xf32>
        %mul3A_557 = vector.broadcast %squeeze3A_520 : f32 to vector<16xf32>
        %mul3A_558 = arith.mulf %get3A_556, %mul3A_557 : vector<16xf32>
        %add3A_559 = arith.constant 4 : i32
        %add3A_560 = arith.addi %mul3A_33, %add3A_559 : i32
        %swap3A_561 = arith.index_cast %add3A_560 : i32 to index
        %swap3A_562 = arith.constant 32 : index
        %swap3A_563 = tpu.vector_load %arg11[%swap3A_561, %swap3A_562] {strides = array<i32>} : memref<128x128xf32, #tpu.memory_space<vmem>>, vector<1x16xf32>,
        %swap3A_564 = vector.shape_cast %swap3A_563 : vector<1x16xf32> to vector<16xf32>
        %swap3A_565 = vector.shape_cast %mul3A_558 : vector<16xf32> to vector<1x16xf32>
        tpu.vector_store %arg11[%swap3A_561, %swap3A_562], %swap3A_565 {strides = array<i32>} : memref<128x128xf32, #tpu.memory_space<vmem>>, vector<1x16xf32>,
        %add3A_566 = arith.constant 4 : i32
        %add3A_567 = arith.addi %mul3A_33, %add3A_566 : i32
        %get3A_568 = arith.index_cast %add3A_567 : i32 to index
        %get3A_569 = arith.constant 48 : index
        %get3A_570 = tpu.vector_load %arg11[%get3A_568, %get3A_569] {strides = array<i32>} : memref<128x128xf32, #tpu.memory_space<vmem>>, vector<1x16xf32>,
        %get3A_571 = vector.shape_cast %get3A_570 : vector<1x16xf32> to vector<16xf32>
        %mul3A_572 = vector.broadcast %squeeze3A_520 : f32 to vector<16xf32>
        %mul3A_573 = arith.mulf %get3A_571, %mul3A_572 : vector<16xf32>
        %add3A_574 = arith.constant 4 : i32
        %add3A_575 = arith.addi %mul3A_33, %add3A_574 : i32
        %swap3A_576 = arith.index_cast %add3A_575 : i32 to index
        %swap3A_577 = arith.constant 48 : index
        %swap3A_578 = tpu.vector_load %arg11[%swap3A_576, %swap3A_577] {strides = array<i32>} : memref<128x128xf32, #tpu.memory_space<vmem>>, vector<1x16xf32>,
        %swap3A_579 = vector.shape_cast %swap3A_578 : vector<1x16xf32> to vector<16xf32>
        %swap3A_580 = vector.shape_cast %mul3A_573 : vector<16xf32> to vector<1x16xf32>
        tpu.vector_store %arg11[%swap3A_576, %swap3A_577], %swap3A_580 {strides = array<i32>} : memref<128x128xf32, #tpu.memory_space<vmem>>, vector<1x16xf32>,
        %add3A_581 = arith.constant 4 : i32
        %add3A_582 = arith.addi %mul3A_33, %add3A_581 : i32
        %get3A_583 = arith.index_cast %add3A_582 : i32 to index
        %get3A_584 = arith.constant 64 : index
        %get3A_585 = tpu.vector_load %arg11[%get3A_583, %get3A_584] {strides = array<i32>} : memref<128x128xf32, #tpu.memory_space<vmem>>, vector<1x16xf32>,
        %get3A_586 = vector.shape_cast %get3A_585 : vector<1x16xf32> to vector<16xf32>
        %mul3A_587 = vector.broadcast %squeeze3A_520 : f32 to vector<16xf32>
        %mul3A_588 = arith.mulf %get3A_586, %mul3A_587 : vector<16xf32>
        %add3A_589 = arith.constant 4 : i32
        %add3A_590 = arith.addi %mul3A_33, %add3A_589 : i32
        %swap3A_591 = arith.index_cast %add3A_590 : i32 to index
        %swap3A_592 = arith.constant 64 : index
        %swap3A_593 = tpu.vector_load %arg11[%swap3A_591, %swap3A_592] {strides = array<i32>} : memref<128x128xf32, #tpu.memory_space<vmem>>, vector<1x16xf32>,
        %swap3A_594 = vector.shape_cast %swap3A_593 : vector<1x16xf32> to vector<16xf32>
        %swap3A_595 = vector.shape_cast %mul3A_588 : vector<16xf32> to vector<1x16xf32>
        tpu.vector_store %arg11[%swap3A_591, %swap3A_592], %swap3A_595 {strides = array<i32>} : memref<128x128xf32, #tpu.memory_space<vmem>>, vector<1x16xf32>,
        %add3A_596 = arith.constant 4 : i32
        %add3A_597 = arith.addi %mul3A_33, %add3A_596 : i32
        %get3A_598 = arith.index_cast %add3A_597 : i32 to index
        %get3A_599 = arith.constant 80 : index
        %get3A_600 = tpu.vector_load %arg11[%get3A_598, %get3A_599] {strides = array<i32>} : memref<128x128xf32, #tpu.memory_space<vmem>>, vector<1x16xf32>,
        %get3A_601 = vector.shape_cast %get3A_600 : vector<1x16xf32> to vector<16xf32>
        %mul3A_602 = vector.broadcast %squeeze3A_520 : f32 to vector<16xf32>
        %mul3A_603 = arith.mulf %get3A_601, %mul3A_602 : vector<16xf32>
        %add3A_604 = arith.constant 4 : i32
        %add3A_605 = arith.addi %mul3A_33, %add3A_604 : i32
        %swap3A_606 = arith.index_cast %add3A_605 : i32 to index
        %swap3A_607 = arith.constant 80 : index
        %swap3A_608 = tpu.vector_load %arg11[%swap3A_606, %swap3A_607] {strides = array<i32>} : memref<128x128xf32, #tpu.memory_space<vmem>>, vector<1x16xf32>,
        %swap3A_609 = vector.shape_cast %swap3A_608 : vector<1x16xf32> to vector<16xf32>
        %swap3A_610 = vector.shape_cast %mul3A_603 : vector<16xf32> to vector<1x16xf32>
        tpu.vector_store %arg11[%swap3A_606, %swap3A_607], %swap3A_610 {strides = array<i32>} : memref<128x128xf32, #tpu.memory_space<vmem>>, vector<1x16xf32>,
        %add3A_611 = arith.constant 4 : i32
        %add3A_612 = arith.addi %mul3A_33, %add3A_611 : i32
        %get3A_613 = arith.index_cast %add3A_612 : i32 to index
        %get3A_614 = arith.constant 96 : index
        %get3A_615 = tpu.vector_load %arg11[%get3A_613, %get3A_614] {strides = array<i32>} : memref<128x128xf32, #tpu.memory_space<vmem>>, vector<1x16xf32>,
        %get3A_616 = vector.shape_cast %get3A_615 : vector<1x16xf32> to vector<16xf32>
        %mul3A_617 = vector.broadcast %squeeze3A_520 : f32 to vector<16xf32>
        %mul3A_618 = arith.mulf %get3A_616, %mul3A_617 : vector<16xf32>
        %add3A_619 = arith.constant 4 : i32
        %add3A_620 = arith.addi %mul3A_33, %add3A_619 : i32
        %swap3A_621 = arith.index_cast %add3A_620 : i32 to index
        %swap3A_622 = arith.constant 96 : index
        %swap3A_623 = tpu.vector_load %arg11[%swap3A_621, %swap3A_622] {strides = array<i32>} : memref<128x128xf32, #tpu.memory_space<vmem>>, vector<1x16xf32>,
        %swap3A_624 = vector.shape_cast %swap3A_623 : vector<1x16xf32> to vector<16xf32>
        %swap3A_625 = vector.shape_cast %mul3A_618 : vector<16xf32> to vector<1x16xf32>
        tpu.vector_store %arg11[%swap3A_621, %swap3A_622], %swap3A_625 {strides = array<i32>} : memref<128x128xf32, #tpu.memory_space<vmem>>, vector<1x16xf32>,
        %add3A_626 = arith.constant 4 : i32
        %add3A_627 = arith.addi %mul3A_33, %add3A_626 : i32
        %get3A_628 = arith.index_cast %add3A_627 : i32 to index
        %get3A_629 = arith.constant 112 : index
        %get3A_630 = tpu.vector_load %arg11[%get3A_628, %get3A_629] {strides = array<i32>} : memref<128x128xf32, #tpu.memory_space<vmem>>, vector<1x16xf32>,
        %get3A_631 = vector.shape_cast %get3A_630 : vector<1x16xf32> to vector<16xf32>
        %mul3A_632 = vector.broadcast %squeeze3A_520 : f32 to vector<16xf32>
        %mul3A_633 = arith.mulf %get3A_631, %mul3A_632 : vector<16xf32>
        %add3A_634 = arith.constant 4 : i32
        %add3A_635 = arith.addi %mul3A_33, %add3A_634 : i32
        %swap3A_636 = arith.index_cast %add3A_635 : i32 to index
        %swap3A_637 = arith.constant 112 : index
        %swap3A_638 = tpu.vector_load %arg11[%swap3A_636, %swap3A_637] {strides = array<i32>} : memref<128x128xf32, #tpu.memory_space<vmem>>, vector<1x16xf32>,
        %swap3A_639 = vector.shape_cast %swap3A_638 : vector<1x16xf32> to vector<16xf32>
        %swap3A_640 = vector.shape_cast %mul3A_633 : vector<16xf32> to vector<1x16xf32>
        tpu.vector_store %arg11[%swap3A_636, %swap3A_637], %swap3A_640 {strides = array<i32>} : memref<128x128xf32, #tpu.memory_space<vmem>>, vector<1x16xf32>,
        %slice3A_641 = vector.extract_strided_slice %get3A_31 {offsets = [5], sizes = [1], strides = [1]} : vector<16xf32> to vector<1xf32>
        %squeeze3A_642 = vector.extract %slice3A_641[0] : f32 from vector<1xf32>
        %add3A_643 = arith.constant 5 : i32
        %add3A_644 = arith.addi %mul3A_33, %add3A_643 : i32
        %get3A_645 = arith.index_cast %add3A_644 : i32 to index
        %get3A_646 = arith.constant 0 : index
        %get3A_647 = tpu.vector_load %arg11[%get3A_645, %get3A_646] {strides = array<i32>} : memref<128x128xf32, #tpu.memory_space<vmem>>, vector<1x16xf32>,
        %get3A_648 = vector.shape_cast %get3A_647 : vector<1x16xf32> to vector<16xf32>
        %mul3A_649 = vector.broadcast %squeeze3A_642 : f32 to vector<16xf32>
        %mul3A_650 = arith.mulf %get3A_648, %mul3A_649 : vector<16xf32>
        %add3A_651 = arith.constant 5 : i32
        %add3A_652 = arith.addi %mul3A_33, %add3A_651 : i32
        %swap3A_653 = arith.index_cast %add3A_652 : i32 to index
        %swap3A_654 = arith.constant 0 : index
        %swap3A_655 = tpu.vector_load %arg11[%swap3A_653, %swap3A_654] {strides = array<i32>} : memref<128x128xf32, #tpu.memory_space<vmem>>, vector<1x16xf32>,
        %swap3A_656 = vector.shape_cast %swap3A_655 : vector<1x16xf32> to vector<16xf32>
        %swap3A_657 = vector.shape_cast %mul3A_650 : vector<16xf32> to vector<1x16xf32>
        tpu.vector_store %arg11[%swap3A_653, %swap3A_654], %swap3A_657 {strides = array<i32>} : memref<128x128xf32, #tpu.memory_space<vmem>>, vector<1x16xf32>,
        %add3A_658 = arith.constant 5 : i32
        %add3A_659 = arith.addi %mul3A_33, %add3A_658 : i32
        %get3A_660 = arith.index_cast %add3A_659 : i32 to index
        %get3A_661 = arith.constant 16 : index
        %get3A_662 = tpu.vector_load %arg11[%get3A_660, %get3A_661] {strides = array<i32>} : memref<128x128xf32, #tpu.memory_space<vmem>>, vector<1x16xf32>,
        %get3A_663 = vector.shape_cast %get3A_662 : vector<1x16xf32> to vector<16xf32>
        %mul3A_664 = vector.broadcast %squeeze3A_642 : f32 to vector<16xf32>
        %mul3A_665 = arith.mulf %get3A_663, %mul3A_664 : vector<16xf32>
        %add3A_666 = arith.constant 5 : i32
        %add3A_667 = arith.addi %mul3A_33, %add3A_666 : i32
        %swap3A_668 = arith.index_cast %add3A_667 : i32 to index
        %swap3A_669 = arith.constant 16 : index
        %swap3A_670 = tpu.vector_load %arg11[%swap3A_668, %swap3A_669] {strides = array<i32>} : memref<128x128xf32, #tpu.memory_space<vmem>>, vector<1x16xf32>,
        %swap3A_671 = vector.shape_cast %swap3A_670 : vector<1x16xf32> to vector<16xf32>
        %swap3A_672 = vector.shape_cast %mul3A_665 : vector<16xf32> to vector<1x16xf32>
        tpu.vector_store %arg11[%swap3A_668, %swap3A_669], %swap3A_672 {strides = array<i32>} : memref<128x128xf32, #tpu.memory_space<vmem>>, vector<1x16xf32>,
        %add3A_673 = arith.constant 5 : i32
        %add3A_674 = arith.addi %mul3A_33, %add3A_673 : i32
        %get3A_675 = arith.index_cast %add3A_674 : i32 to index
        %get3A_676 = arith.constant 32 : index
        %get3A_677 = tpu.vector_load %arg11[%get3A_675, %get3A_676] {strides = array<i32>} : memref<128x128xf32, #tpu.memory_space<vmem>>, vector<1x16xf32>,
        %get3A_678 = vector.shape_cast %get3A_677 : vector<1x16xf32> to vector<16xf32>
        %mul3A_679 = vector.broadcast %squeeze3A_642 : f32 to vector<16xf32>
        %mul3A_680 = arith.mulf %get3A_678, %mul3A_679 : vector<16xf32>
        %add3A_681 = arith.constant 5 : i32
        %add3A_682 = arith.addi %mul3A_33, %add3A_681 : i32
        %swap3A_683 = arith.index_cast %add3A_682 : i32 to index
        %swap3A_684 = arith.constant 32 : index
        %swap3A_685 = tpu.vector_load %arg11[%swap3A_683, %swap3A_684] {strides = array<i32>} : memref<128x128xf32, #tpu.memory_space<vmem>>, vector<1x16xf32>,
        %swap3A_686 = vector.shape_cast %swap3A_685 : vector<1x16xf32> to vector<16xf32>
        %swap3A_687 = vector.shape_cast %mul3A_680 : vector<16xf32> to vector<1x16xf32>
        tpu.vector_store %arg11[%swap3A_683, %swap3A_684], %swap3A_687 {strides = array<i32>} : memref<128x128xf32, #tpu.memory_space<vmem>>, vector<1x16xf32>,
        %add3A_688 = arith.constant 5 : i32
        %add3A_689 = arith.addi %mul3A_33, %add3A_688 : i32
        %get3A_690 = arith.index_cast %add3A_689 : i32 to index
        %get3A_691 = arith.constant 48 : index
        %get3A_692 = tpu.vector_load %arg11[%get3A_690, %get3A_691] {strides = array<i32>} : memref<128x128xf32, #tpu.memory_space<vmem>>, vector<1x16xf32>,
        %get3A_693 = vector.shape_cast %get3A_692 : vector<1x16xf32> to vector<16xf32>
        %mul3A_694 = vector.broadcast %squeeze3A_642 : f32 to vector<16xf32>
        %mul3A_695 = arith.mulf %get3A_693, %mul3A_694 : vector<16xf32>
        %add3A_696 = arith.constant 5 : i32
        %add3A_697 = arith.addi %mul3A_33, %add3A_696 : i32
        %swap3A_698 = arith.index_cast %add3A_697 : i32 to index
        %swap3A_699 = arith.constant 48 : index
        %swap3A_700 = tpu.vector_load %arg11[%swap3A_698, %swap3A_699] {strides = array<i32>} : memref<128x128xf32, #tpu.memory_space<vmem>>, vector<1x16xf32>,
        %swap3A_701 = vector.shape_cast %swap3A_700 : vector<1x16xf32> to vector<16xf32>
        %swap3A_702 = vector.shape_cast %mul3A_695 : vector<16xf32> to vector<1x16xf32>
        tpu.vector_store %arg11[%swap3A_698, %swap3A_699], %swap3A_702 {strides = array<i32>} : memref<128x128xf32, #tpu.memory_space<vmem>>, vector<1x16xf32>,
        %add3A_703 = arith.constant 5 : i32
        %add3A_704 = arith.addi %mul3A_33, %add3A_703 : i32
        %get3A_705 = arith.index_cast %add3A_704 : i32 to index
        %get3A_706 = arith.constant 64 : index
        %get3A_707 = tpu.vector_load %arg11[%get3A_705, %get3A_706] {strides = array<i32>} : memref<128x128xf32, #tpu.memory_space<vmem>>, vector<1x16xf32>,
        %get3A_708 = vector.shape_cast %get3A_707 : vector<1x16xf32> to vector<16xf32>
        %mul3A_709 = vector.broadcast %squeeze3A_642 : f32 to vector<16xf32>
        %mul3A_710 = arith.mulf %get3A_708, %mul3A_709 : vector<16xf32>
        %add3A_711 = arith.constant 5 : i32
        %add3A_712 = arith.addi %mul3A_33, %add3A_711 : i32
        %swap3A_713 = arith.index_cast %add3A_712 : i32 to index
        %swap3A_714 = arith.constant 64 : index
        %swap3A_715 = tpu.vector_load %arg11[%swap3A_713, %swap3A_714] {strides = array<i32>} : memref<128x128xf32, #tpu.memory_space<vmem>>, vector<1x16xf32>,
        %swap3A_716 = vector.shape_cast %swap3A_715 : vector<1x16xf32> to vector<16xf32>
        %swap3A_717 = vector.shape_cast %mul3A_710 : vector<16xf32> to vector<1x16xf32>
        tpu.vector_store %arg11[%swap3A_713, %swap3A_714], %swap3A_717 {strides = array<i32>} : memref<128x128xf32, #tpu.memory_space<vmem>>, vector<1x16xf32>,
        %add3A_718 = arith.constant 5 : i32
        %add3A_719 = arith.addi %mul3A_33, %add3A_718 : i32
        %get3A_720 = arith.index_cast %add3A_719 : i32 to index
        %get3A_721 = arith.constant 80 : index
        %get3A_722 = tpu.vector_load %arg11[%get3A_720, %get3A_721] {strides = array<i32>} : memref<128x128xf32, #tpu.memory_space<vmem>>, vector<1x16xf32>,
        %get3A_723 = vector.shape_cast %get3A_722 : vector<1x16xf32> to vector<16xf32>
        %mul3A_724 = vector.broadcast %squeeze3A_642 : f32 to vector<16xf32>
        %mul3A_725 = arith.mulf %get3A_723, %mul3A_724 : vector<16xf32>
        %add3A_726 = arith.constant 5 : i32
        %add3A_727 = arith.addi %mul3A_33, %add3A_726 : i32
        %swap3A_728 = arith.index_cast %add3A_727 : i32 to index
        %swap3A_729 = arith.constant 80 : index
        %swap3A_730 = tpu.vector_load %arg11[%swap3A_728, %swap3A_729] {strides = array<i32>} : memref<128x128xf32, #tpu.memory_space<vmem>>, vector<1x16xf32>,
        %swap3A_731 = vector.shape_cast %swap3A_730 : vector<1x16xf32> to vector<16xf32>
        %swap3A_732 = vector.shape_cast %mul3A_725 : vector<16xf32> to vector<1x16xf32>
        tpu.vector_store %arg11[%swap3A_728, %swap3A_729], %swap3A_732 {strides = array<i32>} : memref<128x128xf32, #tpu.memory_space<vmem>>, vector<1x16xf32>,
        %add3A_733 = arith.constant 5 : i32
        %add3A_734 = arith.addi %mul3A_33, %add3A_733 : i32
        %get3A_735 = arith.index_cast %add3A_734 : i32 to index
        %get3A_736 = arith.constant 96 : index
        %get3A_737 = tpu.vector_load %arg11[%get3A_735, %get3A_736] {strides = array<i32>} : memref<128x128xf32, #tpu.memory_space<vmem>>, vector<1x16xf32>,
        %get3A_738 = vector.shape_cast %get3A_737 : vector<1x16xf32> to vector<16xf32>
        %mul3A_739 = vector.broadcast %squeeze3A_642 : f32 to vector<16xf32>
        %mul3A_740 = arith.mulf %get3A_738, %mul3A_739 : vector<16xf32>
        %add3A_741 = arith.constant 5 : i32
        %add3A_742 = arith.addi %mul3A_33, %add3A_741 : i32
        %swap3A_743 = arith.index_cast %add3A_742 : i32 to index
        %swap3A_744 = arith.constant 96 : index
        %swap3A_745 = tpu.vector_load %arg11[%swap3A_743, %swap3A_744] {strides = array<i32>} : memref<128x128xf32, #tpu.memory_space<vmem>>, vector<1x16xf32>,
        %swap3A_746 = vector.shape_cast %swap3A_745 : vector<1x16xf32> to vector<16xf32>
        %swap3A_747 = vector.shape_cast %mul3A_740 : vector<16xf32> to vector<1x16xf32>
        tpu.vector_store %arg11[%swap3A_743, %swap3A_744], %swap3A_747 {strides = array<i32>} : memref<128x128xf32, #tpu.memory_space<vmem>>, vector<1x16xf32>,
        %add3A_748 = arith.constant 5 : i32
        %add3A_749 = arith.addi %mul3A_33, %add3A_748 : i32
        %get3A_750 = arith.index_cast %add3A_749 : i32 to index
        %get3A_751 = arith.constant 112 : index
        %get3A_752 = tpu.vector_load %arg11[%get3A_750, %get3A_751] {strides = array<i32>} : memref<128x128xf32, #tpu.memory_space<vmem>>, vector<1x16xf32>,
        %get3A_753 = vector.shape_cast %get3A_752 : vector<1x16xf32> to vector<16xf32>
        %mul3A_754 = vector.broadcast %squeeze3A_642 : f32 to vector<16xf32>
        %mul3A_755 = arith.mulf %get3A_753, %mul3A_754 : vector<16xf32>
        %add3A_756 = arith.constant 5 : i32
        %add3A_757 = arith.addi %mul3A_33, %add3A_756 : i32
        %swap3A_758 = arith.index_cast %add3A_757 : i32 to index
        %swap3A_759 = arith.constant 112 : index
        %swap3A_760 = tpu.vector_load %arg11[%swap3A_758, %swap3A_759] {strides = array<i32>} : memref<128x128xf32, #tpu.memory_space<vmem>>, vector<1x16xf32>,
        %swap3A_761 = vector.shape_cast %swap3A_760 : vector<1x16xf32> to vector<16xf32>
        %swap3A_762 = vector.shape_cast %mul3A_755 : vector<16xf32> to vector<1x16xf32>
        tpu.vector_store %arg11[%swap3A_758, %swap3A_759], %swap3A_762 {strides = array<i32>} : memref<128x128xf32, #tpu.memory_space<vmem>>, vector<1x16xf32>,
        %slice3A_763 = vector.extract_strided_slice %get3A_31 {offsets = [6], sizes = [1], strides = [1]} : vector<16xf32> to vector<1xf32>
        %squeeze3A_764 = vector.extract %slice3A_763[0] : f32 from vector<1xf32>
        %add3A_765 = arith.constant 6 : i32
        %add3A_766 = arith.addi %mul3A_33, %add3A_765 : i32
        %get3A_767 = arith.index_cast %add3A_766 : i32 to index
        %get3A_768 = arith.constant 0 : index
        %get3A_769 = tpu.vector_load %arg11[%get3A_767, %get3A_768] {strides = array<i32>} : memref<128x128xf32, #tpu.memory_space<vmem>>, vector<1x16xf32>,
        %get3A_770 = vector.shape_cast %get3A_769 : vector<1x16xf32> to vector<16xf32>
        %mul3A_771 = vector.broadcast %squeeze3A_764 : f32 to vector<16xf32>
        %mul3A_772 = arith.mulf %get3A_770, %mul3A_771 : vector<16xf32>
        %add3A_773 = arith.constant 6 : i32
        %add3A_774 = arith.addi %mul3A_33, %add3A_773 : i32
        %swap3A_775 = arith.index_cast %add3A_774 : i32 to index
        %swap3A_776 = arith.constant 0 : index
        %swap3A_777 = tpu.vector_load %arg11[%swap3A_775, %swap3A_776] {strides = array<i32>} : memref<128x128xf32, #tpu.memory_space<vmem>>, vector<1x16xf32>,
        %swap3A_778 = vector.shape_cast %swap3A_777 : vector<1x16xf32> to vector<16xf32>
        %swap3A_779 = vector.shape_cast %mul3A_772 : vector<16xf32> to vector<1x16xf32>
        tpu.vector_store %arg11[%swap3A_775, %swap3A_776], %swap3A_779 {strides = array<i32>} : memref<128x128xf32, #tpu.memory_space<vmem>>, vector<1x16xf32>,
        %add3A_780 = arith.constant 6 : i32
        %add3A_781 = arith.addi %mul3A_33, %add3A_780 : i32
        %get3A_782 = arith.index_cast %add3A_781 : i32 to index
        %get3A_783 = arith.constant 16 : index
        %get3A_784 = tpu.vector_load %arg11[%get3A_782, %get3A_783] {strides = array<i32>} : memref<128x128xf32, #tpu.memory_space<vmem>>, vector<1x16xf32>,
        %get3A_785 = vector.shape_cast %get3A_784 : vector<1x16xf32> to vector<16xf32>
        %mul3A_786 = vector.broadcast %squeeze3A_764 : f32 to vector<16xf32>
        %mul3A_787 = arith.mulf %get3A_785, %mul3A_786 : vector<16xf32>
        %add3A_788 = arith.constant 6 : i32
        %add3A_789 = arith.addi %mul3A_33, %add3A_788 : i32
        %swap3A_790 = arith.index_cast %add3A_789 : i32 to index
        %swap3A_791 = arith.constant 16 : index
        %swap3A_792 = tpu.vector_load %arg11[%swap3A_790, %swap3A_791] {strides = array<i32>} : memref<128x128xf32, #tpu.memory_space<vmem>>, vector<1x16xf32>,
        %swap3A_793 = vector.shape_cast %swap3A_792 : vector<1x16xf32> to vector<16xf32>
        %swap3A_794 = vector.shape_cast %mul3A_787 : vector<16xf32> to vector<1x16xf32>
        tpu.vector_store %arg11[%swap3A_790, %swap3A_791], %swap3A_794 {strides = array<i32>} : memref<128x128xf32, #tpu.memory_space<vmem>>, vector<1x16xf32>,
        %add3A_795 = arith.constant 6 : i32
        %add3A_796 = arith.addi %mul3A_33, %add3A_795 : i32
        %get3A_797 = arith.index_cast %add3A_796 : i32 to index
        %get3A_798 = arith.constant 32 : index
        %get3A_799 = tpu.vector_load %arg11[%get3A_797, %get3A_798] {strides = array<i32>} : memref<128x128xf32, #tpu.memory_space<vmem>>, vector<1x16xf32>,
        %get3A_800 = vector.shape_cast %get3A_799 : vector<1x16xf32> to vector<16xf32>
        %mul3A_801 = vector.broadcast %squeeze3A_764 : f32 to vector<16xf32>
        %mul3A_802 = arith.mulf %get3A_800, %mul3A_801 : vector<16xf32>
        %add3A_803 = arith.constant 6 : i32
        %add3A_804 = arith.addi %mul3A_33, %add3A_803 : i32
        %swap3A_805 = arith.index_cast %add3A_804 : i32 to index
        %swap3A_806 = arith.constant 32 : index
        %swap3A_807 = tpu.vector_load %arg11[%swap3A_805, %swap3A_806] {strides = array<i32>} : memref<128x128xf32, #tpu.memory_space<vmem>>, vector<1x16xf32>,
        %swap3A_808 = vector.shape_cast %swap3A_807 : vector<1x16xf32> to vector<16xf32>
        %swap3A_809 = vector.shape_cast %mul3A_802 : vector<16xf32> to vector<1x16xf32>
        tpu.vector_store %arg11[%swap3A_805, %swap3A_806], %swap3A_809 {strides = array<i32>} : memref<128x128xf32, #tpu.memory_space<vmem>>, vector<1x16xf32>,
        %add3A_810 = arith.constant 6 : i32
        %add3A_811 = arith.addi %mul3A_33, %add3A_810 : i32
        %get3A_812 = arith.index_cast %add3A_811 : i32 to index
        %get3A_813 = arith.constant 48 : index
        %get3A_814 = tpu.vector_load %arg11[%get3A_812, %get3A_813] {strides = array<i32>} : memref<128x128xf32, #tpu.memory_space<vmem>>, vector<1x16xf32>,
        %get3A_815 = vector.shape_cast %get3A_814 : vector<1x16xf32> to vector<16xf32>
        %mul3A_816 = vector.broadcast %squeeze3A_764 : f32 to vector<16xf32>
        %mul3A_817 = arith.mulf %get3A_815, %mul3A_816 : vector<16xf32>
        %add3A_818 = arith.constant 6 : i32
        %add3A_819 = arith.addi %mul3A_33, %add3A_818 : i32
        %swap3A_820 = arith.index_cast %add3A_819 : i32 to index
        %swap3A_821 = arith.constant 48 : index
        %swap3A_822 = tpu.vector_load %arg11[%swap3A_820, %swap3A_821] {strides = array<i32>} : memref<128x128xf32, #tpu.memory_space<vmem>>, vector<1x16xf32>,
        %swap3A_823 = vector.shape_cast %swap3A_822 : vector<1x16xf32> to vector<16xf32>
        %swap3A_824 = vector.shape_cast %mul3A_817 : vector<16xf32> to vector<1x16xf32>
        tpu.vector_store %arg11[%swap3A_820, %swap3A_821], %swap3A_824 {strides = array<i32>} : memref<128x128xf32, #tpu.memory_space<vmem>>, vector<1x16xf32>,
        %add3A_825 = arith.constant 6 : i32
        %add3A_826 = arith.addi %mul3A_33, %add3A_825 : i32
        %get3A_827 = arith.index_cast %add3A_826 : i32 to index
        %get3A_828 = arith.constant 64 : index
        %get3A_829 = tpu.vector_load %arg11[%get3A_827, %get3A_828] {strides = array<i32>} : memref<128x128xf32, #tpu.memory_space<vmem>>, vector<1x16xf32>,
        %get3A_830 = vector.shape_cast %get3A_829 : vector<1x16xf32> to vector<16xf32>
        %mul3A_831 = vector.broadcast %squeeze3A_764 : f32 to vector<16xf32>
        %mul3A_832 = arith.mulf %get3A_830, %mul3A_831 : vector<16xf32>
        %add3A_833 = arith.constant 6 : i32
        %add3A_834 = arith.addi %mul3A_33, %add3A_833 : i32
        %swap3A_835 = arith.index_cast %add3A_834 : i32 to index
        %swap3A_836 = arith.constant 64 : index
        %swap3A_837 = tpu.vector_load %arg11[%swap3A_835, %swap3A_836] {strides = array<i32>} : memref<128x128xf32, #tpu.memory_space<vmem>>, vector<1x16xf32>,
        %swap3A_838 = vector.shape_cast %swap3A_837 : vector<1x16xf32> to vector<16xf32>
        %swap3A_839 = vector.shape_cast %mul3A_832 : vector<16xf32> to vector<1x16xf32>
        tpu.vector_store %arg11[%swap3A_835, %swap3A_836], %swap3A_839 {strides = array<i32>} : memref<128x128xf32, #tpu.memory_space<vmem>>, vector<1x16xf32>,
        %add3A_840 = arith.constant 6 : i32
        %add3A_841 = arith.addi %mul3A_33, %add3A_840 : i32
        %get3A_842 = arith.index_cast %add3A_841 : i32 to index
        %get3A_843 = arith.constant 80 : index
        %get3A_844 = tpu.vector_load %arg11[%get3A_842, %get3A_843] {strides = array<i32>} : memref<128x128xf32, #tpu.memory_space<vmem>>, vector<1x16xf32>,
        %get3A_845 = vector.shape_cast %get3A_844 : vector<1x16xf32> to vector<16xf32>
        %mul3A_846 = vector.broadcast %squeeze3A_764 : f32 to vector<16xf32>
        %mul3A_847 = arith.mulf %get3A_845, %mul3A_846 : vector<16xf32>
        %add3A_848 = arith.constant 6 : i32
        %add3A_849 = arith.addi %mul3A_33, %add3A_848 : i32
        %swap3A_850 = arith.index_cast %add3A_849 : i32 to index
        %swap3A_851 = arith.constant 80 : index
        %swap3A_852 = tpu.vector_load %arg11[%swap3A_850, %swap3A_851] {strides = array<i32>} : memref<128x128xf32, #tpu.memory_space<vmem>>, vector<1x16xf32>,
        %swap3A_853 = vector.shape_cast %swap3A_852 : vector<1x16xf32> to vector<16xf32>
        %swap3A_854 = vector.shape_cast %mul3A_847 : vector<16xf32> to vector<1x16xf32>
        tpu.vector_store %arg11[%swap3A_850, %swap3A_851], %swap3A_854 {strides = array<i32>} : memref<128x128xf32, #tpu.memory_space<vmem>>, vector<1x16xf32>,
        %add3A_855 = arith.constant 6 : i32
        %add3A_856 = arith.addi %mul3A_33, %add3A_855 : i32
        %get3A_857 = arith.index_cast %add3A_856 : i32 to index
        %get3A_858 = arith.constant 96 : index
        %get3A_859 = tpu.vector_load %arg11[%get3A_857, %get3A_858] {strides = array<i32>} : memref<128x128xf32, #tpu.memory_space<vmem>>, vector<1x16xf32>,
        %get3A_860 = vector.shape_cast %get3A_859 : vector<1x16xf32> to vector<16xf32>
        %mul3A_861 = vector.broadcast %squeeze3A_764 : f32 to vector<16xf32>
        %mul3A_862 = arith.mulf %get3A_860, %mul3A_861 : vector<16xf32>
        %add3A_863 = arith.constant 6 : i32
        %add3A_864 = arith.addi %mul3A_33, %add3A_863 : i32
        %swap3A_865 = arith.index_cast %add3A_864 : i32 to index
        %swap3A_866 = arith.constant 96 : index
        %swap3A_867 = tpu.vector_load %arg11[%swap3A_865, %swap3A_866] {strides = array<i32>} : memref<128x128xf32, #tpu.memory_space<vmem>>, vector<1x16xf32>,
        %swap3A_868 = vector.shape_cast %swap3A_867 : vector<1x16xf32> to vector<16xf32>
        %swap3A_869 = vector.shape_cast %mul3A_862 : vector<16xf32> to vector<1x16xf32>
        tpu.vector_store %arg11[%swap3A_865, %swap3A_866], %swap3A_869 {strides = array<i32>} : memref<128x128xf32, #tpu.memory_space<vmem>>, vector<1x16xf32>,
        %add3A_870 = arith.constant 6 : i32
        %add3A_871 = arith.addi %mul3A_33, %add3A_870 : i32
        %get3A_872 = arith.index_cast %add3A_871 : i32 to index
        %get3A_873 = arith.constant 112 : index
        %get3A_874 = tpu.vector_load %arg11[%get3A_872, %get3A_873] {strides = array<i32>} : memref<128x128xf32, #tpu.memory_space<vmem>>, vector<1x16xf32>,
        %get3A_875 = vector.shape_cast %get3A_874 : vector<1x16xf32> to vector<16xf32>
        %mul3A_876 = vector.broadcast %squeeze3A_764 : f32 to vector<16xf32>
        %mul3A_877 = arith.mulf %get3A_875, %mul3A_876 : vector<16xf32>
        %add3A_878 = arith.constant 6 : i32
        %add3A_879 = arith.addi %mul3A_33, %add3A_878 : i32
        %swap3A_880 = arith.index_cast %add3A_879 : i32 to index
        %swap3A_881 = arith.constant 112 : index
        %swap3A_882 = tpu.vector_load %arg11[%swap3A_880, %swap3A_881] {strides = array<i32>} : memref<128x128xf32, #tpu.memory_space<vmem>>, vector<1x16xf32>,
        %swap3A_883 = vector.shape_cast %swap3A_882 : vector<1x16xf32> to vector<16xf32>
        %swap3A_884 = vector.shape_cast %mul3A_877 : vector<16xf32> to vector<1x16xf32>
        tpu.vector_store %arg11[%swap3A_880, %swap3A_881], %swap3A_884 {strides = array<i32>} : memref<128x128xf32, #tpu.memory_space<vmem>>, vector<1x16xf32>,
        %slice3A_885 = vector.extract_strided_slice %get3A_31 {offsets = [7], sizes = [1], strides = [1]} : vector<16xf32> to vector<1xf32>
        %squeeze3A_886 = vector.extract %slice3A_885[0] : f32 from vector<1xf32>
        %add3A_887 = arith.constant 7 : i32
        %add3A_888 = arith.addi %mul3A_33, %add3A_887 : i32
        %get3A_889 = arith.index_cast %add3A_888 : i32 to index
        %get3A_890 = arith.constant 0 : index
        %get3A_891 = tpu.vector_load %arg11[%get3A_889, %get3A_890] {strides = array<i32>} : memref<128x128xf32, #tpu.memory_space<vmem>>, vector<1x16xf32>,
        %get3A_892 = vector.shape_cast %get3A_891 : vector<1x16xf32> to vector<16xf32>
        %mul3A_893 = vector.broadcast %squeeze3A_886 : f32 to vector<16xf32>
        %mul3A_894 = arith.mulf %get3A_892, %mul3A_893 : vector<16xf32>
        %add3A_895 = arith.constant 7 : i32
        %add3A_896 = arith.addi %mul3A_33, %add3A_895 : i32
        %swap3A_897 = arith.index_cast %add3A_896 : i32 to index
        %swap3A_898 = arith.constant 0 : index
        %swap3A_899 = tpu.vector_load %arg11[%swap3A_897, %swap3A_898] {strides = array<i32>} : memref<128x128xf32, #tpu.memory_space<vmem>>, vector<1x16xf32>,
        %swap3A_900 = vector.shape_cast %swap3A_899 : vector<1x16xf32> to vector<16xf32>
        %swap3A_901 = vector.shape_cast %mul3A_894 : vector<16xf32> to vector<1x16xf32>
        tpu.vector_store %arg11[%swap3A_897, %swap3A_898], %swap3A_901 {strides = array<i32>} : memref<128x128xf32, #tpu.memory_space<vmem>>, vector<1x16xf32>,
        %add3A_902 = arith.constant 7 : i32
        %add3A_903 = arith.addi %mul3A_33, %add3A_902 : i32
        %get3A_904 = arith.index_cast %add3A_903 : i32 to index
        %get3A_905 = arith.constant 16 : index
        %get3A_906 = tpu.vector_load %arg11[%get3A_904, %get3A_905] {strides = array<i32>} : memref<128x128xf32, #tpu.memory_space<vmem>>, vector<1x16xf32>,
        %get3A_907 = vector.shape_cast %get3A_906 : vector<1x16xf32> to vector<16xf32>
        %mul3A_908 = vector.broadcast %squeeze3A_886 : f32 to vector<16xf32>
        %mul3A_909 = arith.mulf %get3A_907, %mul3A_908 : vector<16xf32>
        %add3A_910 = arith.constant 7 : i32
        %add3A_911 = arith.addi %mul3A_33, %add3A_910 : i32
        %swap3A_912 = arith.index_cast %add3A_911 : i32 to index
        %swap3A_913 = arith.constant 16 : index
        %swap3A_914 = tpu.vector_load %arg11[%swap3A_912, %swap3A_913] {strides = array<i32>} : memref<128x128xf32, #tpu.memory_space<vmem>>, vector<1x16xf32>,
        %swap3A_915 = vector.shape_cast %swap3A_914 : vector<1x16xf32> to vector<16xf32>
        %swap3A_916 = vector.shape_cast %mul3A_909 : vector<16xf32> to vector<1x16xf32>
        tpu.vector_store %arg11[%swap3A_912, %swap3A_913], %swap3A_916 {strides = array<i32>} : memref<128x128xf32, #tpu.memory_space<vmem>>, vector<1x16xf32>,
        %add3A_917 = arith.constant 7 : i32
        %add3A_918 = arith.addi %mul3A_33, %add3A_917 : i32
        %get3A_919 = arith.index_cast %add3A_918 : i32 to index
        %get3A_920 = arith.constant 32 : index
        %get3A_921 = tpu.vector_load %arg11[%get3A_919, %get3A_920] {strides = array<i32>} : memref<128x128xf32, #tpu.memory_space<vmem>>, vector<1x16xf32>,
        %get3A_922 = vector.shape_cast %get3A_921 : vector<1x16xf32> to vector<16xf32>
        %mul3A_923 = vector.broadcast %squeeze3A_886 : f32 to vector<16xf32>
        %mul3A_924 = arith.mulf %get3A_922, %mul3A_923 : vector<16xf32>
        %add3A_925 = arith.constant 7 : i32
        %add3A_926 = arith.addi %mul3A_33, %add3A_925 : i32
        %swap3A_927 = arith.index_cast %add3A_926 : i32 to index
        %swap3A_928 = arith.constant 32 : index
        %swap3A_929 = tpu.vector_load %arg11[%swap3A_927, %swap3A_928] {strides = array<i32>} : memref<128x128xf32, #tpu.memory_space<vmem>>, vector<1x16xf32>,
        %swap3A_930 = vector.shape_cast %swap3A_929 : vector<1x16xf32> to vector<16xf32>
        %swap3A_931 = vector.shape_cast %mul3A_924 : vector<16xf32> to vector<1x16xf32>
        tpu.vector_store %arg11[%swap3A_927, %swap3A_928], %swap3A_931 {strides = array<i32>} : memref<128x128xf32, #tpu.memory_space<vmem>>, vector<1x16xf32>,
        %add3A_932 = arith.constant 7 : i32
        %add3A_933 = arith.addi %mul3A_33, %add3A_932 : i32
        %get3A_934 = arith.index_cast %add3A_933 : i32 to index
        %get3A_935 = arith.constant 48 : index
        %get3A_936 = tpu.vector_load %arg11[%get3A_934, %get3A_935] {strides = array<i32>} : memref<128x128xf32, #tpu.memory_space<vmem>>, vector<1x16xf32>,
        %get3A_937 = vector.shape_cast %get3A_936 : vector<1x16xf32> to vector<16xf32>
        %mul3A_938 = vector.broadcast %squeeze3A_886 : f32 to vector<16xf32>
        %mul3A_939 = arith.mulf %get3A_937, %mul3A_938 : vector<16xf32>
        %add3A_940 = arith.constant 7 : i32
        %add3A_941 = arith.addi %mul3A_33, %add3A_940 : i32
        %swap3A_942 = arith.index_cast %add3A_941 : i32 to index
        %swap3A_943 = arith.constant 48 : index
        %swap3A_944 = tpu.vector_load %arg11[%swap3A_942, %swap3A_943] {strides = array<i32>} : memref<128x128xf32, #tpu.memory_space<vmem>>, vector<1x16xf32>,
        %swap3A_945 = vector.shape_cast %swap3A_944 : vector<1x16xf32> to vector<16xf32>
        %swap3A_946 = vector.shape_cast %mul3A_939 : vector<16xf32> to vector<1x16xf32>
        tpu.vector_store %arg11[%swap3A_942, %swap3A_943], %swap3A_946 {strides = array<i32>} : memref<128x128xf32, #tpu.memory_space<vmem>>, vector<1x16xf32>,
        %add3A_947 = arith.constant 7 : i32
        %add3A_948 = arith.addi %mul3A_33, %add3A_947 : i32
        %get3A_949 = arith.index_cast %add3A_948 : i32 to index
        %get3A_950 = arith.constant 64 : index
        %get3A_951 = tpu.vector_load %arg11[%get3A_949, %get3A_950] {strides = array<i32>} : memref<128x128xf32, #tpu.memory_space<vmem>>, vector<1x16xf32>,
        %get3A_952 = vector.shape_cast %get3A_951 : vector<1x16xf32> to vector<16xf32>
        %mul3A_953 = vector.broadcast %squeeze3A_886 : f32 to vector<16xf32>
        %mul3A_954 = arith.mulf %get3A_952, %mul3A_953 : vector<16xf32>
        %add3A_955 = arith.constant 7 : i32
        %add3A_956 = arith.addi %mul3A_33, %add3A_955 : i32
        %swap3A_957 = arith.index_cast %add3A_956 : i32 to index
        %swap3A_958 = arith.constant 64 : index
        %swap3A_959 = tpu.vector_load %arg11[%swap3A_957, %swap3A_958] {strides = array<i32>} : memref<128x128xf32, #tpu.memory_space<vmem>>, vector<1x16xf32>,
        %swap3A_960 = vector.shape_cast %swap3A_959 : vector<1x16xf32> to vector<16xf32>
        %swap3A_961 = vector.shape_cast %mul3A_954 : vector<16xf32> to vector<1x16xf32>
        tpu.vector_store %arg11[%swap3A_957, %swap3A_958], %swap3A_961 {strides = array<i32>} : memref<128x128xf32, #tpu.memory_space<vmem>>, vector<1x16xf32>,
        %add3A_962 = arith.constant 7 : i32
        %add3A_963 = arith.addi %mul3A_33, %add3A_962 : i32
        %get3A_964 = arith.index_cast %add3A_963 : i32 to index
        %get3A_965 = arith.constant 80 : index
        %get3A_966 = tpu.vector_load %arg11[%get3A_964, %get3A_965] {strides = array<i32>} : memref<128x128xf32, #tpu.memory_space<vmem>>, vector<1x16xf32>,
        %get3A_967 = vector.shape_cast %get3A_966 : vector<1x16xf32> to vector<16xf32>
        %mul3A_968 = vector.broadcast %squeeze3A_886 : f32 to vector<16xf32>
        %mul3A_969 = arith.mulf %get3A_967, %mul3A_968 : vector<16xf32>
        %add3A_970 = arith.constant 7 : i32
        %add3A_971 = arith.addi %mul3A_33, %add3A_970 : i32
        %swap3A_972 = arith.index_cast %add3A_971 : i32 to index
        %swap3A_973 = arith.constant 80 : index
        %swap3A_974 = tpu.vector_load %arg11[%swap3A_972, %swap3A_973] {strides = array<i32>} : memref<128x128xf32, #tpu.memory_space<vmem>>, vector<1x16xf32>,
        %swap3A_975 = vector.shape_cast %swap3A_974 : vector<1x16xf32> to vector<16xf32>
        %swap3A_976 = vector.shape_cast %mul3A_969 : vector<16xf32> to vector<1x16xf32>
        tpu.vector_store %arg11[%swap3A_972, %swap3A_973], %swap3A_976 {strides = array<i32>} : memref<128x128xf32, #tpu.memory_space<vmem>>, vector<1x16xf32>,
        %add3A_977 = arith.constant 7 : i32
        %add3A_978 = arith.addi %mul3A_33, %add3A_977 : i32
        %get3A_979 = arith.index_cast %add3A_978 : i32 to index
        %get3A_980 = arith.constant 96 : index
        %get3A_981 = tpu.vector_load %arg11[%get3A_979, %get3A_980] {strides = array<i32>} : memref<128x128xf32, #tpu.memory_space<vmem>>, vector<1x16xf32>,
        %get3A_982 = vector.shape_cast %get3A_981 : vector<1x16xf32> to vector<16xf32>
        %mul3A_983 = vector.broadcast %squeeze3A_886 : f32 to vector<16xf32>
        %mul3A_984 = arith.mulf %get3A_982, %mul3A_983 : vector<16xf32>
        %add3A_985 = arith.constant 7 : i32
        %add3A_986 = arith.addi %mul3A_33, %add3A_985 : i32
        %swap3A_987 = arith.index_cast %add3A_986 : i32 to index
        %swap3A_988 = arith.constant 96 : index
        %swap3A_989 = tpu.vector_load %arg11[%swap3A_987, %swap3A_988] {strides = array<i32>} : memref<128x128xf32, #tpu.memory_space<vmem>>, vector<1x16xf32>,
        %swap3A_990 = vector.shape_cast %swap3A_989 : vector<1x16xf32> to vector<16xf32>
        %swap3A_991 = vector.shape_cast %mul3A_984 : vector<16xf32> to vector<1x16xf32>
        tpu.vector_store %arg11[%swap3A_987, %swap3A_988], %swap3A_991 {strides = array<i32>} : memref<128x128xf32, #tpu.memory_space<vmem>>, vector<1x16xf32>,
        %add3A_992 = arith.constant 7 : i32
        %add3A_993 = arith.addi %mul3A_33, %add3A_992 : i32
        %get3A_994 = arith.index_cast %add3A_993 : i32 to index
        %get3A_995 = arith.constant 112 : index
        %get3A_996 = tpu.vector_load %arg11[%get3A_994, %get3A_995] {strides = array<i32>} : memref<128x128xf32, #tpu.memory_space<vmem>>, vector<1x16xf32>,
        %get3A_997 = vector.shape_cast %get3A_996 : vector<1x16xf32> to vector<16xf32>
        %mul3A_998 = vector.broadcast %squeeze3A_886 : f32 to vector<16xf32>
        %mul3A_999 = arith.mulf %get3A_997, %mul3A_998 : vector<16xf32>
        %add3A_1000 = arith.constant 7 : i32
        %add3A_1001 = arith.addi %mul3A_33, %add3A_1000 : i32
        %swap3A_1002 = arith.index_cast %add3A_1001 : i32 to index
        %swap3A_1003 = arith.constant 112 : index
        %swap3A_1004 = tpu.vector_load %arg11[%swap3A_1002, %swap3A_1003] {strides = array<i32>} : memref<128x128xf32, #tpu.memory_space<vmem>>, vector<1x16xf32>,
        %swap3A_1005 = vector.shape_cast %swap3A_1004 : vector<1x16xf32> to vector<16xf32>
        %swap3A_1006 = vector.shape_cast %mul3A_999 : vector<16xf32> to vector<1x16xf32>
        tpu.vector_store %arg11[%swap3A_1002, %swap3A_1003], %swap3A_1006 {strides = array<i32>} : memref<128x128xf32, #tpu.memory_space<vmem>>, vector<1x16xf32>,
        %slice3A_1007 = vector.extract_strided_slice %get3A_31 {offsets = [8], sizes = [1], strides = [1]} : vector<16xf32> to vector<1xf32>
        %squeeze3A_1008 = vector.extract %slice3A_1007[0] : f32 from vector<1xf32>
        %add3A_1009 = arith.constant 8 : i32
        %add3A_1010 = arith.addi %mul3A_33, %add3A_1009 : i32
        %get3A_1011 = arith.index_cast %add3A_1010 : i32 to index
        %get3A_1012 = arith.constant 0 : index
        %get3A_1013 = tpu.vector_load %arg11[%get3A_1011, %get3A_1012] {strides = array<i32>} : memref<128x128xf32, #tpu.memory_space<vmem>>, vector<1x16xf32>,
        %get3A_1014 = vector.shape_cast %get3A_1013 : vector<1x16xf32> to vector<16xf32>
        %mul3A_1015 = vector.broadcast %squeeze3A_1008 : f32 to vector<16xf32>
        %mul3A_1016 = arith.mulf %get3A_1014, %mul3A_1015 : vector<16xf32>
        %add3A_1017 = arith.constant 8 : i32
        %add3A_1018 = arith.addi %mul3A_33, %add3A_1017 : i32
        %swap3A_1019 = arith.index_cast %add3A_1018 : i32 to index
        %swap3A_1020 = arith.constant 0 : index
        %swap3A_1021 = tpu.vector_load %arg11[%swap3A_1019, %swap3A_1020] {strides = array<i32>} : memref<128x128xf32, #tpu.memory_space<vmem>>, vector<1x16xf32>,
        %swap3A_1022 = vector.shape_cast %swap3A_1021 : vector<1x16xf32> to vector<16xf32>
        %swap3A_1023 = vector.shape_cast %mul3A_1016 : vector<16xf32> to vector<1x16xf32>
        tpu.vector_store %arg11[%swap3A_1019, %swap3A_1020], %swap3A_1023 {strides = array<i32>} : memref<128x128xf32, #tpu.memory_space<vmem>>, vector<1x16xf32>,
        %add3A_1024 = arith.constant 8 : i32
        %add3A_1025 = arith.addi %mul3A_33, %add3A_1024 : i32
        %get3A_1026 = arith.index_cast %add3A_1025 : i32 to index
        %get3A_1027 = arith.constant 16 : index
        %get3A_1028 = tpu.vector_load %arg11[%get3A_1026, %get3A_1027] {strides = array<i32>} : memref<128x128xf32, #tpu.memory_space<vmem>>, vector<1x16xf32>,
        %get3A_1029 = vector.shape_cast %get3A_1028 : vector<1x16xf32> to vector<16xf32>
        %mul3A_1030 = vector.broadcast %squeeze3A_1008 : f32 to vector<16xf32>
        %mul3A_1031 = arith.mulf %get3A_1029, %mul3A_1030 : vector<16xf32>
        %add3A_1032 = arith.constant 8 : i32
        %add3A_1033 = arith.addi %mul3A_33, %add3A_1032 : i32
        %swap3A_1034 = arith.index_cast %add3A_1033 : i32 to index
        %swap3A_1035 = arith.constant 16 : index
        %swap3A_1036 = tpu.vector_load %arg11[%swap3A_1034, %swap3A_1035] {strides = array<i32>} : memref<128x128xf32, #tpu.memory_space<vmem>>, vector<1x16xf32>,
        %swap3A_1037 = vector.shape_cast %swap3A_1036 : vector<1x16xf32> to vector<16xf32>
        %swap3A_1038 = vector.shape_cast %mul3A_1031 : vector<16xf32> to vector<1x16xf32>
        tpu.vector_store %arg11[%swap3A_1034, %swap3A_1035], %swap3A_1038 {strides = array<i32>} : memref<128x128xf32, #tpu.memory_space<vmem>>, vector<1x16xf32>,
        %add3A_1039 = arith.constant 8 : i32
        %add3A_1040 = arith.addi %mul3A_33, %add3A_1039 : i32
        %get3A_1041 = arith.index_cast %add3A_1040 : i32 to index
        %get3A_1042 = arith.constant 32 : index
        %get3A_1043 = tpu.vector_load %arg11[%get3A_1041, %get3A_1042] {strides = array<i32>} : memref<128x128xf32, #tpu.memory_space<vmem>>, vector<1x16xf32>,
        %get3A_1044 = vector.shape_cast %get3A_1043 : vector<1x16xf32> to vector<16xf32>
        %mul3A_1045 = vector.broadcast %squeeze3A_1008 : f32 to vector<16xf32>
        %mul3A_1046 = arith.mulf %get3A_1044, %mul3A_1045 : vector<16xf32>
        %add3A_1047 = arith.constant 8 : i32
        %add3A_1048 = arith.addi %mul3A_33, %add3A_1047 : i32
        %swap3A_1049 = arith.index_cast %add3A_1048 : i32 to index
        %swap3A_1050 = arith.constant 32 : index
        %swap3A_1051 = tpu.vector_load %arg11[%swap3A_1049, %swap3A_1050] {strides = array<i32>} : memref<128x128xf32, #tpu.memory_space<vmem>>, vector<1x16xf32>,
        %swap3A_1052 = vector.shape_cast %swap3A_1051 : vector<1x16xf32> to vector<16xf32>
        %swap3A_1053 = vector.shape_cast %mul3A_1046 : vector<16xf32> to vector<1x16xf32>
        tpu.vector_store %arg11[%swap3A_1049, %swap3A_1050], %swap3A_1053 {strides = array<i32>} : memref<128x128xf32, #tpu.memory_space<vmem>>, vector<1x16xf32>,
        %add3A_1054 = arith.constant 8 : i32
        %add3A_1055 = arith.addi %mul3A_33, %add3A_1054 : i32
        %get3A_1056 = arith.index_cast %add3A_1055 : i32 to index
        %get3A_1057 = arith.constant 48 : index
        %get3A_1058 = tpu.vector_load %arg11[%get3A_1056, %get3A_1057] {strides = array<i32>} : memref<128x128xf32, #tpu.memory_space<vmem>>, vector<1x16xf32>,
        %get3A_1059 = vector.shape_cast %get3A_1058 : vector<1x16xf32> to vector<16xf32>
        %mul3A_1060 = vector.broadcast %squeeze3A_1008 : f32 to vector<16xf32>
        %mul3A_1061 = arith.mulf %get3A_1059, %mul3A_1060 : vector<16xf32>
        %add3A_1062 = arith.constant 8 : i32
        %add3A_1063 = arith.addi %mul3A_33, %add3A_1062 : i32
        %swap3A_1064 = arith.index_cast %add3A_1063 : i32 to index
        %swap3A_1065 = arith.constant 48 : index
        %swap3A_1066 = tpu.vector_load %arg11[%swap3A_1064, %swap3A_1065] {strides = array<i32>} : memref<128x128xf32, #tpu.memory_space<vmem>>, vector<1x16xf32>,
        %swap3A_1067 = vector.shape_cast %swap3A_1066 : vector<1x16xf32> to vector<16xf32>
        %swap3A_1068 = vector.shape_cast %mul3A_1061 : vector<16xf32> to vector<1x16xf32>
        tpu.vector_store %arg11[%swap3A_1064, %swap3A_1065], %swap3A_1068 {strides = array<i32>} : memref<128x128xf32, #tpu.memory_space<vmem>>, vector<1x16xf32>,
        %add3A_1069 = arith.constant 8 : i32
        %add3A_1070 = arith.addi %mul3A_33, %add3A_1069 : i32
        %get3A_1071 = arith.index_cast %add3A_1070 : i32 to index
        %get3A_1072 = arith.constant 64 : index
        %get3A_1073 = tpu.vector_load %arg11[%get3A_1071, %get3A_1072] {strides = array<i32>} : memref<128x128xf32, #tpu.memory_space<vmem>>, vector<1x16xf32>,
        %get3A_1074 = vector.shape_cast %get3A_1073 : vector<1x16xf32> to vector<16xf32>
        %mul3A_1075 = vector.broadcast %squeeze3A_1008 : f32 to vector<16xf32>
        %mul3A_1076 = arith.mulf %get3A_1074, %mul3A_1075 : vector<16xf32>
        %add3A_1077 = arith.constant 8 : i32
        %add3A_1078 = arith.addi %mul3A_33, %add3A_1077 : i32
        %swap3A_1079 = arith.index_cast %add3A_1078 : i32 to index
        %swap3A_1080 = arith.constant 64 : index
        %swap3A_1081 = tpu.vector_load %arg11[%swap3A_1079, %swap3A_1080] {strides = array<i32>} : memref<128x128xf32, #tpu.memory_space<vmem>>, vector<1x16xf32>,
        %swap3A_1082 = vector.shape_cast %swap3A_1081 : vector<1x16xf32> to vector<16xf32>
        %swap3A_1083 = vector.shape_cast %mul3A_1076 : vector<16xf32> to vector<1x16xf32>
        tpu.vector_store %arg11[%swap3A_1079, %swap3A_1080], %swap3A_1083 {strides = array<i32>} : memref<128x128xf32, #tpu.memory_space<vmem>>, vector<1x16xf32>,
        %add3A_1084 = arith.constant 8 : i32
        %add3A_1085 = arith.addi %mul3A_33, %add3A_1084 : i32
        %get3A_1086 = arith.index_cast %add3A_1085 : i32 to index
        %get3A_1087 = arith.constant 80 : index
        %get3A_1088 = tpu.vector_load %arg11[%get3A_1086, %get3A_1087] {strides = array<i32>} : memref<128x128xf32, #tpu.memory_space<vmem>>, vector<1x16xf32>,
        %get3A_1089 = vector.shape_cast %get3A_1088 : vector<1x16xf32> to vector<16xf32>
        %mul3A_1090 = vector.broadcast %squeeze3A_1008 : f32 to vector<16xf32>
        %mul3A_1091 = arith.mulf %get3A_1089, %mul3A_1090 : vector<16xf32>
        %add3A_1092 = arith.constant 8 : i32
        %add3A_1093 = arith.addi %mul3A_33, %add3A_1092 : i32
        %swap3A_1094 = arith.index_cast %add3A_1093 : i32 to index
        %swap3A_1095 = arith.constant 80 : index
        %swap3A_1096 = tpu.vector_load %arg11[%swap3A_1094, %swap3A_1095] {strides = array<i32>} : memref<128x128xf32, #tpu.memory_space<vmem>>, vector<1x16xf32>,
        %swap3A_1097 = vector.shape_cast %swap3A_1096 : vector<1x16xf32> to vector<16xf32>
        %swap3A_1098 = vector.shape_cast %mul3A_1091 : vector<16xf32> to vector<1x16xf32>
        tpu.vector_store %arg11[%swap3A_1094, %swap3A_1095], %swap3A_1098 {strides = array<i32>} : memref<128x128xf32, #tpu.memory_space<vmem>>, vector<1x16xf32>,
        %add3A_1099 = arith.constant 8 : i32
        %add3A_1100 = arith.addi %mul3A_33, %add3A_1099 : i32
        %get3A_1101 = arith.index_cast %add3A_1100 : i32 to index
        %get3A_1102 = arith.constant 96 : index
        %get3A_1103 = tpu.vector_load %arg11[%get3A_1101, %get3A_1102] {strides = array<i32>} : memref<128x128xf32, #tpu.memory_space<vmem>>, vector<1x16xf32>,
        %get3A_1104 = vector.shape_cast %get3A_1103 : vector<1x16xf32> to vector<16xf32>
        %mul3A_1105 = vector.broadcast %squeeze3A_1008 : f32 to vector<16xf32>
        %mul3A_1106 = arith.mulf %get3A_1104, %mul3A_1105 : vector<16xf32>
        %add3A_1107 = arith.constant 8 : i32
        %add3A_1108 = arith.addi %mul3A_33, %add3A_1107 : i32
        %swap3A_1109 = arith.index_cast %add3A_1108 : i32 to index
        %swap3A_1110 = arith.constant 96 : index
        %swap3A_1111 = tpu.vector_load %arg11[%swap3A_1109, %swap3A_1110] {strides = array<i32>} : memref<128x128xf32, #tpu.memory_space<vmem>>, vector<1x16xf32>,
        %swap3A_1112 = vector.shape_cast %swap3A_1111 : vector<1x16xf32> to vector<16xf32>
        %swap3A_1113 = vector.shape_cast %mul3A_1106 : vector<16xf32> to vector<1x16xf32>
        tpu.vector_store %arg11[%swap3A_1109, %swap3A_1110], %swap3A_1113 {strides = array<i32>} : memref<128x128xf32, #tpu.memory_space<vmem>>, vector<1x16xf32>,
        %add3A_1114 = arith.constant 8 : i32
        %add3A_1115 = arith.addi %mul3A_33, %add3A_1114 : i32
        %get3A_1116 = arith.index_cast %add3A_1115 : i32 to index
        %get3A_1117 = arith.constant 112 : index
        %get3A_1118 = tpu.vector_load %arg11[%get3A_1116, %get3A_1117] {strides = array<i32>} : memref<128x128xf32, #tpu.memory_space<vmem>>, vector<1x16xf32>,
        %get3A_1119 = vector.shape_cast %get3A_1118 : vector<1x16xf32> to vector<16xf32>
        %mul3A_1120 = vector.broadcast %squeeze3A_1008 : f32 to vector<16xf32>
        %mul3A_1121 = arith.mulf %get3A_1119, %mul3A_1120 : vector<16xf32>
        %add3A_1122 = arith.constant 8 : i32
        %add3A_1123 = arith.addi %mul3A_33, %add3A_1122 : i32
        %swap3A_1124 = arith.index_cast %add3A_1123 : i32 to index
        %swap3A_1125 = arith.constant 112 : index
        %swap3A_1126 = tpu.vector_load %arg11[%swap3A_1124, %swap3A_1125] {strides = array<i32>} : memref<128x128xf32, #tpu.memory_space<vmem>>, vector<1x16xf32>,
        %swap3A_1127 = vector.shape_cast %swap3A_1126 : vector<1x16xf32> to vector<16xf32>
        %swap3A_1128 = vector.shape_cast %mul3A_1121 : vector<16xf32> to vector<1x16xf32>
        tpu.vector_store %arg11[%swap3A_1124, %swap3A_1125], %swap3A_1128 {strides = array<i32>} : memref<128x128xf32, #tpu.memory_space<vmem>>, vector<1x16xf32>,
        %slice3A_1129 = vector.extract_strided_slice %get3A_31 {offsets = [9], sizes = [1], strides = [1]} : vector<16xf32> to vector<1xf32>
        %squeeze3A_1130 = vector.extract %slice3A_1129[0] : f32 from vector<1xf32>
        %add3A_1131 = arith.constant 9 : i32
        %add3A_1132 = arith.addi %mul3A_33, %add3A_1131 : i32
        %get3A_1133 = arith.index_cast %add3A_1132 : i32 to index
        %get3A_1134 = arith.constant 0 : index
        %get3A_1135 = tpu.vector_load %arg11[%get3A_1133, %get3A_1134] {strides = array<i32>} : memref<128x128xf32, #tpu.memory_space<vmem>>, vector<1x16xf32>,
        %get3A_1136 = vector.shape_cast %get3A_1135 : vector<1x16xf32> to vector<16xf32>
        %mul3A_1137 = vector.broadcast %squeeze3A_1130 : f32 to vector<16xf32>
        %mul3A_1138 = arith.mulf %get3A_1136, %mul3A_1137 : vector<16xf32>
        %add3A_1139 = arith.constant 9 : i32
        %add3A_1140 = arith.addi %mul3A_33, %add3A_1139 : i32
        %swap3A_1141 = arith.index_cast %add3A_1140 : i32 to index
        %swap3A_1142 = arith.constant 0 : index
        %swap3A_1143 = tpu.vector_load %arg11[%swap3A_1141, %swap3A_1142] {strides = array<i32>} : memref<128x128xf32, #tpu.memory_space<vmem>>, vector<1x16xf32>,
        %swap3A_1144 = vector.shape_cast %swap3A_1143 : vector<1x16xf32> to vector<16xf32>
        %swap3A_1145 = vector.shape_cast %mul3A_1138 : vector<16xf32> to vector<1x16xf32>
        tpu.vector_store %arg11[%swap3A_1141, %swap3A_1142], %swap3A_1145 {strides = array<i32>} : memref<128x128xf32, #tpu.memory_space<vmem>>, vector<1x16xf32>,
        %add3A_1146 = arith.constant 9 : i32
        %add3A_1147 = arith.addi %mul3A_33, %add3A_1146 : i32
        %get3A_1148 = arith.index_cast %add3A_1147 : i32 to index
        %get3A_1149 = arith.constant 16 : index
        %get3A_1150 = tpu.vector_load %arg11[%get3A_1148, %get3A_1149] {strides = array<i32>} : memref<128x128xf32, #tpu.memory_space<vmem>>, vector<1x16xf32>,
        %get3A_1151 = vector.shape_cast %get3A_1150 : vector<1x16xf32> to vector<16xf32>
        %mul3A_1152 = vector.broadcast %squeeze3A_1130 : f32 to vector<16xf32>
        %mul3A_1153 = arith.mulf %get3A_1151, %mul3A_1152 : vector<16xf32>
        %add3A_1154 = arith.constant 9 : i32
        %add3A_1155 = arith.addi %mul3A_33, %add3A_1154 : i32
        %swap3A_1156 = arith.index_cast %add3A_1155 : i32 to index
        %swap3A_1157 = arith.constant 16 : index
        %swap3A_1158 = tpu.vector_load %arg11[%swap3A_1156, %swap3A_1157] {strides = array<i32>} : memref<128x128xf32, #tpu.memory_space<vmem>>, vector<1x16xf32>,
        %swap3A_1159 = vector.shape_cast %swap3A_1158 : vector<1x16xf32> to vector<16xf32>
        %swap3A_1160 = vector.shape_cast %mul3A_1153 : vector<16xf32> to vector<1x16xf32>
        tpu.vector_store %arg11[%swap3A_1156, %swap3A_1157], %swap3A_1160 {strides = array<i32>} : memref<128x128xf32, #tpu.memory_space<vmem>>, vector<1x16xf32>,
        %add3A_1161 = arith.constant 9 : i32
        %add3A_1162 = arith.addi %mul3A_33, %add3A_1161 : i32
        %get3A_1163 = arith.index_cast %add3A_1162 : i32 to index
        %get3A_1164 = arith.constant 32 : index
        %get3A_1165 = tpu.vector_load %arg11[%get3A_1163, %get3A_1164] {strides = array<i32>} : memref<128x128xf32, #tpu.memory_space<vmem>>, vector<1x16xf32>,
        %get3A_1166 = vector.shape_cast %get3A_1165 : vector<1x16xf32> to vector<16xf32>
        %mul3A_1167 = vector.broadcast %squeeze3A_1130 : f32 to vector<16xf32>
        %mul3A_1168 = arith.mulf %get3A_1166, %mul3A_1167 : vector<16xf32>
        %add3A_1169 = arith.constant 9 : i32
        %add3A_1170 = arith.addi %mul3A_33, %add3A_1169 : i32
        %swap3A_1171 = arith.index_cast %add3A_1170 : i32 to index
        %swap3A_1172 = arith.constant 32 : index
        %swap3A_1173 = tpu.vector_load %arg11[%swap3A_1171, %swap3A_1172] {strides = array<i32>} : memref<128x128xf32, #tpu.memory_space<vmem>>, vector<1x16xf32>,
        %swap3A_1174 = vector.shape_cast %swap3A_1173 : vector<1x16xf32> to vector<16xf32>
        %swap3A_1175 = vector.shape_cast %mul3A_1168 : vector<16xf32> to vector<1x16xf32>
        tpu.vector_store %arg11[%swap3A_1171, %swap3A_1172], %swap3A_1175 {strides = array<i32>} : memref<128x128xf32, #tpu.memory_space<vmem>>, vector<1x16xf32>,
        %add3A_1176 = arith.constant 9 : i32
        %add3A_1177 = arith.addi %mul3A_33, %add3A_1176 : i32
        %get3A_1178 = arith.index_cast %add3A_1177 : i32 to index
        %get3A_1179 = arith.constant 48 : index
        %get3A_1180 = tpu.vector_load %arg11[%get3A_1178, %get3A_1179] {strides = array<i32>} : memref<128x128xf32, #tpu.memory_space<vmem>>, vector<1x16xf32>,
        %get3A_1181 = vector.shape_cast %get3A_1180 : vector<1x16xf32> to vector<16xf32>
        %mul3A_1182 = vector.broadcast %squeeze3A_1130 : f32 to vector<16xf32>
        %mul3A_1183 = arith.mulf %get3A_1181, %mul3A_1182 : vector<16xf32>
        %add3A_1184 = arith.constant 9 : i32
        %add3A_1185 = arith.addi %mul3A_33, %add3A_1184 : i32
        %swap3A_1186 = arith.index_cast %add3A_1185 : i32 to index
        %swap3A_1187 = arith.constant 48 : index
        %swap3A_1188 = tpu.vector_load %arg11[%swap3A_1186, %swap3A_1187] {strides = array<i32>} : memref<128x128xf32, #tpu.memory_space<vmem>>, vector<1x16xf32>,
        %swap3A_1189 = vector.shape_cast %swap3A_1188 : vector<1x16xf32> to vector<16xf32>
        %swap3A_1190 = vector.shape_cast %mul3A_1183 : vector<16xf32> to vector<1x16xf32>
        tpu.vector_store %arg11[%swap3A_1186, %swap3A_1187], %swap3A_1190 {strides = array<i32>} : memref<128x128xf32, #tpu.memory_space<vmem>>, vector<1x16xf32>,
        %add3A_1191 = arith.constant 9 : i32
        %add3A_1192 = arith.addi %mul3A_33, %add3A_1191 : i32
        %get3A_1193 = arith.index_cast %add3A_1192 : i32 to index
        %get3A_1194 = arith.constant 64 : index
        %get3A_1195 = tpu.vector_load %arg11[%get3A_1193, %get3A_1194] {strides = array<i32>} : memref<128x128xf32, #tpu.memory_space<vmem>>, vector<1x16xf32>,
        %get3A_1196 = vector.shape_cast %get3A_1195 : vector<1x16xf32> to vector<16xf32>
        %mul3A_1197 = vector.broadcast %squeeze3A_1130 : f32 to vector<16xf32>
        %mul3A_1198 = arith.mulf %get3A_1196, %mul3A_1197 : vector<16xf32>
        %add3A_1199 = arith.constant 9 : i32
        %add3A_1200 = arith.addi %mul3A_33, %add3A_1199 : i32
        %swap3A_1201 = arith.index_cast %add3A_1200 : i32 to index
        %swap3A_1202 = arith.constant 64 : index
        %swap3A_1203 = tpu.vector_load %arg11[%swap3A_1201, %swap3A_1202] {strides = array<i32>} : memref<128x128xf32, #tpu.memory_space<vmem>>, vector<1x16xf32>,
        %swap3A_1204 = vector.shape_cast %swap3A_1203 : vector<1x16xf32> to vector<16xf32>
        %swap3A_1205 = vector.shape_cast %mul3A_1198 : vector<16xf32> to vector<1x16xf32>
        tpu.vector_store %arg11[%swap3A_1201, %swap3A_1202], %swap3A_1205 {strides = array<i32>} : memref<128x128xf32, #tpu.memory_space<vmem>>, vector<1x16xf32>,
        %add3A_1206 = arith.constant 9 : i32
        %add3A_1207 = arith.addi %mul3A_33, %add3A_1206 : i32
        %get3A_1208 = arith.index_cast %add3A_1207 : i32 to index
        %get3A_1209 = arith.constant 80 : index
        %get3A_1210 = tpu.vector_load %arg11[%get3A_1208, %get3A_1209] {strides = array<i32>} : memref<128x128xf32, #tpu.memory_space<vmem>>, vector<1x16xf32>,
        %get3A_1211 = vector.shape_cast %get3A_1210 : vector<1x16xf32> to vector<16xf32>
        %mul3A_1212 = vector.broadcast %squeeze3A_1130 : f32 to vector<16xf32>
        %mul3A_1213 = arith.mulf %get3A_1211, %mul3A_1212 : vector<16xf32>
        %add3A_1214 = arith.constant 9 : i32
        %add3A_1215 = arith.addi %mul3A_33, %add3A_1214 : i32
        %swap3A_1216 = arith.index_cast %add3A_1215 : i32 to index
        %swap3A_1217 = arith.constant 80 : index
        %swap3A_1218 = tpu.vector_load %arg11[%swap3A_1216, %swap3A_1217] {strides = array<i32>} : memref<128x128xf32, #tpu.memory_space<vmem>>, vector<1x16xf32>,
        %swap3A_1219 = vector.shape_cast %swap3A_1218 : vector<1x16xf32> to vector<16xf32>
        %swap3A_1220 = vector.shape_cast %mul3A_1213 : vector<16xf32> to vector<1x16xf32>
        tpu.vector_store %arg11[%swap3A_1216, %swap3A_1217], %swap3A_1220 {strides = array<i32>} : memref<128x128xf32, #tpu.memory_space<vmem>>, vector<1x16xf32>,
        %add3A_1221 = arith.constant 9 : i32
        %add3A_1222 = arith.addi %mul3A_33, %add3A_1221 : i32
        %get3A_1223 = arith.index_cast %add3A_1222 : i32 to index
        %get3A_1224 = arith.constant 96 : index
        %get3A_1225 = tpu.vector_load %arg11[%get3A_1223, %get3A_1224] {strides = array<i32>} : memref<128x128xf32, #tpu.memory_space<vmem>>, vector<1x16xf32>,
        %get3A_1226 = vector.shape_cast %get3A_1225 : vector<1x16xf32> to vector<16xf32>
        %mul3A_1227 = vector.broadcast %squeeze3A_1130 : f32 to vector<16xf32>
        %mul3A_1228 = arith.mulf %get3A_1226, %mul3A_1227 : vector<16xf32>
        %add3A_1229 = arith.constant 9 : i32
        %add3A_1230 = arith.addi %mul3A_33, %add3A_1229 : i32
        %swap3A_1231 = arith.index_cast %add3A_1230 : i32 to index
        %swap3A_1232 = arith.constant 96 : index
        %swap3A_1233 = tpu.vector_load %arg11[%swap3A_1231, %swap3A_1232] {strides = array<i32>} : memref<128x128xf32, #tpu.memory_space<vmem>>, vector<1x16xf32>,
        %swap3A_1234 = vector.shape_cast %swap3A_1233 : vector<1x16xf32> to vector<16xf32>
        %swap3A_1235 = vector.shape_cast %mul3A_1228 : vector<16xf32> to vector<1x16xf32>
        tpu.vector_store %arg11[%swap3A_1231, %swap3A_1232], %swap3A_1235 {strides = array<i32>} : memref<128x128xf32, #tpu.memory_space<vmem>>, vector<1x16xf32>,
        %add3A_1236 = arith.constant 9 : i32
        %add3A_1237 = arith.addi %mul3A_33, %add3A_1236 : i32
        %get3A_1238 = arith.index_cast %add3A_1237 : i32 to index
        %get3A_1239 = arith.constant 112 : index
        %get3A_1240 = tpu.vector_load %arg11[%get3A_1238, %get3A_1239] {strides = array<i32>} : memref<128x128xf32, #tpu.memory_space<vmem>>, vector<1x16xf32>,
        %get3A_1241 = vector.shape_cast %get3A_1240 : vector<1x16xf32> to vector<16xf32>
        %mul3A_1242 = vector.broadcast %squeeze3A_1130 : f32 to vector<16xf32>
        %mul3A_1243 = arith.mulf %get3A_1241, %mul3A_1242 : vector<16xf32>
        %add3A_1244 = arith.constant 9 : i32
        %add3A_1245 = arith.addi %mul3A_33, %add3A_1244 : i32
        %swap3A_1246 = arith.index_cast %add3A_1245 : i32 to index
        %swap3A_1247 = arith.constant 112 : index
        %swap3A_1248 = tpu.vector_load %arg11[%swap3A_1246, %swap3A_1247] {strides = array<i32>} : memref<128x128xf32, #tpu.memory_space<vmem>>, vector<1x16xf32>,
        %swap3A_1249 = vector.shape_cast %swap3A_1248 : vector<1x16xf32> to vector<16xf32>
        %swap3A_1250 = vector.shape_cast %mul3A_1243 : vector<16xf32> to vector<1x16xf32>
        tpu.vector_store %arg11[%swap3A_1246, %swap3A_1247], %swap3A_1250 {strides = array<i32>} : memref<128x128xf32, #tpu.memory_space<vmem>>, vector<1x16xf32>,
        %slice3A_1251 = vector.extract_strided_slice %get3A_31 {offsets = [10], sizes = [1], strides = [1]} : vector<16xf32> to vector<1xf32>
        %squeeze3A_1252 = vector.extract %slice3A_1251[0] : f32 from vector<1xf32>
        %add3A_1253 = arith.constant 10 : i32
        %add3A_1254 = arith.addi %mul3A_33, %add3A_1253 : i32
        %get3A_1255 = arith.index_cast %add3A_1254 : i32 to index
        %get3A_1256 = arith.constant 0 : index
        %get3A_1257 = tpu.vector_load %arg11[%get3A_1255, %get3A_1256] {strides = array<i32>} : memref<128x128xf32, #tpu.memory_space<vmem>>, vector<1x16xf32>,
        %get3A_1258 = vector.shape_cast %get3A_1257 : vector<1x16xf32> to vector<16xf32>
        %mul3A_1259 = vector.broadcast %squeeze3A_1252 : f32 to vector<16xf32>
        %mul3A_1260 = arith.mulf %get3A_1258, %mul3A_1259 : vector<16xf32>
        %add3A_1261 = arith.constant 10 : i32
        %add3A_1262 = arith.addi %mul3A_33, %add3A_1261 : i32
        %swap3A_1263 = arith.index_cast %add3A_1262 : i32 to index
        %swap3A_1264 = arith.constant 0 : index
        %swap3A_1265 = tpu.vector_load %arg11[%swap3A_1263, %swap3A_1264] {strides = array<i32>} : memref<128x128xf32, #tpu.memory_space<vmem>>, vector<1x16xf32>,
        %swap3A_1266 = vector.shape_cast %swap3A_1265 : vector<1x16xf32> to vector<16xf32>
        %swap3A_1267 = vector.shape_cast %mul3A_1260 : vector<16xf32> to vector<1x16xf32>
        tpu.vector_store %arg11[%swap3A_1263, %swap3A_1264], %swap3A_1267 {strides = array<i32>} : memref<128x128xf32, #tpu.memory_space<vmem>>, vector<1x16xf32>,
        %add3A_1268 = arith.constant 10 : i32
        %add3A_1269 = arith.addi %mul3A_33, %add3A_1268 : i32
        %get3A_1270 = arith.index_cast %add3A_1269 : i32 to index
        %get3A_1271 = arith.constant 16 : index
        %get3A_1272 = tpu.vector_load %arg11[%get3A_1270, %get3A_1271] {strides = array<i32>} : memref<128x128xf32, #tpu.memory_space<vmem>>, vector<1x16xf32>,
        %get3A_1273 = vector.shape_cast %get3A_1272 : vector<1x16xf32> to vector<16xf32>
        %mul3A_1274 = vector.broadcast %squeeze3A_1252 : f32 to vector<16xf32>
        %mul3A_1275 = arith.mulf %get3A_1273, %mul3A_1274 : vector<16xf32>
        %add3A_1276 = arith.constant 10 : i32
        %add3A_1277 = arith.addi %mul3A_33, %add3A_1276 : i32
        %swap3A_1278 = arith.index_cast %add3A_1277 : i32 to index
        %swap3A_1279 = arith.constant 16 : index
        %swap3A_1280 = tpu.vector_load %arg11[%swap3A_1278, %swap3A_1279] {strides = array<i32>} : memref<128x128xf32, #tpu.memory_space<vmem>>, vector<1x16xf32>,
        %swap3A_1281 = vector.shape_cast %swap3A_1280 : vector<1x16xf32> to vector<16xf32>
        %swap3A_1282 = vector.shape_cast %mul3A_1275 : vector<16xf32> to vector<1x16xf32>
        tpu.vector_store %arg11[%swap3A_1278, %swap3A_1279], %swap3A_1282 {strides = array<i32>} : memref<128x128xf32, #tpu.memory_space<vmem>>, vector<1x16xf32>,
        %add3A_1283 = arith.constant 10 : i32
        %add3A_1284 = arith.addi %mul3A_33, %add3A_1283 : i32
        %get3A_1285 = arith.index_cast %add3A_1284 : i32 to index
        %get3A_1286 = arith.constant 32 : index
        %get3A_1287 = tpu.vector_load %arg11[%get3A_1285, %get3A_1286] {strides = array<i32>} : memref<128x128xf32, #tpu.memory_space<vmem>>, vector<1x16xf32>,
        %get3A_1288 = vector.shape_cast %get3A_1287 : vector<1x16xf32> to vector<16xf32>
        %mul3A_1289 = vector.broadcast %squeeze3A_1252 : f32 to vector<16xf32>
        %mul3A_1290 = arith.mulf %get3A_1288, %mul3A_1289 : vector<16xf32>
        %add3A_1291 = arith.constant 10 : i32
        %add3A_1292 = arith.addi %mul3A_33, %add3A_1291 : i32
        %swap3A_1293 = arith.index_cast %add3A_1292 : i32 to index
        %swap3A_1294 = arith.constant 32 : index
        %swap3A_1295 = tpu.vector_load %arg11[%swap3A_1293, %swap3A_1294] {strides = array<i32>} : memref<128x128xf32, #tpu.memory_space<vmem>>, vector<1x16xf32>,
        %swap3A_1296 = vector.shape_cast %swap3A_1295 : vector<1x16xf32> to vector<16xf32>
        %swap3A_1297 = vector.shape_cast %mul3A_1290 : vector<16xf32> to vector<1x16xf32>
        tpu.vector_store %arg11[%swap3A_1293, %swap3A_1294], %swap3A_1297 {strides = array<i32>} : memref<128x128xf32, #tpu.memory_space<vmem>>, vector<1x16xf32>,
        %add3A_1298 = arith.constant 10 : i32
        %add3A_1299 = arith.addi %mul3A_33, %add3A_1298 : i32
        %get3A_1300 = arith.index_cast %add3A_1299 : i32 to index
        %get3A_1301 = arith.constant 48 : index
        %get3A_1302 = tpu.vector_load %arg11[%get3A_1300, %get3A_1301] {strides = array<i32>} : memref<128x128xf32, #tpu.memory_space<vmem>>, vector<1x16xf32>,
        %get3A_1303 = vector.shape_cast %get3A_1302 : vector<1x16xf32> to vector<16xf32>
        %mul3A_1304 = vector.broadcast %squeeze3A_1252 : f32 to vector<16xf32>
        %mul3A_1305 = arith.mulf %get3A_1303, %mul3A_1304 : vector<16xf32>
        %add3A_1306 = arith.constant 10 : i32
        %add3A_1307 = arith.addi %mul3A_33, %add3A_1306 : i32
        %swap3A_1308 = arith.index_cast %add3A_1307 : i32 to index
        %swap3A_1309 = arith.constant 48 : index
        %swap3A_1310 = tpu.vector_load %arg11[%swap3A_1308, %swap3A_1309] {strides = array<i32>} : memref<128x128xf32, #tpu.memory_space<vmem>>, vector<1x16xf32>,
        %swap3A_1311 = vector.shape_cast %swap3A_1310 : vector<1x16xf32> to vector<16xf32>
        %swap3A_1312 = vector.shape_cast %mul3A_1305 : vector<16xf32> to vector<1x16xf32>
        tpu.vector_store %arg11[%swap3A_1308, %swap3A_1309], %swap3A_1312 {strides = array<i32>} : memref<128x128xf32, #tpu.memory_space<vmem>>, vector<1x16xf32>,
        %add3A_1313 = arith.constant 10 : i32
        %add3A_1314 = arith.addi %mul3A_33, %add3A_1313 : i32
        %get3A_1315 = arith.index_cast %add3A_1314 : i32 to index
        %get3A_1316 = arith.constant 64 : index
        %get3A_1317 = tpu.vector_load %arg11[%get3A_1315, %get3A_1316] {strides = array<i32>} : memref<128x128xf32, #tpu.memory_space<vmem>>, vector<1x16xf32>,
        %get3A_1318 = vector.shape_cast %get3A_1317 : vector<1x16xf32> to vector<16xf32>
        %mul3A_1319 = vector.broadcast %squeeze3A_1252 : f32 to vector<16xf32>
        %mul3A_1320 = arith.mulf %get3A_1318, %mul3A_1319 : vector<16xf32>
        %add3A_1321 = arith.constant 10 : i32
        %add3A_1322 = arith.addi %mul3A_33, %add3A_1321 : i32
        %swap3A_1323 = arith.index_cast %add3A_1322 : i32 to index
        %swap3A_1324 = arith.constant 64 : index
        %swap3A_1325 = tpu.vector_load %arg11[%swap3A_1323, %swap3A_1324] {strides = array<i32>} : memref<128x128xf32, #tpu.memory_space<vmem>>, vector<1x16xf32>,
        %swap3A_1326 = vector.shape_cast %swap3A_1325 : vector<1x16xf32> to vector<16xf32>
        %swap3A_1327 = vector.shape_cast %mul3A_1320 : vector<16xf32> to vector<1x16xf32>
        tpu.vector_store %arg11[%swap3A_1323, %swap3A_1324], %swap3A_1327 {strides = array<i32>} : memref<128x128xf32, #tpu.memory_space<vmem>>, vector<1x16xf32>,
        %add3A_1328 = arith.constant 10 : i32
        %add3A_1329 = arith.addi %mul3A_33, %add3A_1328 : i32
        %get3A_1330 = arith.index_cast %add3A_1329 : i32 to index
        %get3A_1331 = arith.constant 80 : index
        %get3A_1332 = tpu.vector_load %arg11[%get3A_1330, %get3A_1331] {strides = array<i32>} : memref<128x128xf32, #tpu.memory_space<vmem>>, vector<1x16xf32>,
        %get3A_1333 = vector.shape_cast %get3A_1332 : vector<1x16xf32> to vector<16xf32>
        %mul3A_1334 = vector.broadcast %squeeze3A_1252 : f32 to vector<16xf32>
        %mul3A_1335 = arith.mulf %get3A_1333, %mul3A_1334 : vector<16xf32>
        %add3A_1336 = arith.constant 10 : i32
        %add3A_1337 = arith.addi %mul3A_33, %add3A_1336 : i32
        %swap3A_1338 = arith.index_cast %add3A_1337 : i32 to index
        %swap3A_1339 = arith.constant 80 : index
        %swap3A_1340 = tpu.vector_load %arg11[%swap3A_1338, %swap3A_1339] {strides = array<i32>} : memref<128x128xf32, #tpu.memory_space<vmem>>, vector<1x16xf32>,
        %swap3A_1341 = vector.shape_cast %swap3A_1340 : vector<1x16xf32> to vector<16xf32>
        %swap3A_1342 = vector.shape_cast %mul3A_1335 : vector<16xf32> to vector<1x16xf32>
        tpu.vector_store %arg11[%swap3A_1338, %swap3A_1339], %swap3A_1342 {strides = array<i32>} : memref<128x128xf32, #tpu.memory_space<vmem>>, vector<1x16xf32>,
        %add3A_1343 = arith.constant 10 : i32
        %add3A_1344 = arith.addi %mul3A_33, %add3A_1343 : i32
        %get3A_1345 = arith.index_cast %add3A_1344 : i32 to index
        %get3A_1346 = arith.constant 96 : index
        %get3A_1347 = tpu.vector_load %arg11[%get3A_1345, %get3A_1346] {strides = array<i32>} : memref<128x128xf32, #tpu.memory_space<vmem>>, vector<1x16xf32>,
        %get3A_1348 = vector.shape_cast %get3A_1347 : vector<1x16xf32> to vector<16xf32>
        %mul3A_1349 = vector.broadcast %squeeze3A_1252 : f32 to vector<16xf32>
        %mul3A_1350 = arith.mulf %get3A_1348, %mul3A_1349 : vector<16xf32>
        %add3A_1351 = arith.constant 10 : i32
        %add3A_1352 = arith.addi %mul3A_33, %add3A_1351 : i32
        %swap3A_1353 = arith.index_cast %add3A_1352 : i32 to index
        %swap3A_1354 = arith.constant 96 : index
        %swap3A_1355 = tpu.vector_load %arg11[%swap3A_1353, %swap3A_1354] {strides = array<i32>} : memref<128x128xf32, #tpu.memory_space<vmem>>, vector<1x16xf32>,
        %swap3A_1356 = vector.shape_cast %swap3A_1355 : vector<1x16xf32> to vector<16xf32>
        %swap3A_1357 = vector.shape_cast %mul3A_1350 : vector<16xf32> to vector<1x16xf32>
        tpu.vector_store %arg11[%swap3A_1353, %swap3A_1354], %swap3A_1357 {strides = array<i32>} : memref<128x128xf32, #tpu.memory_space<vmem>>, vector<1x16xf32>,
        %add3A_1358 = arith.constant 10 : i32
        %add3A_1359 = arith.addi %mul3A_33, %add3A_1358 : i32
        %get3A_1360 = arith.index_cast %add3A_1359 : i32 to index
        %get3A_1361 = arith.constant 112 : index
        %get3A_1362 = tpu.vector_load %arg11[%get3A_1360, %get3A_1361] {strides = array<i32>} : memref<128x128xf32, #tpu.memory_space<vmem>>, vector<1x16xf32>,
        %get3A_1363 = vector.shape_cast %get3A_1362 : vector<1x16xf32> to vector<16xf32>
        %mul3A_1364 = vector.broadcast %squeeze3A_1252 : f32 to vector<16xf32>
        %mul3A_1365 = arith.mulf %get3A_1363, %mul3A_1364 : vector<16xf32>
        %add3A_1366 = arith.constant 10 : i32
        %add3A_1367 = arith.addi %mul3A_33, %add3A_1366 : i32
        %swap3A_1368 = arith.index_cast %add3A_1367 : i32 to index
        %swap3A_1369 = arith.constant 112 : index
        %swap3A_1370 = tpu.vector_load %arg11[%swap3A_1368, %swap3A_1369] {strides = array<i32>} : memref<128x128xf32, #tpu.memory_space<vmem>>, vector<1x16xf32>,
        %swap3A_1371 = vector.shape_cast %swap3A_1370 : vector<1x16xf32> to vector<16xf32>
        %swap3A_1372 = vector.shape_cast %mul3A_1365 : vector<16xf32> to vector<1x16xf32>
        tpu.vector_store %arg11[%swap3A_1368, %swap3A_1369], %swap3A_1372 {strides = array<i32>} : memref<128x128xf32, #tpu.memory_space<vmem>>, vector<1x16xf32>,
        %slice3A_1373 = vector.extract_strided_slice %get3A_31 {offsets = [11], sizes = [1], strides = [1]} : vector<16xf32> to vector<1xf32>
        %squeeze3A_1374 = vector.extract %slice3A_1373[0] : f32 from vector<1xf32>
        %add3A_1375 = arith.constant 11 : i32
        %add3A_1376 = arith.addi %mul3A_33, %add3A_1375 : i32
        %get3A_1377 = arith.index_cast %add3A_1376 : i32 to index
        %get3A_1378 = arith.constant 0 : index
        %get3A_1379 = tpu.vector_load %arg11[%get3A_1377, %get3A_1378] {strides = array<i32>} : memref<128x128xf32, #tpu.memory_space<vmem>>, vector<1x16xf32>,
        %get3A_1380 = vector.shape_cast %get3A_1379 : vector<1x16xf32> to vector<16xf32>
        %mul3A_1381 = vector.broadcast %squeeze3A_1374 : f32 to vector<16xf32>
        %mul3A_1382 = arith.mulf %get3A_1380, %mul3A_1381 : vector<16xf32>
        %add3A_1383 = arith.constant 11 : i32
        %add3A_1384 = arith.addi %mul3A_33, %add3A_1383 : i32
        %swap3A_1385 = arith.index_cast %add3A_1384 : i32 to index
        %swap3A_1386 = arith.constant 0 : index
        %swap3A_1387 = tpu.vector_load %arg11[%swap3A_1385, %swap3A_1386] {strides = array<i32>} : memref<128x128xf32, #tpu.memory_space<vmem>>, vector<1x16xf32>,
        %swap3A_1388 = vector.shape_cast %swap3A_1387 : vector<1x16xf32> to vector<16xf32>
        %swap3A_1389 = vector.shape_cast %mul3A_1382 : vector<16xf32> to vector<1x16xf32>
        tpu.vector_store %arg11[%swap3A_1385, %swap3A_1386], %swap3A_1389 {strides = array<i32>} : memref<128x128xf32, #tpu.memory_space<vmem>>, vector<1x16xf32>,
        %add3A_1390 = arith.constant 11 : i32
        %add3A_1391 = arith.addi %mul3A_33, %add3A_1390 : i32
        %get3A_1392 = arith.index_cast %add3A_1391 : i32 to index
        %get3A_1393 = arith.constant 16 : index
        %get3A_1394 = tpu.vector_load %arg11[%get3A_1392, %get3A_1393] {strides = array<i32>} : memref<128x128xf32, #tpu.memory_space<vmem>>, vector<1x16xf32>,
        %get3A_1395 = vector.shape_cast %get3A_1394 : vector<1x16xf32> to vector<16xf32>
        %mul3A_1396 = vector.broadcast %squeeze3A_1374 : f32 to vector<16xf32>
        %mul3A_1397 = arith.mulf %get3A_1395, %mul3A_1396 : vector<16xf32>
        %add3A_1398 = arith.constant 11 : i32
        %add3A_1399 = arith.addi %mul3A_33, %add3A_1398 : i32
        %swap3A_1400 = arith.index_cast %add3A_1399 : i32 to index
        %swap3A_1401 = arith.constant 16 : index
        %swap3A_1402 = tpu.vector_load %arg11[%swap3A_1400, %swap3A_1401] {strides = array<i32>} : memref<128x128xf32, #tpu.memory_space<vmem>>, vector<1x16xf32>,
        %swap3A_1403 = vector.shape_cast %swap3A_1402 : vector<1x16xf32> to vector<16xf32>
        %swap3A_1404 = vector.shape_cast %mul3A_1397 : vector<16xf32> to vector<1x16xf32>
        tpu.vector_store %arg11[%swap3A_1400, %swap3A_1401], %swap3A_1404 {strides = array<i32>} : memref<128x128xf32, #tpu.memory_space<vmem>>, vector<1x16xf32>,
        %add3A_1405 = arith.constant 11 : i32
        %add3A_1406 = arith.addi %mul3A_33, %add3A_1405 : i32
        %get3A_1407 = arith.index_cast %add3A_1406 : i32 to index
        %get3A_1408 = arith.constant 32 : index
        %get3A_1409 = tpu.vector_load %arg11[%get3A_1407, %get3A_1408] {strides = array<i32>} : memref<128x128xf32, #tpu.memory_space<vmem>>, vector<1x16xf32>,
        %get3A_1410 = vector.shape_cast %get3A_1409 : vector<1x16xf32> to vector<16xf32>
        %mul3A_1411 = vector.broadcast %squeeze3A_1374 : f32 to vector<16xf32>
        %mul3A_1412 = arith.mulf %get3A_1410, %mul3A_1411 : vector<16xf32>
        %add3A_1413 = arith.constant 11 : i32
        %add3A_1414 = arith.addi %mul3A_33, %add3A_1413 : i32
        %swap3A_1415 = arith.index_cast %add3A_1414 : i32 to index
        %swap3A_1416 = arith.constant 32 : index
        %swap3A_1417 = tpu.vector_load %arg11[%swap3A_1415, %swap3A_1416] {strides = array<i32>} : memref<128x128xf32, #tpu.memory_space<vmem>>, vector<1x16xf32>,
        %swap3A_1418 = vector.shape_cast %swap3A_1417 : vector<1x16xf32> to vector<16xf32>
        %swap3A_1419 = vector.shape_cast %mul3A_1412 : vector<16xf32> to vector<1x16xf32>
        tpu.vector_store %arg11[%swap3A_1415, %swap3A_1416], %swap3A_1419 {strides = array<i32>} : memref<128x128xf32, #tpu.memory_space<vmem>>, vector<1x16xf32>,
        %add3A_1420 = arith.constant 11 : i32
        %add3A_1421 = arith.addi %mul3A_33, %add3A_1420 : i32
        %get3A_1422 = arith.index_cast %add3A_1421 : i32 to index
        %get3A_1423 = arith.constant 48 : index
        %get3A_1424 = tpu.vector_load %arg11[%get3A_1422, %get3A_1423] {strides = array<i32>} : memref<128x128xf32, #tpu.memory_space<vmem>>, vector<1x16xf32>,
        %get3A_1425 = vector.shape_cast %get3A_1424 : vector<1x16xf32> to vector<16xf32>
        %mul3A_1426 = vector.broadcast %squeeze3A_1374 : f32 to vector<16xf32>
        %mul3A_1427 = arith.mulf %get3A_1425, %mul3A_1426 : vector<16xf32>
        %add3A_1428 = arith.constant 11 : i32
        %add3A_1429 = arith.addi %mul3A_33, %add3A_1428 : i32
        %swap3A_1430 = arith.index_cast %add3A_1429 : i32 to index
        %swap3A_1431 = arith.constant 48 : index
        %swap3A_1432 = tpu.vector_load %arg11[%swap3A_1430, %swap3A_1431] {strides = array<i32>} : memref<128x128xf32, #tpu.memory_space<vmem>>, vector<1x16xf32>,
        %swap3A_1433 = vector.shape_cast %swap3A_1432 : vector<1x16xf32> to vector<16xf32>
        %swap3A_1434 = vector.shape_cast %mul3A_1427 : vector<16xf32> to vector<1x16xf32>
        tpu.vector_store %arg11[%swap3A_1430, %swap3A_1431], %swap3A_1434 {strides = array<i32>} : memref<128x128xf32, #tpu.memory_space<vmem>>, vector<1x16xf32>,
        %add3A_1435 = arith.constant 11 : i32
        %add3A_1436 = arith.addi %mul3A_33, %add3A_1435 : i32
        %get3A_1437 = arith.index_cast %add3A_1436 : i32 to index
        %get3A_1438 = arith.constant 64 : index
        %get3A_1439 = tpu.vector_load %arg11[%get3A_1437, %get3A_1438] {strides = array<i32>} : memref<128x128xf32, #tpu.memory_space<vmem>>, vector<1x16xf32>,
        %get3A_1440 = vector.shape_cast %get3A_1439 : vector<1x16xf32> to vector<16xf32>
        %mul3A_1441 = vector.broadcast %squeeze3A_1374 : f32 to vector<16xf32>
        %mul3A_1442 = arith.mulf %get3A_1440, %mul3A_1441 : vector<16xf32>
        %add3A_1443 = arith.constant 11 : i32
        %add3A_1444 = arith.addi %mul3A_33, %add3A_1443 : i32
        %swap3A_1445 = arith.index_cast %add3A_1444 : i32 to index
        %swap3A_1446 = arith.constant 64 : index
        %swap3A_1447 = tpu.vector_load %arg11[%swap3A_1445, %swap3A_1446] {strides = array<i32>} : memref<128x128xf32, #tpu.memory_space<vmem>>, vector<1x16xf32>,
        %swap3A_1448 = vector.shape_cast %swap3A_1447 : vector<1x16xf32> to vector<16xf32>
        %swap3A_1449 = vector.shape_cast %mul3A_1442 : vector<16xf32> to vector<1x16xf32>
        tpu.vector_store %arg11[%swap3A_1445, %swap3A_1446], %swap3A_1449 {strides = array<i32>} : memref<128x128xf32, #tpu.memory_space<vmem>>, vector<1x16xf32>,
        %add3A_1450 = arith.constant 11 : i32
        %add3A_1451 = arith.addi %mul3A_33, %add3A_1450 : i32
        %get3A_1452 = arith.index_cast %add3A_1451 : i32 to index
        %get3A_1453 = arith.constant 80 : index
        %get3A_1454 = tpu.vector_load %arg11[%get3A_1452, %get3A_1453] {strides = array<i32>} : memref<128x128xf32, #tpu.memory_space<vmem>>, vector<1x16xf32>,
        %get3A_1455 = vector.shape_cast %get3A_1454 : vector<1x16xf32> to vector<16xf32>
        %mul3A_1456 = vector.broadcast %squeeze3A_1374 : f32 to vector<16xf32>
        %mul3A_1457 = arith.mulf %get3A_1455, %mul3A_1456 : vector<16xf32>
        %add3A_1458 = arith.constant 11 : i32
        %add3A_1459 = arith.addi %mul3A_33, %add3A_1458 : i32
        %swap3A_1460 = arith.index_cast %add3A_1459 : i32 to index
        %swap3A_1461 = arith.constant 80 : index
        %swap3A_1462 = tpu.vector_load %arg11[%swap3A_1460, %swap3A_1461] {strides = array<i32>} : memref<128x128xf32, #tpu.memory_space<vmem>>, vector<1x16xf32>,
        %swap3A_1463 = vector.shape_cast %swap3A_1462 : vector<1x16xf32> to vector<16xf32>
        %swap3A_1464 = vector.shape_cast %mul3A_1457 : vector<16xf32> to vector<1x16xf32>
        tpu.vector_store %arg11[%swap3A_1460, %swap3A_1461], %swap3A_1464 {strides = array<i32>} : memref<128x128xf32, #tpu.memory_space<vmem>>, vector<1x16xf32>,
        %add3A_1465 = arith.constant 11 : i32
        %add3A_1466 = arith.addi %mul3A_33, %add3A_1465 : i32
        %get3A_1467 = arith.index_cast %add3A_1466 : i32 to index
        %get3A_1468 = arith.constant 96 : index
        %get3A_1469 = tpu.vector_load %arg11[%get3A_1467, %get3A_1468] {strides = array<i32>} : memref<128x128xf32, #tpu.memory_space<vmem>>, vector<1x16xf32>,
        %get3A_1470 = vector.shape_cast %get3A_1469 : vector<1x16xf32> to vector<16xf32>
        %mul3A_1471 = vector.broadcast %squeeze3A_1374 : f32 to vector<16xf32>
        %mul3A_1472 = arith.mulf %get3A_1470, %mul3A_1471 : vector<16xf32>
        %add3A_1473 = arith.constant 11 : i32
        %add3A_1474 = arith.addi %mul3A_33, %add3A_1473 : i32
        %swap3A_1475 = arith.index_cast %add3A_1474 : i32 to index
        %swap3A_1476 = arith.constant 96 : index
        %swap3A_1477 = tpu.vector_load %arg11[%swap3A_1475, %swap3A_1476] {strides = array<i32>} : memref<128x128xf32, #tpu.memory_space<vmem>>, vector<1x16xf32>,
        %swap3A_1478 = vector.shape_cast %swap3A_1477 : vector<1x16xf32> to vector<16xf32>
        %swap3A_1479 = vector.shape_cast %mul3A_1472 : vector<16xf32> to vector<1x16xf32>
        tpu.vector_store %arg11[%swap3A_1475, %swap3A_1476], %swap3A_1479 {strides = array<i32>} : memref<128x128xf32, #tpu.memory_space<vmem>>, vector<1x16xf32>,
        %add3A_1480 = arith.constant 11 : i32
        %add3A_1481 = arith.addi %mul3A_33, %add3A_1480 : i32
        %get3A_1482 = arith.index_cast %add3A_1481 : i32 to index
        %get3A_1483 = arith.constant 112 : index
        %get3A_1484 = tpu.vector_load %arg11[%get3A_1482, %get3A_1483] {strides = array<i32>} : memref<128x128xf32, #tpu.memory_space<vmem>>, vector<1x16xf32>,
        %get3A_1485 = vector.shape_cast %get3A_1484 : vector<1x16xf32> to vector<16xf32>
        %mul3A_1486 = vector.broadcast %squeeze3A_1374 : f32 to vector<16xf32>
        %mul3A_1487 = arith.mulf %get3A_1485, %mul3A_1486 : vector<16xf32>
        %add3A_1488 = arith.constant 11 : i32
        %add3A_1489 = arith.addi %mul3A_33, %add3A_1488 : i32
        %swap3A_1490 = arith.index_cast %add3A_1489 : i32 to index
        %swap3A_1491 = arith.constant 112 : index
        %swap3A_1492 = tpu.vector_load %arg11[%swap3A_1490, %swap3A_1491] {strides = array<i32>} : memref<128x128xf32, #tpu.memory_space<vmem>>, vector<1x16xf32>,
        %swap3A_1493 = vector.shape_cast %swap3A_1492 : vector<1x16xf32> to vector<16xf32>
        %swap3A_1494 = vector.shape_cast %mul3A_1487 : vector<16xf32> to vector<1x16xf32>
        tpu.vector_store %arg11[%swap3A_1490, %swap3A_1491], %swap3A_1494 {strides = array<i32>} : memref<128x128xf32, #tpu.memory_space<vmem>>, vector<1x16xf32>,
        %slice3A_1495 = vector.extract_strided_slice %get3A_31 {offsets = [12], sizes = [1], strides = [1]} : vector<16xf32> to vector<1xf32>
        %squeeze3A_1496 = vector.extract %slice3A_1495[0] : f32 from vector<1xf32>
        %add3A_1497 = arith.constant 12 : i32
        %add3A_1498 = arith.addi %mul3A_33, %add3A_1497 : i32
        %get3A_1499 = arith.index_cast %add3A_1498 : i32 to index
        %get3A_1500 = arith.constant 0 : index
        %get3A_1501 = tpu.vector_load %arg11[%get3A_1499, %get3A_1500] {strides = array<i32>} : memref<128x128xf32, #tpu.memory_space<vmem>>, vector<1x16xf32>,
        %get3A_1502 = vector.shape_cast %get3A_1501 : vector<1x16xf32> to vector<16xf32>
        %mul3A_1503 = vector.broadcast %squeeze3A_1496 : f32 to vector<16xf32>
        %mul3A_1504 = arith.mulf %get3A_1502, %mul3A_1503 : vector<16xf32>
        %add3A_1505 = arith.constant 12 : i32
        %add3A_1506 = arith.addi %mul3A_33, %add3A_1505 : i32
        %swap3A_1507 = arith.index_cast %add3A_1506 : i32 to index
        %swap3A_1508 = arith.constant 0 : index
        %swap3A_1509 = tpu.vector_load %arg11[%swap3A_1507, %swap3A_1508] {strides = array<i32>} : memref<128x128xf32, #tpu.memory_space<vmem>>, vector<1x16xf32>,
        %swap3A_1510 = vector.shape_cast %swap3A_1509 : vector<1x16xf32> to vector<16xf32>
        %swap3A_1511 = vector.shape_cast %mul3A_1504 : vector<16xf32> to vector<1x16xf32>
        tpu.vector_store %arg11[%swap3A_1507, %swap3A_1508], %swap3A_1511 {strides = array<i32>} : memref<128x128xf32, #tpu.memory_space<vmem>>, vector<1x16xf32>,
        %add3A_1512 = arith.constant 12 : i32
        %add3A_1513 = arith.addi %mul3A_33, %add3A_1512 : i32
        %get3A_1514 = arith.index_cast %add3A_1513 : i32 to index
        %get3A_1515 = arith.constant 16 : index
        %get3A_1516 = tpu.vector_load %arg11[%get3A_1514, %get3A_1515] {strides = array<i32>} : memref<128x128xf32, #tpu.memory_space<vmem>>, vector<1x16xf32>,
        %get3A_1517 = vector.shape_cast %get3A_1516 : vector<1x16xf32> to vector<16xf32>
        %mul3A_1518 = vector.broadcast %squeeze3A_1496 : f32 to vector<16xf32>
        %mul3A_1519 = arith.mulf %get3A_1517, %mul3A_1518 : vector<16xf32>
        %add3A_1520 = arith.constant 12 : i32
        %add3A_1521 = arith.addi %mul3A_33, %add3A_1520 : i32
        %swap3A_1522 = arith.index_cast %add3A_1521 : i32 to index
        %swap3A_1523 = arith.constant 16 : index
        %swap3A_1524 = tpu.vector_load %arg11[%swap3A_1522, %swap3A_1523] {strides = array<i32>} : memref<128x128xf32, #tpu.memory_space<vmem>>, vector<1x16xf32>,
        %swap3A_1525 = vector.shape_cast %swap3A_1524 : vector<1x16xf32> to vector<16xf32>
        %swap3A_1526 = vector.shape_cast %mul3A_1519 : vector<16xf32> to vector<1x16xf32>
        tpu.vector_store %arg11[%swap3A_1522, %swap3A_1523], %swap3A_1526 {strides = array<i32>} : memref<128x128xf32, #tpu.memory_space<vmem>>, vector<1x16xf32>,
        %add3A_1527 = arith.constant 12 : i32
        %add3A_1528 = arith.addi %mul3A_33, %add3A_1527 : i32
        %get3A_1529 = arith.index_cast %add3A_1528 : i32 to index
        %get3A_1530 = arith.constant 32 : index
        %get3A_1531 = tpu.vector_load %arg11[%get3A_1529, %get3A_1530] {strides = array<i32>} : memref<128x128xf32, #tpu.memory_space<vmem>>, vector<1x16xf32>,
        %get3A_1532 = vector.shape_cast %get3A_1531 : vector<1x16xf32> to vector<16xf32>
        %mul3A_1533 = vector.broadcast %squeeze3A_1496 : f32 to vector<16xf32>
        %mul3A_1534 = arith.mulf %get3A_1532, %mul3A_1533 : vector<16xf32>
        %add3A_1535 = arith.constant 12 : i32
        %add3A_1536 = arith.addi %mul3A_33, %add3A_1535 : i32
        %swap3A_1537 = arith.index_cast %add3A_1536 : i32 to index
        %swap3A_1538 = arith.constant 32 : index
        %swap3A_1539 = tpu.vector_load %arg11[%swap3A_1537, %swap3A_1538] {strides = array<i32>} : memref<128x128xf32, #tpu.memory_space<vmem>>, vector<1x16xf32>,
        %swap3A_1540 = vector.shape_cast %swap3A_1539 : vector<1x16xf32> to vector<16xf32>
        %swap3A_1541 = vector.shape_cast %mul3A_1534 : vector<16xf32> to vector<1x16xf32>
        tpu.vector_store %arg11[%swap3A_1537, %swap3A_1538], %swap3A_1541 {strides = array<i32>} : memref<128x128xf32, #tpu.memory_space<vmem>>, vector<1x16xf32>,
        %add3A_1542 = arith.constant 12 : i32
        %add3A_1543 = arith.addi %mul3A_33, %add3A_1542 : i32
        %get3A_1544 = arith.index_cast %add3A_1543 : i32 to index
        %get3A_1545 = arith.constant 48 : index
        %get3A_1546 = tpu.vector_load %arg11[%get3A_1544, %get3A_1545] {strides = array<i32>} : memref<128x128xf32, #tpu.memory_space<vmem>>, vector<1x16xf32>,
        %get3A_1547 = vector.shape_cast %get3A_1546 : vector<1x16xf32> to vector<16xf32>
        %mul3A_1548 = vector.broadcast %squeeze3A_1496 : f32 to vector<16xf32>
        %mul3A_1549 = arith.mulf %get3A_1547, %mul3A_1548 : vector<16xf32>
        %add3A_1550 = arith.constant 12 : i32
        %add3A_1551 = arith.addi %mul3A_33, %add3A_1550 : i32
        %swap3A_1552 = arith.index_cast %add3A_1551 : i32 to index
        %swap3A_1553 = arith.constant 48 : index
        %swap3A_1554 = tpu.vector_load %arg11[%swap3A_1552, %swap3A_1553] {strides = array<i32>} : memref<128x128xf32, #tpu.memory_space<vmem>>, vector<1x16xf32>,
        %swap3A_1555 = vector.shape_cast %swap3A_1554 : vector<1x16xf32> to vector<16xf32>
        %swap3A_1556 = vector.shape_cast %mul3A_1549 : vector<16xf32> to vector<1x16xf32>
        tpu.vector_store %arg11[%swap3A_1552, %swap3A_1553], %swap3A_1556 {strides = array<i32>} : memref<128x128xf32, #tpu.memory_space<vmem>>, vector<1x16xf32>,
        %add3A_1557 = arith.constant 12 : i32
        %add3A_1558 = arith.addi %mul3A_33, %add3A_1557 : i32
        %get3A_1559 = arith.index_cast %add3A_1558 : i32 to index
        %get3A_1560 = arith.constant 64 : index
        %get3A_1561 = tpu.vector_load %arg11[%get3A_1559, %get3A_1560] {strides = array<i32>} : memref<128x128xf32, #tpu.memory_space<vmem>>, vector<1x16xf32>,
        %get3A_1562 = vector.shape_cast %get3A_1561 : vector<1x16xf32> to vector<16xf32>
        %mul3A_1563 = vector.broadcast %squeeze3A_1496 : f32 to vector<16xf32>
        %mul3A_1564 = arith.mulf %get3A_1562, %mul3A_1563 : vector<16xf32>
        %add3A_1565 = arith.constant 12 : i32
        %add3A_1566 = arith.addi %mul3A_33, %add3A_1565 : i32
        %swap3A_1567 = arith.index_cast %add3A_1566 : i32 to index
        %swap3A_1568 = arith.constant 64 : index
        %swap3A_1569 = tpu.vector_load %arg11[%swap3A_1567, %swap3A_1568] {strides = array<i32>} : memref<128x128xf32, #tpu.memory_space<vmem>>, vector<1x16xf32>,
        %swap3A_1570 = vector.shape_cast %swap3A_1569 : vector<1x16xf32> to vector<16xf32>
        %swap3A_1571 = vector.shape_cast %mul3A_1564 : vector<16xf32> to vector<1x16xf32>
        tpu.vector_store %arg11[%swap3A_1567, %swap3A_1568], %swap3A_1571 {strides = array<i32>} : memref<128x128xf32, #tpu.memory_space<vmem>>, vector<1x16xf32>,
        %add3A_1572 = arith.constant 12 : i32
        %add3A_1573 = arith.addi %mul3A_33, %add3A_1572 : i32
        %get3A_1574 = arith.index_cast %add3A_1573 : i32 to index
        %get3A_1575 = arith.constant 80 : index
        %get3A_1576 = tpu.vector_load %arg11[%get3A_1574, %get3A_1575] {strides = array<i32>} : memref<128x128xf32, #tpu.memory_space<vmem>>, vector<1x16xf32>,
        %get3A_1577 = vector.shape_cast %get3A_1576 : vector<1x16xf32> to vector<16xf32>
        %mul3A_1578 = vector.broadcast %squeeze3A_1496 : f32 to vector<16xf32>
        %mul3A_1579 = arith.mulf %get3A_1577, %mul3A_1578 : vector<16xf32>
        %add3A_1580 = arith.constant 12 : i32
        %add3A_1581 = arith.addi %mul3A_33, %add3A_1580 : i32
        %swap3A_1582 = arith.index_cast %add3A_1581 : i32 to index
        %swap3A_1583 = arith.constant 80 : index
        %swap3A_1584 = tpu.vector_load %arg11[%swap3A_1582, %swap3A_1583] {strides = array<i32>} : memref<128x128xf32, #tpu.memory_space<vmem>>, vector<1x16xf32>,
        %swap3A_1585 = vector.shape_cast %swap3A_1584 : vector<1x16xf32> to vector<16xf32>
        %swap3A_1586 = vector.shape_cast %mul3A_1579 : vector<16xf32> to vector<1x16xf32>
        tpu.vector_store %arg11[%swap3A_1582, %swap3A_1583], %swap3A_1586 {strides = array<i32>} : memref<128x128xf32, #tpu.memory_space<vmem>>, vector<1x16xf32>,
        %add3A_1587 = arith.constant 12 : i32
        %add3A_1588 = arith.addi %mul3A_33, %add3A_1587 : i32
        %get3A_1589 = arith.index_cast %add3A_1588 : i32 to index
        %get3A_1590 = arith.constant 96 : index
        %get3A_1591 = tpu.vector_load %arg11[%get3A_1589, %get3A_1590] {strides = array<i32>} : memref<128x128xf32, #tpu.memory_space<vmem>>, vector<1x16xf32>,
        %get3A_1592 = vector.shape_cast %get3A_1591 : vector<1x16xf32> to vector<16xf32>
        %mul3A_1593 = vector.broadcast %squeeze3A_1496 : f32 to vector<16xf32>
        %mul3A_1594 = arith.mulf %get3A_1592, %mul3A_1593 : vector<16xf32>
        %add3A_1595 = arith.constant 12 : i32
        %add3A_1596 = arith.addi %mul3A_33, %add3A_1595 : i32
        %swap3A_1597 = arith.index_cast %add3A_1596 : i32 to index
        %swap3A_1598 = arith.constant 96 : index
        %swap3A_1599 = tpu.vector_load %arg11[%swap3A_1597, %swap3A_1598] {strides = array<i32>} : memref<128x128xf32, #tpu.memory_space<vmem>>, vector<1x16xf32>,
        %swap3A_1600 = vector.shape_cast %swap3A_1599 : vector<1x16xf32> to vector<16xf32>
        %swap3A_1601 = vector.shape_cast %mul3A_1594 : vector<16xf32> to vector<1x16xf32>
        tpu.vector_store %arg11[%swap3A_1597, %swap3A_1598], %swap3A_1601 {strides = array<i32>} : memref<128x128xf32, #tpu.memory_space<vmem>>, vector<1x16xf32>,
        %add3A_1602 = arith.constant 12 : i32
        %add3A_1603 = arith.addi %mul3A_33, %add3A_1602 : i32
        %get3A_1604 = arith.index_cast %add3A_1603 : i32 to index
        %get3A_1605 = arith.constant 112 : index
        %get3A_1606 = tpu.vector_load %arg11[%get3A_1604, %get3A_1605] {strides = array<i32>} : memref<128x128xf32, #tpu.memory_space<vmem>>, vector<1x16xf32>,
        %get3A_1607 = vector.shape_cast %get3A_1606 : vector<1x16xf32> to vector<16xf32>
        %mul3A_1608 = vector.broadcast %squeeze3A_1496 : f32 to vector<16xf32>
        %mul3A_1609 = arith.mulf %get3A_1607, %mul3A_1608 : vector<16xf32>
        %add3A_1610 = arith.constant 12 : i32
        %add3A_1611 = arith.addi %mul3A_33, %add3A_1610 : i32
        %swap3A_1612 = arith.index_cast %add3A_1611 : i32 to index
        %swap3A_1613 = arith.constant 112 : index
        %swap3A_1614 = tpu.vector_load %arg11[%swap3A_1612, %swap3A_1613] {strides = array<i32>} : memref<128x128xf32, #tpu.memory_space<vmem>>, vector<1x16xf32>,
        %swap3A_1615 = vector.shape_cast %swap3A_1614 : vector<1x16xf32> to vector<16xf32>
        %swap3A_1616 = vector.shape_cast %mul3A_1609 : vector<16xf32> to vector<1x16xf32>
        tpu.vector_store %arg11[%swap3A_1612, %swap3A_1613], %swap3A_1616 {strides = array<i32>} : memref<128x128xf32, #tpu.memory_space<vmem>>, vector<1x16xf32>,
        %slice3A_1617 = vector.extract_strided_slice %get3A_31 {offsets = [13], sizes = [1], strides = [1]} : vector<16xf32> to vector<1xf32>
        %squeeze3A_1618 = vector.extract %slice3A_1617[0] : f32 from vector<1xf32>
        %add3A_1619 = arith.constant 13 : i32
        %add3A_1620 = arith.addi %mul3A_33, %add3A_1619 : i32
        %get3A_1621 = arith.index_cast %add3A_1620 : i32 to index
        %get3A_1622 = arith.constant 0 : index
        %get3A_1623 = tpu.vector_load %arg11[%get3A_1621, %get3A_1622] {strides = array<i32>} : memref<128x128xf32, #tpu.memory_space<vmem>>, vector<1x16xf32>,
        %get3A_1624 = vector.shape_cast %get3A_1623 : vector<1x16xf32> to vector<16xf32>
        %mul3A_1625 = vector.broadcast %squeeze3A_1618 : f32 to vector<16xf32>
        %mul3A_1626 = arith.mulf %get3A_1624, %mul3A_1625 : vector<16xf32>
        %add3A_1627 = arith.constant 13 : i32
        %add3A_1628 = arith.addi %mul3A_33, %add3A_1627 : i32
        %swap3A_1629 = arith.index_cast %add3A_1628 : i32 to index
        %swap3A_1630 = arith.constant 0 : index
        %swap3A_1631 = tpu.vector_load %arg11[%swap3A_1629, %swap3A_1630] {strides = array<i32>} : memref<128x128xf32, #tpu.memory_space<vmem>>, vector<1x16xf32>,
        %swap3A_1632 = vector.shape_cast %swap3A_1631 : vector<1x16xf32> to vector<16xf32>
        %swap3A_1633 = vector.shape_cast %mul3A_1626 : vector<16xf32> to vector<1x16xf32>
        tpu.vector_store %arg11[%swap3A_1629, %swap3A_1630], %swap3A_1633 {strides = array<i32>} : memref<128x128xf32, #tpu.memory_space<vmem>>, vector<1x16xf32>,
        %add3A_1634 = arith.constant 13 : i32
        %add3A_1635 = arith.addi %mul3A_33, %add3A_1634 : i32
        %get3A_1636 = arith.index_cast %add3A_1635 : i32 to index
        %get3A_1637 = arith.constant 16 : index
        %get3A_1638 = tpu.vector_load %arg11[%get3A_1636, %get3A_1637] {strides = array<i32>} : memref<128x128xf32, #tpu.memory_space<vmem>>, vector<1x16xf32>,
        %get3A_1639 = vector.shape_cast %get3A_1638 : vector<1x16xf32> to vector<16xf32>
        %mul3A_1640 = vector.broadcast %squeeze3A_1618 : f32 to vector<16xf32>
        %mul3A_1641 = arith.mulf %get3A_1639, %mul3A_1640 : vector<16xf32>
        %add3A_1642 = arith.constant 13 : i32
        %add3A_1643 = arith.addi %mul3A_33, %add3A_1642 : i32
        %swap3A_1644 = arith.index_cast %add3A_1643 : i32 to index
        %swap3A_1645 = arith.constant 16 : index
        %swap3A_1646 = tpu.vector_load %arg11[%swap3A_1644, %swap3A_1645] {strides = array<i32>} : memref<128x128xf32, #tpu.memory_space<vmem>>, vector<1x16xf32>,
        %swap3A_1647 = vector.shape_cast %swap3A_1646 : vector<1x16xf32> to vector<16xf32>
        %swap3A_1648 = vector.shape_cast %mul3A_1641 : vector<16xf32> to vector<1x16xf32>
        tpu.vector_store %arg11[%swap3A_1644, %swap3A_1645], %swap3A_1648 {strides = array<i32>} : memref<128x128xf32, #tpu.memory_space<vmem>>, vector<1x16xf32>,
        %add3A_1649 = arith.constant 13 : i32
        %add3A_1650 = arith.addi %mul3A_33, %add3A_1649 : i32
        %get3A_1651 = arith.index_cast %add3A_1650 : i32 to index
        %get3A_1652 = arith.constant 32 : index
        %get3A_1653 = tpu.vector_load %arg11[%get3A_1651, %get3A_1652] {strides = array<i32>} : memref<128x128xf32, #tpu.memory_space<vmem>>, vector<1x16xf32>,
        %get3A_1654 = vector.shape_cast %get3A_1653 : vector<1x16xf32> to vector<16xf32>
        %mul3A_1655 = vector.broadcast %squeeze3A_1618 : f32 to vector<16xf32>
        %mul3A_1656 = arith.mulf %get3A_1654, %mul3A_1655 : vector<16xf32>
        %add3A_1657 = arith.constant 13 : i32
        %add3A_1658 = arith.addi %mul3A_33, %add3A_1657 : i32
        %swap3A_1659 = arith.index_cast %add3A_1658 : i32 to index
        %swap3A_1660 = arith.constant 32 : index
        %swap3A_1661 = tpu.vector_load %arg11[%swap3A_1659, %swap3A_1660] {strides = array<i32>} : memref<128x128xf32, #tpu.memory_space<vmem>>, vector<1x16xf32>,
        %swap3A_1662 = vector.shape_cast %swap3A_1661 : vector<1x16xf32> to vector<16xf32>
        %swap3A_1663 = vector.shape_cast %mul3A_1656 : vector<16xf32> to vector<1x16xf32>
        tpu.vector_store %arg11[%swap3A_1659, %swap3A_1660], %swap3A_1663 {strides = array<i32>} : memref<128x128xf32, #tpu.memory_space<vmem>>, vector<1x16xf32>,
        %add3A_1664 = arith.constant 13 : i32
        %add3A_1665 = arith.addi %mul3A_33, %add3A_1664 : i32
        %get3A_1666 = arith.index_cast %add3A_1665 : i32 to index
        %get3A_1667 = arith.constant 48 : index
        %get3A_1668 = tpu.vector_load %arg11[%get3A_1666, %get3A_1667] {strides = array<i32>} : memref<128x128xf32, #tpu.memory_space<vmem>>, vector<1x16xf32>,
        %get3A_1669 = vector.shape_cast %get3A_1668 : vector<1x16xf32> to vector<16xf32>
        %mul3A_1670 = vector.broadcast %squeeze3A_1618 : f32 to vector<16xf32>
        %mul3A_1671 = arith.mulf %get3A_1669, %mul3A_1670 : vector<16xf32>
        %add3A_1672 = arith.constant 13 : i32
        %add3A_1673 = arith.addi %mul3A_33, %add3A_1672 : i32
        %swap3A_1674 = arith.index_cast %add3A_1673 : i32 to index
        %swap3A_1675 = arith.constant 48 : index
        %swap3A_1676 = tpu.vector_load %arg11[%swap3A_1674, %swap3A_1675] {strides = array<i32>} : memref<128x128xf32, #tpu.memory_space<vmem>>, vector<1x16xf32>,
        %swap3A_1677 = vector.shape_cast %swap3A_1676 : vector<1x16xf32> to vector<16xf32>
        %swap3A_1678 = vector.shape_cast %mul3A_1671 : vector<16xf32> to vector<1x16xf32>
        tpu.vector_store %arg11[%swap3A_1674, %swap3A_1675], %swap3A_1678 {strides = array<i32>} : memref<128x128xf32, #tpu.memory_space<vmem>>, vector<1x16xf32>,
        %add3A_1679 = arith.constant 13 : i32
        %add3A_1680 = arith.addi %mul3A_33, %add3A_1679 : i32
        %get3A_1681 = arith.index_cast %add3A_1680 : i32 to index
        %get3A_1682 = arith.constant 64 : index
        %get3A_1683 = tpu.vector_load %arg11[%get3A_1681, %get3A_1682] {strides = array<i32>} : memref<128x128xf32, #tpu.memory_space<vmem>>, vector<1x16xf32>,
        %get3A_1684 = vector.shape_cast %get3A_1683 : vector<1x16xf32> to vector<16xf32>
        %mul3A_1685 = vector.broadcast %squeeze3A_1618 : f32 to vector<16xf32>
        %mul3A_1686 = arith.mulf %get3A_1684, %mul3A_1685 : vector<16xf32>
        %add3A_1687 = arith.constant 13 : i32
        %add3A_1688 = arith.addi %mul3A_33, %add3A_1687 : i32
        %swap3A_1689 = arith.index_cast %add3A_1688 : i32 to index
        %swap3A_1690 = arith.constant 64 : index
        %swap3A_1691 = tpu.vector_load %arg11[%swap3A_1689, %swap3A_1690] {strides = array<i32>} : memref<128x128xf32, #tpu.memory_space<vmem>>, vector<1x16xf32>,
        %swap3A_1692 = vector.shape_cast %swap3A_1691 : vector<1x16xf32> to vector<16xf32>
        %swap3A_1693 = vector.shape_cast %mul3A_1686 : vector<16xf32> to vector<1x16xf32>
        tpu.vector_store %arg11[%swap3A_1689, %swap3A_1690], %swap3A_1693 {strides = array<i32>} : memref<128x128xf32, #tpu.memory_space<vmem>>, vector<1x16xf32>,
        %add3A_1694 = arith.constant 13 : i32
        %add3A_1695 = arith.addi %mul3A_33, %add3A_1694 : i32
        %get3A_1696 = arith.index_cast %add3A_1695 : i32 to index
        %get3A_1697 = arith.constant 80 : index
        %get3A_1698 = tpu.vector_load %arg11[%get3A_1696, %get3A_1697] {strides = array<i32>} : memref<128x128xf32, #tpu.memory_space<vmem>>, vector<1x16xf32>,
        %get3A_1699 = vector.shape_cast %get3A_1698 : vector<1x16xf32> to vector<16xf32>
        %mul3A_1700 = vector.broadcast %squeeze3A_1618 : f32 to vector<16xf32>
        %mul3A_1701 = arith.mulf %get3A_1699, %mul3A_1700 : vector<16xf32>
        %add3A_1702 = arith.constant 13 : i32
        %add3A_1703 = arith.addi %mul3A_33, %add3A_1702 : i32
        %swap3A_1704 = arith.index_cast %add3A_1703 : i32 to index
        %swap3A_1705 = arith.constant 80 : index
        %swap3A_1706 = tpu.vector_load %arg11[%swap3A_1704, %swap3A_1705] {strides = array<i32>} : memref<128x128xf32, #tpu.memory_space<vmem>>, vector<1x16xf32>,
        %swap3A_1707 = vector.shape_cast %swap3A_1706 : vector<1x16xf32> to vector<16xf32>
        %swap3A_1708 = vector.shape_cast %mul3A_1701 : vector<16xf32> to vector<1x16xf32>
        tpu.vector_store %arg11[%swap3A_1704, %swap3A_1705], %swap3A_1708 {strides = array<i32>} : memref<128x128xf32, #tpu.memory_space<vmem>>, vector<1x16xf32>,
        %add3A_1709 = arith.constant 13 : i32
        %add3A_1710 = arith.addi %mul3A_33, %add3A_1709 : i32
        %get3A_1711 = arith.index_cast %add3A_1710 : i32 to index
        %get3A_1712 = arith.constant 96 : index
        %get3A_1713 = tpu.vector_load %arg11[%get3A_1711, %get3A_1712] {strides = array<i32>} : memref<128x128xf32, #tpu.memory_space<vmem>>, vector<1x16xf32>,
        %get3A_1714 = vector.shape_cast %get3A_1713 : vector<1x16xf32> to vector<16xf32>
        %mul3A_1715 = vector.broadcast %squeeze3A_1618 : f32 to vector<16xf32>
        %mul3A_1716 = arith.mulf %get3A_1714, %mul3A_1715 : vector<16xf32>
        %add3A_1717 = arith.constant 13 : i32
        %add3A_1718 = arith.addi %mul3A_33, %add3A_1717 : i32
        %swap3A_1719 = arith.index_cast %add3A_1718 : i32 to index
        %swap3A_1720 = arith.constant 96 : index
        %swap3A_1721 = tpu.vector_load %arg11[%swap3A_1719, %swap3A_1720] {strides = array<i32>} : memref<128x128xf32, #tpu.memory_space<vmem>>, vector<1x16xf32>,
        %swap3A_1722 = vector.shape_cast %swap3A_1721 : vector<1x16xf32> to vector<16xf32>
        %swap3A_1723 = vector.shape_cast %mul3A_1716 : vector<16xf32> to vector<1x16xf32>
        tpu.vector_store %arg11[%swap3A_1719, %swap3A_1720], %swap3A_1723 {strides = array<i32>} : memref<128x128xf32, #tpu.memory_space<vmem>>, vector<1x16xf32>,
        %add3A_1724 = arith.constant 13 : i32
        %add3A_1725 = arith.addi %mul3A_33, %add3A_1724 : i32
        %get3A_1726 = arith.index_cast %add3A_1725 : i32 to index
        %get3A_1727 = arith.constant 112 : index
        %get3A_1728 = tpu.vector_load %arg11[%get3A_1726, %get3A_1727] {strides = array<i32>} : memref<128x128xf32, #tpu.memory_space<vmem>>, vector<1x16xf32>,
        %get3A_1729 = vector.shape_cast %get3A_1728 : vector<1x16xf32> to vector<16xf32>
        %mul3A_1730 = vector.broadcast %squeeze3A_1618 : f32 to vector<16xf32>
        %mul3A_1731 = arith.mulf %get3A_1729, %mul3A_1730 : vector<16xf32>
        %add3A_1732 = arith.constant 13 : i32
        %add3A_1733 = arith.addi %mul3A_33, %add3A_1732 : i32
        %swap3A_1734 = arith.index_cast %add3A_1733 : i32 to index
        %swap3A_1735 = arith.constant 112 : index
        %swap3A_1736 = tpu.vector_load %arg11[%swap3A_1734, %swap3A_1735] {strides = array<i32>} : memref<128x128xf32, #tpu.memory_space<vmem>>, vector<1x16xf32>,
        %swap3A_1737 = vector.shape_cast %swap3A_1736 : vector<1x16xf32> to vector<16xf32>
        %swap3A_1738 = vector.shape_cast %mul3A_1731 : vector<16xf32> to vector<1x16xf32>
        tpu.vector_store %arg11[%swap3A_1734, %swap3A_1735], %swap3A_1738 {strides = array<i32>} : memref<128x128xf32, #tpu.memory_space<vmem>>, vector<1x16xf32>,
        %slice3A_1739 = vector.extract_strided_slice %get3A_31 {offsets = [14], sizes = [1], strides = [1]} : vector<16xf32> to vector<1xf32>
        %squeeze3A_1740 = vector.extract %slice3A_1739[0] : f32 from vector<1xf32>
        %add3A_1741 = arith.constant 14 : i32
        %add3A_1742 = arith.addi %mul3A_33, %add3A_1741 : i32
        %get3A_1743 = arith.index_cast %add3A_1742 : i32 to index
        %get3A_1744 = arith.constant 0 : index
        %get3A_1745 = tpu.vector_load %arg11[%get3A_1743, %get3A_1744] {strides = array<i32>} : memref<128x128xf32, #tpu.memory_space<vmem>>, vector<1x16xf32>,
        %get3A_1746 = vector.shape_cast %get3A_1745 : vector<1x16xf32> to vector<16xf32>
        %mul3A_1747 = vector.broadcast %squeeze3A_1740 : f32 to vector<16xf32>
        %mul3A_1748 = arith.mulf %get3A_1746, %mul3A_1747 : vector<16xf32>
        %add3A_1749 = arith.constant 14 : i32
        %add3A_1750 = arith.addi %mul3A_33, %add3A_1749 : i32
        %swap3A_1751 = arith.index_cast %add3A_1750 : i32 to index
        %swap3A_1752 = arith.constant 0 : index
        %swap3A_1753 = tpu.vector_load %arg11[%swap3A_1751, %swap3A_1752] {strides = array<i32>} : memref<128x128xf32, #tpu.memory_space<vmem>>, vector<1x16xf32>,
        %swap3A_1754 = vector.shape_cast %swap3A_1753 : vector<1x16xf32> to vector<16xf32>
        %swap3A_1755 = vector.shape_cast %mul3A_1748 : vector<16xf32> to vector<1x16xf32>
        tpu.vector_store %arg11[%swap3A_1751, %swap3A_1752], %swap3A_1755 {strides = array<i32>} : memref<128x128xf32, #tpu.memory_space<vmem>>, vector<1x16xf32>,
        %add3A_1756 = arith.constant 14 : i32
        %add3A_1757 = arith.addi %mul3A_33, %add3A_1756 : i32
        %get3A_1758 = arith.index_cast %add3A_1757 : i32 to index
        %get3A_1759 = arith.constant 16 : index
        %get3A_1760 = tpu.vector_load %arg11[%get3A_1758, %get3A_1759] {strides = array<i32>} : memref<128x128xf32, #tpu.memory_space<vmem>>, vector<1x16xf32>,
        %get3A_1761 = vector.shape_cast %get3A_1760 : vector<1x16xf32> to vector<16xf32>
        %mul3A_1762 = vector.broadcast %squeeze3A_1740 : f32 to vector<16xf32>
        %mul3A_1763 = arith.mulf %get3A_1761, %mul3A_1762 : vector<16xf32>
        %add3A_1764 = arith.constant 14 : i32
        %add3A_1765 = arith.addi %mul3A_33, %add3A_1764 : i32
        %swap3A_1766 = arith.index_cast %add3A_1765 : i32 to index
        %swap3A_1767 = arith.constant 16 : index
        %swap3A_1768 = tpu.vector_load %arg11[%swap3A_1766, %swap3A_1767] {strides = array<i32>} : memref<128x128xf32, #tpu.memory_space<vmem>>, vector<1x16xf32>,
        %swap3A_1769 = vector.shape_cast %swap3A_1768 : vector<1x16xf32> to vector<16xf32>
        %swap3A_1770 = vector.shape_cast %mul3A_1763 : vector<16xf32> to vector<1x16xf32>
        tpu.vector_store %arg11[%swap3A_1766, %swap3A_1767], %swap3A_1770 {strides = array<i32>} : memref<128x128xf32, #tpu.memory_space<vmem>>, vector<1x16xf32>,
        %add3A_1771 = arith.constant 14 : i32
        %add3A_1772 = arith.addi %mul3A_33, %add3A_1771 : i32
        %get3A_1773 = arith.index_cast %add3A_1772 : i32 to index
        %get3A_1774 = arith.constant 32 : index
        %get3A_1775 = tpu.vector_load %arg11[%get3A_1773, %get3A_1774] {strides = array<i32>} : memref<128x128xf32, #tpu.memory_space<vmem>>, vector<1x16xf32>,
        %get3A_1776 = vector.shape_cast %get3A_1775 : vector<1x16xf32> to vector<16xf32>
        %mul3A_1777 = vector.broadcast %squeeze3A_1740 : f32 to vector<16xf32>
        %mul3A_1778 = arith.mulf %get3A_1776, %mul3A_1777 : vector<16xf32>
        %add3A_1779 = arith.constant 14 : i32
        %add3A_1780 = arith.addi %mul3A_33, %add3A_1779 : i32
        %swap3A_1781 = arith.index_cast %add3A_1780 : i32 to index
        %swap3A_1782 = arith.constant 32 : index
        %swap3A_1783 = tpu.vector_load %arg11[%swap3A_1781, %swap3A_1782] {strides = array<i32>} : memref<128x128xf32, #tpu.memory_space<vmem>>, vector<1x16xf32>,
        %swap3A_1784 = vector.shape_cast %swap3A_1783 : vector<1x16xf32> to vector<16xf32>
        %swap3A_1785 = vector.shape_cast %mul3A_1778 : vector<16xf32> to vector<1x16xf32>
        tpu.vector_store %arg11[%swap3A_1781, %swap3A_1782], %swap3A_1785 {strides = array<i32>} : memref<128x128xf32, #tpu.memory_space<vmem>>, vector<1x16xf32>,
        %add3A_1786 = arith.constant 14 : i32
        %add3A_1787 = arith.addi %mul3A_33, %add3A_1786 : i32
        %get3A_1788 = arith.index_cast %add3A_1787 : i32 to index
        %get3A_1789 = arith.constant 48 : index
        %get3A_1790 = tpu.vector_load %arg11[%get3A_1788, %get3A_1789] {strides = array<i32>} : memref<128x128xf32, #tpu.memory_space<vmem>>, vector<1x16xf32>,
        %get3A_1791 = vector.shape_cast %get3A_1790 : vector<1x16xf32> to vector<16xf32>
        %mul3A_1792 = vector.broadcast %squeeze3A_1740 : f32 to vector<16xf32>
        %mul3A_1793 = arith.mulf %get3A_1791, %mul3A_1792 : vector<16xf32>
        %add3A_1794 = arith.constant 14 : i32
        %add3A_1795 = arith.addi %mul3A_33, %add3A_1794 : i32
        %swap3A_1796 = arith.index_cast %add3A_1795 : i32 to index
        %swap3A_1797 = arith.constant 48 : index
        %swap3A_1798 = tpu.vector_load %arg11[%swap3A_1796, %swap3A_1797] {strides = array<i32>} : memref<128x128xf32, #tpu.memory_space<vmem>>, vector<1x16xf32>,
        %swap3A_1799 = vector.shape_cast %swap3A_1798 : vector<1x16xf32> to vector<16xf32>
        %swap3A_1800 = vector.shape_cast %mul3A_1793 : vector<16xf32> to vector<1x16xf32>
        tpu.vector_store %arg11[%swap3A_1796, %swap3A_1797], %swap3A_1800 {strides = array<i32>} : memref<128x128xf32, #tpu.memory_space<vmem>>, vector<1x16xf32>,
        %add3A_1801 = arith.constant 14 : i32
        %add3A_1802 = arith.addi %mul3A_33, %add3A_1801 : i32
        %get3A_1803 = arith.index_cast %add3A_1802 : i32 to index
        %get3A_1804 = arith.constant 64 : index
        %get3A_1805 = tpu.vector_load %arg11[%get3A_1803, %get3A_1804] {strides = array<i32>} : memref<128x128xf32, #tpu.memory_space<vmem>>, vector<1x16xf32>,
        %get3A_1806 = vector.shape_cast %get3A_1805 : vector<1x16xf32> to vector<16xf32>
        %mul3A_1807 = vector.broadcast %squeeze3A_1740 : f32 to vector<16xf32>
        %mul3A_1808 = arith.mulf %get3A_1806, %mul3A_1807 : vector<16xf32>
        %add3A_1809 = arith.constant 14 : i32
        %add3A_1810 = arith.addi %mul3A_33, %add3A_1809 : i32
        %swap3A_1811 = arith.index_cast %add3A_1810 : i32 to index
        %swap3A_1812 = arith.constant 64 : index
        %swap3A_1813 = tpu.vector_load %arg11[%swap3A_1811, %swap3A_1812] {strides = array<i32>} : memref<128x128xf32, #tpu.memory_space<vmem>>, vector<1x16xf32>,
        %swap3A_1814 = vector.shape_cast %swap3A_1813 : vector<1x16xf32> to vector<16xf32>
        %swap3A_1815 = vector.shape_cast %mul3A_1808 : vector<16xf32> to vector<1x16xf32>
        tpu.vector_store %arg11[%swap3A_1811, %swap3A_1812], %swap3A_1815 {strides = array<i32>} : memref<128x128xf32, #tpu.memory_space<vmem>>, vector<1x16xf32>,
        %add3A_1816 = arith.constant 14 : i32
        %add3A_1817 = arith.addi %mul3A_33, %add3A_1816 : i32
        %get3A_1818 = arith.index_cast %add3A_1817 : i32 to index
        %get3A_1819 = arith.constant 80 : index
        %get3A_1820 = tpu.vector_load %arg11[%get3A_1818, %get3A_1819] {strides = array<i32>} : memref<128x128xf32, #tpu.memory_space<vmem>>, vector<1x16xf32>,
        %get3A_1821 = vector.shape_cast %get3A_1820 : vector<1x16xf32> to vector<16xf32>
        %mul3A_1822 = vector.broadcast %squeeze3A_1740 : f32 to vector<16xf32>
        %mul3A_1823 = arith.mulf %get3A_1821, %mul3A_1822 : vector<16xf32>
        %add3A_1824 = arith.constant 14 : i32
        %add3A_1825 = arith.addi %mul3A_33, %add3A_1824 : i32
        %swap3A_1826 = arith.index_cast %add3A_1825 : i32 to index
        %swap3A_1827 = arith.constant 80 : index
        %swap3A_1828 = tpu.vector_load %arg11[%swap3A_1826, %swap3A_1827] {strides = array<i32>} : memref<128x128xf32, #tpu.memory_space<vmem>>, vector<1x16xf32>,
        %swap3A_1829 = vector.shape_cast %swap3A_1828 : vector<1x16xf32> to vector<16xf32>
        %swap3A_1830 = vector.shape_cast %mul3A_1823 : vector<16xf32> to vector<1x16xf32>
        tpu.vector_store %arg11[%swap3A_1826, %swap3A_1827], %swap3A_1830 {strides = array<i32>} : memref<128x128xf32, #tpu.memory_space<vmem>>, vector<1x16xf32>,
        %add3A_1831 = arith.constant 14 : i32
        %add3A_1832 = arith.addi %mul3A_33, %add3A_1831 : i32
        %get3A_1833 = arith.index_cast %add3A_1832 : i32 to index
        %get3A_1834 = arith.constant 96 : index
        %get3A_1835 = tpu.vector_load %arg11[%get3A_1833, %get3A_1834] {strides = array<i32>} : memref<128x128xf32, #tpu.memory_space<vmem>>, vector<1x16xf32>,
        %get3A_1836 = vector.shape_cast %get3A_1835 : vector<1x16xf32> to vector<16xf32>
        %mul3A_1837 = vector.broadcast %squeeze3A_1740 : f32 to vector<16xf32>
        %mul3A_1838 = arith.mulf %get3A_1836, %mul3A_1837 : vector<16xf32>
        %add3A_1839 = arith.constant 14 : i32
        %add3A_1840 = arith.addi %mul3A_33, %add3A_1839 : i32
        %swap3A_1841 = arith.index_cast %add3A_1840 : i32 to index
        %swap3A_1842 = arith.constant 96 : index
        %swap3A_1843 = tpu.vector_load %arg11[%swap3A_1841, %swap3A_1842] {strides = array<i32>} : memref<128x128xf32, #tpu.memory_space<vmem>>, vector<1x16xf32>,
        %swap3A_1844 = vector.shape_cast %swap3A_1843 : vector<1x16xf32> to vector<16xf32>
        %swap3A_1845 = vector.shape_cast %mul3A_1838 : vector<16xf32> to vector<1x16xf32>
        tpu.vector_store %arg11[%swap3A_1841, %swap3A_1842], %swap3A_1845 {strides = array<i32>} : memref<128x128xf32, #tpu.memory_space<vmem>>, vector<1x16xf32>,
        %add3A_1846 = arith.constant 14 : i32
        %add3A_1847 = arith.addi %mul3A_33, %add3A_1846 : i32
        %get3A_1848 = arith.index_cast %add3A_1847 : i32 to index
        %get3A_1849 = arith.constant 112 : index
        %get3A_1850 = tpu.vector_load %arg11[%get3A_1848, %get3A_1849] {strides = array<i32>} : memref<128x128xf32, #tpu.memory_space<vmem>>, vector<1x16xf32>,
        %get3A_1851 = vector.shape_cast %get3A_1850 : vector<1x16xf32> to vector<16xf32>
        %mul3A_1852 = vector.broadcast %squeeze3A_1740 : f32 to vector<16xf32>
        %mul3A_1853 = arith.mulf %get3A_1851, %mul3A_1852 : vector<16xf32>
        %add3A_1854 = arith.constant 14 : i32
        %add3A_1855 = arith.addi %mul3A_33, %add3A_1854 : i32
        %swap3A_1856 = arith.index_cast %add3A_1855 : i32 to index
        %swap3A_1857 = arith.constant 112 : index
        %swap3A_1858 = tpu.vector_load %arg11[%swap3A_1856, %swap3A_1857] {strides = array<i32>} : memref<128x128xf32, #tpu.memory_space<vmem>>, vector<1x16xf32>,
        %swap3A_1859 = vector.shape_cast %swap3A_1858 : vector<1x16xf32> to vector<16xf32>
        %swap3A_1860 = vector.shape_cast %mul3A_1853 : vector<16xf32> to vector<1x16xf32>
        tpu.vector_store %arg11[%swap3A_1856, %swap3A_1857], %swap3A_1860 {strides = array<i32>} : memref<128x128xf32, #tpu.memory_space<vmem>>, vector<1x16xf32>,
        %slice3A_1861 = vector.extract_strided_slice %get3A_31 {offsets = [15], sizes = [1], strides = [1]} : vector<16xf32> to vector<1xf32>
        %squeeze3A_1862 = vector.extract %slice3A_1861[0] : f32 from vector<1xf32>
        %add3A_1863 = arith.constant 15 : i32
        %add3A_1864 = arith.addi %mul3A_33, %add3A_1863 : i32
        %get3A_1865 = arith.index_cast %add3A_1864 : i32 to index
        %get3A_1866 = arith.constant 0 : index
        %get3A_1867 = tpu.vector_load %arg11[%get3A_1865, %get3A_1866] {strides = array<i32>} : memref<128x128xf32, #tpu.memory_space<vmem>>, vector<1x16xf32>,
        %get3A_1868 = vector.shape_cast %get3A_1867 : vector<1x16xf32> to vector<16xf32>
        %mul3A_1869 = vector.broadcast %squeeze3A_1862 : f32 to vector<16xf32>
        %mul3A_1870 = arith.mulf %get3A_1868, %mul3A_1869 : vector<16xf32>
        %add3A_1871 = arith.constant 15 : i32
        %add3A_1872 = arith.addi %mul3A_33, %add3A_1871 : i32
        %swap3A_1873 = arith.index_cast %add3A_1872 : i32 to index
        %swap3A_1874 = arith.constant 0 : index
        %swap3A_1875 = tpu.vector_load %arg11[%swap3A_1873, %swap3A_1874] {strides = array<i32>} : memref<128x128xf32, #tpu.memory_space<vmem>>, vector<1x16xf32>,
        %swap3A_1876 = vector.shape_cast %swap3A_1875 : vector<1x16xf32> to vector<16xf32>
        %swap3A_1877 = vector.shape_cast %mul3A_1870 : vector<16xf32> to vector<1x16xf32>
        tpu.vector_store %arg11[%swap3A_1873, %swap3A_1874], %swap3A_1877 {strides = array<i32>} : memref<128x128xf32, #tpu.memory_space<vmem>>, vector<1x16xf32>,
        %add3A_1878 = arith.constant 15 : i32
        %add3A_1879 = arith.addi %mul3A_33, %add3A_1878 : i32
        %get3A_1880 = arith.index_cast %add3A_1879 : i32 to index
        %get3A_1881 = arith.constant 16 : index
        %get3A_1882 = tpu.vector_load %arg11[%get3A_1880, %get3A_1881] {strides = array<i32>} : memref<128x128xf32, #tpu.memory_space<vmem>>, vector<1x16xf32>,
        %get3A_1883 = vector.shape_cast %get3A_1882 : vector<1x16xf32> to vector<16xf32>
        %mul3A_1884 = vector.broadcast %squeeze3A_1862 : f32 to vector<16xf32>
        %mul3A_1885 = arith.mulf %get3A_1883, %mul3A_1884 : vector<16xf32>
        %add3A_1886 = arith.constant 15 : i32
        %add3A_1887 = arith.addi %mul3A_33, %add3A_1886 : i32
        %swap3A_1888 = arith.index_cast %add3A_1887 : i32 to index
        %swap3A_1889 = arith.constant 16 : index
        %swap3A_1890 = tpu.vector_load %arg11[%swap3A_1888, %swap3A_1889] {strides = array<i32>} : memref<128x128xf32, #tpu.memory_space<vmem>>, vector<1x16xf32>,
        %swap3A_1891 = vector.shape_cast %swap3A_1890 : vector<1x16xf32> to vector<16xf32>
        %swap3A_1892 = vector.shape_cast %mul3A_1885 : vector<16xf32> to vector<1x16xf32>
        tpu.vector_store %arg11[%swap3A_1888, %swap3A_1889], %swap3A_1892 {strides = array<i32>} : memref<128x128xf32, #tpu.memory_space<vmem>>, vector<1x16xf32>,
        %add3A_1893 = arith.constant 15 : i32
        %add3A_1894 = arith.addi %mul3A_33, %add3A_1893 : i32
        %get3A_1895 = arith.index_cast %add3A_1894 : i32 to index
        %get3A_1896 = arith.constant 32 : index
        %get3A_1897 = tpu.vector_load %arg11[%get3A_1895, %get3A_1896] {strides = array<i32>} : memref<128x128xf32, #tpu.memory_space<vmem>>, vector<1x16xf32>,
        %get3A_1898 = vector.shape_cast %get3A_1897 : vector<1x16xf32> to vector<16xf32>
        %mul3A_1899 = vector.broadcast %squeeze3A_1862 : f32 to vector<16xf32>
        %mul3A_1900 = arith.mulf %get3A_1898, %mul3A_1899 : vector<16xf32>
        %add3A_1901 = arith.constant 15 : i32
        %add3A_1902 = arith.addi %mul3A_33, %add3A_1901 : i32
        %swap3A_1903 = arith.index_cast %add3A_1902 : i32 to index
        %swap3A_1904 = arith.constant 32 : index
        %swap3A_1905 = tpu.vector_load %arg11[%swap3A_1903, %swap3A_1904] {strides = array<i32>} : memref<128x128xf32, #tpu.memory_space<vmem>>, vector<1x16xf32>,
        %swap3A_1906 = vector.shape_cast %swap3A_1905 : vector<1x16xf32> to vector<16xf32>
        %swap3A_1907 = vector.shape_cast %mul3A_1900 : vector<16xf32> to vector<1x16xf32>
        tpu.vector_store %arg11[%swap3A_1903, %swap3A_1904], %swap3A_1907 {strides = array<i32>} : memref<128x128xf32, #tpu.memory_space<vmem>>, vector<1x16xf32>,
        %add3A_1908 = arith.constant 15 : i32
        %add3A_1909 = arith.addi %mul3A_33, %add3A_1908 : i32
        %get3A_1910 = arith.index_cast %add3A_1909 : i32 to index
        %get3A_1911 = arith.constant 48 : index
        %get3A_1912 = tpu.vector_load %arg11[%get3A_1910, %get3A_1911] {strides = array<i32>} : memref<128x128xf32, #tpu.memory_space<vmem>>, vector<1x16xf32>,
        %get3A_1913 = vector.shape_cast %get3A_1912 : vector<1x16xf32> to vector<16xf32>
        %mul3A_1914 = vector.broadcast %squeeze3A_1862 : f32 to vector<16xf32>
        %mul3A_1915 = arith.mulf %get3A_1913, %mul3A_1914 : vector<16xf32>
        %add3A_1916 = arith.constant 15 : i32
        %add3A_1917 = arith.addi %mul3A_33, %add3A_1916 : i32
        %swap3A_1918 = arith.index_cast %add3A_1917 : i32 to index
        %swap3A_1919 = arith.constant 48 : index
        %swap3A_1920 = tpu.vector_load %arg11[%swap3A_1918, %swap3A_1919] {strides = array<i32>} : memref<128x128xf32, #tpu.memory_space<vmem>>, vector<1x16xf32>,
        %swap3A_1921 = vector.shape_cast %swap3A_1920 : vector<1x16xf32> to vector<16xf32>
        %swap3A_1922 = vector.shape_cast %mul3A_1915 : vector<16xf32> to vector<1x16xf32>
        tpu.vector_store %arg11[%swap3A_1918, %swap3A_1919], %swap3A_1922 {strides = array<i32>} : memref<128x128xf32, #tpu.memory_space<vmem>>, vector<1x16xf32>,
        %add3A_1923 = arith.constant 15 : i32
        %add3A_1924 = arith.addi %mul3A_33, %add3A_1923 : i32
        %get3A_1925 = arith.index_cast %add3A_1924 : i32 to index
        %get3A_1926 = arith.constant 64 : index
        %get3A_1927 = tpu.vector_load %arg11[%get3A_1925, %get3A_1926] {strides = array<i32>} : memref<128x128xf32, #tpu.memory_space<vmem>>, vector<1x16xf32>,
        %get3A_1928 = vector.shape_cast %get3A_1927 : vector<1x16xf32> to vector<16xf32>
        %mul3A_1929 = vector.broadcast %squeeze3A_1862 : f32 to vector<16xf32>
        %mul3A_1930 = arith.mulf %get3A_1928, %mul3A_1929 : vector<16xf32>
        %add3A_1931 = arith.constant 15 : i32
        %add3A_1932 = arith.addi %mul3A_33, %add3A_1931 : i32
        %swap3A_1933 = arith.index_cast %add3A_1932 : i32 to index
        %swap3A_1934 = arith.constant 64 : index
        %swap3A_1935 = tpu.vector_load %arg11[%swap3A_1933, %swap3A_1934] {strides = array<i32>} : memref<128x128xf32, #tpu.memory_space<vmem>>, vector<1x16xf32>,
        %swap3A_1936 = vector.shape_cast %swap3A_1935 : vector<1x16xf32> to vector<16xf32>
        %swap3A_1937 = vector.shape_cast %mul3A_1930 : vector<16xf32> to vector<1x16xf32>
        tpu.vector_store %arg11[%swap3A_1933, %swap3A_1934], %swap3A_1937 {strides = array<i32>} : memref<128x128xf32, #tpu.memory_space<vmem>>, vector<1x16xf32>,
        %add3A_1938 = arith.constant 15 : i32
        %add3A_1939 = arith.addi %mul3A_33, %add3A_1938 : i32
        %get3A_1940 = arith.index_cast %add3A_1939 : i32 to index
        %get3A_1941 = arith.constant 80 : index
        %get3A_1942 = tpu.vector_load %arg11[%get3A_1940, %get3A_1941] {strides = array<i32>} : memref<128x128xf32, #tpu.memory_space<vmem>>, vector<1x16xf32>,
        %get3A_1943 = vector.shape_cast %get3A_1942 : vector<1x16xf32> to vector<16xf32>
        %mul3A_1944 = vector.broadcast %squeeze3A_1862 : f32 to vector<16xf32>
        %mul3A_1945 = arith.mulf %get3A_1943, %mul3A_1944 : vector<16xf32>
        %add3A_1946 = arith.constant 15 : i32
        %add3A_1947 = arith.addi %mul3A_33, %add3A_1946 : i32
        %swap3A_1948 = arith.index_cast %add3A_1947 : i32 to index
        %swap3A_1949 = arith.constant 80 : index
        %swap3A_1950 = tpu.vector_load %arg11[%swap3A_1948, %swap3A_1949] {strides = array<i32>} : memref<128x128xf32, #tpu.memory_space<vmem>>, vector<1x16xf32>,
        %swap3A_1951 = vector.shape_cast %swap3A_1950 : vector<1x16xf32> to vector<16xf32>
        %swap3A_1952 = vector.shape_cast %mul3A_1945 : vector<16xf32> to vector<1x16xf32>
        tpu.vector_store %arg11[%swap3A_1948, %swap3A_1949], %swap3A_1952 {strides = array<i32>} : memref<128x128xf32, #tpu.memory_space<vmem>>, vector<1x16xf32>,
        %add3A_1953 = arith.constant 15 : i32
        %add3A_1954 = arith.addi %mul3A_33, %add3A_1953 : i32
        %get3A_1955 = arith.index_cast %add3A_1954 : i32 to index
        %get3A_1956 = arith.constant 96 : index
        %get3A_1957 = tpu.vector_load %arg11[%get3A_1955, %get3A_1956] {strides = array<i32>} : memref<128x128xf32, #tpu.memory_space<vmem>>, vector<1x16xf32>,
        %get3A_1958 = vector.shape_cast %get3A_1957 : vector<1x16xf32> to vector<16xf32>
        %mul3A_1959 = vector.broadcast %squeeze3A_1862 : f32 to vector<16xf32>
        %mul3A_1960 = arith.mulf %get3A_1958, %mul3A_1959 : vector<16xf32>
        %add3A_1961 = arith.constant 15 : i32
        %add3A_1962 = arith.addi %mul3A_33, %add3A_1961 : i32
        %swap3A_1963 = arith.index_cast %add3A_1962 : i32 to index
        %swap3A_1964 = arith.constant 96 : index
        %swap3A_1965 = tpu.vector_load %arg11[%swap3A_1963, %swap3A_1964] {strides = array<i32>} : memref<128x128xf32, #tpu.memory_space<vmem>>, vector<1x16xf32>,
        %swap3A_1966 = vector.shape_cast %swap3A_1965 : vector<1x16xf32> to vector<16xf32>
        %swap3A_1967 = vector.shape_cast %mul3A_1960 : vector<16xf32> to vector<1x16xf32>
        tpu.vector_store %arg11[%swap3A_1963, %swap3A_1964], %swap3A_1967 {strides = array<i32>} : memref<128x128xf32, #tpu.memory_space<vmem>>, vector<1x16xf32>,
        %add3A_1968 = arith.constant 15 : i32
        %add3A_1969 = arith.addi %mul3A_33, %add3A_1968 : i32
        %get3A_1970 = arith.index_cast %add3A_1969 : i32 to index
        %get3A_1971 = arith.constant 112 : index
        %get3A_1972 = tpu.vector_load %arg11[%get3A_1970, %get3A_1971] {strides = array<i32>} : memref<128x128xf32, #tpu.memory_space<vmem>>, vector<1x16xf32>,
        %get3A_1973 = vector.shape_cast %get3A_1972 : vector<1x16xf32> to vector<16xf32>
        %mul3A_1974 = vector.broadcast %squeeze3A_1862 : f32 to vector<16xf32>
        %mul3A_1975 = arith.mulf %get3A_1973, %mul3A_1974 : vector<16xf32>
        %add3A_1976 = arith.constant 15 : i32
        %add3A_1977 = arith.addi %mul3A_33, %add3A_1976 : i32
        %swap3A_1978 = arith.index_cast %add3A_1977 : i32 to index
        %swap3A_1979 = arith.constant 112 : index
        %swap3A_1980 = tpu.vector_load %arg11[%swap3A_1978, %swap3A_1979] {strides = array<i32>} : memref<128x128xf32, #tpu.memory_space<vmem>>, vector<1x16xf32>,
        %swap3A_1981 = vector.shape_cast %swap3A_1980 : vector<1x16xf32> to vector<16xf32>
        %swap3A_1982 = vector.shape_cast %mul3A_1975 : vector<16xf32> to vector<1x16xf32>
        tpu.vector_store %arg11[%swap3A_1978, %swap3A_1979], %swap3A_1982 {strides = array<i32>} : memref<128x128xf32, #tpu.memory_space<vmem>>, vector<1x16xf32>,
      }
      %scan3A_25 = arith.constant 8 : i32
      "tpu.region"() ({
        %run_scoped3A = tpu.sem_alloc : memref<!tpu.dma_semaphore, #tpu.memory_space<semaphore_mem>>
        %dma_start3A_26 = arith.constant 0 : i32
        %dma_start3A_27 = tpu.memref_slice %arg9[%scan3A_9, %dma_start3A_26] : memref<79x128xi32, #tpu.memory_space<vmem>> -> memref<1x128xi32, #tpu.memory_space<vmem>>
        %dma_start3A_28 = tpu.memref_squeeze %dma_start3A_27 : memref<1x128xi32, #tpu.memory_space<vmem>> -> memref<128xi32, #tpu.memory_space<vmem>>
        %dma_start3A_29 = arith.constant 0 : i32
        %dma_start3A_30 = arith.constant 0 : i32
        %dma_start3A_31 = tpu.memref_slice %arg12[%dma_start3A_29, %dma_start3A_30] : memref<10240x128xf32, #tpu.memory_space<vmem_shared>> -> memref<10240x128xf32, #tpu.memory_space<vmem_shared>>
        tpu.enqueue_indirect_dma source(%arg11 : memref<128x128xf32, #tpu.memory_space<vmem>>) target(%dma_start3A_31 : memref<10240x128xf32, #tpu.memory_space<vmem_shared>>) offsets(%dma_start3A_28 : memref<128xi32, #tpu.memory_space<vmem>>) semaphore(%run_scoped3A : memref<!tpu.dma_semaphore, #tpu.memory_space<semaphore_mem>>) {add = true}
        %dma_wait3A_32 = arith.constant 0 : i32
        %dma_wait3A_33 = tpu.memref_slice %arg9[%scan3A_9, %dma_wait3A_32] : memref<79x128xi32, #tpu.memory_space<vmem>> -> memref<1x128xi32, #tpu.memory_space<vmem>>
        %dma_wait3A_34 = tpu.memref_squeeze %dma_wait3A_33 : memref<1x128xi32, #tpu.memory_space<vmem>> -> memref<128xi32, #tpu.memory_space<vmem>>
        %dma_wait3A_35 = arith.constant 0 : i32
        %dma_wait3A_36 = arith.constant 0 : i32
        %dma_wait3A_37 = tpu.memref_slice %arg12[%dma_wait3A_35, %dma_wait3A_36] : memref<10240x128xf32, #tpu.memory_space<vmem_shared>> -> memref<10240x128xf32, #tpu.memory_space<vmem_shared>>
        tpu.wait_indirect_dma semaphore(%run_scoped3A : memref<!tpu.dma_semaphore, #tpu.memory_space<semaphore_mem>>) src(%arg11 : memref<128x128xf32, #tpu.memory_space<vmem>>) dst(%dma_wait3A_37 : memref<10240x128xf32, #tpu.memory_space<vmem_shared>>)
        tpu.yield
      }) : () -> ()
    }
    %scan3A_7 = arith.constant 79 : i32
    %barrier3A_8 = arith.constant 0 : index
    tpu.barrier barrier_id(%barrier3A_8)
    "tpu.region"() ({
      %run_scoped3A = tpu.sem_alloc : memref<!tpu.dma_semaphore, #tpu.memory_space<semaphore_mem>>
      %dma_start3A = arith.constant 0 : i32
      %dma_start3A_9 = tpu.memref_slice %arg7[%arg0, %mul3A_2, %dma_start3A] : memref<2x10240x128xf32, #tpu.memory_space<hbm>> -> memref<1x640x128xf32, #tpu.memory_space<hbm>>
      %dma_start3A_10 = tpu.memref_squeeze %dma_start3A_9 : memref<1x640x128xf32, #tpu.memory_space<hbm>> -> memref<640x128xf32, #tpu.memory_space<hbm>>
      %dma_start3A_11 = arith.constant 0 : i32
      %dma_start3A_12 = tpu.memref_slice %arg12[%mul3A_2, %dma_start3A_11] : memref<10240x128xf32, #tpu.memory_space<vmem_shared>> -> memref<640x128xf32, #tpu.memory_space<vmem_shared>>
      tpu.enqueue_dma source(%dma_start3A_12 : memref<640x128xf32, #tpu.memory_space<vmem_shared>>) target(%dma_start3A_10 : memref<640x128xf32, #tpu.memory_space<hbm>>) target_semaphore(%run_scoped3A : memref<!tpu.dma_semaphore, #tpu.memory_space<semaphore_mem>>)
      %dma_wait3A = arith.constant 0 : i32
      %dma_wait3A_13 = tpu.memref_slice %arg7[%arg0, %mul3A_2, %dma_wait3A] : memref<2x10240x128xf32, #tpu.memory_space<hbm>> -> memref<1x640x128xf32, #tpu.memory_space<hbm>>
      %dma_wait3A_14 = tpu.memref_squeeze %dma_wait3A_13 : memref<1x640x128xf32, #tpu.memory_space<hbm>> -> memref<640x128xf32, #tpu.memory_space<hbm>>
      %dma_wait3A_15 = arith.constant 0 : i32
      %dma_wait3A_16 = tpu.memref_slice %arg12[%mul3A_2, %dma_wait3A_15] : memref<10240x128xf32, #tpu.memory_space<vmem_shared>> -> memref<640x128xf32, #tpu.memory_space<vmem_shared>>
      tpu.wait_dma2 semaphore(%run_scoped3A : memref<!tpu.dma_semaphore, #tpu.memory_space<semaphore_mem>>) src(%dma_wait3A_16 : memref<640x128xf32, #tpu.memory_space<vmem_shared>>) dst(%dma_wait3A_14 : memref<640x128xf32, #tpu.memory_space<hbm>>)
      tpu.yield
    }) : () -> ()
    return
  }
}

module attributes {stable_mosaic.version = 14 : i64} {
  func.func @_mm_body(%arg0: i32, %arg1: memref<1024x128xf32, #tpu.memory_space<vmem>>, %arg2: memref<128x128xf32, #tpu.memory_space<vmem>>, %arg3: memref<1024x128xf32, #tpu.memory_space<vmem>>) attributes {dimension_semantics = [#tpu.dimension_semantics<arbitrary>], iteration_bounds = array<i64: 10>, scalar_prefetch = 0 : i64, scratch_operands = 0 : i64, tpu.core_type = #tpu.core_type<tc>, window_params = [{transform_indices = @transform_0, window_bounds = array<i64: 1024, 128>}, {pipeline_mode = #tpu.pipeline_mode<synchronous>, transform_indices = @transform_1, window_bounds = array<i64: 128, 128>}, {transform_indices = @transform_2, window_bounds = array<i64: 1024, 128>}]} {
    %get3A = arith.constant 0 : index
    %get3A_0 = arith.constant 0 : index
    %get3A_1 = vector.load %arg1[%get3A, %get3A_0] : memref<1024x128xf32, #tpu.memory_space<vmem>>, vector<1024x128xf32>
    %get3A_2 = arith.constant 0 : index
    %get3A_3 = arith.constant 0 : index
    %get3A_4 = vector.load %arg2[%get3A_2, %get3A_3] : memref<128x128xf32, #tpu.memory_space<vmem>>, vector<128x128xf32>
    %dot_general3A = arith.constant dense<0.000000e+00> : vector<1024x128xf32>
    %dot_general3A_5 = tpu.matmul %get3A_1, %get3A_4, %dot_general3A {dimension_numbers = #tpu.dot_dimension_numbers<[1], [0], [0], [1], [0, 0, 1, 1], [], []>, transpose_lhs_hint = false} : vector<1024x128xf32>, vector<128x128xf32>, vector<1024x128xf32> -> vector<1024x128xf32>
    %swap3A = arith.constant 0 : index
    %swap3A_6 = arith.constant 0 : index
    %swap3A_7 = vector.load %arg3[%swap3A, %swap3A_6] : memref<1024x128xf32, #tpu.memory_space<vmem>>, vector<1024x128xf32>
    tpu.vector_store %arg3[%swap3A, %swap3A_6], %dot_general3A_5 {strides = array<i32>} : memref<1024x128xf32, #tpu.memory_space<vmem>>, vector<1024x128xf32>,
    return
  }
  func.func @transform_0(%arg0: i32) -> (i32, i32) {
    %c0_i32 = arith.constant 0 : i32
    %c0_i32_0 = arith.constant 0 : i32
    return %arg0, %c0_i32 : i32, i32
  }
  func.func @transform_1(%arg0: i32) -> (i32, i32) {
    %c0_i32 = arith.constant 0 : i32
    %c0_i32_0 = arith.constant 0 : i32
    %c0_i32_1 = arith.constant 0 : i32
    return %c0_i32, %c0_i32_0 : i32, i32
  }
  func.func @transform_2(%arg0: i32) -> (i32, i32) {
    %c0_i32 = arith.constant 0 : i32
    %c0_i32_0 = arith.constant 0 : i32
    return %arg0, %c0_i32 : i32, i32
  }
}

module attributes {stable_mosaic.version = 14 : i64} {
  func.func @_fuse_body(%arg0: i32, %arg1: memref<2x1024x128xf32, #tpu.memory_space<vmem>>, %arg2: memref<128x128xf32, #tpu.memory_space<vmem>>, %arg3: memref<1024x128xf32, #tpu.memory_space<vmem>>) attributes {dimension_semantics = [#tpu.dimension_semantics<arbitrary>], iteration_bounds = array<i64: 10>, scalar_prefetch = 0 : i64, scratch_operands = 0 : i64, tpu.core_type = #tpu.core_type<tc>, window_params = [{transform_indices = @transform_0, window_bounds = array<i64: 2, 1024, 128>}, {pipeline_mode = #tpu.pipeline_mode<synchronous>, transform_indices = @transform_1, window_bounds = array<i64: 128, 128>}, {transform_indices = @transform_2, window_bounds = array<i64: 1024, 128>}]} {
    %get3A = arith.constant 0 : index
    %get3A_0 = arith.constant 0 : index
    %get3A_1 = arith.constant 0 : index
    %get3A_2 = vector.load %arg1[%get3A, %get3A_0, %get3A_1] : memref<2x1024x128xf32, #tpu.memory_space<vmem>>, vector<1x1024x128xf32>
    %get3A_3 = vector.shape_cast %get3A_2 : vector<1x1024x128xf32> to vector<1024x128xf32>
    %get3A_4 = arith.constant 1 : index
    %get3A_5 = arith.constant 0 : index
    %get3A_6 = arith.constant 0 : index
    %get3A_7 = vector.load %arg1[%get3A_4, %get3A_5, %get3A_6] : memref<2x1024x128xf32, #tpu.memory_space<vmem>>, vector<1x1024x128xf32>
    %get3A_8 = vector.shape_cast %get3A_7 : vector<1x1024x128xf32> to vector<1024x128xf32>
    %add3A = arith.addf %get3A_3, %get3A_8 : vector<1024x128xf32>
    %max3A = arith.constant 0.000000e+00 : f32
    %max3A_9 = vector.broadcast %max3A : f32 to vector<1024x128xf32>
    %max3A_10 = arith.maximumf %add3A, %max3A_9 : vector<1024x128xf32>
    %get3A_11 = arith.constant 0 : index
    %get3A_12 = arith.constant 0 : index
    %get3A_13 = vector.load %arg2[%get3A_11, %get3A_12] : memref<128x128xf32, #tpu.memory_space<vmem>>, vector<128x128xf32>
    %dot_general3A = arith.constant dense<0.000000e+00> : vector<1024x128xf32>
    %dot_general3A_14 = tpu.matmul %max3A_10, %get3A_13, %dot_general3A {dimension_numbers = #tpu.dot_dimension_numbers<[1], [0], [0], [1], [0, 0, 1, 1], [], []>, transpose_lhs_hint = false} : vector<1024x128xf32>, vector<128x128xf32>, vector<1024x128xf32> -> vector<1024x128xf32>
    %swap3A = arith.constant 0 : index
    %swap3A_15 = arith.constant 0 : index
    %swap3A_16 = vector.load %arg3[%swap3A, %swap3A_15] : memref<1024x128xf32, #tpu.memory_space<vmem>>, vector<1024x128xf32>
    tpu.vector_store %arg3[%swap3A, %swap3A_15], %dot_general3A_14 {strides = array<i32>} : memref<1024x128xf32, #tpu.memory_space<vmem>>, vector<1024x128xf32>,
    return
  }
  func.func @transform_0(%arg0: i32) -> (i32, i32, i32) {
    %c0_i32 = arith.constant 0 : i32
    %c0_i32_0 = arith.constant 0 : i32
    %c0_i32_1 = arith.constant 0 : i32
    return %c0_i32, %arg0, %c0_i32_0 : i32, i32, i32
  }
  func.func @transform_1(%arg0: i32) -> (i32, i32) {
    %c0_i32 = arith.constant 0 : i32
    %c0_i32_0 = arith.constant 0 : i32
    %c0_i32_1 = arith.constant 0 : i32
    return %c0_i32, %c0_i32_0 : i32, i32
  }
  func.func @transform_2(%arg0: i32) -> (i32, i32) {
    %c0_i32 = arith.constant 0 : i32
    %c0_i32_0 = arith.constant 0 : i32
    return %arg0, %c0_i32 : i32, i32
  }
}

module attributes {stable_mosaic.version = 14 : i64} {
  func.func @_fin_body(%arg0: i32, %arg1: memref<2x1000x128xf32, #tpu.memory_space<vmem>>, %arg2: memref<1000x64xf32, #tpu.memory_space<vmem>>, %arg3: memref<1000x64xf32, #tpu.memory_space<vmem>>) attributes {dimension_semantics = [#tpu.dimension_semantics<arbitrary>], iteration_bounds = array<i64: 10>, scalar_prefetch = 0 : i64, scratch_operands = 0 : i64, tpu.core_type = #tpu.core_type<tc>, window_params = [{transform_indices = @transform_0, window_bounds = array<i64: 2, 1000, 128>}, {transform_indices = @transform_1, window_bounds = array<i64: 1000, 64>}, {transform_indices = @transform_2, window_bounds = array<i64: 1000, 64>}]} {
    %get3A = arith.constant 0 : index
    %get3A_0 = arith.constant 0 : index
    %get3A_1 = arith.constant 0 : index
    %get3A_2 = vector.load %arg1[%get3A, %get3A_0, %get3A_1] : memref<2x1000x128xf32, #tpu.memory_space<vmem>>, vector<1x1000x128xf32>
    %get3A_3 = vector.shape_cast %get3A_2 : vector<1x1000x128xf32> to vector<1000x128xf32>
    %get3A_4 = arith.constant 1 : index
    %get3A_5 = arith.constant 0 : index
    %get3A_6 = arith.constant 0 : index
    %get3A_7 = vector.load %arg1[%get3A_4, %get3A_5, %get3A_6] : memref<2x1000x128xf32, #tpu.memory_space<vmem>>, vector<1x1000x128xf32>
    %get3A_8 = vector.shape_cast %get3A_7 : vector<1x1000x128xf32> to vector<1000x128xf32>
    %add3A = arith.addf %get3A_3, %get3A_8 : vector<1000x128xf32>
    %slice3A = vector.extract_strided_slice %add3A {offsets = [0, 0], sizes = [1000, 64], strides = [1, 1]} : vector<1000x128xf32> to vector<1000x64xf32>
    %mul3A = arith.mulf %slice3A, %slice3A : vector<1000x64xf32>
    %reduce_sum3A = arith.constant dense<0.000000e+00> : vector<1000xf32>
    %reduce_sum3A_9 = vector.multi_reduction <add>, %mul3A, %reduce_sum3A [1] : vector<1000x64xf32> to vector<1000xf32>
    %broadcast_in_dim3A = vector.shape_cast %reduce_sum3A_9 : vector<1000xf32> to vector<1000x1xf32>
    %sqrt3A = math.sqrt %broadcast_in_dim3A : vector<1000x1xf32>
    %max3A = arith.constant 9.99999996E-13 : f32
    %max3A_10 = vector.broadcast %max3A : f32 to vector<1000x1xf32>
    %max3A_11 = arith.maximumf %sqrt3A, %max3A_10 : vector<1000x1xf32>
    %div3A = vector.broadcast %max3A_11 : vector<1000x1xf32> to vector<1000x64xf32>
    %div3A_12 = arith.divf %slice3A, %div3A : vector<1000x64xf32>
    %swap3A = arith.constant 0 : index
    %swap3A_13 = arith.constant 0 : index
    %swap3A_14 = vector.load %arg2[%swap3A, %swap3A_13] : memref<1000x64xf32, #tpu.memory_space<vmem>>, vector<1000x64xf32>
    tpu.vector_store %arg2[%swap3A, %swap3A_13], %div3A_12 {strides = array<i32>} : memref<1000x64xf32, #tpu.memory_space<vmem>>, vector<1000x64xf32>,
    %slice3A_15 = vector.extract_strided_slice %add3A {offsets = [0, 64], sizes = [1000, 64], strides = [1, 1]} : vector<1000x128xf32> to vector<1000x64xf32>
    %swap3A_16 = arith.constant 0 : index
    %swap3A_17 = arith.constant 0 : index
    %swap3A_18 = vector.load %arg3[%swap3A_16, %swap3A_17] : memref<1000x64xf32, #tpu.memory_space<vmem>>, vector<1000x64xf32>
    tpu.vector_store %arg3[%swap3A_16, %swap3A_17], %slice3A_15 {strides = array<i32>} : memref<1000x64xf32, #tpu.memory_space<vmem>>, vector<1000x64xf32>,
    return
  }
  func.func @transform_0(%arg0: i32) -> (i32, i32, i32) {
    %c0_i32 = arith.constant 0 : i32
    %c0_i32_0 = arith.constant 0 : i32
    %c0_i32_1 = arith.constant 0 : i32
    return %c0_i32, %arg0, %c0_i32_0 : i32, i32, i32
  }
  func.func @transform_1(%arg0: i32) -> (i32, i32) {
    %c0_i32 = arith.constant 0 : i32
    %c0_i32_0 = arith.constant 0 : i32
    return %arg0, %c0_i32 : i32, i32
  }
  func.func @transform_2(%arg0: i32) -> (i32, i32) {
    %c0_i32 = arith.constant 0 : i32
    %c0_i32_0 = arith.constant 0 : i32
    return %arg0, %c0_i32 : i32, i32
  }
}

</mosaic_0001>

<sc_bundles>
// kernel: kernel.10.cloned.1.call-start
scs
__scs_entry_jumppad:
0x0: {  	(pc) =	sbr.rel $0x88, $3  }
0x1: {  	(tag) =	ssettag $0x0;
	lr =	simm.s32 $0x1  }
0x2: {  	[smem:$0x3F9B] =	sst lr;
	_ =	strace $0xD0000000  }
0x3: {  	_ = 	snop  }
0x4: {  	_ = 	snop  }
0x5: {  	_ = 	snop  }
0x6: {  	_ = 	snop  }
0x7: {  	_ = 	snop  }
__scs_overlays_trampoline_lowered:
0x8: {  	[smem:$0x3FAA] =	sst s0  }
0x9: {  	[smem:$0x3FAB] =	sst s1  }
0xa: {  	[smem:$0x3FAC] =	sst s2  }
0xb: {  	[smem:$0x3FAD] =	sst s3  }
0xc: {  	[smem:$0x3FAE] =	sst s4  }
0xd: {  	[smem:$0x3FAF] =	sst s5  }
0xe: {  	[smem:$0x3FB0] =	sst s6  }
0xf: {  	[smem:$0x3FB1] =	sst s7  }
0x10: {  	[smem:$0x3FB2] =	sst s8  }
0x11: {  	[smem:$0x3FB3] =	sst s9;
	s0 =	simm.s32 @!p0 $0x0  }
0x12: {  	s1 =	sld [smem:$0x3F99];
	s0 =	simm.s32 @p0 $0x1  }
0x13: {  	[smem:$0x3FB4] =	sst s0;
	s0 =	simm.s32 @!p1 $0x0  }
0x14: {  	s2 =	sld [smem:$0x3F98];
	s0 =	simm.s32 @p1 $0x1  }
0x15: {  	[smem:$0x3FB5] =	sst s0;
	s0 =	simm.s32 @!p2 $0x0  }
0x16: {  	s3 =	sld [smem:$0x3FDB];
	s0 =	simm.s32 @p2 $0x1  }
0x17: {  	s4 =	simm.s32 $0x1BF5;
	[smem:$0x3FB7] =	sst s0  }
0x18: {  	s0 =	sld [smem:$0x3F9A];
	_ =	swait.ge [sflag:s4], $0x0  }
0x19: {  	s7 =	sld [smem:$0x3F9B]  }
0x1a: {  	s8 =	sadd.s32 $0xFFFFE003, lr  }
0x1b: {  	s9 =	sadd.s32 $0xFFFFFEF7, lr;
	s5 =	simm.s32 $0xFFFFFFFF;
	p2 =	slt.u32 s8, $0xFFFFF086  }
0x1c: {  	p1 =	slt.u32 s9, $0xF7A;
	s5 =	simm.s32 @!p2 $0x0  }
0x1d: {  	s5 =	simm.s32 @p1 $0x1;
	p0 =	seq.s32 s7, s2  }
0x1e: {  	s7 =	smul.u32 @!p0 $0xF7A, s2;
	p2 =	seq.s32 @!p0 s5, $0x0  }
0x1f: {  	s9 =	smul.u32 $0xF7A, s1;
	s8 =	simm.s32 @!p0 $0x1BF5;
	p2 =	por !p2, p0  }
0x20: {  	[sflag:s8] =	ssyncset.s32 @!p0 $0xFFFFF086;
	s6 =	sadd.s32 @!p0 s3, s7;
	s7 =	simm.s32 @!p0 $0x108  }
0x21: {  	s3 =	sadd.s32 s3, s9;
	s6 =	sadd.s32 @!p0 $0x88, s6;
	s7 =	simm.s32 @p2 $0x1082  }
0x22: {  	[simem:s7], [sflag:s8] =	dma.local @!p0 [hbm:s6], $0xF7A  }
0x23: {  	s9 =	sor.u32 $0xD0000000, s2;
	s6 =	simm.s32 $0x108;
	_ =	swait.ge @!p0 [sflag:s8], $0x0  }
0x24: {  	s3 =	sadd.s32 $0x88, s3;
	s6 =	simm.s32 @!p1 $0x1082;
	[sflag:s4] =	ssyncset.s32 $0xFFFFF086  }
0x25: {  	[simem:s6], [sflag:s4] =	dma.local [hbm:s3], $0xF7A  }
0x26: {  	[smem:$0x3F9B] =	sst s1;
	(tag) =	ssettag s2;
	_ =	strace s9  }
0x27: {  	s1 =	sld [smem:$0x3FAB]  }
0x28: {  	s2 =	sld [smem:$0x3FAC]  }
0x29: {  	s4 =	sld [smem:$0x3FAE]  }
0x2a: {  	p0 =	seq.s32 s5, $0x0;
	s5 =	sld [smem:$0x3FAF]  }
0x2b: {  	s6 =	sld [smem:$0x3FB0]  }
0x2c: {  	s7 =	sld [smem:$0x3FB1]  }
0x2d: {  	s3 =	simm.s32 $0x108;
	s8 =	sld [smem:$0x3FB2]  }
0x2e: {  	s3 =	simm.s32 @!p0 $0x1082;
	s9 =	sld [smem:$0x3FB3]  }
0x2f: {  	lr =	sadd.s32 s0, s3;
	s0 =	sld [smem:$0x3FAA]  }
0x30: {  	s3 =	sld [smem:$0x3FAD]  }
0x31: {  	[smem:$0x3FB6] =	sst s10  }
0x32: {  	s10 =	sld [smem:$0x3FB4];
	_ =	sdelay $0x3  }
0x33: {  	p0 =	seq.s32 s10, $0x1;
	s10 =	sld [smem:$0x3FB6];
	_ =	sdelay $0x3  }
0x34: {  	[smem:$0x3FB6] =	sst s10  }
0x35: {  	s10 =	sld [smem:$0x3FB5];
	_ =	sdelay $0x3  }
0x36: {  	p1 =	seq.s32 s10, $0x1;
	s10 =	sld [smem:$0x3FB6];
	_ =	sdelay $0x3  }
0x37: {  	[smem:$0x3FB6] =	sst s10  }
0x38: {  	s10 =	sld [smem:$0x3FB7]  }
0x39: {  	_ = 	snop;
	(pc) =	sbr.ind lr, $3  }
0x3a: {  	_ = 	snop  }
0x3b: {  	_ = 	snop  }
0x3c: {  	p2 =	seq.s32 s10, $0x1;
	s10 =	sld [smem:$0x3FB6]  }
0x3d: {  	_ =	shalt  }
0x3e: {  	_ =	shalt  }
0x3f: {  	_ =	shalt  }
0x40: {  	_ =	shalt  }
0x41: {  	_ =	shalt  }
0x42: {  	_ =	shalt  }
0x43: {  	_ =	shalt  }
0x44: {  	_ =	shalt  }
0x45: {  	_ =	shalt  }
0x46: {  	_ =	shalt  }
0x47: {  	_ =	shalt  }
0x48: {  	_ =	shalt  }
0x49: {  	_ =	shalt  }
0x4a: {  	_ =	shalt  }
0x4b: {  	_ =	shalt  }
0x4c: {  	_ =	shalt  }
0x4d: {  	_ =	shalt  }
0x4e: {  	_ =	shalt  }
0x4f: {  	_ =	shalt  }
0x50: {  	_ =	shalt  }
0x51: {  	_ =	shalt  }
0x52: {  	_ =	shalt  }
0x53: {  	_ =	shalt  }
0x54: {  	_ =	shalt  }
0x55: {  	_ =	shalt  }
0x56: {  	_ =	shalt  }
0x57: {  	_ =	shalt  }
0x58: {  	_ =	shalt  }
0x59: {  	_ =	shalt  }
0x5a: {  	_ =	shalt  }
0x5b: {  	_ =	shalt  }
0x5c: {  	_ =	shalt  }
0x5d: {  	_ =	shalt  }
0x5e: {  	_ =	shalt  }
0x5f: {  	_ =	shalt  }
0x60: {  	_ =	shalt  }
0x61: {  	_ =	shalt  }
0x62: {  	_ =	shalt  }
0x63: {  	_ =	shalt  }
0x64: {  	_ =	shalt  }
0x65: {  	_ =	shalt  }
0x66: {  	_ =	shalt  }
0x67: {  	_ =	shalt  }
0x68: {  	_ =	shalt  }
0x69: {  	_ =	shalt  }
0x6a: {  	_ =	shalt  }
0x6b: {  	_ =	shalt  }
0x6c: {  	_ =	shalt  }
0x6d: {  	_ =	shalt  }
0x6e: {  	_ =	shalt  }
0x6f: {  	_ =	shalt  }
0x70: {  	_ =	shalt  }
0x71: {  	_ =	shalt  }
0x72: {  	_ =	shalt  }
0x73: {  	_ =	shalt  }
0x74: {  	_ =	shalt  }
0x75: {  	_ =	shalt  }
0x76: {  	_ =	shalt  }
0x77: {  	_ =	shalt  }
0x78: {  	_ =	shalt  }
0x79: {  	_ =	shalt  }
0x7a: {  	_ =	shalt  }
0x7b: {  	_ =	shalt  }
0x7c: {  	_ =	shalt  }
0x7d: {  	_ =	shalt  }
0x7e: {  	_ =	shalt  }
0x7f: {  	_ =	shalt  }
0x80: {  	_ =	shalt  }
0x81: {  	_ =	shalt  }
0x82: {  	_ =	shalt  }
0x83: {  	_ =	shalt  }
0x84: {  	_ =	shalt  }
0x85: {  	_ =	shalt  }
0x86: {  	_ =	shalt  }
0x87: {  	_ =	shalt  }
.Lfunc_end0:
.L_simem_size_0:
called_computation.1_lowered:
.L_overlay_start_0:
0x88: {  	s2 =	sld [smem:$0x3FD9]  }
0x89: {  	s3 =	sld [smem:$0x3FFE];
	_ =	sdelay $0x1  }
0x8a: {  	s1 =	srdreg.scid  }
0x8b: {  	s0 =	sand.u32 $0x1, s1  }
0x8c: {  	s14 =	sshll.u32 s0, $0xA;
	s2 =	sadd.s32 s3, s2  }
0x8d: {  	s2 =	sadd.s32 s2, s14  }
0x8e: {  	[smem:$0x3FC2] =	sst s2  }
0x8f: {  	_ = 	snop  }
0x90: {  	s2 =	sld [smem:$0x3FD0];
	_ =	sdelay $0x2  }
0x91: {  	s15 =	simm.s32 $0xA;
	s4 =	simm.s32 $0x10  }
0x92: {  	[smem:s4], [sflag:s15] =	dma.local [hbm:s2], $0x1  }
0x93: {  	_ =	swait.eq [sflag:s15], $0x1  }
0x94: {  	s16 =	sld [smem:$0x10];
	[sflag:s15] =	ssyncset.done $0x0  }
0x95: {  	s17 =	sld [smem:$0x11];
	[sflag:s15] =	ssyncadd.s32 $0xFFFFFFFF  }
0x96: {  	s18 =	sld [smem:$0x12];
	(tm) =	ssettm $0x1  }
0x97: {  	s5 =	sld [smem:$0x3FFB];
	_ =	sdelay $0x3  }
0x98: {  	_ =	strace s5  }
0x99: {  	s5 =	sld [smem:$0x3FFC];
	_ =	sdelay $0x3  }
0x9a: {  	_ =	strace s5  }
0x9b: {  	s5 =	sld [smem:$0x3FFD];
	_ =	sdelay $0x3  }
0x9c: {  	_ =	strace s5  }
0x9d: {  	_ =	strace $0x8FFFFFFF  }
0x9e: {  	s19 =	sld [smem:$0x3FDB];
	_ =	sdelay $0x1  }
0x9f: {  	s6 =	simm.s32 $_scs_section_size  }
0xa0: {  	s7 =	simm.s32 $_size__tile_overlayer_lowered;
	s8 =	simm.s32 $_tile_overlayer_lowered  }
0xa1: {  	s22 =	simm.s32 $0x1BFF;
	s21 =	sshll.u32 s8, $0x1;
	s5 =	sadd.s32 s6, s19  }
0xa2: {  	s9 =	simm.s32 $0x0;
	s20 =	sshll.u32 s7, $0x1;
	s7 =	sadd.s32 s21, s5  }
0xa3: {  	[timem:s9], [sflag:s22] =	dma.local [hbm:s7], s20  }
0xa4: {  	_ =	swait.ge [sflag:s22], s20  }
0xa5: {  	s6 =	ssub.s32 $0x0, s20;
	[sflag:s22] =	ssyncset.done $0x0  }
0xa6: {  	[sflag:s22] =	ssyncadd.s32 s6;
	_ =	sdelay $0x1  }
0xa7: {  	s23 =	simm.s32 $0x1B8B  }
0xa8: {  	_ =	swait.ge [sflag:s23], $0x1  }
0xa9: {  	[sflag:s23] =	ssyncset.done $0x0  }
0xaa: {  	s25 =	simm.s32 $0x1B8E;
	s24 =	sld [smem:$0x3FFE];
	[sflag:s23] =	ssyncadd.s32 $0xFFFFFFFF  }
0xab: {  	s26 =	simm.s32 $execute0_lowered;
	[smem:$0x3FD2] =	sst s25  }
0xac: {  	s7 =	sshll.u32 s26, $0x1;
	_ =	strace $0x80000049;
	[dreg:$0x1] =	wrdreg $0xFFFFFFFF  }
0xad: {  	s28 =	simm.s32 $_size_execute0_lowered;
	s5 =	sadd.s32 s5, s7;
	[dreg:$0x0] =	wrdreg $0x0  }
0xae: {  	s7 =	sshll.u32 s28, $0x1;
	[dreg:$0x2] =	wrdreg s5  }
0xaf: {  	[dreg:$0x3] =	wrdreg s7  }
0xb0: {  	[dreg:$0x4] =	wrdreg $0xC0  }
0xb1: {  	_ =	task [dreg:s9], $0x5FFFF  }
0xb2: {  	[dreg:$0x1] =	wrdreg $0xFFFFFFFF  }
0xb3: {  	[dreg:$0x0] =	wrdreg $0x60  }
0xb4: {  	[dreg:$0x2] =	wrdreg s24  }
0xb5: {  	[dreg:$0x3] =	wrdreg s18  }
0xb6: {  	[dreg:$0x4] =	wrdreg s17  }
0xb7: {  	[dreg:$0x5] =	wrdreg s16  }
0xb8: {  	[dreg:$0x6] =	wrdreg $0xB8000  }
0xb9: {  	[dreg:$0x7] =	wrdreg $0x9  }
0xba: {  	_ =	task.clear_ibuf [dreg:s9], $0x8FFFF;
	_ =	strace $0x90000049  }
0xbb: {  	s29 =	simm.s32 $0x9;
	_ =	strace $0x8000004B  }
0xbc: {  	_ =	swait.ge [sflag:s29], $0x1  }
0xbd: {  	[sflag:s29] =	ssyncadd.s32 $0xFFFFFFFF  }
0xbe: {  	_ =	strace $0x9000004B  }
0xbf: {  	_ =	sfence  }
0xc0: {  	s30 =	sld [smem:$0x0];
	_ =	sdelay $0x2  }
0xc1: {  	s31 =	sshll.u32 s1, $0xD;
	s1 =	sshrl.u32 s1, $0x2  }
0xc2: {  	s3 =	sand.u32 $0x4000, s31;
	s1 =	sadd.s32 s1, s30  }
0xc3: {  	s0 =	sor.u32 s3, s0;
	s1 =	sshll.u32 s1, $0x11  }
0xc4: {  	s0 =	sor.u32 s1, s0  }
0xc5: {  	s0 =	sadd.s32 $0x8F2B, s0  }
0xc6: {  	[sflag:s0] =	ssyncadd.remote.s32 $0x1  }
0xc7: {  	_ =	sfence.sel $0xFFFF  }
0xc8: {  	[dreg:$0x0] =	wrdreg $0xFFFFFFFF;
	(pc) =	sbr.abs _section_cstart, $3  }
0xc9: {  	[dreg:$0x1] =	wrdreg $0xFFFFFFFF  }
0xca: {  	_ =	task.clear_ibuf [dreg:s9], $0x2FFFF;
	_ =	strace $0x9FFFFFFF  }
0xcb: {  	(tm) =	ssettm $0x7FFFFFFF  }
tec
execute0_lowered:
.L_overlay_start_1:
0x0: {  	(tag) =	ssettag $0x1  }
0x1: {  	s5 =	rddreg [dreg:$0x0]  }
0x2: {  	s7 =	rddreg [dreg:$0x1]  }
0x3: {  	s8 =	rddreg [dreg:$0x2]  }
0x4: {  	s9 =	rddreg [dreg:$0x3]  }
0x5: {  	s2 =	rddreg [dreg:$0x4]  }
0x6: {  	s0 =	rddreg [dreg:$0x5]  }
0x7: {  	s1 =	stileid.u32;
	s4 =	srdreg.scid;
	s3 =	simm.s32 $0x0  }
0x8: {  	s17 =	simm.s32 $0x7800;
	s18 =	simm.s32 $0x1;
	s19 =	simm.s32 $0x0  }
0x9: {  	s6 =	smul.u32 $0x14000, s1;
	s10 =	sand.u32 $0x1, s4;
	[smem:$0x7FF] =	sst s3  }
0xa: {  	s4 =	sadd.s32 $0x1C00, s5;
	s28 =	smul.u32 $0x50000, s1;
	s31 =	sshll.u32 s1, $0x6  }
0xb: {  	s11 =	smul.u32 $0x140000, s10;
	_ =	strace $0x8000004A;
	s13 =	sshll.u32 s10, $0x4  }
0xc: {  	s29 =	ssub.s32 $0x2, s10;
	s12 =	sshrl.u32 s6, $0x3;
	s30 =	sor.u32 s1, s13  }
0xd: {  	s10 =	sshrl.u32 s29, $0x1;
	s12 =	sadd.s32 s12, s5;
	s6 =	sadd.s32 s6, s11  }
0xe: {  	s11 =	sshrl.u32 s28, $0x2;
	s13 =	smul.u32 $0x500, s30;
	s15 =	ssub.s32 s29, s10  }
0xf: {  	s6 =	sshrl.u32 s6, $0x3;
	s16 =	sadd.s32 s11, s2;
	s11 =	smax.u32 s15, $0x1  }
0x10: {  	s15 =	simm.s32 $0x5000;
	s14 =	sadd.s32 s6, s5;
	s5 =	sadd.s32 $0x29C00, s12  }
0x11: {  	s6 =	sor.u32 $0x1C02, s31;
	s7 =	sadd.s32 s7, s13;
	s8 =	sadd.s32 s8, s13  }
0x12: {  	s9 =	sadd.s32 s9, s13;
	s12 =	sshrl.u32 s16, $0x3;
	s13 =	simm.s32 $0x2  }
0x13: {  	s16 =	simm.s32 $0x80;
	s10 =	sadd.s32 $0x51C00, s14;
	s14 =	simm.s32 $0x2800  }
.LBB2_1:
0x14: {  	[spmem:s12], [sflag:s6] =	dma.local [hbm:s5], $0x2800  }
0x15: {  	_ =	swait.ge [sflag:s13], $0x2800  }
0x16: {  	[sflag:s13] =	ssyncset.done $0x0  }
0x17: {  	[sflag:s13] =	ssyncadd.s32 $0xFFFFD800  }
0x18: {  	[tilespmem:s3], [sflag:$0x2] =	stream.linear.gather [hbm4b:s7+s3], $0x2780, $0x38;
	[tilespmem:$0x1F800] =	vst v63  }
0x19: {  	_ =	swait.ge [sflag:s13], $0x2780  }
0x1a: {  	[sflag:s13] =	ssyncset.done $0x0  }
0x1b: {  	[sflag:s13] =	ssyncadd.s32 $0xFFFFD880  }
0x1c: {  	[tilespmem:s14], [sflag:$0x2] =	stream.linear.gather [hbm4b:s8+s3], $0x2780, $0x38;
	[tilespmem:$0x1F800] =	vst v63  }
0x1d: {  	_ =	swait.ge [sflag:s13], $0x2780  }
0x1e: {  	[sflag:s13] =	ssyncset.done $0x0  }
0x1f: {  	[sflag:s13] =	ssyncadd.s32 $0xFFFFD880  }
0x20: {  	[tilespmem:s15], [sflag:$0x2] =	stream.linear.gather [hbm4b:s9+s3], $0x2780, $0x38;
	[tilespmem:$0x1F800] =	vst v63  }
0x21: {  	_ =	swait.ge [sflag:s13], $0x2780  }
0x22: {  	[sflag:s13] =	ssyncset.done $0x0  }
0x23: {  	[sflag:s13] =	ssyncadd.s32 $0xFFFFD880  }
0x24: {  	s20 =	simm.s32 $0x0;
	[bflag:$0x0] =	sbarrier.arrive $0xFFFF  }
.LBB2_2:
0x25: {  	s21 =	sshll.u32 s20, $0x7  }
0x26: {  	s22 =	sadd.s32 $0x5000, s21  }
0x27: {  	v0 =	vmov s22  }
0x28: {  	[tilespmem:s17], [sflag:$0x1] =	stream.indirect.gather [hbm4b:s4+s16], $0x80, s21, s16, $0xb8;
	[tilespmem:$0x1F800] =	vst v63  }
0x29: {  	_ =	swait.ge [sflag:s18], $0x4000  }
0x2a: {  	s31 =	simm.s32 $0x0;
	[sflag:s18] =	ssyncset.done $0x0  }
0x2b: {  	s22 =	sand.u32 $0x3FFFFFF0, s31;
	[sflag:s18] =	ssyncadd.s32 $0xFFFFC000  }
0x2c: {  	s23 =	simm.s32 $0x0;
	v1 =	vld.idx.msk [tilespmem:v0+s22+$0x0 ss:$0x1], $0xffff  }
0x2d: {  	s22 =	sand.u32 $0x3FFFF800, s23  }
0x2e: {  	v3 =	vld [tilespmem:s22+$0x7820]  }
0x2f: {  	v4 =	vld [tilespmem:s22+$0x7830]  }
0x30: {  	v10 =	vld [tilespmem:s22+$0x7860]  }
0x31: {  	v11 =	vld [tilespmem:s22+$0x7870];
	v2 =	vbroadcast v1, $0x0  }
0x32: {  	v12 =	vld [tilespmem:s22+$0x7880]  }
0x33: {  	v13 =	vld [tilespmem:s22+$0x7890];
	v3 =	vmul.f32 v3, v2  }
0x34: {  	v14 =	vld [tilespmem:s22+$0x78A0];
	v4 =	vmul.f32 v4, v2  }
0x35: {  	v9 =	vld [tilespmem:s22+$0x78B0];
	v23 =	vbroadcast v1, $0x1;
	v22 =	vmul.f32 v10, v2;
	[tilespmem:s22+$0x7820] =	vst v3  }
0x36: {  	v7 =	vld [tilespmem:s22+$0x78C0];
	v11 =	vmul.f32 v11, v2;
	[tilespmem:s22+$0x7830] =	vst v4  }
0x37: {  	v8 =	vld [tilespmem:s22+$0x78D0];
	v12 =	vmul.f32 v12, v23;
	[tilespmem:s22+$0x7860] =	vst v22  }
0x38: {  	v25 =	vld [tilespmem:s22+$0x78F0];
	v13 =	vmul.f32 v13, v23;
	[tilespmem:s22+$0x7870] =	vst v11  }
0x39: {  	v26 =	vld [tilespmem:s22+$0x7900];
	v14 =	vmul.f32 v14, v23;
	[tilespmem:s22+$0x7880] =	vst v12  }
0x3a: {  	v27 =	vld [tilespmem:s22+$0x7910];
	v9 =	vmul.f32 v9, v23;
	[tilespmem:s22+$0x7890] =	vst v13  }
0x3b: {  	v6 =	vld [tilespmem:s22+$0x7D70];
	v7 =	vmul.f32 v7, v23;
	[tilespmem:s22+$0x78A0] =	vst v14  }
0x3c: {  	v24 =	vld [tilespmem:s22+$0x78E0];
	v15 =	vbroadcast v1, $0x2;
	v8 =	vmul.f32 v8, v23;
	[tilespmem:s22+$0x78B0] =	vst v9  }
0x3d: {  	v28 =	vld [tilespmem:s22+$0x7920];
	v10 =	vmul.f32 v25, v23;
	[tilespmem:s22+$0x78C0] =	vst v7  }
0x3e: {  	v29 =	vld [tilespmem:s22+$0x7930];
	v5 =	vbroadcast v1, $0xA;
	v32 =	vmul.f32 v26, v15;
	[tilespmem:s22+$0x78D0] =	vst v8  }
0x3f: {  	v30 =	vld [tilespmem:s22+$0x7940];
	v34 =	vmul.f32 v27, v15;
	[tilespmem:s22+$0x78F0] =	vst v10  }
0x40: {  	v33 =	vld [tilespmem:s22+$0x7960];
	v3 =	vmul.f32 v6, v5;
	[tilespmem:s22+$0x7900] =	vst v32  }
0x41: {  	v35 =	vld [tilespmem:s22+$0x7970];
	v11 =	vmul.f32 v24, v23;
	[tilespmem:s22+$0x7910] =	vst v34  }
0x42: {  	v36 =	vld [tilespmem:s22+$0x7980];
	v9 =	vmul.f32 v28, v15;
	[tilespmem:s22+$0x7D70] =	vst v3  }
0x43: {  	v31 =	vld [tilespmem:s22+$0x7950];
	v7 =	vmul.f32 v29, v15;
	[tilespmem:s22+$0x78E0] =	vst v11  }
0x44: {  	v37 =	vld [tilespmem:s22+$0x7990];
	v8 =	vmul.f32 v30, v15;
	[tilespmem:s22+$0x7920] =	vst v9  }
0x45: {  	v38 =	vld [tilespmem:s22+$0x79A0];
	v41 =	vbroadcast v1, $0x3;
	v10 =	vmul.f32 v33, v15;
	[tilespmem:s22+$0x7930] =	vst v7  }
0x46: {  	v39 =	vld [tilespmem:s22+$0x79B0];
	v12 =	vmul.f32 v35, v15;
	[tilespmem:s22+$0x7940] =	vst v8  }
0x47: {  	v42 =	vld [tilespmem:s22+$0x79D0];
	v13 =	vmul.f32 v36, v41;
	[tilespmem:s22+$0x7960] =	vst v10  }
0x48: {  	v43 =	vld [tilespmem:s22+$0x79E0];
	v11 =	vmul.f32 v31, v15;
	[tilespmem:s22+$0x7970] =	vst v12  }
0x49: {  	v44 =	vld [tilespmem:s22+$0x79F0];
	v9 =	vmul.f32 v37, v41;
	[tilespmem:s22+$0x7980] =	vst v13  }
0x4a: {  	v40 =	vld [tilespmem:s22+$0x79C0];
	v7 =	vmul.f32 v38, v41;
	[tilespmem:s22+$0x7950] =	vst v11  }
0x4b: {  	v45 =	vld [tilespmem:s22+$0x7A00];
	v8 =	vmul.f32 v39, v41;
	[tilespmem:s22+$0x7990] =	vst v9  }
0x4c: {  	v46 =	vld [tilespmem:s22+$0x7A10];
	v10 =	vmul.f32 v42, v41;
	[tilespmem:s22+$0x79A0] =	vst v7  }
0x4d: {  	v47 =	vld [tilespmem:s22+$0x7A20];
	v12 =	vmul.f32 v43, v41;
	[tilespmem:s22+$0x79B0] =	vst v8  }
0x4e: {  	v49 =	vld [tilespmem:s22+$0x7A40];
	v50 =	vbroadcast v1, $0x4;
	v13 =	vmul.f32 v44, v41;
	[tilespmem:s22+$0x79D0] =	vst v10  }
0x4f: {  	v51 =	vld [tilespmem:s22+$0x7A50];
	v11 =	vmul.f32 v40, v41;
	[tilespmem:s22+$0x79E0] =	vst v12  }
0x50: {  	v52 =	vld [tilespmem:s22+$0x7A60];
	v9 =	vmul.f32 v45, v50;
	[tilespmem:s22+$0x79F0] =	vst v13  }
0x51: {  	v48 =	vld [tilespmem:s22+$0x7A30];
	v7 =	vmul.f32 v46, v50;
	[tilespmem:s22+$0x79C0] =	vst v11  }
0x52: {  	v53 =	vld [tilespmem:s22+$0x7A70];
	v8 =	vmul.f32 v47, v50;
	[tilespmem:s22+$0x7A00] =	vst v9  }
0x53: {  	v54 =	vld [tilespmem:s22+$0x7A80];
	v10 =	vmul.f32 v49, v50;
	[tilespmem:s22+$0x7A10] =	vst v7  }
0x54: {  	v55 =	vld [tilespmem:s22+$0x7A90];
	v12 =	vmul.f32 v51, v50;
	[tilespmem:s22+$0x7A20] =	vst v8  }
0x55: {  	v57 =	vld [tilespmem:s22+$0x7AB0];
	v13 =	vmul.f32 v52, v50;
	[tilespmem:s22+$0x7A40] =	vst v10  }
0x56: {  	v58 =	vld [tilespmem:s22+$0x7AC0];
	v59 =	vbroadcast v1, $0x5;
	v11 =	vmul.f32 v48, v50;
	[tilespmem:s22+$0x7A50] =	vst v12  }
0x57: {  	v60 =	vld [tilespmem:s22+$0x7AD0];
	v9 =	vmul.f32 v53, v50;
	[tilespmem:s22+$0x7A60] =	vst v13  }
0x58: {  	v56 =	vld [tilespmem:s22+$0x7AA0];
	v7 =	vmul.f32 v54, v59;
	[tilespmem:s22+$0x7A30] =	vst v11  }
0x59: {  	v61 =	vld [tilespmem:s22+$0x7AE0];
	v8 =	vmul.f32 v55, v59;
	[tilespmem:s22+$0x7A70] =	vst v9  }
0x5a: {  	v62 =	vld [tilespmem:s22+$0x7AF0];
	v10 =	vmul.f32 v57, v59;
	[tilespmem:s22+$0x7A80] =	vst v7  }
0x5b: {  	v63 =	vld [tilespmem:s22+$0x7B00];
	v12 =	vmul.f32 v58, v59;
	[tilespmem:s22+$0x7A90] =	vst v8  }
0x5c: {  	v19 =	vld [tilespmem:s22+$0x7B20];
	v13 =	vmul.f32 v60, v59;
	[tilespmem:s22+$0x7AB0] =	vst v10  }
0x5d: {  	v20 =	vld [tilespmem:s22+$0x7B30];
	v11 =	vmul.f32 v56, v59;
	[tilespmem:s22+$0x7AC0] =	vst v12  }
0x5e: {  	v21 =	vld [tilespmem:s22+$0x7B40];
	v22 =	vbroadcast v1, $0x6;
	v9 =	vmul.f32 v61, v59;
	[tilespmem:s22+$0x7AD0] =	vst v13  }
0x5f: {  	v18 =	vld [tilespmem:s22+$0x7B10];
	v7 =	vmul.f32 v62, v59;
	[tilespmem:s22+$0x7AA0] =	vst v11  }
0x60: {  	v23 =	vld [tilespmem:s22+$0x7B50];
	v8 =	vmul.f32 v63, v22;
	[tilespmem:s22+$0x7AE0] =	vst v9  }
0x61: {  	v24 =	vld [tilespmem:s22+$0x7B60];
	v10 =	vmul.f32 v19, v22;
	[tilespmem:s22+$0x7AF0] =	vst v7  }
0x62: {  	v25 =	vld [tilespmem:s22+$0x7B70];
	v12 =	vmul.f32 v20, v22;
	[tilespmem:s22+$0x7B00] =	vst v8  }
0x63: {  	v27 =	vld [tilespmem:s22+$0x7B90];
	v13 =	vmul.f32 v21, v22;
	[tilespmem:s22+$0x7B20] =	vst v10  }
0x64: {  	v28 =	vld [tilespmem:s22+$0x7BA0];
	v11 =	vmul.f32 v18, v22;
	[tilespmem:s22+$0x7B30] =	vst v12  }
0x65: {  	v29 =	vld [tilespmem:s22+$0x7BB0];
	v9 =	vmul.f32 v23, v22;
	[tilespmem:s22+$0x7B40] =	vst v13  }
0x66: {  	v31 =	vbroadcast v1, $0x7;
	v53 =	vld [tilespmem:s22+$0x7D00];
	v7 =	vmul.f32 v24, v22;
	[tilespmem:s22+$0x7B10] =	vst v11  }
0x67: {  	v57 =	vld [tilespmem:s22+$0x7D40];
	v8 =	vmul.f32 v25, v22;
	[tilespmem:s22+$0x7B50] =	vst v9  }
0x68: {  	v58 =	vld [tilespmem:s22+$0x7D50];
	v10 =	vmul.f32 v27, v31;
	[tilespmem:s22+$0x7B60] =	vst v7  }
0x69: {  	v26 =	vld [tilespmem:s22+$0x7B80];
	v12 =	vmul.f32 v28, v31;
	[tilespmem:s22+$0x7B70] =	vst v8  }
0x6a: {  	v30 =	vld [tilespmem:s22+$0x7BC0];
	v13 =	vmul.f32 v29, v31;
	[tilespmem:s22+$0x7B90] =	vst v10  }
0x6b: {  	v32 =	vld [tilespmem:s22+$0x7BD0];
	v59 =	vmul.f32 v53, v5;
	[tilespmem:s22+$0x7BA0] =	vst v12  }
0x6c: {  	v33 =	vld [tilespmem:s22+$0x7BE0];
	v18 =	vmul.f32 v57, v5;
	[tilespmem:s22+$0x7BB0] =	vst v13  }
0x6d: {  	v35 =	vld [tilespmem:s22+$0x7C00];
	v20 =	vmul.f32 v58, v5;
	[tilespmem:s22+$0x7D00] =	vst v59  }
0x6e: {  	v36 =	vld [tilespmem:s22+$0x7C10];
	v11 =	vmul.f32 v26, v31;
	[tilespmem:s22+$0x7D40] =	vst v18  }
0x6f: {  	v37 =	vld [tilespmem:s22+$0x7C20];
	v9 =	vmul.f32 v30, v31;
	[tilespmem:s22+$0x7D50] =	vst v20  }
0x70: {  	v4 =	vld [tilespmem:s22+$0x7D80];
	v40 =	vbroadcast v1, $0x8;
	v7 =	vmul.f32 v32, v31;
	[tilespmem:s22+$0x7B80] =	vst v11  }
0x71: {  	v6 =	vld [tilespmem:s22+$0x7D90];
	v8 =	vmul.f32 v33, v31;
	[tilespmem:s22+$0x7BC0] =	vst v9  }
0x72: {  	v3 =	vld [tilespmem:s22+$0x7FD0];
	v10 =	vmul.f32 v35, v40;
	[tilespmem:s22+$0x7BD0] =	vst v7  }
0x73: {  	v61 =	vld [tilespmem:s22+$0x7800];
	v23 =	vbroadcast v1, $0xB;
	v12 =	vmul.f32 v36, v40;
	[tilespmem:s22+$0x7BE0] =	vst v8  }
0x74: {  	v34 =	vld [tilespmem:s22+$0x7BF0];
	v13 =	vmul.f32 v37, v40;
	[tilespmem:s22+$0x7C00] =	vst v10  }
0x75: {  	v38 =	vld [tilespmem:s22+$0x7C30];
	v27 =	vbroadcast v1, $0xF;
	v4 =	vmul.f32 v4, v23;
	[tilespmem:s22+$0x7C10] =	vst v12  }
0x76: {  	v39 =	vld [tilespmem:s22+$0x7C40];
	v6 =	vmul.f32 v6, v23;
	[tilespmem:s22+$0x7C20] =	vst v13  }
0x77: {  	v41 =	vld [tilespmem:s22+$0x7C50];
	v3 =	vmul.f32 v3, v27;
	[tilespmem:s22+$0x7D80] =	vst v4  }
0x78: {  	v43 =	vld [tilespmem:s22+$0x7C70];
	v24 =	vmul.f32 v2, v61;
	[tilespmem:s22+$0x7D90] =	vst v6  }
0x79: {  	v44 =	vld [tilespmem:s22+$0x7C80];
	v11 =	vmul.f32 v34, v31;
	[tilespmem:s22+$0x7FD0] =	vst v3  }
0x7a: {  	v45 =	vld [tilespmem:s22+$0x7C90];
	v9 =	vmul.f32 v38, v40;
	[tilespmem:s22+$0x7800] =	vst v24  }
0x7b: {  	v63 =	vld [tilespmem:s22+$0x7840];
	v7 =	vmul.f32 v39, v40;
	[tilespmem:s22+$0x7BF0] =	vst v11  }
0x7c: {  	v49 =	vbroadcast v1, $0x9;
	v29 =	vld [tilespmem:s22+$0x7DF0];
	v8 =	vmul.f32 v41, v40;
	[tilespmem:s22+$0x7C30] =	vst v9  }
0x7d: {  	v42 =	vld [tilespmem:s22+$0x7C60];
	v10 =	vmul.f32 v43, v40;
	[tilespmem:s22+$0x7C40] =	vst v7  }
0x7e: {  	v46 =	vld [tilespmem:s22+$0x7CA0];
	v12 =	vmul.f32 v44, v49;
	[tilespmem:s22+$0x7C50] =	vst v8  }
0x7f: {  	v47 =	vld [tilespmem:s22+$0x7CB0];
	v13 =	vmul.f32 v45, v49;
	[tilespmem:s22+$0x7C70] =	vst v10  }
0x80: {  	v48 =	vld [tilespmem:s22+$0x7CC0];
	v3 =	vmul.f32 v63, v2;
	[tilespmem:s22+$0x7C80] =	vst v12  }
0x81: {  	v51 =	vld [tilespmem:s22+$0x7CE0];
	v6 =	vmul.f32 v29, v23;
	[tilespmem:s22+$0x7C90] =	vst v13  }
0x82: {  	v52 =	vld [tilespmem:s22+$0x7CF0];
	v11 =	vmul.f32 v42, v40;
	[tilespmem:s22+$0x7840] =	vst v3  }
0x83: {  	v28 =	vld [tilespmem:s22+$0x7DE0];
	v9 =	vmul.f32 v46, v49;
	[tilespmem:s22+$0x7DF0] =	vst v6  }
0x84: {  	v26 =	vld [tilespmem:s22+$0x7DD0];
	v7 =	vmul.f32 v47, v49;
	[tilespmem:s22+$0x7C60] =	vst v11  }
0x85: {  	v30 =	vld [tilespmem:s22+$0x7E00];
	v8 =	vmul.f32 v48, v49;
	[tilespmem:s22+$0x7CA0] =	vst v9  }
0x86: {  	v50 =	vld [tilespmem:s22+$0x7CD0];
	v10 =	vmul.f32 v51, v49;
	[tilespmem:s22+$0x7CB0] =	vst v7  }
0x87: {  	v54 =	vld [tilespmem:s22+$0x7D10];
	v12 =	vmul.f32 v52, v49;
	[tilespmem:s22+$0x7CC0] =	vst v8  }
0x88: {  	v55 =	vld [tilespmem:s22+$0x7D20];
	v35 =	vbroadcast v1, $0xC;
	v40 =	vmul.f32 v28, v23;
	[tilespmem:s22+$0x7CE0] =	vst v10  }
0x89: {  	v56 =	vld [tilespmem:s22+$0x7D30];
	v32 =	vmul.f32 v26, v23;
	[tilespmem:s22+$0x7CF0] =	vst v12  }
0x8a: {  	v60 =	vld [tilespmem:s22+$0x7D60];
	v15 =	vmul.f32 v30, v35;
	[tilespmem:s22+$0x7DE0] =	vst v40  }
0x8b: {  	v62 =	vld [tilespmem:s22+$0x7810];
	v11 =	vmul.f32 v50, v49;
	[tilespmem:s22+$0x7DD0] =	vst v32  }
0x8c: {  	v19 =	vld [tilespmem:s22+$0x7850];
	v9 =	vmul.f32 v54, v5;
	[tilespmem:s22+$0x7E00] =	vst v15  }
0x8d: {  	v33 =	vld [tilespmem:s22+$0x7E30];
	v7 =	vmul.f32 v55, v5;
	[tilespmem:s22+$0x7CD0] =	vst v11  }
0x8e: {  	v61 =	vld [tilespmem:s22+$0x7FF0];
	v8 =	vmul.f32 v56, v5;
	[tilespmem:s22+$0x7D10] =	vst v9  }
0x8f: {  	v38 =	vld [tilespmem:s22+$0x7E70];
	v5 =	vmul.f32 v60, v5;
	[tilespmem:s22+$0x7D20] =	vst v7  }
0x90: {  	v21 =	vld [tilespmem:s22+$0x7DA0];
	v12 =	vmul.f32 v62, v2;
	[tilespmem:s22+$0x7D30] =	vst v8  }
0x91: {  	v22 =	vld [tilespmem:s22+$0x7DB0];
	v2 =	vmul.f32 v19, v2;
	[tilespmem:s22+$0x7D60] =	vst v5  }
0x92: {  	v25 =	vld [tilespmem:s22+$0x7DC0];
	v62 =	vmul.f32 v33, v35;
	[tilespmem:s22+$0x7810] =	vst v12  }
0x93: {  	v31 =	vld [tilespmem:s22+$0x7E10];
	v63 =	vmul.f32 v61, v27;
	[tilespmem:s22+$0x7850] =	vst v2  }
0x94: {  	v34 =	vld [tilespmem:s22+$0x7E40];
	v15 =	vmul.f32 v38, v35;
	[tilespmem:s22+$0x7E30] =	vst v62  }
0x95: {  	v41 =	vld [tilespmem:s22+$0x7EA0];
	v7 =	vmul.f32 v21, v23;
	[tilespmem:s22+$0x7FF0] =	vst v63  }
0x96: {  	v46 =	vld [tilespmem:s22+$0x7EE0];
	v8 =	vmul.f32 v22, v23;
	[tilespmem:s22+$0x7E70] =	vst v15  }
0x97: {  	v36 =	vld [tilespmem:s22+$0x7E50];
	v5 =	vmul.f32 v25, v23;
	[tilespmem:s22+$0x7DA0] =	vst v7  }
0x98: {  	v44 =	vbroadcast v1, $0xD;
	v9 =	vmul.f32 v31, v35;
	v2 =	vld [tilespmem:s22+$0x7E90];
	[tilespmem:s22+$0x7DB0] =	vst v8  }
0x99: {  	v37 =	vld [tilespmem:s22+$0x7E60];
	v12 =	vmul.f32 v34, v35;
	[tilespmem:s22+$0x7DC0] =	vst v5  }
0x9a: {  	v39 =	vld [tilespmem:s22+$0x7E80];
	v11 =	vmul.f32 v41, v44;
	[tilespmem:s22+$0x7E10] =	vst v9  }
0x9b: {  	v42 =	vld [tilespmem:s22+$0x7EB0];
	v51 =	vmul.f32 v46, v44;
	[tilespmem:s22+$0x7E40] =	vst v12  }
0x9c: {  	v48 =	vld [tilespmem:s22+$0x7F10];
	v8 =	vmul.f32 v36, v35;
	[tilespmem:s22+$0x7EA0] =	vst v11  }
0x9d: {  	v49 =	vld [tilespmem:s22+$0x7F20];
	[tilespmem:s22+$0x7EE0] =	vst v51;
	v2 =	vmul.f32 v2, v44  }
0x9e: {  	v50 =	vld [tilespmem:s22+$0x7F30];
	v5 =	vmul.f32 v37, v35;
	[tilespmem:s22+$0x7E50] =	vst v8  }
0x9f: {  	v1 =	vbroadcast v1, $0xE;
	v9 =	vmul.f32 v39, v44;
	[tilespmem:s22+$0x7E90] =	vst v2;
	v2 =	vld [tilespmem:s22+$0x7F00]  }
0xa0: {  	v60 =	vld [tilespmem:s22+$0x7FE0];
	v12 =	vmul.f32 v42, v44;
	[tilespmem:s22+$0x7E60] =	vst v5  }
0xa1: {  	v45 =	vld [tilespmem:s22+$0x7ED0];
	v11 =	vmul.f32 v48, v1;
	[tilespmem:s22+$0x7E80] =	vst v9  }
0xa2: {  	v47 =	vld [tilespmem:s22+$0x7EF0];
	v10 =	vmul.f32 v49, v1;
	[tilespmem:s22+$0x7EB0] =	vst v12  }
0xa3: {  	v43 =	vld [tilespmem:s22+$0x7EC0];
	v6 =	vmul.f32 v50, v1;
	[tilespmem:s22+$0x7F10] =	vst v11  }
0xa4: {  	v55 =	vld [tilespmem:s22+$0x7F80];
	[tilespmem:s22+$0x7F20] =	vst v10;
	v2 =	vmul.f32 v2, v1  }
0xa5: {  	v57 =	vld [tilespmem:s22+$0x7FA0];
	v4 =	vmul.f32 v60, v27;
	[tilespmem:s22+$0x7F30] =	vst v6  }
0xa6: {  	v5 =	vmul.f32 v45, v44;
	[tilespmem:s22+$0x7F00] =	vst v2;
	v2 =	vld [tilespmem:s22+$0x7F70]  }
0xa7: {  	v52 =	vld [tilespmem:s22+$0x7F40];
	v9 =	vmul.f32 v47, v44;
	[tilespmem:s22+$0x7FE0] =	vst v4  }
0xa8: {  	v56 =	vld [tilespmem:s22+$0x7F90];
	v8 =	vmul.f32 v43, v44;
	[tilespmem:s22+$0x7ED0] =	vst v5  }
0xa9: {  	v54 =	vld [tilespmem:s22+$0x7F60];
	v11 =	vmul.f32 v55, v27;
	[tilespmem:s22+$0x7EF0] =	vst v9  }
0xaa: {  	v58 =	vld [tilespmem:s22+$0x7FB0];
	v6 =	vmul.f32 v57, v27;
	[tilespmem:s22+$0x7EC0] =	vst v8  }
0xab: {  	v53 =	vld [tilespmem:s22+$0x7F50];
	[tilespmem:s22+$0x7F80] =	vst v11;
	v2 =	vmul.f32 v2, v1  }
0xac: {  	v59 =	vld [tilespmem:s22+$0x7FC0];
	v5 =	vmul.f32 v52, v1;
	[tilespmem:s22+$0x7FA0] =	vst v6  }
0xad: {  	[tilespmem:s22+$0x7F70] =	vst v2;
	v2 =	vmul.f32 v56, v27  }
0xae: {  	v3 =	vld [tilespmem:s22+$0x7E20];
	v9 =	vmul.f32 v54, v1;
	[tilespmem:s22+$0x7F40] =	vst v5  }
0xaf: {  	[tilespmem:s22+$0x7F90] =	vst v2;
	v2 =	vmul.f32 v58, v27  }
0xb0: {  	[tilespmem:s22+$0x7F60] =	vst v9;
	v1 =	vmul.f32 v53, v1  }
0xb1: {  	[tilespmem:s22+$0x7FB0] =	vst v2;
	v2 =	vmul.f32 v59, v27  }
0xb2: {  	[tilespmem:s22+$0x7F50] =	vst v1  }
0xb3: {  	s23 =	simm.s32 $0x1;
	[tilespmem:s22+$0x7FC0] =	vst v2;
	v2 =	vmul.f32 v3, v35  }
.LBB2_3:
0xb4: {  	s24 =	sshll.u32 s23, $0x4  }
0xb5: {  	p0 =	sne.s32 s23, $0x7;
	[tilespmem:s22+$0x7E20] =	vst v2;
	s22 =	smov.u32 s23;
	s23 =	sadd.s32 $0x1, s23  }
0xb6: {  	s24 =	sand.u32 $0x3FFFFFF0, s24  }
0xb7: {  	v1 =	vld.idx.msk [tilespmem:v0+s24+$0x0 ss:$0x1], $0xffff  }
0xb8: {  	s22 =	sshll.u32 s22, $0xB  }
0xb9: {  	s22 =	sand.u32 $0x3FFFF800, s22  }
0xba: {  	v8 =	vld [tilespmem:s22+$0x78C0]  }
0xbb: {  	v9 =	vld [tilespmem:s22+$0x78D0]  }
0xbc: {  	v10 =	vld [tilespmem:s22+$0x78B0]  }
0xbd: {  	v2 =	vbroadcast v1, $0x0;
	v7 =	vbroadcast v1, $0x4;
	v3 =	vld [tilespmem:s22+$0x7820]  }
0xbe: {  	v5 =	vld [tilespmem:s22+$0x7830]  }
0xbf: {  	v6 =	vld [tilespmem:s22+$0x7D70]  }
0xc0: {  	v11 =	vld [tilespmem:s22+$0x7860]  }
0xc1: {  	v12 =	vld [tilespmem:s22+$0x7870]  }
0xc2: {  	v4 =	vbroadcast v1, $0xA;
	v3 =	vmul.f32 v3, v2;
	v13 =	vld [tilespmem:s22+$0x7880]  }
0xc3: {  	v5 =	vmul.f32 v5, v2;
	v14 =	vld [tilespmem:s22+$0x7890]  }
0xc4: {  	[tilespmem:s22+$0x7820] =	vst v3;
	v15 =	vld [tilespmem:s22+$0x78A0];
	v3 =	vmul.f32 v6, v4  }
0xc5: {  	[tilespmem:s22+$0x7830] =	vst v5;
	v6 =	vmul.f32 v11, v2;
	v11 =	vbroadcast v1, $0x1;
	v5 =	vld [tilespmem:s22+$0x7D80]  }
0xc6: {  	v12 =	vmul.f32 v12, v2;
	[tilespmem:s22+$0x7D70] =	vst v3;
	v3 =	vld [tilespmem:s22+$0x7FD0]  }
0xc7: {  	[tilespmem:s22+$0x7860] =	vst v6;
	v13 =	vmul.f32 v13, v11;
	v6 =	vld [tilespmem:s22+$0x7D90]  }
0xc8: {  	[tilespmem:s22+$0x7870] =	vst v12;
	v12 =	vmul.f32 v14, v11;
	v14 =	vld [tilespmem:s22+$0x78E0]  }
0xc9: {  	[tilespmem:s22+$0x7880] =	vst v13;
	v13 =	vmul.f32 v15, v11;
	v15 =	vld [tilespmem:s22+$0x78F0]  }
0xca: {  	v10 =	vmul.f32 v10, v11;
	[tilespmem:s22+$0x7890] =	vst v12;
	v12 =	vld [tilespmem:s22+$0x7900]  }
0xcb: {  	v8 =	vmul.f32 v8, v11;
	[tilespmem:s22+$0x78A0] =	vst v13;
	v13 =	vld [tilespmem:s22+$0x7910]  }
0xcc: {  	v9 =	vmul.f32 v9, v11;
	[tilespmem:s22+$0x78B0] =	vst v10;
	v10 =	vld [tilespmem:s22+$0x7920]  }
0xcd: {  	[tilespmem:s22+$0x78C0] =	vst v8;
	v8 =	vmul.f32 v14, v11;
	v14 =	vbroadcast v1, $0x2;
	v16 =	vld [tilespmem:s22+$0x7930]  }
0xce: {  	[tilespmem:s22+$0x78D0] =	vst v9;
	v9 =	vmul.f32 v15, v11;
	v11 =	vld [tilespmem:s22+$0x7940]  }
0xcf: {  	[tilespmem:s22+$0x78E0] =	vst v8;
	v8 =	vmul.f32 v12, v14;
	v12 =	vld [tilespmem:s22+$0x7950]  }
0xd0: {  	[tilespmem:s22+$0x78F0] =	vst v9;
	v9 =	vmul.f32 v13, v14;
	v13 =	vld [tilespmem:s22+$0x7960]  }
0xd1: {  	[tilespmem:s22+$0x7900] =	vst v8;
	v8 =	vmul.f32 v10, v14;
	v10 =	vld [tilespmem:s22+$0x7970]  }
0xd2: {  	[tilespmem:s22+$0x7910] =	vst v9;
	v9 =	vmul.f32 v16, v14;
	v15 =	vld [tilespmem:s22+$0x7980]  }
0xd3: {  	[tilespmem:s22+$0x7920] =	vst v8;
	v8 =	vmul.f32 v11, v14;
	v11 =	vld [tilespmem:s22+$0x7990]  }
0xd4: {  	[tilespmem:s22+$0x7930] =	vst v9;
	v9 =	vmul.f32 v12, v14;
	v12 =	vld [tilespmem:s22+$0x79A0]  }
0xd5: {  	[tilespmem:s22+$0x7940] =	vst v8;
	v8 =	vmul.f32 v13, v14;
	v13 =	vbroadcast v1, $0x3;
	v16 =	vld [tilespmem:s22+$0x79B0]  }
0xd6: {  	[tilespmem:s22+$0x7950] =	vst v9;
	v9 =	vmul.f32 v10, v14;
	v10 =	vld [tilespmem:s22+$0x79C0]  }
0xd7: {  	[tilespmem:s22+$0x7960] =	vst v8;
	v8 =	vmul.f32 v15, v13;
	v14 =	vld [tilespmem:s22+$0x79D0]  }
0xd8: {  	[tilespmem:s22+$0x7970] =	vst v9;
	v9 =	vmul.f32 v11, v13;
	v11 =	vld [tilespmem:s22+$0x79E0]  }
0xd9: {  	[tilespmem:s22+$0x7980] =	vst v8;
	v8 =	vmul.f32 v12, v13;
	v12 =	vld [tilespmem:s22+$0x79F0]  }
0xda: {  	[tilespmem:s22+$0x7990] =	vst v9;
	v9 =	vmul.f32 v16, v13;
	v15 =	vld [tilespmem:s22+$0x7A00]  }
0xdb: {  	[tilespmem:s22+$0x79A0] =	vst v8;
	v8 =	vmul.f32 v10, v13;
	v10 =	vld [tilespmem:s22+$0x7A10]  }
0xdc: {  	[tilespmem:s22+$0x79B0] =	vst v9;
	v9 =	vmul.f32 v14, v13;
	v14 =	vld [tilespmem:s22+$0x7A20]  }
0xdd: {  	[tilespmem:s22+$0x79C0] =	vst v8;
	v8 =	vmul.f32 v11, v13;
	v11 =	vld [tilespmem:s22+$0x7A30]  }
0xde: {  	[tilespmem:s22+$0x79D0] =	vst v9;
	v9 =	vmul.f32 v12, v13;
	v12 =	vld [tilespmem:s22+$0x7A40]  }
0xdf: {  	[tilespmem:s22+$0x79E0] =	vst v8;
	v8 =	vmul.f32 v15, v7;
	v13 =	vld [tilespmem:s22+$0x7A50]  }
0xe0: {  	[tilespmem:s22+$0x79F0] =	vst v9;
	v9 =	vmul.f32 v10, v7;
	v10 =	vld [tilespmem:s22+$0x7A60]  }
0xe1: {  	[tilespmem:s22+$0x7A00] =	vst v8;
	v8 =	vmul.f32 v14, v7;
	v14 =	vld [tilespmem:s22+$0x7A70]  }
0xe2: {  	[tilespmem:s22+$0x7A10] =	vst v9;
	v9 =	vmul.f32 v11, v7;
	v11 =	vld [tilespmem:s22+$0x7A80]  }
0xe3: {  	[tilespmem:s22+$0x7A20] =	vst v8;
	v8 =	vmul.f32 v12, v7;
	v12 =	vld [tilespmem:s22+$0x7A90]  }
0xe4: {  	[tilespmem:s22+$0x7A30] =	vst v9;
	v9 =	vmul.f32 v13, v7;
	v13 =	vld [tilespmem:s22+$0x7AA0]  }
0xe5: {  	[tilespmem:s22+$0x7A40] =	vst v8;
	v8 =	vmul.f32 v10, v7;
	v10 =	vbroadcast v1, $0x5;
	v15 =	vld [tilespmem:s22+$0x7AB0]  }
0xe6: {  	[tilespmem:s22+$0x7A50] =	vst v9;
	v7 =	vmul.f32 v14, v7;
	v9 =	vld [tilespmem:s22+$0x7AC0]  }
0xe7: {  	[tilespmem:s22+$0x7A60] =	vst v8;
	v8 =	vmul.f32 v11, v10;
	v11 =	vld [tilespmem:s22+$0x7AD0]  }
0xe8: {  	[tilespmem:s22+$0x7A70] =	vst v7;
	v7 =	vmul.f32 v12, v10;
	v12 =	vld [tilespmem:s22+$0x7AE0]  }
0xe9: {  	[tilespmem:s22+$0x7A80] =	vst v8;
	v8 =	vmul.f32 v13, v10;
	v13 =	vld [tilespmem:s22+$0x7AF0]  }
0xea: {  	[tilespmem:s22+$0x7A90] =	vst v7;
	v7 =	vmul.f32 v15, v10;
	v14 =	vld [tilespmem:s22+$0x7B00]  }
0xeb: {  	[tilespmem:s22+$0x7AA0] =	vst v8;
	v8 =	vmul.f32 v9, v10;
	v9 =	vld [tilespmem:s22+$0x7B10]  }
0xec: {  	[tilespmem:s22+$0x7AB0] =	vst v7;
	v7 =	vmul.f32 v11, v10;
	v11 =	vld [tilespmem:s22+$0x7B20]  }
0xed: {  	[tilespmem:s22+$0x7AC0] =	vst v8;
	v8 =	vmul.f32 v12, v10;
	v12 =	vbroadcast v1, $0x6;
	v15 =	vld [tilespmem:s22+$0x7B30]  }
0xee: {  	[tilespmem:s22+$0x7AD0] =	vst v7;
	v7 =	vmul.f32 v13, v10;
	v10 =	vld [tilespmem:s22+$0x7B40]  }
0xef: {  	[tilespmem:s22+$0x7AE0] =	vst v8;
	v8 =	vmul.f32 v14, v12;
	v13 =	vld [tilespmem:s22+$0x7B50]  }
0xf0: {  	[tilespmem:s22+$0x7AF0] =	vst v7;
	v7 =	vmul.f32 v9, v12;
	v9 =	vld [tilespmem:s22+$0x7B60]  }
0xf1: {  	[tilespmem:s22+$0x7B00] =	vst v8;
	v8 =	vmul.f32 v11, v12;
	v11 =	vld [tilespmem:s22+$0x7B70]  }
0xf2: {  	[tilespmem:s22+$0x7B10] =	vst v7;
	v7 =	vmul.f32 v15, v12;
	v14 =	vld [tilespmem:s22+$0x7B80]  }
0xf3: {  	[tilespmem:s22+$0x7B20] =	vst v8;
	v8 =	vmul.f32 v10, v12;
	v10 =	vld [tilespmem:s22+$0x7B90]  }
0xf4: {  	[tilespmem:s22+$0x7B30] =	vst v7;
	v7 =	vmul.f32 v13, v12;
	v13 =	vld [tilespmem:s22+$0x7BA0]  }
0xf5: {  	[tilespmem:s22+$0x7B40] =	vst v8;
	v8 =	vmul.f32 v9, v12;
	v9 =	vbroadcast v1, $0x7;
	v15 =	vld [tilespmem:s22+$0x7BB0]  }
0xf6: {  	[tilespmem:s22+$0x7B50] =	vst v7;
	v7 =	vmul.f32 v11, v12;
	v11 =	vld [tilespmem:s22+$0x7BC0]  }
0xf7: {  	[tilespmem:s22+$0x7B60] =	vst v8;
	v8 =	vmul.f32 v14, v9;
	v12 =	vld [tilespmem:s22+$0x7BD0]  }
0xf8: {  	[tilespmem:s22+$0x7B70] =	vst v7;
	v7 =	vmul.f32 v10, v9;
	v10 =	vld [tilespmem:s22+$0x7BE0]  }
0xf9: {  	[tilespmem:s22+$0x7B80] =	vst v8;
	v8 =	vmul.f32 v13, v9;
	v13 =	vld [tilespmem:s22+$0x7BF0]  }
0xfa: {  	[tilespmem:s22+$0x7B90] =	vst v7;
	v7 =	vmul.f32 v15, v9;
	v14 =	vld [tilespmem:s22+$0x7C00]  }
0xfb: {  	[tilespmem:s22+$0x7BA0] =	vst v8;
	v8 =	vmul.f32 v11, v9;
	v11 =	vld [tilespmem:s22+$0x7C10]  }
0xfc: {  	[tilespmem:s22+$0x7BB0] =	vst v7;
	v7 =	vmul.f32 v12, v9;
	v12 =	vld [tilespmem:s22+$0x7C20]  }
0xfd: {  	[tilespmem:s22+$0x7BC0] =	vst v8;
	v8 =	vmul.f32 v10, v9;
	v10 =	vbroadcast v1, $0x8;
	v15 =	vld [tilespmem:s22+$0x7C30]  }
0xfe: {  	[tilespmem:s22+$0x7BD0] =	vst v7;
	v7 =	vmul.f32 v13, v9;
	v9 =	vld [tilespmem:s22+$0x7C40]  }
0xff: {  	[tilespmem:s22+$0x7BE0] =	vst v8;
	v8 =	vmul.f32 v14, v10;
	v13 =	vld [tilespmem:s22+$0x7C50]  }
0x100: {  	[tilespmem:s22+$0x7BF0] =	vst v7;
	v7 =	vmul.f32 v11, v10;
	v11 =	vld [tilespmem:s22+$0x7C60]  }
0x101: {  	[tilespmem:s22+$0x7C00] =	vst v8;
	v8 =	vmul.f32 v12, v10;
	v12 =	vld [tilespmem:s22+$0x7C70]  }
0x102: {  	[tilespmem:s22+$0x7C10] =	vst v7;
	v7 =	vmul.f32 v15, v10;
	v14 =	vld [tilespmem:s22+$0x7C80]  }
0x103: {  	[tilespmem:s22+$0x7C20] =	vst v8;
	v8 =	vmul.f32 v9, v10;
	v9 =	vld [tilespmem:s22+$0x7C90]  }
0x104: {  	[tilespmem:s22+$0x7C30] =	vst v7;
	v7 =	vmul.f32 v13, v10;
	v13 =	vld [tilespmem:s22+$0x7CA0]  }
0x105: {  	[tilespmem:s22+$0x7C40] =	vst v8;
	v8 =	vmul.f32 v11, v10;
	v11 =	vbroadcast v1, $0x9;
	v15 =	vld [tilespmem:s22+$0x7CB0]  }
0x106: {  	[tilespmem:s22+$0x7C50] =	vst v7;
	v7 =	vmul.f32 v12, v10;
	v10 =	vld [tilespmem:s22+$0x7CC0]  }
0x107: {  	[tilespmem:s22+$0x7C60] =	vst v8;
	v8 =	vmul.f32 v14, v11;
	v12 =	vld [tilespmem:s22+$0x7CD0]  }
0x108: {  	[tilespmem:s22+$0x7C70] =	vst v7;
	v7 =	vmul.f32 v9, v11;
	v9 =	vld [tilespmem:s22+$0x7CE0]  }
0x109: {  	[tilespmem:s22+$0x7C80] =	vst v8;
	v8 =	vmul.f32 v13, v11;
	v13 =	vld [tilespmem:s22+$0x7CF0]  }
0x10a: {  	[tilespmem:s22+$0x7C90] =	vst v7;
	v7 =	vmul.f32 v15, v11;
	v14 =	vld [tilespmem:s22+$0x7D00]  }
0x10b: {  	[tilespmem:s22+$0x7CA0] =	vst v8;
	v8 =	vmul.f32 v10, v11;
	v10 =	vld [tilespmem:s22+$0x7D10]  }
0x10c: {  	[tilespmem:s22+$0x7CB0] =	vst v7;
	v7 =	vmul.f32 v12, v11;
	v12 =	vld [tilespmem:s22+$0x7D20]  }
0x10d: {  	[tilespmem:s22+$0x7CC0] =	vst v8;
	v8 =	vmul.f32 v9, v11;
	v9 =	vld [tilespmem:s22+$0x7D30]  }
0x10e: {  	[tilespmem:s22+$0x7CD0] =	vst v7;
	v7 =	vmul.f32 v13, v11;
	v11 =	vld [tilespmem:s22+$0x7D40]  }
0x10f: {  	[tilespmem:s22+$0x7CE0] =	vst v8;
	v8 =	vmul.f32 v14, v4;
	v13 =	vld [tilespmem:s22+$0x7D50]  }
0x110: {  	[tilespmem:s22+$0x7CF0] =	vst v7;
	v7 =	vmul.f32 v10, v4;
	v10 =	vld [tilespmem:s22+$0x7D60]  }
0x111: {  	v14 =	vld [tilespmem:s22+$0x7800];
	[tilespmem:s22+$0x7D00] =	vst v8;
	v8 =	vmul.f32 v12, v4  }
0x112: {  	v12 =	vld [tilespmem:s22+$0x7810];
	[tilespmem:s22+$0x7D10] =	vst v7;
	v7 =	vmul.f32 v9, v4  }
0x113: {  	v9 =	vld [tilespmem:s22+$0x7840];
	[tilespmem:s22+$0x7D20] =	vst v8;
	v8 =	vmul.f32 v11, v4  }
0x114: {  	v11 =	vld [tilespmem:s22+$0x7850];
	[tilespmem:s22+$0x7D30] =	vst v7;
	v7 =	vmul.f32 v13, v4  }
0x115: {  	[tilespmem:s22+$0x7D40] =	vst v8;
	v8 =	vmul.f32 v10, v4;
	v10 =	vbroadcast v1, $0xB;
	v13 =	vld [tilespmem:s22+$0x7DA0]  }
0x116: {  	v4 =	vbroadcast v1, $0xF;
	v14 =	vmul.f32 v2, v14;
	[tilespmem:s22+$0x7D50] =	vst v7;
	v7 =	vld [tilespmem:s22+$0x7DB0]  }
0x117: {  	v12 =	vmul.f32 v12, v2;
	[tilespmem:s22+$0x7D60] =	vst v8;
	v5 =	vmul.f32 v5, v10;
	v8 =	vld [tilespmem:s22+$0x7DC0]  }
0x118: {  	v6 =	vmul.f32 v6, v10;
	[tilespmem:s22+$0x7800] =	vst v14;
	v9 =	vmul.f32 v9, v2;
	v14 =	vld [tilespmem:s22+$0x7DD0]  }
0x119: {  	v3 =	vmul.f32 v3, v4;
	v11 =	vmul.f32 v11, v2;
	[tilespmem:s22+$0x7D80] =	vst v5;
	v2 =	vld [tilespmem:s22+$0x7DE0]  }
0x11a: {  	[tilespmem:s22+$0x7D90] =	vst v6;
	v5 =	vmul.f32 v13, v10;
	v6 =	vld [tilespmem:s22+$0x7DF0]  }
0x11b: {  	v7 =	vmul.f32 v7, v10;
	v13 =	vld [tilespmem:s22+$0x7E00];
	[tilespmem:s22+$0x7FD0] =	vst v3  }
0x11c: {  	[tilespmem:s22+$0x7810] =	vst v12;
	v3 =	vmul.f32 v8, v10;
	v8 =	vld [tilespmem:s22+$0x7E10]  }
0x11d: {  	[tilespmem:s22+$0x7840] =	vst v9;
	v9 =	vmul.f32 v14, v10;
	v12 =	vld [tilespmem:s22+$0x7E20]  }
0x11e: {  	v14 =	vbroadcast v1, $0xC;
	[tilespmem:s22+$0x7DA0] =	vst v5;
	v5 =	vmul.f32 v2, v10;
	v15 =	vld [tilespmem:s22+$0x7E30]  }
0x11f: {  	[tilespmem:s22+$0x7DD0] =	vst v9;
	v6 =	vmul.f32 v6, v10;
	v9 =	vld [tilespmem:s22+$0x7E40]  }
0x120: {  	[tilespmem:s22+$0x7DB0] =	vst v7;
	v2 =	vmul.f32 v13, v14;
	v7 =	vld [tilespmem:s22+$0x7E50]  }
0x121: {  	[tilespmem:s22+$0x7DC0] =	vst v3;
	v3 =	vmul.f32 v8, v14;
	v8 =	vld [tilespmem:s22+$0x7E60]  }
0x122: {  	[tilespmem:s22+$0x7E00] =	vst v2;
	v2 =	vmul.f32 v12, v14;
	v10 =	vld [tilespmem:s22+$0x7E70]  }
0x123: {  	[tilespmem:s22+$0x7E10] =	vst v3;
	v3 =	vld [tilespmem:s22+$0x7E80]  }
0x124: {  	[tilespmem:s22+$0x7850] =	vst v11;
	v9 =	vmul.f32 v9, v14;
	v11 =	vld [tilespmem:s22+$0x7E90]  }
0x125: {  	[tilespmem:s22+$0x7DE0] =	vst v5;
	v5 =	vmul.f32 v7, v14;
	v7 =	vld [tilespmem:s22+$0x7EA0]  }
0x126: {  	[tilespmem:s22+$0x7E40] =	vst v9;
	v8 =	vmul.f32 v8, v14;
	v9 =	vbroadcast v1, $0xD;
	v12 =	vld [tilespmem:s22+$0x7EB0]  }
0x127: {  	[tilespmem:s22+$0x7E50] =	vst v5;
	v5 =	vmul.f32 v10, v14;
	v10 =	vld [tilespmem:s22+$0x7EC0]  }
0x128: {  	[tilespmem:s22+$0x7E60] =	vst v8;
	v3 =	vmul.f32 v3, v9;
	v8 =	vld [tilespmem:s22+$0x7ED0]  }
0x129: {  	[tilespmem:s22+$0x7E70] =	vst v5;
	v5 =	vmul.f32 v11, v9;
	v11 =	vld [tilespmem:s22+$0x7EE0]  }
0x12a: {  	[tilespmem:s22+$0x7E80] =	vst v3;
	v3 =	vmul.f32 v7, v9;
	v7 =	vld [tilespmem:s22+$0x7EF0]  }
0x12b: {  	[tilespmem:s22+$0x7E90] =	vst v5;
	v5 =	vmul.f32 v12, v9;
	v12 =	vld [tilespmem:s22+$0x7F00]  }
0x12c: {  	[tilespmem:s22+$0x7EA0] =	vst v3;
	v3 =	vmul.f32 v10, v9;
	v10 =	vld [tilespmem:s22+$0x7F10]  }
0x12d: {  	[tilespmem:s22+$0x7EB0] =	vst v5;
	v5 =	vmul.f32 v8, v9;
	v8 =	vld [tilespmem:s22+$0x7F20]  }
0x12e: {  	v1 =	vbroadcast v1, $0xE;
	[tilespmem:s22+$0x7DF0] =	vst v6;
	v6 =	vmul.f32 v11, v9;
	v11 =	vld [tilespmem:s22+$0x7F30]  }
0x12f: {  	[tilespmem:s22+$0x7ED0] =	vst v5;
	v5 =	vmul.f32 v7, v9;
	v7 =	vld [tilespmem:s22+$0x7F40]  }
0x130: {  	[tilespmem:s22+$0x7EE0] =	vst v6;
	v6 =	vmul.f32 v12, v1;
	v9 =	vld [tilespmem:s22+$0x7F50]  }
0x131: {  	[tilespmem:s22+$0x7EF0] =	vst v5;
	v5 =	vmul.f32 v10, v1;
	v10 =	vld [tilespmem:s22+$0x7F60]  }
0x132: {  	[tilespmem:s22+$0x7F00] =	vst v6;
	v6 =	vmul.f32 v8, v1;
	v8 =	vld [tilespmem:s22+$0x7F70]  }
0x133: {  	[tilespmem:s22+$0x7F10] =	vst v5;
	v5 =	vmul.f32 v11, v1;
	v11 =	vld [tilespmem:s22+$0x7F80]  }
0x134: {  	[tilespmem:s22+$0x7F20] =	vst v6;
	v6 =	vmul.f32 v7, v1;
	v7 =	vld [tilespmem:s22+$0x7F90]  }
0x135: {  	[tilespmem:s22+$0x7F30] =	vst v5;
	v5 =	vmul.f32 v9, v1;
	v9 =	vld [tilespmem:s22+$0x7FA0]  }
0x136: {  	[tilespmem:s22+$0x7F40] =	vst v6;
	v6 =	vmul.f32 v10, v1;
	v10 =	vld [tilespmem:s22+$0x7FB0]  }
0x137: {  	[tilespmem:s22+$0x7EC0] =	vst v3;
	v1 =	vmul.f32 v8, v1;
	v3 =	vld [tilespmem:s22+$0x7FC0]  }
0x138: {  	[tilespmem:s22+$0x7F60] =	vst v6;
	v6 =	vmul.f32 v11, v4;
	v8 =	vld [tilespmem:s22+$0x7FE0]  }
0x139: {  	[tilespmem:s22+$0x7F70] =	vst v1;
	v1 =	vmul.f32 v7, v4;
	v7 =	vld [tilespmem:s22+$0x7FF0]  }
0x13a: {  	[tilespmem:s22+$0x7F80] =	vst v6;
	v6 =	vmul.f32 v9, v4  }
0x13b: {  	[tilespmem:s22+$0x7F90] =	vst v1;
	v1 =	vmul.f32 v10, v4  }
0x13c: {  	v9 =	vmul.f32 v15, v14;
	[tilespmem:s22+$0x7FA0] =	vst v6  }
0x13d: {  	[tilespmem:s22+$0x7FB0] =	vst v1;
	v1 =	vmul.f32 v3, v4  }
.Ltmp0:
0x13e: {  	[tilespmem:s22+$0x7E30] =	vst v9;
	v3 =	vmul.f32 v7, v4;
	(pc) =	sbr.rel @p0 .LBB2_3-.Ltmp0, $4  }
0x13f: {  	[tilespmem:s22+$0x7FC0] =	vst v1  }
0x140: {  	v1 =	vmul.f32 v8, v4;
	[tilespmem:s22+$0x7FF0] =	vst v3  }
0x141: {  	[tilespmem:s22+$0x7F50] =	vst v5  }
0x142: {  	[tilespmem:s22+$0x7FE0] =	vst v1  }
0x143: {  	s20 =	sadd.s32 $0x1, s20  }
0x144: {  	p0 =	sne.s32 s20, $0x4F  }
.Ltmp1:
0x145: {  	[tilespmem:s22+$0x7E20] =	vst v2;
	s21 =	sadd.s32 $0x2800, s21;
	(pc) =	sbr.rel @p0 .LBB2_2-.Ltmp1, $4  }
0x146: {  	[spmem:s2] =	stream.indirect.scatter.add.f32 [tilespmem:s17], [sflag:$0x2], $0x80, s21, s16, $0xb8;
	[tilespmem:$0x1F800] =	vst v63  }
0x147: {  	_ =	swait.ge [sflag:s13], $0x4000  }
0x148: {  	[sflag:s13] =	ssyncset.done $0x0  }
0x149: {  	[sflag:s13] =	ssyncadd.s32 $0xFFFFC000  }
0x14a: {  	s19 =	sadd.s32 $0x1, s19  }
0x14b: {  	p0 =	sne.s32 s19, s11  }
.Ltmp2:
0x14c: {  	[bflag:$0x0] =	sbarrier.arrive $0xFFFF;
	(pc) =	sbr.rel @p0 .LBB2_1-.Ltmp2, $4  }
0x14d: {  	[hbm:s10], [sflag:s6] =	dma.local [spmem:s12], $0x2800  }
0x14e: {  	_ =	swait.ge [sflag:s13], $0x2800  }
0x14f: {  	[sflag:s13] =	ssyncset.done $0x0  }
0x150: {  	[sflag:s13] =	ssyncadd.s32 $0xFFFFD800  }
0x151: {  	_ =	sfence.sel $0x180000  }
0x152: {  	[bflag:$0x0] =	sbarrier.arrive $0xFFFF  }
0x153: {  	p0 =	sne.s32 s1, $0x0;
	_ =	strace $0x9000004A  }
0x154: {  	s0 =	sadd.s32 @!p0 $0x100000, s0;
	[bflag:$0x2] =	sbarrier.arrive $0xFFFF  }
0x155: {  	[sflag:s0] =	ssyncadd.tile.s32 @!p0 $0x1;
	_ =	shalt  }
.Lfunc_end2:
_tile_overlayer_lowered:
.L_overlay_start_2:
0x156: {  	(tag) =	ssettag $0x2  }
0x157: {  	s0 =	rddreg [dreg:$0x0];
	s2 =	stileid.u32  }
0x158: {  	s1 =	rddreg [dreg:$0x1];
	p0 =	sne.s32 s2, $0x0  }
0x159: {  	s3 =	rddreg [dreg:$0x2];
	[bflag:$0x3] =	sbarrier.arrive $0xFFFF;
	s2 =	simm.s32 @!p0 $0x1C02  }
0x15a: {  	[timem:s3], [sflag:s2] =	dma.local @!p0 [hbm:s0], s1  }
0x15b: {  	s0 =	simm.s32 @!p0 $0x2  }
0x15c: {  	_ =	swait.ge @!p0 [sflag:s0], s1  }
0x15d: {  	s1 =	ssub.s32 @!p0 $0x0, s1;
	[sflag:s0] =	ssyncset.done @!p0 $0x0  }
0x15e: {  	[sflag:s0] =	ssyncadd.s32 @!p0 s1  }
0x15f: {  	[bflag:$0x3] =	sbarrier.arrive $0xFFFF  }
0x160: {  	_ =	shalt  }

// kernel: kernel.7.cloned.1.call-start
scs
__scs_entry_jumppad:
0x0: {  	(pc) =	sbr.rel $0x88, $3  }
0x1: {  	(tag) =	ssettag $0x0;
	lr =	simm.s32 $0x1  }
0x2: {  	[smem:$0x3F9B] =	sst lr;
	_ =	strace $0xD0000000  }
0x3: {  	_ = 	snop  }
0x4: {  	_ = 	snop  }
0x5: {  	_ = 	snop  }
0x6: {  	_ = 	snop  }
0x7: {  	_ = 	snop  }
__scs_overlays_trampoline_lowered:
0x8: {  	[smem:$0x3FAA] =	sst s0  }
0x9: {  	[smem:$0x3FAB] =	sst s1  }
0xa: {  	[smem:$0x3FAC] =	sst s2  }
0xb: {  	[smem:$0x3FAD] =	sst s3  }
0xc: {  	[smem:$0x3FAE] =	sst s4  }
0xd: {  	[smem:$0x3FAF] =	sst s5  }
0xe: {  	[smem:$0x3FB0] =	sst s6  }
0xf: {  	[smem:$0x3FB1] =	sst s7  }
0x10: {  	[smem:$0x3FB2] =	sst s8  }
0x11: {  	[smem:$0x3FB3] =	sst s9;
	s0 =	simm.s32 @!p0 $0x0  }
0x12: {  	s1 =	sld [smem:$0x3F99];
	s0 =	simm.s32 @p0 $0x1  }
0x13: {  	[smem:$0x3FB4] =	sst s0;
	s0 =	simm.s32 @!p1 $0x0  }
0x14: {  	s2 =	sld [smem:$0x3F98];
	s0 =	simm.s32 @p1 $0x1  }
0x15: {  	[smem:$0x3FB5] =	sst s0;
	s0 =	simm.s32 @!p2 $0x0  }
0x16: {  	s3 =	sld [smem:$0x3FDB];
	s0 =	simm.s32 @p2 $0x1  }
0x17: {  	s4 =	simm.s32 $0x1BF5;
	[smem:$0x3FB7] =	sst s0  }
0x18: {  	s0 =	sld [smem:$0x3F9A];
	_ =	swait.ge [sflag:s4], $0x0  }
0x19: {  	s7 =	sld [smem:$0x3F9B]  }
0x1a: {  	s8 =	sadd.s32 $0xFFFFE003, lr  }
0x1b: {  	s9 =	sadd.s32 $0xFFFFFEF7, lr;
	s5 =	simm.s32 $0xFFFFFFFF;
	p2 =	slt.u32 s8, $0xFFFFF086  }
0x1c: {  	p1 =	slt.u32 s9, $0xF7A;
	s5 =	simm.s32 @!p2 $0x0  }
0x1d: {  	s5 =	simm.s32 @p1 $0x1;
	p0 =	seq.s32 s7, s2  }
0x1e: {  	s7 =	smul.u32 @!p0 $0xF7A, s2;
	p2 =	seq.s32 @!p0 s5, $0x0  }
0x1f: {  	s9 =	smul.u32 $0xF7A, s1;
	s8 =	simm.s32 @!p0 $0x1BF5;
	p2 =	por !p2, p0  }
0x20: {  	[sflag:s8] =	ssyncset.s32 @!p0 $0xFFFFF086;
	s6 =	sadd.s32 @!p0 s3, s7;
	s7 =	simm.s32 @!p0 $0x108  }
0x21: {  	s3 =	sadd.s32 s3, s9;
	s6 =	sadd.s32 @!p0 $0x88, s6;
	s7 =	simm.s32 @p2 $0x1082  }
0x22: {  	[simem:s7], [sflag:s8] =	dma.local @!p0 [hbm:s6], $0xF7A  }
0x23: {  	s9 =	sor.u32 $0xD0000000, s2;
	s6 =	simm.s32 $0x108;
	_ =	swait.ge @!p0 [sflag:s8], $0x0  }
0x24: {  	s3 =	sadd.s32 $0x88, s3;
	s6 =	simm.s32 @!p1 $0x1082;
	[sflag:s4] =	ssyncset.s32 $0xFFFFF086  }
0x25: {  	[simem:s6], [sflag:s4] =	dma.local [hbm:s3], $0xF7A  }
0x26: {  	[smem:$0x3F9B] =	sst s1;
	(tag) =	ssettag s2;
	_ =	strace s9  }
0x27: {  	s1 =	sld [smem:$0x3FAB]  }
0x28: {  	s2 =	sld [smem:$0x3FAC]  }
0x29: {  	s4 =	sld [smem:$0x3FAE]  }
0x2a: {  	p0 =	seq.s32 s5, $0x0;
	s5 =	sld [smem:$0x3FAF]  }
0x2b: {  	s6 =	sld [smem:$0x3FB0]  }
0x2c: {  	s7 =	sld [smem:$0x3FB1]  }
0x2d: {  	s3 =	simm.s32 $0x108;
	s8 =	sld [smem:$0x3FB2]  }
0x2e: {  	s3 =	simm.s32 @!p0 $0x1082;
	s9 =	sld [smem:$0x3FB3]  }
0x2f: {  	lr =	sadd.s32 s0, s3;
	s0 =	sld [smem:$0x3FAA]  }
0x30: {  	s3 =	sld [smem:$0x3FAD]  }
0x31: {  	[smem:$0x3FB6] =	sst s10  }
0x32: {  	s10 =	sld [smem:$0x3FB4];
	_ =	sdelay $0x3  }
0x33: {  	p0 =	seq.s32 s10, $0x1;
	s10 =	sld [smem:$0x3FB6];
	_ =	sdelay $0x3  }
0x34: {  	[smem:$0x3FB6] =	sst s10  }
0x35: {  	s10 =	sld [smem:$0x3FB5];
	_ =	sdelay $0x3  }
0x36: {  	p1 =	seq.s32 s10, $0x1;
	s10 =	sld [smem:$0x3FB6];
	_ =	sdelay $0x3  }
0x37: {  	[smem:$0x3FB6] =	sst s10  }
0x38: {  	s10 =	sld [smem:$0x3FB7]  }
0x39: {  	_ = 	snop;
	(pc) =	sbr.ind lr, $3  }
0x3a: {  	_ = 	snop  }
0x3b: {  	_ = 	snop  }
0x3c: {  	p2 =	seq.s32 s10, $0x1;
	s10 =	sld [smem:$0x3FB6]  }
0x3d: {  	_ =	shalt  }
0x3e: {  	_ =	shalt  }
0x3f: {  	_ =	shalt  }
0x40: {  	_ =	shalt  }
0x41: {  	_ =	shalt  }
0x42: {  	_ =	shalt  }
0x43: {  	_ =	shalt  }
0x44: {  	_ =	shalt  }
0x45: {  	_ =	shalt  }
0x46: {  	_ =	shalt  }
0x47: {  	_ =	shalt  }
0x48: {  	_ =	shalt  }
0x49: {  	_ =	shalt  }
0x4a: {  	_ =	shalt  }
0x4b: {  	_ =	shalt  }
0x4c: {  	_ =	shalt  }
0x4d: {  	_ =	shalt  }
0x4e: {  	_ =	shalt  }
0x4f: {  	_ =	shalt  }
0x50: {  	_ =	shalt  }
0x51: {  	_ =	shalt  }
0x52: {  	_ =	shalt  }
0x53: {  	_ =	shalt  }
0x54: {  	_ =	shalt  }
0x55: {  	_ =	shalt  }
0x56: {  	_ =	shalt  }
0x57: {  	_ =	shalt  }
0x58: {  	_ =	shalt  }
0x59: {  	_ =	shalt  }
0x5a: {  	_ =	shalt  }
0x5b: {  	_ =	shalt  }
0x5c: {  	_ =	shalt  }
0x5d: {  	_ =	shalt  }
0x5e: {  	_ =	shalt  }
0x5f: {  	_ =	shalt  }
0x60: {  	_ =	shalt  }
0x61: {  	_ =	shalt  }
0x62: {  	_ =	shalt  }
0x63: {  	_ =	shalt  }
0x64: {  	_ =	shalt  }
0x65: {  	_ =	shalt  }
0x66: {  	_ =	shalt  }
0x67: {  	_ =	shalt  }
0x68: {  	_ =	shalt  }
0x69: {  	_ =	shalt  }
0x6a: {  	_ =	shalt  }
0x6b: {  	_ =	shalt  }
0x6c: {  	_ =	shalt  }
0x6d: {  	_ =	shalt  }
0x6e: {  	_ =	shalt  }
0x6f: {  	_ =	shalt  }
0x70: {  	_ =	shalt  }
0x71: {  	_ =	shalt  }
0x72: {  	_ =	shalt  }
0x73: {  	_ =	shalt  }
0x74: {  	_ =	shalt  }
0x75: {  	_ =	shalt  }
0x76: {  	_ =	shalt  }
0x77: {  	_ =	shalt  }
0x78: {  	_ =	shalt  }
0x79: {  	_ =	shalt  }
0x7a: {  	_ =	shalt  }
0x7b: {  	_ =	shalt  }
0x7c: {  	_ =	shalt  }
0x7d: {  	_ =	shalt  }
0x7e: {  	_ =	shalt  }
0x7f: {  	_ =	shalt  }
0x80: {  	_ =	shalt  }
0x81: {  	_ =	shalt  }
0x82: {  	_ =	shalt  }
0x83: {  	_ =	shalt  }
0x84: {  	_ =	shalt  }
0x85: {  	_ =	shalt  }
0x86: {  	_ =	shalt  }
0x87: {  	_ =	shalt  }
.Lfunc_end0:
.L_simem_size_0:
called_computation_lowered:
.L_overlay_start_0:
0x88: {  	s2 =	sld [smem:$0x3FD9]  }
0x89: {  	s3 =	sld [smem:$0x3FFE];
	_ =	sdelay $0x1  }
0x8a: {  	s1 =	srdreg.scid  }
0x8b: {  	s0 =	sand.u32 $0x1, s1  }
0x8c: {  	s14 =	sshll.u32 s0, $0xA;
	s2 =	sadd.s32 s3, s2  }
0x8d: {  	s2 =	sadd.s32 s2, s14  }
0x8e: {  	[smem:$0x3FC2] =	sst s2  }
0x8f: {  	_ = 	snop  }
0x90: {  	s2 =	sld [smem:$0x3FD0];
	_ =	sdelay $0x2  }
0x91: {  	s15 =	simm.s32 $0xA;
	s4 =	simm.s32 $0x10  }
0x92: {  	[smem:s4], [sflag:s15] =	dma.local [hbm:s2], $0x1  }
0x93: {  	_ =	swait.eq [sflag:s15], $0x1  }
0x94: {  	s16 =	sld [smem:$0x10];
	[sflag:s15] =	ssyncset.done $0x0  }
0x95: {  	s17 =	sld [smem:$0x11];
	[sflag:s15] =	ssyncadd.s32 $0xFFFFFFFF  }
0x96: {  	s18 =	sld [smem:$0x12];
	(tm) =	ssettm $0x1  }
0x97: {  	s5 =	sld [smem:$0x3FFB];
	_ =	sdelay $0x3  }
0x98: {  	_ =	strace s5  }
0x99: {  	s5 =	sld [smem:$0x3FFC];
	_ =	sdelay $0x3  }
0x9a: {  	_ =	strace s5  }
0x9b: {  	s5 =	sld [smem:$0x3FFD];
	_ =	sdelay $0x3  }
0x9c: {  	_ =	strace s5  }
0x9d: {  	_ =	strace $0x8FFFFFFF  }
0x9e: {  	s19 =	sld [smem:$0x3FDB];
	_ =	sdelay $0x1  }
0x9f: {  	s6 =	simm.s32 $_scs_section_size  }
0xa0: {  	s7 =	simm.s32 $_size__tile_overlayer_lowered;
	s8 =	simm.s32 $_tile_overlayer_lowered  }
0xa1: {  	s22 =	simm.s32 $0x1BFF;
	s21 =	sshll.u32 s8, $0x1;
	s5 =	sadd.s32 s6, s19  }
0xa2: {  	s9 =	simm.s32 $0x0;
	s20 =	sshll.u32 s7, $0x1;
	s7 =	sadd.s32 s21, s5  }
0xa3: {  	[timem:s9], [sflag:s22] =	dma.local [hbm:s7], s20  }
0xa4: {  	_ =	swait.ge [sflag:s22], s20  }
0xa5: {  	s6 =	ssub.s32 $0x0, s20;
	[sflag:s22] =	ssyncset.done $0x0  }
0xa6: {  	[sflag:s22] =	ssyncadd.s32 s6;
	_ =	sdelay $0x1  }
0xa7: {  	s23 =	simm.s32 $0x1B8B  }
0xa8: {  	_ =	swait.ge [sflag:s23], $0x1  }
0xa9: {  	[sflag:s23] =	ssyncset.done $0x0  }
0xaa: {  	s25 =	simm.s32 $0x1B8E;
	s24 =	sld [smem:$0x3FFE];
	[sflag:s23] =	ssyncadd.s32 $0xFFFFFFFF  }
0xab: {  	s26 =	simm.s32 $execute0_lowered;
	[smem:$0x3FD2] =	sst s25  }
0xac: {  	s7 =	sshll.u32 s26, $0x1;
	_ =	strace $0x80000046;
	[dreg:$0x1] =	wrdreg $0xFFFFFFFF  }
0xad: {  	s28 =	simm.s32 $_size_execute0_lowered;
	s5 =	sadd.s32 s5, s7;
	[dreg:$0x0] =	wrdreg $0x0  }
0xae: {  	s7 =	sshll.u32 s28, $0x1;
	[dreg:$0x2] =	wrdreg s5  }
0xaf: {  	[dreg:$0x3] =	wrdreg s7  }
0xb0: {  	[dreg:$0x4] =	wrdreg $0xC0  }
0xb1: {  	_ =	task [dreg:s9], $0x5FFFF  }
0xb2: {  	[dreg:$0x1] =	wrdreg $0xFFFFFFFF  }
0xb3: {  	[dreg:$0x0] =	wrdreg $0x60  }
0xb4: {  	[dreg:$0x2] =	wrdreg s24  }
0xb5: {  	[dreg:$0x3] =	wrdreg s18  }
0xb6: {  	[dreg:$0x4] =	wrdreg s17  }
0xb7: {  	[dreg:$0x5] =	wrdreg s16  }
0xb8: {  	[dreg:$0x6] =	wrdreg $0xB8000  }
0xb9: {  	[dreg:$0x7] =	wrdreg $0x9  }
0xba: {  	_ =	task.clear_ibuf [dreg:s9], $0x8FFFF;
	_ =	strace $0x90000046  }
0xbb: {  	s29 =	simm.s32 $0x9;
	_ =	strace $0x80000048  }
0xbc: {  	_ =	swait.ge [sflag:s29], $0x1  }
0xbd: {  	[sflag:s29] =	ssyncadd.s32 $0xFFFFFFFF  }
0xbe: {  	_ =	strace $0x90000048  }
0xbf: {  	_ =	sfence  }
0xc0: {  	s30 =	sld [smem:$0x0];
	_ =	sdelay $0x2  }
0xc1: {  	s31 =	sshll.u32 s1, $0xD;
	s1 =	sshrl.u32 s1, $0x2  }
0xc2: {  	s3 =	sand.u32 $0x4000, s31;
	s1 =	sadd.s32 s1, s30  }
0xc3: {  	s0 =	sor.u32 s3, s0;
	s1 =	sshll.u32 s1, $0x11  }
0xc4: {  	s0 =	sor.u32 s1, s0  }
0xc5: {  	s0 =	sadd.s32 $0x8F2B, s0  }
0xc6: {  	[sflag:s0] =	ssyncadd.remote.s32 $0x1  }
0xc7: {  	_ =	sfence.sel $0xFFFF  }
0xc8: {  	[dreg:$0x0] =	wrdreg $0xFFFFFFFF;
	(pc) =	sbr.abs _section_cstart, $3  }
0xc9: {  	[dreg:$0x1] =	wrdreg $0xFFFFFFFF  }
0xca: {  	_ =	task.clear_ibuf [dreg:s9], $0x2FFFF;
	_ =	strace $0x9FFFFFFF  }
0xcb: {  	(tm) =	ssettm $0x7FFFFFFF  }
tec
execute0_lowered:
.L_overlay_start_1:
0x0: {  	(tag) =	ssettag $0x1  }
0x1: {  	s5 =	rddreg [dreg:$0x0]  }
0x2: {  	s7 =	rddreg [dreg:$0x1]  }
0x3: {  	s8 =	rddreg [dreg:$0x2]  }
0x4: {  	s9 =	rddreg [dreg:$0x3]  }
0x5: {  	s2 =	rddreg [dreg:$0x4]  }
0x6: {  	s0 =	rddreg [dreg:$0x5]  }
0x7: {  	s1 =	stileid.u32;
	s4 =	srdreg.scid;
	s3 =	simm.s32 $0x0  }
0x8: {  	s17 =	simm.s32 $0x7800;
	s18 =	simm.s32 $0x1;
	s19 =	simm.s32 $0x0  }
0x9: {  	s6 =	smul.u32 $0x14000, s1;
	s10 =	sand.u32 $0x1, s4;
	[smem:$0x7FF] =	sst s3  }
0xa: {  	s4 =	sadd.s32 $0x1C00, s5;
	s28 =	smul.u32 $0x50000, s1;
	s31 =	sshll.u32 s1, $0x6  }
0xb: {  	s11 =	smul.u32 $0x140000, s10;
	_ =	strace $0x80000047;
	s13 =	sshll.u32 s10, $0x4  }
0xc: {  	s29 =	ssub.s32 $0x2, s10;
	s12 =	sshrl.u32 s6, $0x3;
	s30 =	sor.u32 s1, s13  }
0xd: {  	s10 =	sshrl.u32 s29, $0x1;
	s12 =	sadd.s32 s12, s5;
	s6 =	sadd.s32 s6, s11  }
0xe: {  	s11 =	sshrl.u32 s28, $0x2;
	s13 =	smul.u32 $0x500, s30;
	s15 =	ssub.s32 s29, s10  }
0xf: {  	s6 =	sshrl.u32 s6, $0x3;
	s16 =	sadd.s32 s11, s2;
	s11 =	smax.u32 s15, $0x1  }
0x10: {  	s15 =	simm.s32 $0x5000;
	s14 =	sadd.s32 s6, s5;
	s5 =	sadd.s32 $0x29C00, s12  }
0x11: {  	s6 =	sor.u32 $0x1C02, s31;
	s7 =	sadd.s32 s7, s13;
	s8 =	sadd.s32 s8, s13  }
0x12: {  	s9 =	sadd.s32 s9, s13;
	s12 =	sshrl.u32 s16, $0x3;
	s13 =	simm.s32 $0x2  }
0x13: {  	s16 =	simm.s32 $0x80;
	s10 =	sadd.s32 $0x51C00, s14;
	s14 =	simm.s32 $0x2800  }
.LBB2_1:
0x14: {  	[spmem:s12], [sflag:s6] =	dma.local [hbm:s5], $0x2800  }
0x15: {  	_ =	swait.ge [sflag:s13], $0x2800  }
0x16: {  	[sflag:s13] =	ssyncset.done $0x0  }
0x17: {  	[sflag:s13] =	ssyncadd.s32 $0xFFFFD800  }
0x18: {  	[tilespmem:s3], [sflag:$0x2] =	stream.linear.gather [hbm4b:s7+s3], $0x2780, $0x38;
	[tilespmem:$0x1F800] =	vst v63  }
0x19: {  	_ =	swait.ge [sflag:s13], $0x2780  }
0x1a: {  	[sflag:s13] =	ssyncset.done $0x0  }
0x1b: {  	[sflag:s13] =	ssyncadd.s32 $0xFFFFD880  }
0x1c: {  	[tilespmem:s14], [sflag:$0x2] =	stream.linear.gather [hbm4b:s8+s3], $0x2780, $0x38;
	[tilespmem:$0x1F800] =	vst v63  }
0x1d: {  	_ =	swait.ge [sflag:s13], $0x2780  }
0x1e: {  	[sflag:s13] =	ssyncset.done $0x0  }
0x1f: {  	[sflag:s13] =	ssyncadd.s32 $0xFFFFD880  }
0x20: {  	[tilespmem:s15], [sflag:$0x2] =	stream.linear.gather [hbm4b:s9+s3], $0x2780, $0x38;
	[tilespmem:$0x1F800] =	vst v63  }
0x21: {  	_ =	swait.ge [sflag:s13], $0x2780  }
0x22: {  	[sflag:s13] =	ssyncset.done $0x0  }
0x23: {  	[sflag:s13] =	ssyncadd.s32 $0xFFFFD880  }
0x24: {  	s20 =	simm.s32 $0x0;
	[bflag:$0x0] =	sbarrier.arrive $0xFFFF  }
.LBB2_2:
0x25: {  	s21 =	sshll.u32 s20, $0x7  }
0x26: {  	s22 =	sadd.s32 $0x5000, s21  }
0x27: {  	v0 =	vmov s22  }
0x28: {  	[tilespmem:s17], [sflag:$0x1] =	stream.indirect.gather [hbm4b:s4+s16], $0x80, s21, s16, $0xb8;
	[tilespmem:$0x1F800] =	vst v63  }
0x29: {  	_ =	swait.ge [sflag:s18], $0x4000  }
0x2a: {  	s31 =	simm.s32 $0x0;
	[sflag:s18] =	ssyncset.done $0x0  }
0x2b: {  	s22 =	sand.u32 $0x3FFFFFF0, s31;
	[sflag:s18] =	ssyncadd.s32 $0xFFFFC000  }
0x2c: {  	s23 =	simm.s32 $0x0;
	v1 =	vld.idx.msk [tilespmem:v0+s22+$0x0 ss:$0x1], $0xffff  }
0x2d: {  	s22 =	sand.u32 $0x3FFFF800, s23  }
0x2e: {  	v3 =	vld [tilespmem:s22+$0x7820]  }
0x2f: {  	v4 =	vld [tilespmem:s22+$0x7830]  }
0x30: {  	v10 =	vld [tilespmem:s22+$0x7860]  }
0x31: {  	v11 =	vld [tilespmem:s22+$0x7870];
	v2 =	vbroadcast v1, $0x0  }
0x32: {  	v12 =	vld [tilespmem:s22+$0x7880]  }
0x33: {  	v13 =	vld [tilespmem:s22+$0x7890];
	v3 =	vmul.f32 v3, v2  }
0x34: {  	v14 =	vld [tilespmem:s22+$0x78A0];
	v4 =	vmul.f32 v4, v2  }
0x35: {  	v9 =	vld [tilespmem:s22+$0x78B0];
	v23 =	vbroadcast v1, $0x1;
	v22 =	vmul.f32 v10, v2;
	[tilespmem:s22+$0x7820] =	vst v3  }
0x36: {  	v7 =	vld [tilespmem:s22+$0x78C0];
	v11 =	vmul.f32 v11, v2;
	[tilespmem:s22+$0x7830] =	vst v4  }
0x37: {  	v8 =	vld [tilespmem:s22+$0x78D0];
	v12 =	vmul.f32 v12, v23;
	[tilespmem:s22+$0x7860] =	vst v22  }
0x38: {  	v25 =	vld [tilespmem:s22+$0x78F0];
	v13 =	vmul.f32 v13, v23;
	[tilespmem:s22+$0x7870] =	vst v11  }
0x39: {  	v26 =	vld [tilespmem:s22+$0x7900];
	v14 =	vmul.f32 v14, v23;
	[tilespmem:s22+$0x7880] =	vst v12  }
0x3a: {  	v27 =	vld [tilespmem:s22+$0x7910];
	v9 =	vmul.f32 v9, v23;
	[tilespmem:s22+$0x7890] =	vst v13  }
0x3b: {  	v6 =	vld [tilespmem:s22+$0x7D70];
	v7 =	vmul.f32 v7, v23;
	[tilespmem:s22+$0x78A0] =	vst v14  }
0x3c: {  	v24 =	vld [tilespmem:s22+$0x78E0];
	v15 =	vbroadcast v1, $0x2;
	v8 =	vmul.f32 v8, v23;
	[tilespmem:s22+$0x78B0] =	vst v9  }
0x3d: {  	v28 =	vld [tilespmem:s22+$0x7920];
	v10 =	vmul.f32 v25, v23;
	[tilespmem:s22+$0x78C0] =	vst v7  }
0x3e: {  	v29 =	vld [tilespmem:s22+$0x7930];
	v5 =	vbroadcast v1, $0xA;
	v32 =	vmul.f32 v26, v15;
	[tilespmem:s22+$0x78D0] =	vst v8  }
0x3f: {  	v30 =	vld [tilespmem:s22+$0x7940];
	v34 =	vmul.f32 v27, v15;
	[tilespmem:s22+$0x78F0] =	vst v10  }
0x40: {  	v33 =	vld [tilespmem:s22+$0x7960];
	v3 =	vmul.f32 v6, v5;
	[tilespmem:s22+$0x7900] =	vst v32  }
0x41: {  	v35 =	vld [tilespmem:s22+$0x7970];
	v11 =	vmul.f32 v24, v23;
	[tilespmem:s22+$0x7910] =	vst v34  }
0x42: {  	v36 =	vld [tilespmem:s22+$0x7980];
	v9 =	vmul.f32 v28, v15;
	[tilespmem:s22+$0x7D70] =	vst v3  }
0x43: {  	v31 =	vld [tilespmem:s22+$0x7950];
	v7 =	vmul.f32 v29, v15;
	[tilespmem:s22+$0x78E0] =	vst v11  }
0x44: {  	v37 =	vld [tilespmem:s22+$0x7990];
	v8 =	vmul.f32 v30, v15;
	[tilespmem:s22+$0x7920] =	vst v9  }
0x45: {  	v38 =	vld [tilespmem:s22+$0x79A0];
	v41 =	vbroadcast v1, $0x3;
	v10 =	vmul.f32 v33, v15;
	[tilespmem:s22+$0x7930] =	vst v7  }
0x46: {  	v39 =	vld [tilespmem:s22+$0x79B0];
	v12 =	vmul.f32 v35, v15;
	[tilespmem:s22+$0x7940] =	vst v8  }
0x47: {  	v42 =	vld [tilespmem:s22+$0x79D0];
	v13 =	vmul.f32 v36, v41;
	[tilespmem:s22+$0x7960] =	vst v10  }
0x48: {  	v43 =	vld [tilespmem:s22+$0x79E0];
	v11 =	vmul.f32 v31, v15;
	[tilespmem:s22+$0x7970] =	vst v12  }
0x49: {  	v44 =	vld [tilespmem:s22+$0x79F0];
	v9 =	vmul.f32 v37, v41;
	[tilespmem:s22+$0x7980] =	vst v13  }
0x4a: {  	v40 =	vld [tilespmem:s22+$0x79C0];
	v7 =	vmul.f32 v38, v41;
	[tilespmem:s22+$0x7950] =	vst v11  }
0x4b: {  	v45 =	vld [tilespmem:s22+$0x7A00];
	v8 =	vmul.f32 v39, v41;
	[tilespmem:s22+$0x7990] =	vst v9  }
0x4c: {  	v46 =	vld [tilespmem:s22+$0x7A10];
	v10 =	vmul.f32 v42, v41;
	[tilespmem:s22+$0x79A0] =	vst v7  }
0x4d: {  	v47 =	vld [tilespmem:s22+$0x7A20];
	v12 =	vmul.f32 v43, v41;
	[tilespmem:s22+$0x79B0] =	vst v8  }
0x4e: {  	v49 =	vld [tilespmem:s22+$0x7A40];
	v50 =	vbroadcast v1, $0x4;
	v13 =	vmul.f32 v44, v41;
	[tilespmem:s22+$0x79D0] =	vst v10  }
0x4f: {  	v51 =	vld [tilespmem:s22+$0x7A50];
	v11 =	vmul.f32 v40, v41;
	[tilespmem:s22+$0x79E0] =	vst v12  }
0x50: {  	v52 =	vld [tilespmem:s22+$0x7A60];
	v9 =	vmul.f32 v45, v50;
	[tilespmem:s22+$0x79F0] =	vst v13  }
0x51: {  	v48 =	vld [tilespmem:s22+$0x7A30];
	v7 =	vmul.f32 v46, v50;
	[tilespmem:s22+$0x79C0] =	vst v11  }
0x52: {  	v53 =	vld [tilespmem:s22+$0x7A70];
	v8 =	vmul.f32 v47, v50;
	[tilespmem:s22+$0x7A00] =	vst v9  }
0x53: {  	v54 =	vld [tilespmem:s22+$0x7A80];
	v10 =	vmul.f32 v49, v50;
	[tilespmem:s22+$0x7A10] =	vst v7  }
0x54: {  	v55 =	vld [tilespmem:s22+$0x7A90];
	v12 =	vmul.f32 v51, v50;
	[tilespmem:s22+$0x7A20] =	vst v8  }
0x55: {  	v57 =	vld [tilespmem:s22+$0x7AB0];
	v13 =	vmul.f32 v52, v50;
	[tilespmem:s22+$0x7A40] =	vst v10  }
0x56: {  	v58 =	vld [tilespmem:s22+$0x7AC0];
	v59 =	vbroadcast v1, $0x5;
	v11 =	vmul.f32 v48, v50;
	[tilespmem:s22+$0x7A50] =	vst v12  }
0x57: {  	v60 =	vld [tilespmem:s22+$0x7AD0];
	v9 =	vmul.f32 v53, v50;
	[tilespmem:s22+$0x7A60] =	vst v13  }
0x58: {  	v56 =	vld [tilespmem:s22+$0x7AA0];
	v7 =	vmul.f32 v54, v59;
	[tilespmem:s22+$0x7A30] =	vst v11  }
0x59: {  	v61 =	vld [tilespmem:s22+$0x7AE0];
	v8 =	vmul.f32 v55, v59;
	[tilespmem:s22+$0x7A70] =	vst v9  }
0x5a: {  	v62 =	vld [tilespmem:s22+$0x7AF0];
	v10 =	vmul.f32 v57, v59;
	[tilespmem:s22+$0x7A80] =	vst v7  }
0x5b: {  	v63 =	vld [tilespmem:s22+$0x7B00];
	v12 =	vmul.f32 v58, v59;
	[tilespmem:s22+$0x7A90] =	vst v8  }
0x5c: {  	v19 =	vld [tilespmem:s22+$0x7B20];
	v13 =	vmul.f32 v60, v59;
	[tilespmem:s22+$0x7AB0] =	vst v10  }
0x5d: {  	v20 =	vld [tilespmem:s22+$0x7B30];
	v11 =	vmul.f32 v56, v59;
	[tilespmem:s22+$0x7AC0] =	vst v12  }
0x5e: {  	v21 =	vld [tilespmem:s22+$0x7B40];
	v22 =	vbroadcast v1, $0x6;
	v9 =	vmul.f32 v61, v59;
	[tilespmem:s22+$0x7AD0] =	vst v13  }
0x5f: {  	v18 =	vld [tilespmem:s22+$0x7B10];
	v7 =	vmul.f32 v62, v59;
	[tilespmem:s22+$0x7AA0] =	vst v11  }
0x60: {  	v23 =	vld [tilespmem:s22+$0x7B50];
	v8 =	vmul.f32 v63, v22;
	[tilespmem:s22+$0x7AE0] =	vst v9  }
0x61: {  	v24 =	vld [tilespmem:s22+$0x7B60];
	v10 =	vmul.f32 v19, v22;
	[tilespmem:s22+$0x7AF0] =	vst v7  }
0x62: {  	v25 =	vld [tilespmem:s22+$0x7B70];
	v12 =	vmul.f32 v20, v22;
	[tilespmem:s22+$0x7B00] =	vst v8  }
0x63: {  	v27 =	vld [tilespmem:s22+$0x7B90];
	v13 =	vmul.f32 v21, v22;
	[tilespmem:s22+$0x7B20] =	vst v10  }
0x64: {  	v28 =	vld [tilespmem:s22+$0x7BA0];
	v11 =	vmul.f32 v18, v22;
	[tilespmem:s22+$0x7B30] =	vst v12  }
0x65: {  	v29 =	vld [tilespmem:s22+$0x7BB0];
	v9 =	vmul.f32 v23, v22;
	[tilespmem:s22+$0x7B40] =	vst v13  }
0x66: {  	v31 =	vbroadcast v1, $0x7;
	v53 =	vld [tilespmem:s22+$0x7D00];
	v7 =	vmul.f32 v24, v22;
	[tilespmem:s22+$0x7B10] =	vst v11  }
0x67: {  	v57 =	vld [tilespmem:s22+$0x7D40];
	v8 =	vmul.f32 v25, v22;
	[tilespmem:s22+$0x7B50] =	vst v9  }
0x68: {  	v58 =	vld [tilespmem:s22+$0x7D50];
	v10 =	vmul.f32 v27, v31;
	[tilespmem:s22+$0x7B60] =	vst v7  }
0x69: {  	v26 =	vld [tilespmem:s22+$0x7B80];
	v12 =	vmul.f32 v28, v31;
	[tilespmem:s22+$0x7B70] =	vst v8  }
0x6a: {  	v30 =	vld [tilespmem:s22+$0x7BC0];
	v13 =	vmul.f32 v29, v31;
	[tilespmem:s22+$0x7B90] =	vst v10  }
0x6b: {  	v32 =	vld [tilespmem:s22+$0x7BD0];
	v59 =	vmul.f32 v53, v5;
	[tilespmem:s22+$0x7BA0] =	vst v12  }
0x6c: {  	v33 =	vld [tilespmem:s22+$0x7BE0];
	v18 =	vmul.f32 v57, v5;
	[tilespmem:s22+$0x7BB0] =	vst v13  }
0x6d: {  	v35 =	vld [tilespmem:s22+$0x7C00];
	v20 =	vmul.f32 v58, v5;
	[tilespmem:s22+$0x7D00] =	vst v59  }
0x6e: {  	v36 =	vld [tilespmem:s22+$0x7C10];
	v11 =	vmul.f32 v26, v31;
	[tilespmem:s22+$0x7D40] =	vst v18  }
0x6f: {  	v37 =	vld [tilespmem:s22+$0x7C20];
	v9 =	vmul.f32 v30, v31;
	[tilespmem:s22+$0x7D50] =	vst v20  }
0x70: {  	v4 =	vld [tilespmem:s22+$0x7D80];
	v40 =	vbroadcast v1, $0x8;
	v7 =	vmul.f32 v32, v31;
	[tilespmem:s22+$0x7B80] =	vst v11  }
0x71: {  	v6 =	vld [tilespmem:s22+$0x7D90];
	v8 =	vmul.f32 v33, v31;
	[tilespmem:s22+$0x7BC0] =	vst v9  }
0x72: {  	v3 =	vld [tilespmem:s22+$0x7FD0];
	v10 =	vmul.f32 v35, v40;
	[tilespmem:s22+$0x7BD0] =	vst v7  }
0x73: {  	v61 =	vld [tilespmem:s22+$0x7800];
	v23 =	vbroadcast v1, $0xB;
	v12 =	vmul.f32 v36, v40;
	[tilespmem:s22+$0x7BE0] =	vst v8  }
0x74: {  	v34 =	vld [tilespmem:s22+$0x7BF0];
	v13 =	vmul.f32 v37, v40;
	[tilespmem:s22+$0x7C00] =	vst v10  }
0x75: {  	v38 =	vld [tilespmem:s22+$0x7C30];
	v27 =	vbroadcast v1, $0xF;
	v4 =	vmul.f32 v4, v23;
	[tilespmem:s22+$0x7C10] =	vst v12  }
0x76: {  	v39 =	vld [tilespmem:s22+$0x7C40];
	v6 =	vmul.f32 v6, v23;
	[tilespmem:s22+$0x7C20] =	vst v13  }
0x77: {  	v41 =	vld [tilespmem:s22+$0x7C50];
	v3 =	vmul.f32 v3, v27;
	[tilespmem:s22+$0x7D80] =	vst v4  }
0x78: {  	v43 =	vld [tilespmem:s22+$0x7C70];
	v24 =	vmul.f32 v2, v61;
	[tilespmem:s22+$0x7D90] =	vst v6  }
0x79: {  	v44 =	vld [tilespmem:s22+$0x7C80];
	v11 =	vmul.f32 v34, v31;
	[tilespmem:s22+$0x7FD0] =	vst v3  }
0x7a: {  	v45 =	vld [tilespmem:s22+$0x7C90];
	v9 =	vmul.f32 v38, v40;
	[tilespmem:s22+$0x7800] =	vst v24  }
0x7b: {  	v63 =	vld [tilespmem:s22+$0x7840];
	v7 =	vmul.f32 v39, v40;
	[tilespmem:s22+$0x7BF0] =	vst v11  }
0x7c: {  	v49 =	vbroadcast v1, $0x9;
	v29 =	vld [tilespmem:s22+$0x7DF0];
	v8 =	vmul.f32 v41, v40;
	[tilespmem:s22+$0x7C30] =	vst v9  }
0x7d: {  	v42 =	vld [tilespmem:s22+$0x7C60];
	v10 =	vmul.f32 v43, v40;
	[tilespmem:s22+$0x7C40] =	vst v7  }
0x7e: {  	v46 =	vld [tilespmem:s22+$0x7CA0];
	v12 =	vmul.f32 v44, v49;
	[tilespmem:s22+$0x7C50] =	vst v8  }
0x7f: {  	v47 =	vld [tilespmem:s22+$0x7CB0];
	v13 =	vmul.f32 v45, v49;
	[tilespmem:s22+$0x7C70] =	vst v10  }
0x80: {  	v48 =	vld [tilespmem:s22+$0x7CC0];
	v3 =	vmul.f32 v63, v2;
	[tilespmem:s22+$0x7C80] =	vst v12  }
0x81: {  	v51 =	vld [tilespmem:s22+$0x7CE0];
	v6 =	vmul.f32 v29, v23;
	[tilespmem:s22+$0x7C90] =	vst v13  }
0x82: {  	v52 =	vld [tilespmem:s22+$0x7CF0];
	v11 =	vmul.f32 v42, v40;
	[tilespmem:s22+$0x7840] =	vst v3  }
0x83: {  	v28 =	vld [tilespmem:s22+$0x7DE0];
	v9 =	vmul.f32 v46, v49;
	[tilespmem:s22+$0x7DF0] =	vst v6  }
0x84: {  	v26 =	vld [tilespmem:s22+$0x7DD0];
	v7 =	vmul.f32 v47, v49;
	[tilespmem:s22+$0x7C60] =	vst v11  }
0x85: {  	v30 =	vld [tilespmem:s22+$0x7E00];
	v8 =	vmul.f32 v48, v49;
	[tilespmem:s22+$0x7CA0] =	vst v9  }
0x86: {  	v50 =	vld [tilespmem:s22+$0x7CD0];
	v10 =	vmul.f32 v51, v49;
	[tilespmem:s22+$0x7CB0] =	vst v7  }
0x87: {  	v54 =	vld [tilespmem:s22+$0x7D10];
	v12 =	vmul.f32 v52, v49;
	[tilespmem:s22+$0x7CC0] =	vst v8  }
0x88: {  	v55 =	vld [tilespmem:s22+$0x7D20];
	v35 =	vbroadcast v1, $0xC;
	v40 =	vmul.f32 v28, v23;
	[tilespmem:s22+$0x7CE0] =	vst v10  }
0x89: {  	v56 =	vld [tilespmem:s22+$0x7D30];
	v32 =	vmul.f32 v26, v23;
	[tilespmem:s22+$0x7CF0] =	vst v12  }
0x8a: {  	v60 =	vld [tilespmem:s22+$0x7D60];
	v15 =	vmul.f32 v30, v35;
	[tilespmem:s22+$0x7DE0] =	vst v40  }
0x8b: {  	v62 =	vld [tilespmem:s22+$0x7810];
	v11 =	vmul.f32 v50, v49;
	[tilespmem:s22+$0x7DD0] =	vst v32  }
0x8c: {  	v19 =	vld [tilespmem:s22+$0x7850];
	v9 =	vmul.f32 v54, v5;
	[tilespmem:s22+$0x7E00] =	vst v15  }
0x8d: {  	v33 =	vld [tilespmem:s22+$0x7E30];
	v7 =	vmul.f32 v55, v5;
	[tilespmem:s22+$0x7CD0] =	vst v11  }
0x8e: {  	v61 =	vld [tilespmem:s22+$0x7FF0];
	v8 =	vmul.f32 v56, v5;
	[tilespmem:s22+$0x7D10] =	vst v9  }
0x8f: {  	v38 =	vld [tilespmem:s22+$0x7E70];
	v5 =	vmul.f32 v60, v5;
	[tilespmem:s22+$0x7D20] =	vst v7  }
0x90: {  	v21 =	vld [tilespmem:s22+$0x7DA0];
	v12 =	vmul.f32 v62, v2;
	[tilespmem:s22+$0x7D30] =	vst v8  }
0x91: {  	v22 =	vld [tilespmem:s22+$0x7DB0];
	v2 =	vmul.f32 v19, v2;
	[tilespmem:s22+$0x7D60] =	vst v5  }
0x92: {  	v25 =	vld [tilespmem:s22+$0x7DC0];
	v62 =	vmul.f32 v33, v35;
	[tilespmem:s22+$0x7810] =	vst v12  }
0x93: {  	v31 =	vld [tilespmem:s22+$0x7E10];
	v63 =	vmul.f32 v61, v27;
	[tilespmem:s22+$0x7850] =	vst v2  }
0x94: {  	v34 =	vld [tilespmem:s22+$0x7E40];
	v15 =	vmul.f32 v38, v35;
	[tilespmem:s22+$0x7E30] =	vst v62  }
0x95: {  	v41 =	vld [tilespmem:s22+$0x7EA0];
	v7 =	vmul.f32 v21, v23;
	[tilespmem:s22+$0x7FF0] =	vst v63  }
0x96: {  	v46 =	vld [tilespmem:s22+$0x7EE0];
	v8 =	vmul.f32 v22, v23;
	[tilespmem:s22+$0x7E70] =	vst v15  }
0x97: {  	v36 =	vld [tilespmem:s22+$0x7E50];
	v5 =	vmul.f32 v25, v23;
	[tilespmem:s22+$0x7DA0] =	vst v7  }
0x98: {  	v44 =	vbroadcast v1, $0xD;
	v9 =	vmul.f32 v31, v35;
	v2 =	vld [tilespmem:s22+$0x7E90];
	[tilespmem:s22+$0x7DB0] =	vst v8  }
0x99: {  	v37 =	vld [tilespmem:s22+$0x7E60];
	v12 =	vmul.f32 v34, v35;
	[tilespmem:s22+$0x7DC0] =	vst v5  }
0x9a: {  	v39 =	vld [tilespmem:s22+$0x7E80];
	v11 =	vmul.f32 v41, v44;
	[tilespmem:s22+$0x7E10] =	vst v9  }
0x9b: {  	v42 =	vld [tilespmem:s22+$0x7EB0];
	v51 =	vmul.f32 v46, v44;
	[tilespmem:s22+$0x7E40] =	vst v12  }
0x9c: {  	v48 =	vld [tilespmem:s22+$0x7F10];
	v8 =	vmul.f32 v36, v35;
	[tilespmem:s22+$0x7EA0] =	vst v11  }
0x9d: {  	v49 =	vld [tilespmem:s22+$0x7F20];
	[tilespmem:s22+$0x7EE0] =	vst v51;
	v2 =	vmul.f32 v2, v44  }
0x9e: {  	v50 =	vld [tilespmem:s22+$0x7F30];
	v5 =	vmul.f32 v37, v35;
	[tilespmem:s22+$0x7E50] =	vst v8  }
0x9f: {  	v1 =	vbroadcast v1, $0xE;
	v9 =	vmul.f32 v39, v44;
	[tilespmem:s22+$0x7E90] =	vst v2;
	v2 =	vld [tilespmem:s22+$0x7F00]  }
0xa0: {  	v60 =	vld [tilespmem:s22+$0x7FE0];
	v12 =	vmul.f32 v42, v44;
	[tilespmem:s22+$0x7E60] =	vst v5  }
0xa1: {  	v45 =	vld [tilespmem:s22+$0x7ED0];
	v11 =	vmul.f32 v48, v1;
	[tilespmem:s22+$0x7E80] =	vst v9  }
0xa2: {  	v47 =	vld [tilespmem:s22+$0x7EF0];
	v10 =	vmul.f32 v49, v1;
	[tilespmem:s22+$0x7EB0] =	vst v12  }
0xa3: {  	v43 =	vld [tilespmem:s22+$0x7EC0];
	v6 =	vmul.f32 v50, v1;
	[tilespmem:s22+$0x7F10] =	vst v11  }
0xa4: {  	v55 =	vld [tilespmem:s22+$0x7F80];
	[tilespmem:s22+$0x7F20] =	vst v10;
	v2 =	vmul.f32 v2, v1  }
0xa5: {  	v57 =	vld [tilespmem:s22+$0x7FA0];
	v4 =	vmul.f32 v60, v27;
	[tilespmem:s22+$0x7F30] =	vst v6  }
0xa6: {  	v5 =	vmul.f32 v45, v44;
	[tilespmem:s22+$0x7F00] =	vst v2;
	v2 =	vld [tilespmem:s22+$0x7F70]  }
0xa7: {  	v52 =	vld [tilespmem:s22+$0x7F40];
	v9 =	vmul.f32 v47, v44;
	[tilespmem:s22+$0x7FE0] =	vst v4  }
0xa8: {  	v56 =	vld [tilespmem:s22+$0x7F90];
	v8 =	vmul.f32 v43, v44;
	[tilespmem:s22+$0x7ED0] =	vst v5  }
0xa9: {  	v54 =	vld [tilespmem:s22+$0x7F60];
	v11 =	vmul.f32 v55, v27;
	[tilespmem:s22+$0x7EF0] =	vst v9  }
0xaa: {  	v58 =	vld [tilespmem:s22+$0x7FB0];
	v6 =	vmul.f32 v57, v27;
	[tilespmem:s22+$0x7EC0] =	vst v8  }
0xab: {  	v53 =	vld [tilespmem:s22+$0x7F50];
	[tilespmem:s22+$0x7F80] =	vst v11;
	v2 =	vmul.f32 v2, v1  }
0xac: {  	v59 =	vld [tilespmem:s22+$0x7FC0];
	v5 =	vmul.f32 v52, v1;
	[tilespmem:s22+$0x7FA0] =	vst v6  }
0xad: {  	[tilespmem:s22+$0x7F70] =	vst v2;
	v2 =	vmul.f32 v56, v27  }
0xae: {  	v3 =	vld [tilespmem:s22+$0x7E20];
	v9 =	vmul.f32 v54, v1;
	[tilespmem:s22+$0x7F40] =	vst v5  }
0xaf: {  	[tilespmem:s22+$0x7F90] =	vst v2;
	v2 =	vmul.f32 v58, v27  }
0xb0: {  	[tilespmem:s22+$0x7F60] =	vst v9;
	v1 =	vmul.f32 v53, v1  }
0xb1: {  	[tilespmem:s22+$0x7FB0] =	vst v2;
	v2 =	vmul.f32 v59, v27  }
0xb2: {  	[tilespmem:s22+$0x7F50] =	vst v1  }
0xb3: {  	s23 =	simm.s32 $0x1;
	[tilespmem:s22+$0x7FC0] =	vst v2;
	v2 =	vmul.f32 v3, v35  }
.LBB2_3:
0xb4: {  	s24 =	sshll.u32 s23, $0x4  }
0xb5: {  	p0 =	sne.s32 s23, $0x7;
	[tilespmem:s22+$0x7E20] =	vst v2;
	s22 =	smov.u32 s23;
	s23 =	sadd.s32 $0x1, s23  }
0xb6: {  	s24 =	sand.u32 $0x3FFFFFF0, s24  }
0xb7: {  	v1 =	vld.idx.msk [tilespmem:v0+s24+$0x0 ss:$0x1], $0xffff  }
0xb8: {  	s22 =	sshll.u32 s22, $0xB  }
0xb9: {  	s22 =	sand.u32 $0x3FFFF800, s22  }
0xba: {  	v8 =	vld [tilespmem:s22+$0x78C0]  }
0xbb: {  	v9 =	vld [tilespmem:s22+$0x78D0]  }
0xbc: {  	v10 =	vld [tilespmem:s22+$0x78B0]  }
0xbd: {  	v2 =	vbroadcast v1, $0x0;
	v7 =	vbroadcast v1, $0x4;
	v3 =	vld [tilespmem:s22+$0x7820]  }
0xbe: {  	v5 =	vld [tilespmem:s22+$0x7830]  }
0xbf: {  	v6 =	vld [tilespmem:s22+$0x7D70]  }
0xc0: {  	v11 =	vld [tilespmem:s22+$0x7860]  }
0xc1: {  	v12 =	vld [tilespmem:s22+$0x7870]  }
0xc2: {  	v4 =	vbroadcast v1, $0xA;
	v3 =	vmul.f32 v3, v2;
	v13 =	vld [tilespmem:s22+$0x7880]  }
0xc3: {  	v5 =	vmul.f32 v5, v2;
	v14 =	vld [tilespmem:s22+$0x7890]  }
0xc4: {  	[tilespmem:s22+$0x7820] =	vst v3;
	v15 =	vld [tilespmem:s22+$0x78A0];
	v3 =	vmul.f32 v6, v4  }
0xc5: {  	[tilespmem:s22+$0x7830] =	vst v5;
	v6 =	vmul.f32 v11, v2;
	v11 =	vbroadcast v1, $0x1;
	v5 =	vld [tilespmem:s22+$0x7D80]  }
0xc6: {  	v12 =	vmul.f32 v12, v2;
	[tilespmem:s22+$0x7D70] =	vst v3;
	v3 =	vld [tilespmem:s22+$0x7FD0]  }
0xc7: {  	[tilespmem:s22+$0x7860] =	vst v6;
	v13 =	vmul.f32 v13, v11;
	v6 =	vld [tilespmem:s22+$0x7D90]  }
0xc8: {  	[tilespmem:s22+$0x7870] =	vst v12;
	v12 =	vmul.f32 v14, v11;
	v14 =	vld [tilespmem:s22+$0x78E0]  }
0xc9: {  	[tilespmem:s22+$0x7880] =	vst v13;
	v13 =	vmul.f32 v15, v11;
	v15 =	vld [tilespmem:s22+$0x78F0]  }
0xca: {  	v10 =	vmul.f32 v10, v11;
	[tilespmem:s22+$0x7890] =	vst v12;
	v12 =	vld [tilespmem:s22+$0x7900]  }
0xcb: {  	v8 =	vmul.f32 v8, v11;
	[tilespmem:s22+$0x78A0] =	vst v13;
	v13 =	vld [tilespmem:s22+$0x7910]  }
0xcc: {  	v9 =	vmul.f32 v9, v11;
	[tilespmem:s22+$0x78B0] =	vst v10;
	v10 =	vld [tilespmem:s22+$0x7920]  }
0xcd: {  	[tilespmem:s22+$0x78C0] =	vst v8;
	v8 =	vmul.f32 v14, v11;
	v14 =	vbroadcast v1, $0x2;
	v16 =	vld [tilespmem:s22+$0x7930]  }
0xce: {  	[tilespmem:s22+$0x78D0] =	vst v9;
	v9 =	vmul.f32 v15, v11;
	v11 =	vld [tilespmem:s22+$0x7940]  }
0xcf: {  	[tilespmem:s22+$0x78E0] =	vst v8;
	v8 =	vmul.f32 v12, v14;
	v12 =	vld [tilespmem:s22+$0x7950]  }
0xd0: {  	[tilespmem:s22+$0x78F0] =	vst v9;
	v9 =	vmul.f32 v13, v14;
	v13 =	vld [tilespmem:s22+$0x7960]  }
0xd1: {  	[tilespmem:s22+$0x7900] =	vst v8;
	v8 =	vmul.f32 v10, v14;
	v10 =	vld [tilespmem:s22+$0x7970]  }
0xd2: {  	[tilespmem:s22+$0x7910] =	vst v9;
	v9 =	vmul.f32 v16, v14;
	v15 =	vld [tilespmem:s22+$0x7980]  }
0xd3: {  	[tilespmem:s22+$0x7920] =	vst v8;
	v8 =	vmul.f32 v11, v14;
	v11 =	vld [tilespmem:s22+$0x7990]  }
0xd4: {  	[tilespmem:s22+$0x7930] =	vst v9;
	v9 =	vmul.f32 v12, v14;
	v12 =	vld [tilespmem:s22+$0x79A0]  }
0xd5: {  	[tilespmem:s22+$0x7940] =	vst v8;
	v8 =	vmul.f32 v13, v14;
	v13 =	vbroadcast v1, $0x3;
	v16 =	vld [tilespmem:s22+$0x79B0]  }
0xd6: {  	[tilespmem:s22+$0x7950] =	vst v9;
	v9 =	vmul.f32 v10, v14;
	v10 =	vld [tilespmem:s22+$0x79C0]  }
0xd7: {  	[tilespmem:s22+$0x7960] =	vst v8;
	v8 =	vmul.f32 v15, v13;
	v14 =	vld [tilespmem:s22+$0x79D0]  }
0xd8: {  	[tilespmem:s22+$0x7970] =	vst v9;
	v9 =	vmul.f32 v11, v13;
	v11 =	vld [tilespmem:s22+$0x79E0]  }
0xd9: {  	[tilespmem:s22+$0x7980] =	vst v8;
	v8 =	vmul.f32 v12, v13;
	v12 =	vld [tilespmem:s22+$0x79F0]  }
0xda: {  	[tilespmem:s22+$0x7990] =	vst v9;
	v9 =	vmul.f32 v16, v13;
	v15 =	vld [tilespmem:s22+$0x7A00]  }
0xdb: {  	[tilespmem:s22+$0x79A0] =	vst v8;
	v8 =	vmul.f32 v10, v13;
	v10 =	vld [tilespmem:s22+$0x7A10]  }
0xdc: {  	[tilespmem:s22+$0x79B0] =	vst v9;
	v9 =	vmul.f32 v14, v13;
	v14 =	vld [tilespmem:s22+$0x7A20]  }
0xdd: {  	[tilespmem:s22+$0x79C0] =	vst v8;
	v8 =	vmul.f32 v11, v13;
	v11 =	vld [tilespmem:s22+$0x7A30]  }
0xde: {  	[tilespmem:s22+$0x79D0] =	vst v9;
	v9 =	vmul.f32 v12, v13;
	v12 =	vld [tilespmem:s22+$0x7A40]  }
0xdf: {  	[tilespmem:s22+$0x79E0] =	vst v8;
	v8 =	vmul.f32 v15, v7;
	v13 =	vld [tilespmem:s22+$0x7A50]  }
0xe0: {  	[tilespmem:s22+$0x79F0] =	vst v9;
	v9 =	vmul.f32 v10, v7;
	v10 =	vld [tilespmem:s22+$0x7A60]  }
0xe1: {  	[tilespmem:s22+$0x7A00] =	vst v8;
	v8 =	vmul.f32 v14, v7;
	v14 =	vld [tilespmem:s22+$0x7A70]  }
0xe2: {  	[tilespmem:s22+$0x7A10] =	vst v9;
	v9 =	vmul.f32 v11, v7;
	v11 =	vld [tilespmem:s22+$0x7A80]  }
0xe3: {  	[tilespmem:s22+$0x7A20] =	vst v8;
	v8 =	vmul.f32 v12, v7;
	v12 =	vld [tilespmem:s22+$0x7A90]  }
0xe4: {  	[tilespmem:s22+$0x7A30] =	vst v9;
	v9 =	vmul.f32 v13, v7;
	v13 =	vld [tilespmem:s22+$0x7AA0]  }
0xe5: {  	[tilespmem:s22+$0x7A40] =	vst v8;
	v8 =	vmul.f32 v10, v7;
	v10 =	vbroadcast v1, $0x5;
	v15 =	vld [tilespmem:s22+$0x7AB0]  }
0xe6: {  	[tilespmem:s22+$0x7A50] =	vst v9;
	v7 =	vmul.f32 v14, v7;
	v9 =	vld [tilespmem:s22+$0x7AC0]  }
0xe7: {  	[tilespmem:s22+$0x7A60] =	vst v8;
	v8 =	vmul.f32 v11, v10;
	v11 =	vld [tilespmem:s22+$0x7AD0]  }
0xe8: {  	[tilespmem:s22+$0x7A70] =	vst v7;
	v7 =	vmul.f32 v12, v10;
	v12 =	vld [tilespmem:s22+$0x7AE0]  }
0xe9: {  	[tilespmem:s22+$0x7A80] =	vst v8;
	v8 =	vmul.f32 v13, v10;
	v13 =	vld [tilespmem:s22+$0x7AF0]  }
0xea: {  	[tilespmem:s22+$0x7A90] =	vst v7;
	v7 =	vmul.f32 v15, v10;
	v14 =	vld [tilespmem:s22+$0x7B00]  }
0xeb: {  	[tilespmem:s22+$0x7AA0] =	vst v8;
	v8 =	vmul.f32 v9, v10;
	v9 =	vld [tilespmem:s22+$0x7B10]  }
0xec: {  	[tilespmem:s22+$0x7AB0] =	vst v7;
	v7 =	vmul.f32 v11, v10;
	v11 =	vld [tilespmem:s22+$0x7B20]  }
0xed: {  	[tilespmem:s22+$0x7AC0] =	vst v8;
	v8 =	vmul.f32 v12, v10;
	v12 =	vbroadcast v1, $0x6;
	v15 =	vld [tilespmem:s22+$0x7B30]  }
0xee: {  	[tilespmem:s22+$0x7AD0] =	vst v7;
	v7 =	vmul.f32 v13, v10;
	v10 =	vld [tilespmem:s22+$0x7B40]  }
0xef: {  	[tilespmem:s22+$0x7AE0] =	vst v8;
	v8 =	vmul.f32 v14, v12;
	v13 =	vld [tilespmem:s22+$0x7B50]  }
0xf0: {  	[tilespmem:s22+$0x7AF0] =	vst v7;
	v7 =	vmul.f32 v9, v12;
	v9 =	vld [tilespmem:s22+$0x7B60]  }
0xf1: {  	[tilespmem:s22+$0x7B00] =	vst v8;
	v8 =	vmul.f32 v11, v12;
	v11 =	vld [tilespmem:s22+$0x7B70]  }
0xf2: {  	[tilespmem:s22+$0x7B10] =	vst v7;
	v7 =	vmul.f32 v15, v12;
	v14 =	vld [tilespmem:s22+$0x7B80]  }
0xf3: {  	[tilespmem:s22+$0x7B20] =	vst v8;
	v8 =	vmul.f32 v10, v12;
	v10 =	vld [tilespmem:s22+$0x7B90]  }
0xf4: {  	[tilespmem:s22+$0x7B30] =	vst v7;
	v7 =	vmul.f32 v13, v12;
	v13 =	vld [tilespmem:s22+$0x7BA0]  }
0xf5: {  	[tilespmem:s22+$0x7B40] =	vst v8;
	v8 =	vmul.f32 v9, v12;
	v9 =	vbroadcast v1, $0x7;
	v15 =	vld [tilespmem:s22+$0x7BB0]  }
0xf6: {  	[tilespmem:s22+$0x7B50] =	vst v7;
	v7 =	vmul.f32 v11, v12;
	v11 =	vld [tilespmem:s22+$0x7BC0]  }
0xf7: {  	[tilespmem:s22+$0x7B60] =	vst v8;
	v8 =	vmul.f32 v14, v9;
	v12 =	vld [tilespmem:s22+$0x7BD0]  }
0xf8: {  	[tilespmem:s22+$0x7B70] =	vst v7;
	v7 =	vmul.f32 v10, v9;
	v10 =	vld [tilespmem:s22+$0x7BE0]  }
0xf9: {  	[tilespmem:s22+$0x7B80] =	vst v8;
	v8 =	vmul.f32 v13, v9;
	v13 =	vld [tilespmem:s22+$0x7BF0]  }
0xfa: {  	[tilespmem:s22+$0x7B90] =	vst v7;
	v7 =	vmul.f32 v15, v9;
	v14 =	vld [tilespmem:s22+$0x7C00]  }
0xfb: {  	[tilespmem:s22+$0x7BA0] =	vst v8;
	v8 =	vmul.f32 v11, v9;
	v11 =	vld [tilespmem:s22+$0x7C10]  }
0xfc: {  	[tilespmem:s22+$0x7BB0] =	vst v7;
	v7 =	vmul.f32 v12, v9;
	v12 =	vld [tilespmem:s22+$0x7C20]  }
0xfd: {  	[tilespmem:s22+$0x7BC0] =	vst v8;
	v8 =	vmul.f32 v10, v9;
	v10 =	vbroadcast v1, $0x8;
	v15 =	vld [tilespmem:s22+$0x7C30]  }
0xfe: {  	[tilespmem:s22+$0x7BD0] =	vst v7;
	v7 =	vmul.f32 v13, v9;
	v9 =	vld [tilespmem:s22+$0x7C40]  }
0xff: {  	[tilespmem:s22+$0x7BE0] =	vst v8;
	v8 =	vmul.f32 v14, v10;
	v13 =	vld [tilespmem:s22+$0x7C50]  }
0x100: {  	[tilespmem:s22+$0x7BF0] =	vst v7;
	v7 =	vmul.f32 v11, v10;
	v11 =	vld [tilespmem:s22+$0x7C60]  }
0x101: {  	[tilespmem:s22+$0x7C00] =	vst v8;
	v8 =	vmul.f32 v12, v10;
	v12 =	vld [tilespmem:s22+$0x7C70]  }
0x102: {  	[tilespmem:s22+$0x7C10] =	vst v7;
	v7 =	vmul.f32 v15, v10;
	v14 =	vld [tilespmem:s22+$0x7C80]  }
0x103: {  	[tilespmem:s22+$0x7C20] =	vst v8;
	v8 =	vmul.f32 v9, v10;
	v9 =	vld [tilespmem:s22+$0x7C90]  }
0x104: {  	[tilespmem:s22+$0x7C30] =	vst v7;
	v7 =	vmul.f32 v13, v10;
	v13 =	vld [tilespmem:s22+$0x7CA0]  }
0x105: {  	[tilespmem:s22+$0x7C40] =	vst v8;
	v8 =	vmul.f32 v11, v10;
	v11 =	vbroadcast v1, $0x9;
	v15 =	vld [tilespmem:s22+$0x7CB0]  }
0x106: {  	[tilespmem:s22+$0x7C50] =	vst v7;
	v7 =	vmul.f32 v12, v10;
	v10 =	vld [tilespmem:s22+$0x7CC0]  }
0x107: {  	[tilespmem:s22+$0x7C60] =	vst v8;
	v8 =	vmul.f32 v14, v11;
	v12 =	vld [tilespmem:s22+$0x7CD0]  }
0x108: {  	[tilespmem:s22+$0x7C70] =	vst v7;
	v7 =	vmul.f32 v9, v11;
	v9 =	vld [tilespmem:s22+$0x7CE0]  }
0x109: {  	[tilespmem:s22+$0x7C80] =	vst v8;
	v8 =	vmul.f32 v13, v11;
	v13 =	vld [tilespmem:s22+$0x7CF0]  }
0x10a: {  	[tilespmem:s22+$0x7C90] =	vst v7;
	v7 =	vmul.f32 v15, v11;
	v14 =	vld [tilespmem:s22+$0x7D00]  }
0x10b: {  	[tilespmem:s22+$0x7CA0] =	vst v8;
	v8 =	vmul.f32 v10, v11;
	v10 =	vld [tilespmem:s22+$0x7D10]  }
0x10c: {  	[tilespmem:s22+$0x7CB0] =	vst v7;
	v7 =	vmul.f32 v12, v11;
	v12 =	vld [tilespmem:s22+$0x7D20]  }
0x10d: {  	[tilespmem:s22+$0x7CC0] =	vst v8;
	v8 =	vmul.f32 v9, v11;
	v9 =	vld [tilespmem:s22+$0x7D30]  }
0x10e: {  	[tilespmem:s22+$0x7CD0] =	vst v7;
	v7 =	vmul.f32 v13, v11;
	v11 =	vld [tilespmem:s22+$0x7D40]  }
0x10f: {  	[tilespmem:s22+$0x7CE0] =	vst v8;
	v8 =	vmul.f32 v14, v4;
	v13 =	vld [tilespmem:s22+$0x7D50]  }
0x110: {  	[tilespmem:s22+$0x7CF0] =	vst v7;
	v7 =	vmul.f32 v10, v4;
	v10 =	vld [tilespmem:s22+$0x7D60]  }
0x111: {  	v14 =	vld [tilespmem:s22+$0x7800];
	[tilespmem:s22+$0x7D00] =	vst v8;
	v8 =	vmul.f32 v12, v4  }
0x112: {  	v12 =	vld [tilespmem:s22+$0x7810];
	[tilespmem:s22+$0x7D10] =	vst v7;
	v7 =	vmul.f32 v9, v4  }
0x113: {  	v9 =	vld [tilespmem:s22+$0x7840];
	[tilespmem:s22+$0x7D20] =	vst v8;
	v8 =	vmul.f32 v11, v4  }
0x114: {  	v11 =	vld [tilespmem:s22+$0x7850];
	[tilespmem:s22+$0x7D30] =	vst v7;
	v7 =	vmul.f32 v13, v4  }
0x115: {  	[tilespmem:s22+$0x7D40] =	vst v8;
	v8 =	vmul.f32 v10, v4;
	v10 =	vbroadcast v1, $0xB;
	v13 =	vld [tilespmem:s22+$0x7DA0]  }
0x116: {  	v4 =	vbroadcast v1, $0xF;
	v14 =	vmul.f32 v2, v14;
	[tilespmem:s22+$0x7D50] =	vst v7;
	v7 =	vld [tilespmem:s22+$0x7DB0]  }
0x117: {  	v12 =	vmul.f32 v12, v2;
	[tilespmem:s22+$0x7D60] =	vst v8;
	v5 =	vmul.f32 v5, v10;
	v8 =	vld [tilespmem:s22+$0x7DC0]  }
0x118: {  	v6 =	vmul.f32 v6, v10;
	[tilespmem:s22+$0x7800] =	vst v14;
	v9 =	vmul.f32 v9, v2;
	v14 =	vld [tilespmem:s22+$0x7DD0]  }
0x119: {  	v3 =	vmul.f32 v3, v4;
	v11 =	vmul.f32 v11, v2;
	[tilespmem:s22+$0x7D80] =	vst v5;
	v2 =	vld [tilespmem:s22+$0x7DE0]  }
0x11a: {  	[tilespmem:s22+$0x7D90] =	vst v6;
	v5 =	vmul.f32 v13, v10;
	v6 =	vld [tilespmem:s22+$0x7DF0]  }
0x11b: {  	v7 =	vmul.f32 v7, v10;
	v13 =	vld [tilespmem:s22+$0x7E00];
	[tilespmem:s22+$0x7FD0] =	vst v3  }
0x11c: {  	[tilespmem:s22+$0x7810] =	vst v12;
	v3 =	vmul.f32 v8, v10;
	v8 =	vld [tilespmem:s22+$0x7E10]  }
0x11d: {  	[tilespmem:s22+$0x7840] =	vst v9;
	v9 =	vmul.f32 v14, v10;
	v12 =	vld [tilespmem:s22+$0x7E20]  }
0x11e: {  	v14 =	vbroadcast v1, $0xC;
	[tilespmem:s22+$0x7DA0] =	vst v5;
	v5 =	vmul.f32 v2, v10;
	v15 =	vld [tilespmem:s22+$0x7E30]  }
0x11f: {  	[tilespmem:s22+$0x7DD0] =	vst v9;
	v6 =	vmul.f32 v6, v10;
	v9 =	vld [tilespmem:s22+$0x7E40]  }
0x120: {  	[tilespmem:s22+$0x7DB0] =	vst v7;
	v2 =	vmul.f32 v13, v14;
	v7 =	vld [tilespmem:s22+$0x7E50]  }
0x121: {  	[tilespmem:s22+$0x7DC0] =	vst v3;
	v3 =	vmul.f32 v8, v14;
	v8 =	vld [tilespmem:s22+$0x7E60]  }
0x122: {  	[tilespmem:s22+$0x7E00] =	vst v2;
	v2 =	vmul.f32 v12, v14;
	v10 =	vld [tilespmem:s22+$0x7E70]  }
0x123: {  	[tilespmem:s22+$0x7E10] =	vst v3;
	v3 =	vld [tilespmem:s22+$0x7E80]  }
0x124: {  	[tilespmem:s22+$0x7850] =	vst v11;
	v9 =	vmul.f32 v9, v14;
	v11 =	vld [tilespmem:s22+$0x7E90]  }
0x125: {  	[tilespmem:s22+$0x7DE0] =	vst v5;
	v5 =	vmul.f32 v7, v14;
	v7 =	vld [tilespmem:s22+$0x7EA0]  }
0x126: {  	[tilespmem:s22+$0x7E40] =	vst v9;
	v8 =	vmul.f32 v8, v14;
	v9 =	vbroadcast v1, $0xD;
	v12 =	vld [tilespmem:s22+$0x7EB0]  }
0x127: {  	[tilespmem:s22+$0x7E50] =	vst v5;
	v5 =	vmul.f32 v10, v14;
	v10 =	vld [tilespmem:s22+$0x7EC0]  }
0x128: {  	[tilespmem:s22+$0x7E60] =	vst v8;
	v3 =	vmul.f32 v3, v9;
	v8 =	vld [tilespmem:s22+$0x7ED0]  }
0x129: {  	[tilespmem:s22+$0x7E70] =	vst v5;
	v5 =	vmul.f32 v11, v9;
	v11 =	vld [tilespmem:s22+$0x7EE0]  }
0x12a: {  	[tilespmem:s22+$0x7E80] =	vst v3;
	v3 =	vmul.f32 v7, v9;
	v7 =	vld [tilespmem:s22+$0x7EF0]  }
0x12b: {  	[tilespmem:s22+$0x7E90] =	vst v5;
	v5 =	vmul.f32 v12, v9;
	v12 =	vld [tilespmem:s22+$0x7F00]  }
0x12c: {  	[tilespmem:s22+$0x7EA0] =	vst v3;
	v3 =	vmul.f32 v10, v9;
	v10 =	vld [tilespmem:s22+$0x7F10]  }
0x12d: {  	[tilespmem:s22+$0x7EB0] =	vst v5;
	v5 =	vmul.f32 v8, v9;
	v8 =	vld [tilespmem:s22+$0x7F20]  }
0x12e: {  	v1 =	vbroadcast v1, $0xE;
	[tilespmem:s22+$0x7DF0] =	vst v6;
	v6 =	vmul.f32 v11, v9;
	v11 =	vld [tilespmem:s22+$0x7F30]  }
0x12f: {  	[tilespmem:s22+$0x7ED0] =	vst v5;
	v5 =	vmul.f32 v7, v9;
	v7 =	vld [tilespmem:s22+$0x7F40]  }
0x130: {  	[tilespmem:s22+$0x7EE0] =	vst v6;
	v6 =	vmul.f32 v12, v1;
	v9 =	vld [tilespmem:s22+$0x7F50]  }
0x131: {  	[tilespmem:s22+$0x7EF0] =	vst v5;
	v5 =	vmul.f32 v10, v1;
	v10 =	vld [tilespmem:s22+$0x7F60]  }
0x132: {  	[tilespmem:s22+$0x7F00] =	vst v6;
	v6 =	vmul.f32 v8, v1;
	v8 =	vld [tilespmem:s22+$0x7F70]  }
0x133: {  	[tilespmem:s22+$0x7F10] =	vst v5;
	v5 =	vmul.f32 v11, v1;
	v11 =	vld [tilespmem:s22+$0x7F80]  }
0x134: {  	[tilespmem:s22+$0x7F20] =	vst v6;
	v6 =	vmul.f32 v7, v1;
	v7 =	vld [tilespmem:s22+$0x7F90]  }
0x135: {  	[tilespmem:s22+$0x7F30] =	vst v5;
	v5 =	vmul.f32 v9, v1;
	v9 =	vld [tilespmem:s22+$0x7FA0]  }
0x136: {  	[tilespmem:s22+$0x7F40] =	vst v6;
	v6 =	vmul.f32 v10, v1;
	v10 =	vld [tilespmem:s22+$0x7FB0]  }
0x137: {  	[tilespmem:s22+$0x7EC0] =	vst v3;
	v1 =	vmul.f32 v8, v1;
	v3 =	vld [tilespmem:s22+$0x7FC0]  }
0x138: {  	[tilespmem:s22+$0x7F60] =	vst v6;
	v6 =	vmul.f32 v11, v4;
	v8 =	vld [tilespmem:s22+$0x7FE0]  }
0x139: {  	[tilespmem:s22+$0x7F70] =	vst v1;
	v1 =	vmul.f32 v7, v4;
	v7 =	vld [tilespmem:s22+$0x7FF0]  }
0x13a: {  	[tilespmem:s22+$0x7F80] =	vst v6;
	v6 =	vmul.f32 v9, v4  }
0x13b: {  	[tilespmem:s22+$0x7F90] =	vst v1;
	v1 =	vmul.f32 v10, v4  }
0x13c: {  	v9 =	vmul.f32 v15, v14;
	[tilespmem:s22+$0x7FA0] =	vst v6  }
0x13d: {  	[tilespmem:s22+$0x7FB0] =	vst v1;
	v1 =	vmul.f32 v3, v4  }
.Ltmp0:
0x13e: {  	[tilespmem:s22+$0x7E30] =	vst v9;
	v3 =	vmul.f32 v7, v4;
	(pc) =	sbr.rel @p0 .LBB2_3-.Ltmp0, $4  }
0x13f: {  	[tilespmem:s22+$0x7FC0] =	vst v1  }
0x140: {  	v1 =	vmul.f32 v8, v4;
	[tilespmem:s22+$0x7FF0] =	vst v3  }
0x141: {  	[tilespmem:s22+$0x7F50] =	vst v5  }
0x142: {  	[tilespmem:s22+$0x7FE0] =	vst v1  }
0x143: {  	s20 =	sadd.s32 $0x1, s20  }
0x144: {  	p0 =	sne.s32 s20, $0x4F  }
.Ltmp1:
0x145: {  	[tilespmem:s22+$0x7E20] =	vst v2;
	s21 =	sadd.s32 $0x2800, s21;
	(pc) =	sbr.rel @p0 .LBB2_2-.Ltmp1, $4  }
0x146: {  	[spmem:s2] =	stream.indirect.scatter.add.f32 [tilespmem:s17], [sflag:$0x2], $0x80, s21, s16, $0xb8;
	[tilespmem:$0x1F800] =	vst v63  }
0x147: {  	_ =	swait.ge [sflag:s13], $0x4000  }
0x148: {  	[sflag:s13] =	ssyncset.done $0x0  }
0x149: {  	[sflag:s13] =	ssyncadd.s32 $0xFFFFC000  }
0x14a: {  	s19 =	sadd.s32 $0x1, s19  }
0x14b: {  	p0 =	sne.s32 s19, s11  }
.Ltmp2:
0x14c: {  	[bflag:$0x0] =	sbarrier.arrive $0xFFFF;
	(pc) =	sbr.rel @p0 .LBB2_1-.Ltmp2, $4  }
0x14d: {  	[hbm:s10], [sflag:s6] =	dma.local [spmem:s12], $0x2800  }
0x14e: {  	_ =	swait.ge [sflag:s13], $0x2800  }
0x14f: {  	[sflag:s13] =	ssyncset.done $0x0  }
0x150: {  	[sflag:s13] =	ssyncadd.s32 $0xFFFFD800  }
0x151: {  	_ =	sfence.sel $0x180000  }
0x152: {  	[bflag:$0x0] =	sbarrier.arrive $0xFFFF  }
0x153: {  	p0 =	sne.s32 s1, $0x0;
	_ =	strace $0x90000047  }
0x154: {  	s0 =	sadd.s32 @!p0 $0x100000, s0;
	[bflag:$0x2] =	sbarrier.arrive $0xFFFF  }
0x155: {  	[sflag:s0] =	ssyncadd.tile.s32 @!p0 $0x1;
	_ =	shalt  }
.Lfunc_end2:
_tile_overlayer_lowered:
.L_overlay_start_2:
0x156: {  	(tag) =	ssettag $0x2  }
0x157: {  	s0 =	rddreg [dreg:$0x0];
	s2 =	stileid.u32  }
0x158: {  	s1 =	rddreg [dreg:$0x1];
	p0 =	sne.s32 s2, $0x0  }
0x159: {  	s3 =	rddreg [dreg:$0x2];
	[bflag:$0x3] =	sbarrier.arrive $0xFFFF;
	s2 =	simm.s32 @!p0 $0x1C02  }
0x15a: {  	[timem:s3], [sflag:s2] =	dma.local @!p0 [hbm:s0], s1  }
0x15b: {  	s0 =	simm.s32 @!p0 $0x2  }
0x15c: {  	_ =	swait.ge @!p0 [sflag:s0], s1  }
0x15d: {  	s1 =	ssub.s32 @!p0 $0x0, s1;
	[sflag:s0] =	ssyncset.done @!p0 $0x0  }
0x15e: {  	[sflag:s0] =	ssyncadd.s32 @!p0 s1  }
0x15f: {  	[bflag:$0x3] =	sbarrier.arrive $0xFFFF  }
0x160: {  	_ =	shalt  }

</sc_bundles>
